<compile_context>
chip_gen: v7x
topology: tpu7x:2x2x1
jax: 0.10.2.dev20260603
libtpu: 0.0.44.dev20260713+nightly
codegen_flags: <defaults>
</compile_context>

<pallas_src>
import functools

import jax
import jax.numpy as jnp
from jax import lax
from jax.experimental import pallas as pl
from jax.experimental.pallas import tpu as pltpu
from jax.experimental.pallas import tpu_sc as plsc

N = 10000
E = 320000
D = 128
C = 64

NC = 2
NS = 16
NW = NC * NS
EW = E // NW
CH = 128
EWP = 10240
NCH = EWP // CH
EP = NW * EWP
DH = D // 2
DH = D // 2
RPT0 = 624
RPTL = N - 15 * RPT0


@functools.cache
def _build_sc():
    mesh = plsc.VectorSubcoreMesh(
        core_axis_name="c", subcore_axis_name="s",
        num_cores=NC, num_subcores=NS)

    def _worker_id():
        return lax.axis_index("s") * NC + lax.axis_index("c")

    @functools.partial(
        pl.kernel,
        out_type=jax.ShapeDtypeStruct((NW, NCH, CH, D), jnp.float32),
        mesh=mesh,
        scratch_types=[
            pltpu.VMEM((NCH, CH), jnp.int32),
            pltpu.VMEM((CH, D), jnp.float32),
            pltpu.VMEM((CH, D), jnp.float32),
            pltpu.SemaphoreType.DMA,
            pltpu.SemaphoreType.DMA,
        ],
    )
    def _gather(u_hbm, src_hbm, out_hbm, src_v, rows0, rows1, sem0, sem1):
        wid = _worker_id()
        pltpu.sync_copy(src_hbm.at[wid], src_v)

        def start(i, rows, sem):
            pltpu.async_copy(u_hbm.at[src_v.at[i]], rows, sem)

        def wait(i, rows, sem):
            pltpu.make_async_copy(u_hbm.at[src_v.at[i]], rows, sem).wait()

        start(0, rows0, sem0)

        def body(it, carry):
            a = 2 * it
            wait(a, rows0, sem0)
            start(a + 1, rows1, sem1)
            pltpu.sync_copy(rows0, out_hbm.at[wid, a])
            start(a + 2, rows0, sem0)
            wait(a + 1, rows1, sem1)
            pltpu.sync_copy(rows1, out_hbm.at[wid, a + 1])
            return carry

        lax.fori_loop(0, (NCH - 2) // 2, body, 0)

        last = NCH - 2
        wait(last, rows0, sem0)
        start(last + 1, rows1, sem1)
        pltpu.sync_copy(rows0, out_hbm.at[wid, last])
        wait(last + 1, rows1, sem1)
        pltpu.sync_copy(rows1, out_hbm.at[wid, last + 1])

    @functools.partial(
        pl.kernel,
        out_type=jax.ShapeDtypeStruct((NC, N, D), jnp.float32),
        mesh=mesh,
        scratch_types=[
            pltpu.VMEM((NCH, CH), jnp.int32),
            pltpu.VMEM((CH, D), jnp.float32),
            pltpu.VMEM((CH, D), jnp.float32),
            pltpu.VMEM_SHARED((N, D), jnp.float32),
            pltpu.SemaphoreType.DMA,
            pltpu.SemaphoreType.DMA,
        ],
    )
    def _scatter(s_hbm, dst_hbm, zrows_hbm, out_hbm,
                 dst_v, half0, half1, shared, sem0, sem1):
        c = lax.axis_index("c")
        s = lax.axis_index("s")
        wid = _worker_id()
        pltpu.sync_copy(dst_hbm.at[wid], dst_v)

        @pl.when(s < 15)
        def _z0():
            pltpu.sync_copy(zrows_hbm.at[pl.ds(0, RPT0)],
                            shared.at[pl.ds(s * RPT0, RPT0)])

        @pl.when(s == 15)
        def _z1():
            pltpu.sync_copy(zrows_hbm, shared.at[pl.ds(15 * RPT0, RPTL)])

        plsc.subcore_barrier()

        def start(i, half, sem):
            pltpu.async_copy(s_hbm.at[wid, i], half, sem)

        def wait(i, half, sem):
            pltpu.make_async_copy(s_hbm.at[wid, i], half, sem).wait()

        start(0, half0, sem0)

        def body(it, carry):
            a = 2 * it
            wait(a, half0, sem0)
            start(a + 1, half1, sem1)
            pltpu.sync_copy(half0, shared.at[dst_v.at[a]], add=True)
            start(a + 2, half0, sem0)
            wait(a + 1, half1, sem1)
            pltpu.sync_copy(half1, shared.at[dst_v.at[a + 1]], add=True)
            return carry

        lax.fori_loop(0, (NCH - 2) // 2, body, 0)

        last = NCH - 2
        wait(last, half0, sem0)
        start(last + 1, half1, sem1)
        pltpu.sync_copy(half0, shared.at[dst_v.at[last]], add=True)
        wait(last + 1, half1, sem1)
        pltpu.sync_copy(half1, shared.at[dst_v.at[last + 1]], add=True)

        plsc.subcore_barrier()

        @pl.when(s < 15)
        def _o0():
            pltpu.sync_copy(shared.at[pl.ds(s * RPT0, RPT0)],
                            out_hbm.at[c, pl.ds(s * RPT0, RPT0)])

        @pl.when(s == 15)
        def _o1():
            pltpu.sync_copy(shared.at[pl.ds(15 * RPT0, RPTL)],
                            out_hbm.at[c, pl.ds(15 * RPT0, RPTL)])

    return _gather, _scatter


BN = 2000
BE = EWP


def _scale_tc(g, ew2):
    def k(g_ref, w_ref, o_ref):
        o_ref[...] = g_ref[...] * w_ref[...]

    return pl.pallas_call(
        k,
        grid=(EP // BE,),
        in_specs=[pl.BlockSpec((BE, D), lambda i: (i, 0)),
                  pl.BlockSpec((BE, 1), lambda i: (i, 0))],
        out_specs=pl.BlockSpec((BE, D), lambda i: (i, 0)),
        out_shape=jax.ShapeDtypeStruct((EP, D), jnp.float32),
    )(g, ew2)


def _wdeg_tc(ew2):
    def k(w_ref, o_ref):
        o_ref[...] = jnp.broadcast_to(w_ref[...], (BE, D))

    return pl.pallas_call(
        k,
        grid=(EP // BE,),
        in_specs=[pl.BlockSpec((BE, 1), lambda i: (i, 0))],
        out_specs=pl.BlockSpec((BE, D), lambda i: (i, 0)),
        out_shape=jax.ShapeDtypeStruct((EP, D), jnp.float32),
    )(ew2)


def _dis_tc(degp, x):
    def k(deg_ref, x_ref, dis_ref, u_ref):
        deg = deg_ref[0, :, 0] + deg_ref[1, :, 0]
        dis = jnp.where(deg > 0, lax.rsqrt(deg), 0.0)
        dis_ref[...] = dis[:, None]
        u_ref[...] = x_ref[...] * dis[:, None]

    return pl.pallas_call(
        k,
        grid=(1,),
        in_specs=[
            pl.BlockSpec((NC, N, D), lambda i: (0, 0, 0)),
            pl.BlockSpec((N, D), lambda i: (0, 0)),
        ],
        out_specs=[
            pl.BlockSpec((N, 1), lambda i: (0, 0)),
            pl.BlockSpec((N, D), lambda i: (0, 0)),
        ],
        out_shape=[jax.ShapeDtypeStruct((N, 1), jnp.float32),
                   jax.ShapeDtypeStruct((N, D), jnp.float32)],
    )(degp, x)


def _stage_a(A, dis2, h, W):
    def k(a_ref, d_ref, h_ref, w_ref, u2_ref, s_ref):
        dis = d_ref[...]
        t1 = -(a_ref[0] + a_ref[1]) * dis
        u2_ref[...] = t1 * dis
        s_ref[...] = (
            jnp.dot(h_ref[...], w_ref[0], preferred_element_type=jnp.float32)
            + jnp.dot(t1, w_ref[1], preferred_element_type=jnp.float32))

    return pl.pallas_call(
        k,
        grid=(N // BN,),
        in_specs=[
            pl.BlockSpec((NC, BN, D), lambda i: (0, i, 0)),
            pl.BlockSpec((BN, 1), lambda i: (i, 0)),
            pl.BlockSpec((BN, D), lambda i: (i, 0)),
            pl.BlockSpec((3, D, D), lambda i: (0, 0, 0)),
        ],
        out_specs=[
            pl.BlockSpec((BN, D), lambda i: (i, 0)),
            pl.BlockSpec((BN, D), lambda i: (i, 0)),
        ],
        out_shape=[
            jax.ShapeDtypeStruct((N, D), jnp.float32),
            jax.ShapeDtypeStruct((N, D), jnp.float32),
        ],
    )(A, dis2, h, W)


def _stage_b(B, dis2, h, S, W, bias):
    def k(b_ref, d_ref, h_ref, s_ref, w_ref, bias_ref, out_ref, uh_ref):
        dis = d_ref[...]
        t2 = -2.0 * (b_ref[0] + b_ref[1]) * dis - h_ref[...]
        hh = (s_ref[...]
              + jnp.dot(t2, w_ref[2], preferred_element_type=jnp.float32)
              + bias_ref[...])
        hh = jnp.maximum(hh, 0.0)
        out_ref[...] = hh
        uh_ref[...] = hh * dis

    return pl.pallas_call(
        k,
        grid=(N // BN,),
        in_specs=[
            pl.BlockSpec((NC, BN, D), lambda i: (0, i, 0)),
            pl.BlockSpec((BN, 1), lambda i: (i, 0)),
            pl.BlockSpec((BN, D), lambda i: (i, 0)),
            pl.BlockSpec((BN, D), lambda i: (i, 0)),
            pl.BlockSpec((3, D, D), lambda i: (0, 0, 0)),
            pl.BlockSpec((1, D), lambda i: (0, 0)),
        ],
        out_specs=[
            pl.BlockSpec((BN, D), lambda i: (i, 0)),
            pl.BlockSpec((BN, D), lambda i: (i, 0)),
        ],
        out_shape=[
            jax.ShapeDtypeStruct((N, D), jnp.float32),
            jax.ShapeDtypeStruct((N, D), jnp.float32),
        ],
    )(B, dis2, h, S, W, bias)


def _head(H, Wout, bout):
    def k(h_ref, w_ref, b_ref, o_ref):
        logits = (jnp.dot(h_ref[...], w_ref[...],
                          preferred_element_type=jnp.float32) + b_ref[...])
        m = jnp.max(logits, axis=1, keepdims=True)
        z = logits - m
        lse = jnp.log(jnp.sum(jnp.exp(z), axis=1, keepdims=True))
        o_ref[...] = z - lse

    return pl.pallas_call(
        k,
        grid=(N // BN,),
        in_specs=[
            pl.BlockSpec((BN, D), lambda i: (i, 0)),
            pl.BlockSpec((D, C), lambda i: (0, 0)),
            pl.BlockSpec((1, C), lambda i: (0, 0)),
        ],
        out_specs=pl.BlockSpec((BN, C), lambda i: (i, 0)),
        out_shape=jax.ShapeDtypeStruct((N, C), jnp.float32),
    )(H, Wout, bout)


def kernel(x, edge_index, edge_weights, W1, b1, W2, b2, Wout, bout):
    pad_i = jnp.zeros((NW, EWP - EW), jnp.int32)
    src = jnp.concatenate(
        [edge_index[0].reshape(NW, EW), pad_i], axis=1).reshape(NW, NCH, CH)
    dst = jnp.concatenate(
        [edge_index[1].reshape(NW, EW), pad_i], axis=1).reshape(NW, NCH, CH)
    ew_pad = jnp.concatenate(
        [edge_weights.reshape(NW, EW),
         jnp.zeros((NW, EWP - EW), jnp.float32)], axis=1).reshape(EP, 1)
    zrows = jnp.zeros((RPTL, D), jnp.float32)

    _gather, _scatter = _build_sc()

    def prop(u):
        g = _gather(u, src).reshape(EP, D)
        sc = _scale_tc(g, ew_pad)
        return _scatter(sc.reshape(NW, NCH, CH, D), dst, zrows)

    wb = _wdeg_tc(ew_pad).reshape(NW, NCH, CH, D)
    degp = _scatter(wb, src, zrows)
    dis2, u = _dis_tc(degp, x)

    h = x
    for W, b in ((W1, b1), (W2, b2)):
        A = prop(u)
        u, S = _stage_a(A, dis2, h, W)
        B = prop(u)
        h, u = _stage_b(B, dis2, h, S, W, b.reshape(1, D))

    return _head(h, Wout, bout.reshape(1, C))

# --- scband reference (transcript-rebuilt; emitter-appended) ---
"""Pipeline reference for scband-cheb-net-77988016161259 (READ-ONLY COPY).

The authoritative reference and input builder live on the scoring server;
editing this copy changes nothing except your own understanding.
"""

import jax, jax.numpy as jnp
import numpy as np

N = 10000
E = 320000
D = 128
K = 3
C = 64


def setup_inputs(seed: int = 0) -> dict:
    key = jax.random.key(seed)
    ks = jax.random.split(key, 10)
    x = jax.random.normal(ks[0], (N, D), dtype=jnp.float32)
    edge_index = jax.random.randint(ks[1], (2, E), 0, N, dtype=jnp.int32)
    edge_weights = jax.random.uniform(ks[2], (E,), dtype=jnp.float32)
    # ChebConv layer 1: K linear weights [K, D, D] + bias [D]
    W1 = jax.random.normal(ks[3], (K, D, D), dtype=jnp.float32) * 0.05
    b1 = jnp.zeros((D,), dtype=jnp.float32)
    # ChebConv layer 2
    W2 = jax.random.normal(ks[4], (K, D, D), dtype=jnp.float32) * 0.05
    b2 = jnp.zeros((D,), dtype=jnp.float32)
    # output Linear
    Wout = jax.random.normal(ks[5], (D, C), dtype=jnp.float32) * 0.05
    bout = jnp.zeros((C,), dtype=jnp.float32)
    return {"x": x, "edge_index": edge_index, "edge_weights": edge_weights,
            "W1": W1, "b1": b1, "W2": W2, "b2": b2, "Wout": Wout, "bout": bout}


def _cheb_layer(h, src, dst, norm, W, b):
    # PyG ChebConv forward with lambda_max=2.0, sym normalization:
    # scaled Laplacian L_hat = -D^{-1/2} A D^{-1/2} (diagonal cancels to 0)
    def prop(t):
        return jax.ops.segment_sum(norm[:, None] * t[src], dst, num_segments=N)
    Tx0 = h
    out = Tx0 @ W[0]
    Tx1 = prop(Tx0)
    out = out + Tx1 @ W[1]
    for k in range(2, K):
        Tx2 = 2.0 * prop(Tx1) - Tx0
        out = out + Tx2 @ W[k]
        Tx0, Tx1 = Tx1, Tx2
    return out + b


def reference(x, edge_index, edge_weights, W1, b1, W2, b2, Wout, bout):
    src = edge_index[0]
    dst = edge_index[1]
    # get_laplacian(normalization='sym'): deg from row, norm = -d^-1/2 * w * d^-1/2
    deg = jax.ops.segment_sum(edge_weights, src, num_segments=N)
    dis = jnp.where(deg > 0, 1.0 / jnp.sqrt(deg), 0.0)
    # scale by 2/lambda_max = 1.0; self-loop terms (1 - 1) cancel to 0
    norm = -dis[src] * edge_weights * dis[dst]
    h = _cheb_layer(x, src, dst, norm, W1, b1)
    h = jax.nn.relu(h)  # dropout is identity in eval mode
    h = _cheb_layer(h, src, dst, norm, W2, b2)
    h = jax.nn.relu(h)
    logits = h @ Wout + bout
    return jax.nn.log_softmax(logits, axis=1)

if __name__ == "__main__":
    import jax
    _d = setup_inputs()
    print(jax.jit(kernel)(*tuple(_d.values())))

</pallas_src>

<mosaic_0001>
#map = affine_map<(d0, d1) -> (0, 0, 0, 0)>
#map1 = affine_map<(d0, d1) -> (0, 0, 0)>
#map2 = affine_map<(d0, d1) -> (0, 0)>
module attributes {stable_mosaic.version = 14 : i64} {
  func.func @_scatter(%arg0: i32, %arg1: i32, %arg2: memref<32x80x128x128xf32, #tpu.memory_space<hbm>>, %arg3: memref<32x80x128xi32, #tpu.memory_space<hbm>>, %arg4: memref<640x128xf32, #tpu.memory_space<hbm>>, %arg5: memref<2x10000x128xf32, #tpu.memory_space<hbm>>, %arg6: memref<80x128xi32, #tpu.memory_space<vmem>>, %arg7: memref<128x128xf32, #tpu.memory_space<vmem>>, %arg8: memref<128x128xf32, #tpu.memory_space<vmem>>, %arg9: memref<10000x128xf32, #tpu.memory_space<vmem_shared>>, %arg10: memref<!tpu.dma_semaphore, #tpu.memory_space<semaphore_mem>>, %arg11: memref<!tpu.dma_semaphore, #tpu.memory_space<semaphore_mem>>) attributes {dimension_semantics = [#tpu.dimension_semantics<core_parallel>, #tpu.dimension_semantics<subcore_parallel>], iteration_bounds = array<i64: 2, 16>, scalar_prefetch = 0 : i64, scratch_operands = 6 : i64, tpu.core_type = #tpu.core_type<sc_vector_subcore>, window_params = [{transform_indices = #map}, {transform_indices = #map1}, {transform_indices = #map2}, {transform_indices = #map1}]} {
    %mul3A = arith.constant 2 : i32
    %mul3A_0 = arith.muli %arg1, %mul3A : i32
    %add3A = arith.addi %mul3A_0, %arg0 : i32
    "tpu.region"() ({
      %run_scoped3A_58 = tpu.sem_alloc : memref<!tpu.dma_semaphore, #tpu.memory_space<semaphore_mem>>
      %dma_start3A_59 = arith.constant 0 : i32
      %dma_start3A_60 = arith.constant 0 : i32
      %dma_start3A_61 = tpu.memref_slice %arg3[%add3A, %dma_start3A_59, %dma_start3A_60] : memref<32x80x128xi32, #tpu.memory_space<hbm>> -> memref<1x80x128xi32, #tpu.memory_space<hbm>>
      %dma_start3A_62 = tpu.memref_squeeze %dma_start3A_61 : memref<1x80x128xi32, #tpu.memory_space<hbm>> -> memref<80x128xi32, #tpu.memory_space<hbm>>
      %dma_start3A_63 = arith.constant 0 : i32
      %dma_start3A_64 = arith.constant 0 : i32
      %dma_start3A_65 = tpu.memref_slice %arg3[%add3A, %dma_start3A_63, %dma_start3A_64] : memref<32x80x128xi32, #tpu.memory_space<hbm>> -> memref<1x80x128xi32, #tpu.memory_space<hbm>>
      %dma_start3A_66 = tpu.memref_squeeze %dma_start3A_65 : memref<1x80x128xi32, #tpu.memory_space<hbm>> -> memref<80x128xi32, #tpu.memory_space<hbm>>
      tpu.enqueue_dma source(%dma_start3A_66 : memref<80x128xi32, #tpu.memory_space<hbm>>) target(%arg6 : memref<80x128xi32, #tpu.memory_space<vmem>>) target_semaphore(%run_scoped3A_58 : memref<!tpu.dma_semaphore, #tpu.memory_space<semaphore_mem>>)
      %dma_wait3A_67 = arith.constant 0 : i32
      %dma_wait3A_68 = arith.constant 0 : i32
      %dma_wait3A_69 = tpu.memref_slice %arg3[%add3A, %dma_wait3A_67, %dma_wait3A_68] : memref<32x80x128xi32, #tpu.memory_space<hbm>> -> memref<1x80x128xi32, #tpu.memory_space<hbm>>
      %dma_wait3A_70 = tpu.memref_squeeze %dma_wait3A_69 : memref<1x80x128xi32, #tpu.memory_space<hbm>> -> memref<80x128xi32, #tpu.memory_space<hbm>>
      %dma_wait3A_71 = arith.constant 0 : i32
      %dma_wait3A_72 = arith.constant 0 : i32
      %dma_wait3A_73 = tpu.memref_slice %arg3[%add3A, %dma_wait3A_71, %dma_wait3A_72] : memref<32x80x128xi32, #tpu.memory_space<hbm>> -> memref<1x80x128xi32, #tpu.memory_space<hbm>>
      %dma_wait3A_74 = tpu.memref_squeeze %dma_wait3A_73 : memref<1x80x128xi32, #tpu.memory_space<hbm>> -> memref<80x128xi32, #tpu.memory_space<hbm>>
      tpu.wait_dma2 semaphore(%run_scoped3A_58 : memref<!tpu.dma_semaphore, #tpu.memory_space<semaphore_mem>>) src(%dma_wait3A_74 : memref<80x128xi32, #tpu.memory_space<hbm>>) dst(%arg6 : memref<80x128xi32, #tpu.memory_space<vmem>>)
      tpu.yield
    }) : () -> ()
    %lt3A = arith.constant 15 : i32
    %lt3A_1 = arith.cmpi slt, %arg1, %lt3A : i32
    %convert_element_type3A = arith.extui %lt3A_1 : i1 to i32
    %cond3A = arith.constant 0 : i32
    %cond3A_2 = arith.cmpi ne, %convert_element_type3A, %cond3A : i32
    scf.if %cond3A_2 {
      %mul3A_58 = arith.constant 624 : i32
      %mul3A_59 = arith.muli %arg1, %mul3A_58 : i32
      "tpu.region"() ({
        %run_scoped3A_60 = tpu.sem_alloc : memref<!tpu.dma_semaphore, #tpu.memory_space<semaphore_mem>>
        %dma_start3A_61 = arith.constant 0 : i32
        %dma_start3A_62 = tpu.memref_slice %arg9[%mul3A_59, %dma_start3A_61] : memref<10000x128xf32, #tpu.memory_space<vmem_shared>> -> memref<624x128xf32, #tpu.memory_space<vmem_shared>>
        %dma_start3A_63 = arith.constant 0 : i32
        %dma_start3A_64 = arith.constant 0 : i32
        %dma_start3A_65 = tpu.memref_slice %arg4[%dma_start3A_63, %dma_start3A_64] : memref<640x128xf32, #tpu.memory_space<hbm>> -> memref<624x128xf32, #tpu.memory_space<hbm>>
        tpu.enqueue_dma source(%dma_start3A_65 : memref<624x128xf32, #tpu.memory_space<hbm>>) target(%dma_start3A_62 : memref<624x128xf32, #tpu.memory_space<vmem_shared>>) target_semaphore(%run_scoped3A_60 : memref<!tpu.dma_semaphore, #tpu.memory_space<semaphore_mem>>)
        %dma_wait3A_66 = arith.constant 0 : i32
        %dma_wait3A_67 = tpu.memref_slice %arg9[%mul3A_59, %dma_wait3A_66] : memref<10000x128xf32, #tpu.memory_space<vmem_shared>> -> memref<624x128xf32, #tpu.memory_space<vmem_shared>>
        %dma_wait3A_68 = arith.constant 0 : i32
        %dma_wait3A_69 = arith.constant 0 : i32
        %dma_wait3A_70 = tpu.memref_slice %arg4[%dma_wait3A_68, %dma_wait3A_69] : memref<640x128xf32, #tpu.memory_space<hbm>> -> memref<624x128xf32, #tpu.memory_space<hbm>>
        tpu.wait_dma2 semaphore(%run_scoped3A_60 : memref<!tpu.dma_semaphore, #tpu.memory_space<semaphore_mem>>) src(%dma_wait3A_70 : memref<624x128xf32, #tpu.memory_space<hbm>>) dst(%dma_wait3A_67 : memref<624x128xf32, #tpu.memory_space<vmem_shared>>)
        tpu.yield
      }) : () -> ()
    } else {
    }
    %eq3A = arith.constant 15 : i32
    %eq3A_3 = arith.cmpi eq, %arg1, %eq3A : i32
    %convert_element_type3A_4 = arith.extui %eq3A_3 : i1 to i32
    %cond3A_5 = arith.constant 0 : i32
    %cond3A_6 = arith.cmpi ne, %convert_element_type3A_4, %cond3A_5 : i32
    scf.if %cond3A_6 {
      "tpu.region"() ({
        %run_scoped3A_58 = tpu.sem_alloc : memref<!tpu.dma_semaphore, #tpu.memory_space<semaphore_mem>>
        %dma_start3A_59 = arith.constant 9360 : i32
        %dma_start3A_60 = arith.constant 0 : i32
        %dma_start3A_61 = tpu.memref_slice %arg9[%dma_start3A_59, %dma_start3A_60] : memref<10000x128xf32, #tpu.memory_space<vmem_shared>> -> memref<640x128xf32, #tpu.memory_space<vmem_shared>>
        tpu.enqueue_dma source(%arg4 : memref<640x128xf32, #tpu.memory_space<hbm>>) target(%dma_start3A_61 : memref<640x128xf32, #tpu.memory_space<vmem_shared>>) target_semaphore(%run_scoped3A_58 : memref<!tpu.dma_semaphore, #tpu.memory_space<semaphore_mem>>)
        %dma_wait3A_62 = arith.constant 9360 : i32
        %dma_wait3A_63 = arith.constant 0 : i32
        %dma_wait3A_64 = tpu.memref_slice %arg9[%dma_wait3A_62, %dma_wait3A_63] : memref<10000x128xf32, #tpu.memory_space<vmem_shared>> -> memref<640x128xf32, #tpu.memory_space<vmem_shared>>
        tpu.wait_dma2 semaphore(%run_scoped3A_58 : memref<!tpu.dma_semaphore, #tpu.memory_space<semaphore_mem>>) src(%arg4 : memref<640x128xf32, #tpu.memory_space<hbm>>) dst(%dma_wait3A_64 : memref<640x128xf32, #tpu.memory_space<vmem_shared>>)
        tpu.yield
      }) : () -> ()
    } else {
    }
    %barrier3A = arith.constant 0 : index
    tpu.barrier barrier_id(%barrier3A)
    %dma_start3A = arith.constant 0 : i32
    %dma_start3A_7 = arith.constant 0 : i32
    %dma_start3A_8 = arith.constant 0 : i32
    %dma_start3A_9 = tpu.memref_slice %arg2[%add3A, %dma_start3A, %dma_start3A_7, %dma_start3A_8] : memref<32x80x128x128xf32, #tpu.memory_space<hbm>> -> memref<1x1x128x128xf32, #tpu.memory_space<hbm>>
    %dma_start3A_10 = tpu.memref_squeeze %dma_start3A_9 : memref<1x1x128x128xf32, #tpu.memory_space<hbm>> -> memref<128x128xf32, #tpu.memory_space<hbm>>
    %dma_start3A_11 = arith.constant 0 : i32
    %dma_start3A_12 = arith.constant 0 : i32
    %dma_start3A_13 = tpu.memref_slice %arg2[%add3A, %dma_start3A, %dma_start3A_11, %dma_start3A_12] : memref<32x80x128x128xf32, #tpu.memory_space<hbm>> -> memref<1x1x128x128xf32, #tpu.memory_space<hbm>>
    %dma_start3A_14 = tpu.memref_squeeze %dma_start3A_13 : memref<1x1x128x128xf32, #tpu.memory_space<hbm>> -> memref<128x128xf32, #tpu.memory_space<hbm>>
    tpu.enqueue_dma source(%dma_start3A_14 : memref<128x128xf32, #tpu.memory_space<hbm>>) target(%arg7 : memref<128x128xf32, #tpu.memory_space<vmem>>) target_semaphore(%arg10 : memref<!tpu.dma_semaphore, #tpu.memory_space<semaphore_mem>>)
    %scan3A = arith.constant 0 : i32
    %scan3A_15 = arith.constant 0 : i32
    %scan3A_16 = arith.constant 39 : i32
    %scan3A_17 = arith.addi %scan3A_15, %scan3A_16 : i32
    %scan3A_18 = arith.constant 1 : i32
    scf.for %scan3A_58 = %scan3A_15 to %scan3A_17 step %scan3A_18  : i32 {
      %mul3A_59 = arith.constant 2 : i32
      %mul3A_60 = arith.muli %mul3A_59, %scan3A_58 : i32
      %dma_wait3A_61 = arith.constant 0 : i32
      %dma_wait3A_62 = arith.constant 0 : i32
      %dma_wait3A_63 = tpu.memref_slice %arg2[%add3A, %mul3A_60, %dma_wait3A_61, %dma_wait3A_62] : memref<32x80x128x128xf32, #tpu.memory_space<hbm>> -> memref<1x1x128x128xf32, #tpu.memory_space<hbm>>
      %dma_wait3A_64 = tpu.memref_squeeze %dma_wait3A_63 : memref<1x1x128x128xf32, #tpu.memory_space<hbm>> -> memref<128x128xf32, #tpu.memory_space<hbm>>
      %dma_wait3A_65 = arith.constant 0 : i32
      %dma_wait3A_66 = arith.constant 0 : i32
      %dma_wait3A_67 = tpu.memref_slice %arg2[%add3A, %mul3A_60, %dma_wait3A_65, %dma_wait3A_66] : memref<32x80x128x128xf32, #tpu.memory_space<hbm>> -> memref<1x1x128x128xf32, #tpu.memory_space<hbm>>
      %dma_wait3A_68 = tpu.memref_squeeze %dma_wait3A_67 : memref<1x1x128x128xf32, #tpu.memory_space<hbm>> -> memref<128x128xf32, #tpu.memory_space<hbm>>
      tpu.wait_dma2 semaphore(%arg10 : memref<!tpu.dma_semaphore, #tpu.memory_space<semaphore_mem>>) src(%dma_wait3A_68 : memref<128x128xf32, #tpu.memory_space<hbm>>) dst(%arg7 : memref<128x128xf32, #tpu.memory_space<vmem>>)
      %add3A_69 = arith.constant 1 : i32
      %add3A_70 = arith.addi %mul3A_60, %add3A_69 : i32
      %dma_start3A_71 = arith.constant 0 : i32
      %dma_start3A_72 = arith.constant 0 : i32
      %dma_start3A_73 = tpu.memref_slice %arg2[%add3A, %add3A_70, %dma_start3A_71, %dma_start3A_72] : memref<32x80x128x128xf32, #tpu.memory_space<hbm>> -> memref<1x1x128x128xf32, #tpu.memory_space<hbm>>
      %dma_start3A_74 = tpu.memref_squeeze %dma_start3A_73 : memref<1x1x128x128xf32, #tpu.memory_space<hbm>> -> memref<128x128xf32, #tpu.memory_space<hbm>>
      %dma_start3A_75 = arith.constant 0 : i32
      %dma_start3A_76 = arith.constant 0 : i32
      %dma_start3A_77 = tpu.memref_slice %arg2[%add3A, %add3A_70, %dma_start3A_75, %dma_start3A_76] : memref<32x80x128x128xf32, #tpu.memory_space<hbm>> -> memref<1x1x128x128xf32, #tpu.memory_space<hbm>>
      %dma_start3A_78 = tpu.memref_squeeze %dma_start3A_77 : memref<1x1x128x128xf32, #tpu.memory_space<hbm>> -> memref<128x128xf32, #tpu.memory_space<hbm>>
      tpu.enqueue_dma source(%dma_start3A_78 : memref<128x128xf32, #tpu.memory_space<hbm>>) target(%arg8 : memref<128x128xf32, #tpu.memory_space<vmem>>) target_semaphore(%arg11 : memref<!tpu.dma_semaphore, #tpu.memory_space<semaphore_mem>>)
      "tpu.region"() ({
        %run_scoped3A_101 = tpu.sem_alloc : memref<!tpu.dma_semaphore, #tpu.memory_space<semaphore_mem>>
        %dma_start3A_102 = arith.constant 0 : i32
        %dma_start3A_103 = tpu.memref_slice %arg6[%mul3A_60, %dma_start3A_102] : memref<80x128xi32, #tpu.memory_space<vmem>> -> memref<1x128xi32, #tpu.memory_space<vmem>>
        %dma_start3A_104 = tpu.memref_squeeze %dma_start3A_103 : memref<1x128xi32, #tpu.memory_space<vmem>> -> memref<128xi32, #tpu.memory_space<vmem>>
        %dma_start3A_105 = arith.constant 0 : i32
        %dma_start3A_106 = arith.constant 0 : i32
        %dma_start3A_107 = tpu.memref_slice %arg9[%dma_start3A_105, %dma_start3A_106] : memref<10000x128xf32, #tpu.memory_space<vmem_shared>> -> memref<10000x128xf32, #tpu.memory_space<vmem_shared>>
        tpu.enqueue_indirect_dma source(%arg7 : memref<128x128xf32, #tpu.memory_space<vmem>>) target(%dma_start3A_107 : memref<10000x128xf32, #tpu.memory_space<vmem_shared>>) offsets(%dma_start3A_104 : memref<128xi32, #tpu.memory_space<vmem>>) semaphore(%run_scoped3A_101 : memref<!tpu.dma_semaphore, #tpu.memory_space<semaphore_mem>>) {add = true}
        %dma_wait3A_108 = arith.constant 0 : i32
        %dma_wait3A_109 = tpu.memref_slice %arg6[%mul3A_60, %dma_wait3A_108] : memref<80x128xi32, #tpu.memory_space<vmem>> -> memref<1x128xi32, #tpu.memory_space<vmem>>
        %dma_wait3A_110 = tpu.memref_squeeze %dma_wait3A_109 : memref<1x128xi32, #tpu.memory_space<vmem>> -> memref<128xi32, #tpu.memory_space<vmem>>
        %dma_wait3A_111 = arith.constant 0 : i32
        %dma_wait3A_112 = arith.constant 0 : i32
        %dma_wait3A_113 = tpu.memref_slice %arg9[%dma_wait3A_111, %dma_wait3A_112] : memref<10000x128xf32, #tpu.memory_space<vmem_shared>> -> memref<10000x128xf32, #tpu.memory_space<vmem_shared>>
        tpu.wait_indirect_dma semaphore(%run_scoped3A_101 : memref<!tpu.dma_semaphore, #tpu.memory_space<semaphore_mem>>) src(%arg7 : memref<128x128xf32, #tpu.memory_space<vmem>>) dst(%dma_wait3A_113 : memref<10000x128xf32, #tpu.memory_space<vmem_shared>>)
        tpu.yield
      }) : () -> ()
      %add3A_79 = arith.constant 2 : i32
      %add3A_80 = arith.addi %mul3A_60, %add3A_79 : i32
      %dma_start3A_81 = arith.constant 0 : i32
      %dma_start3A_82 = arith.constant 0 : i32
      %dma_start3A_83 = tpu.memref_slice %arg2[%add3A, %add3A_80, %dma_start3A_81, %dma_start3A_82] : memref<32x80x128x128xf32, #tpu.memory_space<hbm>> -> memref<1x1x128x128xf32, #tpu.memory_space<hbm>>
      %dma_start3A_84 = tpu.memref_squeeze %dma_start3A_83 : memref<1x1x128x128xf32, #tpu.memory_space<hbm>> -> memref<128x128xf32, #tpu.memory_space<hbm>>
      %dma_start3A_85 = arith.constant 0 : i32
      %dma_start3A_86 = arith.constant 0 : i32
      %dma_start3A_87 = tpu.memref_slice %arg2[%add3A, %add3A_80, %dma_start3A_85, %dma_start3A_86] : memref<32x80x128x128xf32, #tpu.memory_space<hbm>> -> memref<1x1x128x128xf32, #tpu.memory_space<hbm>>
      %dma_start3A_88 = tpu.memref_squeeze %dma_start3A_87 : memref<1x1x128x128xf32, #tpu.memory_space<hbm>> -> memref<128x128xf32, #tpu.memory_space<hbm>>
      tpu.enqueue_dma source(%dma_start3A_88 : memref<128x128xf32, #tpu.memory_space<hbm>>) target(%arg7 : memref<128x128xf32, #tpu.memory_space<vmem>>) target_semaphore(%arg10 : memref<!tpu.dma_semaphore, #tpu.memory_space<semaphore_mem>>)
      %add3A_89 = arith.constant 1 : i32
      %add3A_90 = arith.addi %mul3A_60, %add3A_89 : i32
      %dma_wait3A_91 = arith.constant 0 : i32
      %dma_wait3A_92 = arith.constant 0 : i32
      %dma_wait3A_93 = tpu.memref_slice %arg2[%add3A, %add3A_90, %dma_wait3A_91, %dma_wait3A_92] : memref<32x80x128x128xf32, #tpu.memory_space<hbm>> -> memref<1x1x128x128xf32, #tpu.memory_space<hbm>>
      %dma_wait3A_94 = tpu.memref_squeeze %dma_wait3A_93 : memref<1x1x128x128xf32, #tpu.memory_space<hbm>> -> memref<128x128xf32, #tpu.memory_space<hbm>>
      %dma_wait3A_95 = arith.constant 0 : i32
      %dma_wait3A_96 = arith.constant 0 : i32
      %dma_wait3A_97 = tpu.memref_slice %arg2[%add3A, %add3A_90, %dma_wait3A_95, %dma_wait3A_96] : memref<32x80x128x128xf32, #tpu.memory_space<hbm>> -> memref<1x1x128x128xf32, #tpu.memory_space<hbm>>
      %dma_wait3A_98 = tpu.memref_squeeze %dma_wait3A_97 : memref<1x1x128x128xf32, #tpu.memory_space<hbm>> -> memref<128x128xf32, #tpu.memory_space<hbm>>
      tpu.wait_dma2 semaphore(%arg11 : memref<!tpu.dma_semaphore, #tpu.memory_space<semaphore_mem>>) src(%dma_wait3A_98 : memref<128x128xf32, #tpu.memory_space<hbm>>) dst(%arg8 : memref<128x128xf32, #tpu.memory_space<vmem>>)
      %add3A_99 = arith.constant 1 : i32
      %add3A_100 = arith.addi %mul3A_60, %add3A_99 : i32
      "tpu.region"() ({
        %run_scoped3A_101 = tpu.sem_alloc : memref<!tpu.dma_semaphore, #tpu.memory_space<semaphore_mem>>
        %dma_start3A_102 = arith.constant 0 : i32
        %dma_start3A_103 = tpu.memref_slice %arg6[%add3A_100, %dma_start3A_102] : memref<80x128xi32, #tpu.memory_space<vmem>> -> memref<1x128xi32, #tpu.memory_space<vmem>>
        %dma_start3A_104 = tpu.memref_squeeze %dma_start3A_103 : memref<1x128xi32, #tpu.memory_space<vmem>> -> memref<128xi32, #tpu.memory_space<vmem>>
        %dma_start3A_105 = arith.constant 0 : i32
        %dma_start3A_106 = arith.constant 0 : i32
        %dma_start3A_107 = tpu.memref_slice %arg9[%dma_start3A_105, %dma_start3A_106] : memref<10000x128xf32, #tpu.memory_space<vmem_shared>> -> memref<10000x128xf32, #tpu.memory_space<vmem_shared>>
        tpu.enqueue_indirect_dma source(%arg8 : memref<128x128xf32, #tpu.memory_space<vmem>>) target(%dma_start3A_107 : memref<10000x128xf32, #tpu.memory_space<vmem_shared>>) offsets(%dma_start3A_104 : memref<128xi32, #tpu.memory_space<vmem>>) semaphore(%run_scoped3A_101 : memref<!tpu.dma_semaphore, #tpu.memory_space<semaphore_mem>>) {add = true}
        %dma_wait3A_108 = arith.constant 0 : i32
        %dma_wait3A_109 = tpu.memref_slice %arg6[%add3A_100, %dma_wait3A_108] : memref<80x128xi32, #tpu.memory_space<vmem>> -> memref<1x128xi32, #tpu.memory_space<vmem>>
        %dma_wait3A_110 = tpu.memref_squeeze %dma_wait3A_109 : memref<1x128xi32, #tpu.memory_space<vmem>> -> memref<128xi32, #tpu.memory_space<vmem>>
        %dma_wait3A_111 = arith.constant 0 : i32
        %dma_wait3A_112 = arith.constant 0 : i32
        %dma_wait3A_113 = tpu.memref_slice %arg9[%dma_wait3A_111, %dma_wait3A_112] : memref<10000x128xf32, #tpu.memory_space<vmem_shared>> -> memref<10000x128xf32, #tpu.memory_space<vmem_shared>>
        tpu.wait_indirect_dma semaphore(%run_scoped3A_101 : memref<!tpu.dma_semaphore, #tpu.memory_space<semaphore_mem>>) src(%arg8 : memref<128x128xf32, #tpu.memory_space<vmem>>) dst(%dma_wait3A_113 : memref<10000x128xf32, #tpu.memory_space<vmem_shared>>)
        tpu.yield
      }) : () -> ()
    }
    %scan3A_19 = arith.constant 39 : i32
    %dma_wait3A = arith.constant 78 : i32
    %dma_wait3A_20 = arith.constant 0 : i32
    %dma_wait3A_21 = arith.constant 0 : i32
    %dma_wait3A_22 = tpu.memref_slice %arg2[%add3A, %dma_wait3A, %dma_wait3A_20, %dma_wait3A_21] : memref<32x80x128x128xf32, #tpu.memory_space<hbm>> -> memref<1x1x128x128xf32, #tpu.memory_space<hbm>>
    %dma_wait3A_23 = tpu.memref_squeeze %dma_wait3A_22 : memref<1x1x128x128xf32, #tpu.memory_space<hbm>> -> memref<128x128xf32, #tpu.memory_space<hbm>>
    %dma_wait3A_24 = arith.constant 0 : i32
    %dma_wait3A_25 = arith.constant 0 : i32
    %dma_wait3A_26 = tpu.memref_slice %arg2[%add3A, %dma_wait3A, %dma_wait3A_24, %dma_wait3A_25] : memref<32x80x128x128xf32, #tpu.memory_space<hbm>> -> memref<1x1x128x128xf32, #tpu.memory_space<hbm>>
    %dma_wait3A_27 = tpu.memref_squeeze %dma_wait3A_26 : memref<1x1x128x128xf32, #tpu.memory_space<hbm>> -> memref<128x128xf32, #tpu.memory_space<hbm>>
    tpu.wait_dma2 semaphore(%arg10 : memref<!tpu.dma_semaphore, #tpu.memory_space<semaphore_mem>>) src(%dma_wait3A_27 : memref<128x128xf32, #tpu.memory_space<hbm>>) dst(%arg7 : memref<128x128xf32, #tpu.memory_space<vmem>>)
    %dma_start3A_28 = arith.constant 79 : i32
    %dma_start3A_29 = arith.constant 0 : i32
    %dma_start3A_30 = arith.constant 0 : i32
    %dma_start3A_31 = tpu.memref_slice %arg2[%add3A, %dma_start3A_28, %dma_start3A_29, %dma_start3A_30] : memref<32x80x128x128xf32, #tpu.memory_space<hbm>> -> memref<1x1x128x128xf32, #tpu.memory_space<hbm>>
    %dma_start3A_32 = tpu.memref_squeeze %dma_start3A_31 : memref<1x1x128x128xf32, #tpu.memory_space<hbm>> -> memref<128x128xf32, #tpu.memory_space<hbm>>
    %dma_start3A_33 = arith.constant 0 : i32
    %dma_start3A_34 = arith.constant 0 : i32
    %dma_start3A_35 = tpu.memref_slice %arg2[%add3A, %dma_start3A_28, %dma_start3A_33, %dma_start3A_34] : memref<32x80x128x128xf32, #tpu.memory_space<hbm>> -> memref<1x1x128x128xf32, #tpu.memory_space<hbm>>
    %dma_start3A_36 = tpu.memref_squeeze %dma_start3A_35 : memref<1x1x128x128xf32, #tpu.memory_space<hbm>> -> memref<128x128xf32, #tpu.memory_space<hbm>>
    tpu.enqueue_dma source(%dma_start3A_36 : memref<128x128xf32, #tpu.memory_space<hbm>>) target(%arg8 : memref<128x128xf32, #tpu.memory_space<vmem>>) target_semaphore(%arg11 : memref<!tpu.dma_semaphore, #tpu.memory_space<semaphore_mem>>)
    %run_scoped3A = arith.constant 78 : i32
    "tpu.region"() ({
      %run_scoped3A_58 = tpu.sem_alloc : memref<!tpu.dma_semaphore, #tpu.memory_space<semaphore_mem>>
      %dma_start3A_59 = arith.constant 0 : i32
      %dma_start3A_60 = tpu.memref_slice %arg6[%run_scoped3A, %dma_start3A_59] : memref<80x128xi32, #tpu.memory_space<vmem>> -> memref<1x128xi32, #tpu.memory_space<vmem>>
      %dma_start3A_61 = tpu.memref_squeeze %dma_start3A_60 : memref<1x128xi32, #tpu.memory_space<vmem>> -> memref<128xi32, #tpu.memory_space<vmem>>
      %dma_start3A_62 = arith.constant 0 : i32
      %dma_start3A_63 = arith.constant 0 : i32
      %dma_start3A_64 = tpu.memref_slice %arg9[%dma_start3A_62, %dma_start3A_63] : memref<10000x128xf32, #tpu.memory_space<vmem_shared>> -> memref<10000x128xf32, #tpu.memory_space<vmem_shared>>
      tpu.enqueue_indirect_dma source(%arg7 : memref<128x128xf32, #tpu.memory_space<vmem>>) target(%dma_start3A_64 : memref<10000x128xf32, #tpu.memory_space<vmem_shared>>) offsets(%dma_start3A_61 : memref<128xi32, #tpu.memory_space<vmem>>) semaphore(%run_scoped3A_58 : memref<!tpu.dma_semaphore, #tpu.memory_space<semaphore_mem>>) {add = true}
      %dma_wait3A_65 = arith.constant 0 : i32
      %dma_wait3A_66 = tpu.memref_slice %arg6[%run_scoped3A, %dma_wait3A_65] : memref<80x128xi32, #tpu.memory_space<vmem>> -> memref<1x128xi32, #tpu.memory_space<vmem>>
      %dma_wait3A_67 = tpu.memref_squeeze %dma_wait3A_66 : memref<1x128xi32, #tpu.memory_space<vmem>> -> memref<128xi32, #tpu.memory_space<vmem>>
      %dma_wait3A_68 = arith.constant 0 : i32
      %dma_wait3A_69 = arith.constant 0 : i32
      %dma_wait3A_70 = tpu.memref_slice %arg9[%dma_wait3A_68, %dma_wait3A_69] : memref<10000x128xf32, #tpu.memory_space<vmem_shared>> -> memref<10000x128xf32, #tpu.memory_space<vmem_shared>>
      tpu.wait_indirect_dma semaphore(%run_scoped3A_58 : memref<!tpu.dma_semaphore, #tpu.memory_space<semaphore_mem>>) src(%arg7 : memref<128x128xf32, #tpu.memory_space<vmem>>) dst(%dma_wait3A_70 : memref<10000x128xf32, #tpu.memory_space<vmem_shared>>)
      tpu.yield
    }) : () -> ()
    %dma_wait3A_37 = arith.constant 79 : i32
    %dma_wait3A_38 = arith.constant 0 : i32
    %dma_wait3A_39 = arith.constant 0 : i32
    %dma_wait3A_40 = tpu.memref_slice %arg2[%add3A, %dma_wait3A_37, %dma_wait3A_38, %dma_wait3A_39] : memref<32x80x128x128xf32, #tpu.memory_space<hbm>> -> memref<1x1x128x128xf32, #tpu.memory_space<hbm>>
    %dma_wait3A_41 = tpu.memref_squeeze %dma_wait3A_40 : memref<1x1x128x128xf32, #tpu.memory_space<hbm>> -> memref<128x128xf32, #tpu.memory_space<hbm>>
    %dma_wait3A_42 = arith.constant 0 : i32
    %dma_wait3A_43 = arith.constant 0 : i32
    %dma_wait3A_44 = tpu.memref_slice %arg2[%add3A, %dma_wait3A_37, %dma_wait3A_42, %dma_wait3A_43] : memref<32x80x128x128xf32, #tpu.memory_space<hbm>> -> memref<1x1x128x128xf32, #tpu.memory_space<hbm>>
    %dma_wait3A_45 = tpu.memref_squeeze %dma_wait3A_44 : memref<1x1x128x128xf32, #tpu.memory_space<hbm>> -> memref<128x128xf32, #tpu.memory_space<hbm>>
    tpu.wait_dma2 semaphore(%arg11 : memref<!tpu.dma_semaphore, #tpu.memory_space<semaphore_mem>>) src(%dma_wait3A_45 : memref<128x128xf32, #tpu.memory_space<hbm>>) dst(%arg8 : memref<128x128xf32, #tpu.memory_space<vmem>>)
    %run_scoped3A_46 = arith.constant 79 : i32
    "tpu.region"() ({
      %run_scoped3A_58 = tpu.sem_alloc : memref<!tpu.dma_semaphore, #tpu.memory_space<semaphore_mem>>
      %dma_start3A_59 = arith.constant 0 : i32
      %dma_start3A_60 = tpu.memref_slice %arg6[%run_scoped3A_46, %dma_start3A_59] : memref<80x128xi32, #tpu.memory_space<vmem>> -> memref<1x128xi32, #tpu.memory_space<vmem>>
      %dma_start3A_61 = tpu.memref_squeeze %dma_start3A_60 : memref<1x128xi32, #tpu.memory_space<vmem>> -> memref<128xi32, #tpu.memory_space<vmem>>
      %dma_start3A_62 = arith.constant 0 : i32
      %dma_start3A_63 = arith.constant 0 : i32
      %dma_start3A_64 = tpu.memref_slice %arg9[%dma_start3A_62, %dma_start3A_63] : memref<10000x128xf32, #tpu.memory_space<vmem_shared>> -> memref<10000x128xf32, #tpu.memory_space<vmem_shared>>
      tpu.enqueue_indirect_dma source(%arg8 : memref<128x128xf32, #tpu.memory_space<vmem>>) target(%dma_start3A_64 : memref<10000x128xf32, #tpu.memory_space<vmem_shared>>) offsets(%dma_start3A_61 : memref<128xi32, #tpu.memory_space<vmem>>) semaphore(%run_scoped3A_58 : memref<!tpu.dma_semaphore, #tpu.memory_space<semaphore_mem>>) {add = true}
      %dma_wait3A_65 = arith.constant 0 : i32
      %dma_wait3A_66 = tpu.memref_slice %arg6[%run_scoped3A_46, %dma_wait3A_65] : memref<80x128xi32, #tpu.memory_space<vmem>> -> memref<1x128xi32, #tpu.memory_space<vmem>>
      %dma_wait3A_67 = tpu.memref_squeeze %dma_wait3A_66 : memref<1x128xi32, #tpu.memory_space<vmem>> -> memref<128xi32, #tpu.memory_space<vmem>>
      %dma_wait3A_68 = arith.constant 0 : i32
      %dma_wait3A_69 = arith.constant 0 : i32
      %dma_wait3A_70 = tpu.memref_slice %arg9[%dma_wait3A_68, %dma_wait3A_69] : memref<10000x128xf32, #tpu.memory_space<vmem_shared>> -> memref<10000x128xf32, #tpu.memory_space<vmem_shared>>
      tpu.wait_indirect_dma semaphore(%run_scoped3A_58 : memref<!tpu.dma_semaphore, #tpu.memory_space<semaphore_mem>>) src(%arg8 : memref<128x128xf32, #tpu.memory_space<vmem>>) dst(%dma_wait3A_70 : memref<10000x128xf32, #tpu.memory_space<vmem_shared>>)
      tpu.yield
    }) : () -> ()
    %barrier3A_47 = arith.constant 0 : index
    tpu.barrier barrier_id(%barrier3A_47)
    %lt3A_48 = arith.constant 15 : i32
    %lt3A_49 = arith.cmpi slt, %arg1, %lt3A_48 : i32
    %convert_element_type3A_50 = arith.extui %lt3A_49 : i1 to i32
    %cond3A_51 = arith.constant 0 : i32
    %cond3A_52 = arith.cmpi ne, %convert_element_type3A_50, %cond3A_51 : i32
    scf.if %cond3A_52 {
      %mul3A_58 = arith.constant 624 : i32
      %mul3A_59 = arith.muli %arg1, %mul3A_58 : i32
      %mul3A_60 = arith.constant 624 : i32
      %mul3A_61 = arith.muli %arg1, %mul3A_60 : i32
      "tpu.region"() ({
        %run_scoped3A_62 = tpu.sem_alloc : memref<!tpu.dma_semaphore, #tpu.memory_space<semaphore_mem>>
        %dma_start3A_63 = arith.constant 0 : i32
        %dma_start3A_64 = tpu.memref_slice %arg5[%arg0, %mul3A_61, %dma_start3A_63] : memref<2x10000x128xf32, #tpu.memory_space<hbm>> -> memref<1x624x128xf32, #tpu.memory_space<hbm>>
        %dma_start3A_65 = tpu.memref_squeeze %dma_start3A_64 : memref<1x624x128xf32, #tpu.memory_space<hbm>> -> memref<624x128xf32, #tpu.memory_space<hbm>>
        %dma_start3A_66 = arith.constant 0 : i32
        %dma_start3A_67 = tpu.memref_slice %arg9[%mul3A_59, %dma_start3A_66] : memref<10000x128xf32, #tpu.memory_space<vmem_shared>> -> memref<624x128xf32, #tpu.memory_space<vmem_shared>>
        tpu.enqueue_dma source(%dma_start3A_67 : memref<624x128xf32, #tpu.memory_space<vmem_shared>>) target(%dma_start3A_65 : memref<624x128xf32, #tpu.memory_space<hbm>>) target_semaphore(%run_scoped3A_62 : memref<!tpu.dma_semaphore, #tpu.memory_space<semaphore_mem>>)
        %dma_wait3A_68 = arith.constant 0 : i32
        %dma_wait3A_69 = tpu.memref_slice %arg5[%arg0, %mul3A_61, %dma_wait3A_68] : memref<2x10000x128xf32, #tpu.memory_space<hbm>> -> memref<1x624x128xf32, #tpu.memory_space<hbm>>
        %dma_wait3A_70 = tpu.memref_squeeze %dma_wait3A_69 : memref<1x624x128xf32, #tpu.memory_space<hbm>> -> memref<624x128xf32, #tpu.memory_space<hbm>>
        %dma_wait3A_71 = arith.constant 0 : i32
        %dma_wait3A_72 = tpu.memref_slice %arg9[%mul3A_59, %dma_wait3A_71] : memref<10000x128xf32, #tpu.memory_space<vmem_shared>> -> memref<624x128xf32, #tpu.memory_space<vmem_shared>>
        tpu.wait_dma2 semaphore(%run_scoped3A_62 : memref<!tpu.dma_semaphore, #tpu.memory_space<semaphore_mem>>) src(%dma_wait3A_72 : memref<624x128xf32, #tpu.memory_space<vmem_shared>>) dst(%dma_wait3A_70 : memref<624x128xf32, #tpu.memory_space<hbm>>)
        tpu.yield
      }) : () -> ()
    } else {
    }
    %eq3A_53 = arith.constant 15 : i32
    %eq3A_54 = arith.cmpi eq, %arg1, %eq3A_53 : i32
    %convert_element_type3A_55 = arith.extui %eq3A_54 : i1 to i32
    %cond3A_56 = arith.constant 0 : i32
    %cond3A_57 = arith.cmpi ne, %convert_element_type3A_55, %cond3A_56 : i32
    scf.if %cond3A_57 {
      "tpu.region"() ({
        %run_scoped3A_58 = tpu.sem_alloc : memref<!tpu.dma_semaphore, #tpu.memory_space<semaphore_mem>>
        %dma_start3A_59 = arith.constant 9360 : i32
        %dma_start3A_60 = arith.constant 0 : i32
        %dma_start3A_61 = tpu.memref_slice %arg5[%arg0, %dma_start3A_59, %dma_start3A_60] : memref<2x10000x128xf32, #tpu.memory_space<hbm>> -> memref<1x640x128xf32, #tpu.memory_space<hbm>>
        %dma_start3A_62 = tpu.memref_squeeze %dma_start3A_61 : memref<1x640x128xf32, #tpu.memory_space<hbm>> -> memref<640x128xf32, #tpu.memory_space<hbm>>
        %dma_start3A_63 = arith.constant 9360 : i32
        %dma_start3A_64 = arith.constant 0 : i32
        %dma_start3A_65 = tpu.memref_slice %arg9[%dma_start3A_63, %dma_start3A_64] : memref<10000x128xf32, #tpu.memory_space<vmem_shared>> -> memref<640x128xf32, #tpu.memory_space<vmem_shared>>
        tpu.enqueue_dma source(%dma_start3A_65 : memref<640x128xf32, #tpu.memory_space<vmem_shared>>) target(%dma_start3A_62 : memref<640x128xf32, #tpu.memory_space<hbm>>) target_semaphore(%run_scoped3A_58 : memref<!tpu.dma_semaphore, #tpu.memory_space<semaphore_mem>>)
        %dma_wait3A_66 = arith.constant 9360 : i32
        %dma_wait3A_67 = arith.constant 0 : i32
        %dma_wait3A_68 = tpu.memref_slice %arg5[%arg0, %dma_wait3A_66, %dma_wait3A_67] : memref<2x10000x128xf32, #tpu.memory_space<hbm>> -> memref<1x640x128xf32, #tpu.memory_space<hbm>>
        %dma_wait3A_69 = tpu.memref_squeeze %dma_wait3A_68 : memref<1x640x128xf32, #tpu.memory_space<hbm>> -> memref<640x128xf32, #tpu.memory_space<hbm>>
        %dma_wait3A_70 = arith.constant 9360 : i32
        %dma_wait3A_71 = arith.constant 0 : i32
        %dma_wait3A_72 = tpu.memref_slice %arg9[%dma_wait3A_70, %dma_wait3A_71] : memref<10000x128xf32, #tpu.memory_space<vmem_shared>> -> memref<640x128xf32, #tpu.memory_space<vmem_shared>>
        tpu.wait_dma2 semaphore(%run_scoped3A_58 : memref<!tpu.dma_semaphore, #tpu.memory_space<semaphore_mem>>) src(%dma_wait3A_72 : memref<640x128xf32, #tpu.memory_space<vmem_shared>>) dst(%dma_wait3A_69 : memref<640x128xf32, #tpu.memory_space<hbm>>)
        tpu.yield
      }) : () -> ()
    } else {
    }
    return
  }
}

#map = affine_map<(d0, d1) -> (0, 0, 0, 0)>
#map1 = affine_map<(d0, d1) -> (0, 0, 0)>
#map2 = affine_map<(d0, d1) -> (0, 0)>
module attributes {stable_mosaic.version = 14 : i64} {
  func.func @_scatter(%arg0: i32, %arg1: i32, %arg2: memref<32x80x128x128xf32, #tpu.memory_space<hbm>>, %arg3: memref<32x80x128xi32, #tpu.memory_space<hbm>>, %arg4: memref<640x128xf32, #tpu.memory_space<hbm>>, %arg5: memref<2x10000x128xf32, #tpu.memory_space<hbm>>, %arg6: memref<80x128xi32, #tpu.memory_space<vmem>>, %arg7: memref<128x128xf32, #tpu.memory_space<vmem>>, %arg8: memref<128x128xf32, #tpu.memory_space<vmem>>, %arg9: memref<10000x128xf32, #tpu.memory_space<vmem_shared>>, %arg10: memref<!tpu.dma_semaphore, #tpu.memory_space<semaphore_mem>>, %arg11: memref<!tpu.dma_semaphore, #tpu.memory_space<semaphore_mem>>) attributes {dimension_semantics = [#tpu.dimension_semantics<core_parallel>, #tpu.dimension_semantics<subcore_parallel>], iteration_bounds = array<i64: 2, 16>, scalar_prefetch = 0 : i64, scratch_operands = 6 : i64, tpu.core_type = #tpu.core_type<sc_vector_subcore>, window_params = [{transform_indices = #map}, {transform_indices = #map1}, {transform_indices = #map2}, {transform_indices = #map1}]} {
    %mul3A = arith.constant 2 : i32
    %mul3A_0 = arith.muli %arg1, %mul3A : i32
    %add3A = arith.addi %mul3A_0, %arg0 : i32
    "tpu.region"() ({
      %run_scoped3A_58 = tpu.sem_alloc : memref<!tpu.dma_semaphore, #tpu.memory_space<semaphore_mem>>
      %dma_start3A_59 = arith.constant 0 : i32
      %dma_start3A_60 = arith.constant 0 : i32
      %dma_start3A_61 = tpu.memref_slice %arg3[%add3A, %dma_start3A_59, %dma_start3A_60] : memref<32x80x128xi32, #tpu.memory_space<hbm>> -> memref<1x80x128xi32, #tpu.memory_space<hbm>>
      %dma_start3A_62 = tpu.memref_squeeze %dma_start3A_61 : memref<1x80x128xi32, #tpu.memory_space<hbm>> -> memref<80x128xi32, #tpu.memory_space<hbm>>
      %dma_start3A_63 = arith.constant 0 : i32
      %dma_start3A_64 = arith.constant 0 : i32
      %dma_start3A_65 = tpu.memref_slice %arg3[%add3A, %dma_start3A_63, %dma_start3A_64] : memref<32x80x128xi32, #tpu.memory_space<hbm>> -> memref<1x80x128xi32, #tpu.memory_space<hbm>>
      %dma_start3A_66 = tpu.memref_squeeze %dma_start3A_65 : memref<1x80x128xi32, #tpu.memory_space<hbm>> -> memref<80x128xi32, #tpu.memory_space<hbm>>
      tpu.enqueue_dma source(%dma_start3A_66 : memref<80x128xi32, #tpu.memory_space<hbm>>) target(%arg6 : memref<80x128xi32, #tpu.memory_space<vmem>>) target_semaphore(%run_scoped3A_58 : memref<!tpu.dma_semaphore, #tpu.memory_space<semaphore_mem>>)
      %dma_wait3A_67 = arith.constant 0 : i32
      %dma_wait3A_68 = arith.constant 0 : i32
      %dma_wait3A_69 = tpu.memref_slice %arg3[%add3A, %dma_wait3A_67, %dma_wait3A_68] : memref<32x80x128xi32, #tpu.memory_space<hbm>> -> memref<1x80x128xi32, #tpu.memory_space<hbm>>
      %dma_wait3A_70 = tpu.memref_squeeze %dma_wait3A_69 : memref<1x80x128xi32, #tpu.memory_space<hbm>> -> memref<80x128xi32, #tpu.memory_space<hbm>>
      %dma_wait3A_71 = arith.constant 0 : i32
      %dma_wait3A_72 = arith.constant 0 : i32
      %dma_wait3A_73 = tpu.memref_slice %arg3[%add3A, %dma_wait3A_71, %dma_wait3A_72] : memref<32x80x128xi32, #tpu.memory_space<hbm>> -> memref<1x80x128xi32, #tpu.memory_space<hbm>>
      %dma_wait3A_74 = tpu.memref_squeeze %dma_wait3A_73 : memref<1x80x128xi32, #tpu.memory_space<hbm>> -> memref<80x128xi32, #tpu.memory_space<hbm>>
      tpu.wait_dma2 semaphore(%run_scoped3A_58 : memref<!tpu.dma_semaphore, #tpu.memory_space<semaphore_mem>>) src(%dma_wait3A_74 : memref<80x128xi32, #tpu.memory_space<hbm>>) dst(%arg6 : memref<80x128xi32, #tpu.memory_space<vmem>>)
      tpu.yield
    }) : () -> ()
    %lt3A = arith.constant 15 : i32
    %lt3A_1 = arith.cmpi slt, %arg1, %lt3A : i32
    %convert_element_type3A = arith.extui %lt3A_1 : i1 to i32
    %cond3A = arith.constant 0 : i32
    %cond3A_2 = arith.cmpi ne, %convert_element_type3A, %cond3A : i32
    scf.if %cond3A_2 {
      %mul3A_58 = arith.constant 624 : i32
      %mul3A_59 = arith.muli %arg1, %mul3A_58 : i32
      "tpu.region"() ({
        %run_scoped3A_60 = tpu.sem_alloc : memref<!tpu.dma_semaphore, #tpu.memory_space<semaphore_mem>>
        %dma_start3A_61 = arith.constant 0 : i32
        %dma_start3A_62 = tpu.memref_slice %arg9[%mul3A_59, %dma_start3A_61] : memref<10000x128xf32, #tpu.memory_space<vmem_shared>> -> memref<624x128xf32, #tpu.memory_space<vmem_shared>>
        %dma_start3A_63 = arith.constant 0 : i32
        %dma_start3A_64 = arith.constant 0 : i32
        %dma_start3A_65 = tpu.memref_slice %arg4[%dma_start3A_63, %dma_start3A_64] : memref<640x128xf32, #tpu.memory_space<hbm>> -> memref<624x128xf32, #tpu.memory_space<hbm>>
        tpu.enqueue_dma source(%dma_start3A_65 : memref<624x128xf32, #tpu.memory_space<hbm>>) target(%dma_start3A_62 : memref<624x128xf32, #tpu.memory_space<vmem_shared>>) target_semaphore(%run_scoped3A_60 : memref<!tpu.dma_semaphore, #tpu.memory_space<semaphore_mem>>)
        %dma_wait3A_66 = arith.constant 0 : i32
        %dma_wait3A_67 = tpu.memref_slice %arg9[%mul3A_59, %dma_wait3A_66] : memref<10000x128xf32, #tpu.memory_space<vmem_shared>> -> memref<624x128xf32, #tpu.memory_space<vmem_shared>>
        %dma_wait3A_68 = arith.constant 0 : i32
        %dma_wait3A_69 = arith.constant 0 : i32
        %dma_wait3A_70 = tpu.memref_slice %arg4[%dma_wait3A_68, %dma_wait3A_69] : memref<640x128xf32, #tpu.memory_space<hbm>> -> memref<624x128xf32, #tpu.memory_space<hbm>>
        tpu.wait_dma2 semaphore(%run_scoped3A_60 : memref<!tpu.dma_semaphore, #tpu.memory_space<semaphore_mem>>) src(%dma_wait3A_70 : memref<624x128xf32, #tpu.memory_space<hbm>>) dst(%dma_wait3A_67 : memref<624x128xf32, #tpu.memory_space<vmem_shared>>)
        tpu.yield
      }) : () -> ()
    } else {
    }
    %eq3A = arith.constant 15 : i32
    %eq3A_3 = arith.cmpi eq, %arg1, %eq3A : i32
    %convert_element_type3A_4 = arith.extui %eq3A_3 : i1 to i32
    %cond3A_5 = arith.constant 0 : i32
    %cond3A_6 = arith.cmpi ne, %convert_element_type3A_4, %cond3A_5 : i32
    scf.if %cond3A_6 {
      "tpu.region"() ({
        %run_scoped3A_58 = tpu.sem_alloc : memref<!tpu.dma_semaphore, #tpu.memory_space<semaphore_mem>>
        %dma_start3A_59 = arith.constant 9360 : i32
        %dma_start3A_60 = arith.constant 0 : i32
        %dma_start3A_61 = tpu.memref_slice %arg9[%dma_start3A_59, %dma_start3A_60] : memref<10000x128xf32, #tpu.memory_space<vmem_shared>> -> memref<640x128xf32, #tpu.memory_space<vmem_shared>>
        tpu.enqueue_dma source(%arg4 : memref<640x128xf32, #tpu.memory_space<hbm>>) target(%dma_start3A_61 : memref<640x128xf32, #tpu.memory_space<vmem_shared>>) target_semaphore(%run_scoped3A_58 : memref<!tpu.dma_semaphore, #tpu.memory_space<semaphore_mem>>)
        %dma_wait3A_62 = arith.constant 9360 : i32
        %dma_wait3A_63 = arith.constant 0 : i32
        %dma_wait3A_64 = tpu.memref_slice %arg9[%dma_wait3A_62, %dma_wait3A_63] : memref<10000x128xf32, #tpu.memory_space<vmem_shared>> -> memref<640x128xf32, #tpu.memory_space<vmem_shared>>
        tpu.wait_dma2 semaphore(%run_scoped3A_58 : memref<!tpu.dma_semaphore, #tpu.memory_space<semaphore_mem>>) src(%arg4 : memref<640x128xf32, #tpu.memory_space<hbm>>) dst(%dma_wait3A_64 : memref<640x128xf32, #tpu.memory_space<vmem_shared>>)
        tpu.yield
      }) : () -> ()
    } else {
    }
    %barrier3A = arith.constant 0 : index
    tpu.barrier barrier_id(%barrier3A)
    %dma_start3A = arith.constant 0 : i32
    %dma_start3A_7 = arith.constant 0 : i32
    %dma_start3A_8 = arith.constant 0 : i32
    %dma_start3A_9 = tpu.memref_slice %arg2[%add3A, %dma_start3A, %dma_start3A_7, %dma_start3A_8] : memref<32x80x128x128xf32, #tpu.memory_space<hbm>> -> memref<1x1x128x128xf32, #tpu.memory_space<hbm>>
    %dma_start3A_10 = tpu.memref_squeeze %dma_start3A_9 : memref<1x1x128x128xf32, #tpu.memory_space<hbm>> -> memref<128x128xf32, #tpu.memory_space<hbm>>
    %dma_start3A_11 = arith.constant 0 : i32
    %dma_start3A_12 = arith.constant 0 : i32
    %dma_start3A_13 = tpu.memref_slice %arg2[%add3A, %dma_start3A, %dma_start3A_11, %dma_start3A_12] : memref<32x80x128x128xf32, #tpu.memory_space<hbm>> -> memref<1x1x128x128xf32, #tpu.memory_space<hbm>>
    %dma_start3A_14 = tpu.memref_squeeze %dma_start3A_13 : memref<1x1x128x128xf32, #tpu.memory_space<hbm>> -> memref<128x128xf32, #tpu.memory_space<hbm>>
    tpu.enqueue_dma source(%dma_start3A_14 : memref<128x128xf32, #tpu.memory_space<hbm>>) target(%arg7 : memref<128x128xf32, #tpu.memory_space<vmem>>) target_semaphore(%arg10 : memref<!tpu.dma_semaphore, #tpu.memory_space<semaphore_mem>>)
    %scan3A = arith.constant 0 : i32
    %scan3A_15 = arith.constant 0 : i32
    %scan3A_16 = arith.constant 39 : i32
    %scan3A_17 = arith.addi %scan3A_15, %scan3A_16 : i32
    %scan3A_18 = arith.constant 1 : i32
    scf.for %scan3A_58 = %scan3A_15 to %scan3A_17 step %scan3A_18  : i32 {
      %mul3A_59 = arith.constant 2 : i32
      %mul3A_60 = arith.muli %mul3A_59, %scan3A_58 : i32
      %dma_wait3A_61 = arith.constant 0 : i32
      %dma_wait3A_62 = arith.constant 0 : i32
      %dma_wait3A_63 = tpu.memref_slice %arg2[%add3A, %mul3A_60, %dma_wait3A_61, %dma_wait3A_62] : memref<32x80x128x128xf32, #tpu.memory_space<hbm>> -> memref<1x1x128x128xf32, #tpu.memory_space<hbm>>
      %dma_wait3A_64 = tpu.memref_squeeze %dma_wait3A_63 : memref<1x1x128x128xf32, #tpu.memory_space<hbm>> -> memref<128x128xf32, #tpu.memory_space<hbm>>
      %dma_wait3A_65 = arith.constant 0 : i32
      %dma_wait3A_66 = arith.constant 0 : i32
      %dma_wait3A_67 = tpu.memref_slice %arg2[%add3A, %mul3A_60, %dma_wait3A_65, %dma_wait3A_66] : memref<32x80x128x128xf32, #tpu.memory_space<hbm>> -> memref<1x1x128x128xf32, #tpu.memory_space<hbm>>
      %dma_wait3A_68 = tpu.memref_squeeze %dma_wait3A_67 : memref<1x1x128x128xf32, #tpu.memory_space<hbm>> -> memref<128x128xf32, #tpu.memory_space<hbm>>
      tpu.wait_dma2 semaphore(%arg10 : memref<!tpu.dma_semaphore, #tpu.memory_space<semaphore_mem>>) src(%dma_wait3A_68 : memref<128x128xf32, #tpu.memory_space<hbm>>) dst(%arg7 : memref<128x128xf32, #tpu.memory_space<vmem>>)
      %add3A_69 = arith.constant 1 : i32
      %add3A_70 = arith.addi %mul3A_60, %add3A_69 : i32
      %dma_start3A_71 = arith.constant 0 : i32
      %dma_start3A_72 = arith.constant 0 : i32
      %dma_start3A_73 = tpu.memref_slice %arg2[%add3A, %add3A_70, %dma_start3A_71, %dma_start3A_72] : memref<32x80x128x128xf32, #tpu.memory_space<hbm>> -> memref<1x1x128x128xf32, #tpu.memory_space<hbm>>
      %dma_start3A_74 = tpu.memref_squeeze %dma_start3A_73 : memref<1x1x128x128xf32, #tpu.memory_space<hbm>> -> memref<128x128xf32, #tpu.memory_space<hbm>>
      %dma_start3A_75 = arith.constant 0 : i32
      %dma_start3A_76 = arith.constant 0 : i32
      %dma_start3A_77 = tpu.memref_slice %arg2[%add3A, %add3A_70, %dma_start3A_75, %dma_start3A_76] : memref<32x80x128x128xf32, #tpu.memory_space<hbm>> -> memref<1x1x128x128xf32, #tpu.memory_space<hbm>>
      %dma_start3A_78 = tpu.memref_squeeze %dma_start3A_77 : memref<1x1x128x128xf32, #tpu.memory_space<hbm>> -> memref<128x128xf32, #tpu.memory_space<hbm>>
      tpu.enqueue_dma source(%dma_start3A_78 : memref<128x128xf32, #tpu.memory_space<hbm>>) target(%arg8 : memref<128x128xf32, #tpu.memory_space<vmem>>) target_semaphore(%arg11 : memref<!tpu.dma_semaphore, #tpu.memory_space<semaphore_mem>>)
      "tpu.region"() ({
        %run_scoped3A_101 = tpu.sem_alloc : memref<!tpu.dma_semaphore, #tpu.memory_space<semaphore_mem>>
        %dma_start3A_102 = arith.constant 0 : i32
        %dma_start3A_103 = tpu.memref_slice %arg6[%mul3A_60, %dma_start3A_102] : memref<80x128xi32, #tpu.memory_space<vmem>> -> memref<1x128xi32, #tpu.memory_space<vmem>>
        %dma_start3A_104 = tpu.memref_squeeze %dma_start3A_103 : memref<1x128xi32, #tpu.memory_space<vmem>> -> memref<128xi32, #tpu.memory_space<vmem>>
        %dma_start3A_105 = arith.constant 0 : i32
        %dma_start3A_106 = arith.constant 0 : i32
        %dma_start3A_107 = tpu.memref_slice %arg9[%dma_start3A_105, %dma_start3A_106] : memref<10000x128xf32, #tpu.memory_space<vmem_shared>> -> memref<10000x128xf32, #tpu.memory_space<vmem_shared>>
        tpu.enqueue_indirect_dma source(%arg7 : memref<128x128xf32, #tpu.memory_space<vmem>>) target(%dma_start3A_107 : memref<10000x128xf32, #tpu.memory_space<vmem_shared>>) offsets(%dma_start3A_104 : memref<128xi32, #tpu.memory_space<vmem>>) semaphore(%run_scoped3A_101 : memref<!tpu.dma_semaphore, #tpu.memory_space<semaphore_mem>>) {add = true}
        %dma_wait3A_108 = arith.constant 0 : i32
        %dma_wait3A_109 = tpu.memref_slice %arg6[%mul3A_60, %dma_wait3A_108] : memref<80x128xi32, #tpu.memory_space<vmem>> -> memref<1x128xi32, #tpu.memory_space<vmem>>
        %dma_wait3A_110 = tpu.memref_squeeze %dma_wait3A_109 : memref<1x128xi32, #tpu.memory_space<vmem>> -> memref<128xi32, #tpu.memory_space<vmem>>
        %dma_wait3A_111 = arith.constant 0 : i32
        %dma_wait3A_112 = arith.constant 0 : i32
        %dma_wait3A_113 = tpu.memref_slice %arg9[%dma_wait3A_111, %dma_wait3A_112] : memref<10000x128xf32, #tpu.memory_space<vmem_shared>> -> memref<10000x128xf32, #tpu.memory_space<vmem_shared>>
        tpu.wait_indirect_dma semaphore(%run_scoped3A_101 : memref<!tpu.dma_semaphore, #tpu.memory_space<semaphore_mem>>) src(%arg7 : memref<128x128xf32, #tpu.memory_space<vmem>>) dst(%dma_wait3A_113 : memref<10000x128xf32, #tpu.memory_space<vmem_shared>>)
        tpu.yield
      }) : () -> ()
      %add3A_79 = arith.constant 2 : i32
      %add3A_80 = arith.addi %mul3A_60, %add3A_79 : i32
      %dma_start3A_81 = arith.constant 0 : i32
      %dma_start3A_82 = arith.constant 0 : i32
      %dma_start3A_83 = tpu.memref_slice %arg2[%add3A, %add3A_80, %dma_start3A_81, %dma_start3A_82] : memref<32x80x128x128xf32, #tpu.memory_space<hbm>> -> memref<1x1x128x128xf32, #tpu.memory_space<hbm>>
      %dma_start3A_84 = tpu.memref_squeeze %dma_start3A_83 : memref<1x1x128x128xf32, #tpu.memory_space<hbm>> -> memref<128x128xf32, #tpu.memory_space<hbm>>
      %dma_start3A_85 = arith.constant 0 : i32
      %dma_start3A_86 = arith.constant 0 : i32
      %dma_start3A_87 = tpu.memref_slice %arg2[%add3A, %add3A_80, %dma_start3A_85, %dma_start3A_86] : memref<32x80x128x128xf32, #tpu.memory_space<hbm>> -> memref<1x1x128x128xf32, #tpu.memory_space<hbm>>
      %dma_start3A_88 = tpu.memref_squeeze %dma_start3A_87 : memref<1x1x128x128xf32, #tpu.memory_space<hbm>> -> memref<128x128xf32, #tpu.memory_space<hbm>>
      tpu.enqueue_dma source(%dma_start3A_88 : memref<128x128xf32, #tpu.memory_space<hbm>>) target(%arg7 : memref<128x128xf32, #tpu.memory_space<vmem>>) target_semaphore(%arg10 : memref<!tpu.dma_semaphore, #tpu.memory_space<semaphore_mem>>)
      %add3A_89 = arith.constant 1 : i32
      %add3A_90 = arith.addi %mul3A_60, %add3A_89 : i32
      %dma_wait3A_91 = arith.constant 0 : i32
      %dma_wait3A_92 = arith.constant 0 : i32
      %dma_wait3A_93 = tpu.memref_slice %arg2[%add3A, %add3A_90, %dma_wait3A_91, %dma_wait3A_92] : memref<32x80x128x128xf32, #tpu.memory_space<hbm>> -> memref<1x1x128x128xf32, #tpu.memory_space<hbm>>
      %dma_wait3A_94 = tpu.memref_squeeze %dma_wait3A_93 : memref<1x1x128x128xf32, #tpu.memory_space<hbm>> -> memref<128x128xf32, #tpu.memory_space<hbm>>
      %dma_wait3A_95 = arith.constant 0 : i32
      %dma_wait3A_96 = arith.constant 0 : i32
      %dma_wait3A_97 = tpu.memref_slice %arg2[%add3A, %add3A_90, %dma_wait3A_95, %dma_wait3A_96] : memref<32x80x128x128xf32, #tpu.memory_space<hbm>> -> memref<1x1x128x128xf32, #tpu.memory_space<hbm>>
      %dma_wait3A_98 = tpu.memref_squeeze %dma_wait3A_97 : memref<1x1x128x128xf32, #tpu.memory_space<hbm>> -> memref<128x128xf32, #tpu.memory_space<hbm>>
      tpu.wait_dma2 semaphore(%arg11 : memref<!tpu.dma_semaphore, #tpu.memory_space<semaphore_mem>>) src(%dma_wait3A_98 : memref<128x128xf32, #tpu.memory_space<hbm>>) dst(%arg8 : memref<128x128xf32, #tpu.memory_space<vmem>>)
      %add3A_99 = arith.constant 1 : i32
      %add3A_100 = arith.addi %mul3A_60, %add3A_99 : i32
      "tpu.region"() ({
        %run_scoped3A_101 = tpu.sem_alloc : memref<!tpu.dma_semaphore, #tpu.memory_space<semaphore_mem>>
        %dma_start3A_102 = arith.constant 0 : i32
        %dma_start3A_103 = tpu.memref_slice %arg6[%add3A_100, %dma_start3A_102] : memref<80x128xi32, #tpu.memory_space<vmem>> -> memref<1x128xi32, #tpu.memory_space<vmem>>
        %dma_start3A_104 = tpu.memref_squeeze %dma_start3A_103 : memref<1x128xi32, #tpu.memory_space<vmem>> -> memref<128xi32, #tpu.memory_space<vmem>>
        %dma_start3A_105 = arith.constant 0 : i32
        %dma_start3A_106 = arith.constant 0 : i32
        %dma_start3A_107 = tpu.memref_slice %arg9[%dma_start3A_105, %dma_start3A_106] : memref<10000x128xf32, #tpu.memory_space<vmem_shared>> -> memref<10000x128xf32, #tpu.memory_space<vmem_shared>>
        tpu.enqueue_indirect_dma source(%arg8 : memref<128x128xf32, #tpu.memory_space<vmem>>) target(%dma_start3A_107 : memref<10000x128xf32, #tpu.memory_space<vmem_shared>>) offsets(%dma_start3A_104 : memref<128xi32, #tpu.memory_space<vmem>>) semaphore(%run_scoped3A_101 : memref<!tpu.dma_semaphore, #tpu.memory_space<semaphore_mem>>) {add = true}
        %dma_wait3A_108 = arith.constant 0 : i32
        %dma_wait3A_109 = tpu.memref_slice %arg6[%add3A_100, %dma_wait3A_108] : memref<80x128xi32, #tpu.memory_space<vmem>> -> memref<1x128xi32, #tpu.memory_space<vmem>>
        %dma_wait3A_110 = tpu.memref_squeeze %dma_wait3A_109 : memref<1x128xi32, #tpu.memory_space<vmem>> -> memref<128xi32, #tpu.memory_space<vmem>>
        %dma_wait3A_111 = arith.constant 0 : i32
        %dma_wait3A_112 = arith.constant 0 : i32
        %dma_wait3A_113 = tpu.memref_slice %arg9[%dma_wait3A_111, %dma_wait3A_112] : memref<10000x128xf32, #tpu.memory_space<vmem_shared>> -> memref<10000x128xf32, #tpu.memory_space<vmem_shared>>
        tpu.wait_indirect_dma semaphore(%run_scoped3A_101 : memref<!tpu.dma_semaphore, #tpu.memory_space<semaphore_mem>>) src(%arg8 : memref<128x128xf32, #tpu.memory_space<vmem>>) dst(%dma_wait3A_113 : memref<10000x128xf32, #tpu.memory_space<vmem_shared>>)
        tpu.yield
      }) : () -> ()
    }
    %scan3A_19 = arith.constant 39 : i32
    %dma_wait3A = arith.constant 78 : i32
    %dma_wait3A_20 = arith.constant 0 : i32
    %dma_wait3A_21 = arith.constant 0 : i32
    %dma_wait3A_22 = tpu.memref_slice %arg2[%add3A, %dma_wait3A, %dma_wait3A_20, %dma_wait3A_21] : memref<32x80x128x128xf32, #tpu.memory_space<hbm>> -> memref<1x1x128x128xf32, #tpu.memory_space<hbm>>
    %dma_wait3A_23 = tpu.memref_squeeze %dma_wait3A_22 : memref<1x1x128x128xf32, #tpu.memory_space<hbm>> -> memref<128x128xf32, #tpu.memory_space<hbm>>
    %dma_wait3A_24 = arith.constant 0 : i32
    %dma_wait3A_25 = arith.constant 0 : i32
    %dma_wait3A_26 = tpu.memref_slice %arg2[%add3A, %dma_wait3A, %dma_wait3A_24, %dma_wait3A_25] : memref<32x80x128x128xf32, #tpu.memory_space<hbm>> -> memref<1x1x128x128xf32, #tpu.memory_space<hbm>>
    %dma_wait3A_27 = tpu.memref_squeeze %dma_wait3A_26 : memref<1x1x128x128xf32, #tpu.memory_space<hbm>> -> memref<128x128xf32, #tpu.memory_space<hbm>>
    tpu.wait_dma2 semaphore(%arg10 : memref<!tpu.dma_semaphore, #tpu.memory_space<semaphore_mem>>) src(%dma_wait3A_27 : memref<128x128xf32, #tpu.memory_space<hbm>>) dst(%arg7 : memref<128x128xf32, #tpu.memory_space<vmem>>)
    %dma_start3A_28 = arith.constant 79 : i32
    %dma_start3A_29 = arith.constant 0 : i32
    %dma_start3A_30 = arith.constant 0 : i32
    %dma_start3A_31 = tpu.memref_slice %arg2[%add3A, %dma_start3A_28, %dma_start3A_29, %dma_start3A_30] : memref<32x80x128x128xf32, #tpu.memory_space<hbm>> -> memref<1x1x128x128xf32, #tpu.memory_space<hbm>>
    %dma_start3A_32 = tpu.memref_squeeze %dma_start3A_31 : memref<1x1x128x128xf32, #tpu.memory_space<hbm>> -> memref<128x128xf32, #tpu.memory_space<hbm>>
    %dma_start3A_33 = arith.constant 0 : i32
    %dma_start3A_34 = arith.constant 0 : i32
    %dma_start3A_35 = tpu.memref_slice %arg2[%add3A, %dma_start3A_28, %dma_start3A_33, %dma_start3A_34] : memref<32x80x128x128xf32, #tpu.memory_space<hbm>> -> memref<1x1x128x128xf32, #tpu.memory_space<hbm>>
    %dma_start3A_36 = tpu.memref_squeeze %dma_start3A_35 : memref<1x1x128x128xf32, #tpu.memory_space<hbm>> -> memref<128x128xf32, #tpu.memory_space<hbm>>
    tpu.enqueue_dma source(%dma_start3A_36 : memref<128x128xf32, #tpu.memory_space<hbm>>) target(%arg8 : memref<128x128xf32, #tpu.memory_space<vmem>>) target_semaphore(%arg11 : memref<!tpu.dma_semaphore, #tpu.memory_space<semaphore_mem>>)
    %run_scoped3A = arith.constant 78 : i32
    "tpu.region"() ({
      %run_scoped3A_58 = tpu.sem_alloc : memref<!tpu.dma_semaphore, #tpu.memory_space<semaphore_mem>>
      %dma_start3A_59 = arith.constant 0 : i32
      %dma_start3A_60 = tpu.memref_slice %arg6[%run_scoped3A, %dma_start3A_59] : memref<80x128xi32, #tpu.memory_space<vmem>> -> memref<1x128xi32, #tpu.memory_space<vmem>>
      %dma_start3A_61 = tpu.memref_squeeze %dma_start3A_60 : memref<1x128xi32, #tpu.memory_space<vmem>> -> memref<128xi32, #tpu.memory_space<vmem>>
      %dma_start3A_62 = arith.constant 0 : i32
      %dma_start3A_63 = arith.constant 0 : i32
      %dma_start3A_64 = tpu.memref_slice %arg9[%dma_start3A_62, %dma_start3A_63] : memref<10000x128xf32, #tpu.memory_space<vmem_shared>> -> memref<10000x128xf32, #tpu.memory_space<vmem_shared>>
      tpu.enqueue_indirect_dma source(%arg7 : memref<128x128xf32, #tpu.memory_space<vmem>>) target(%dma_start3A_64 : memref<10000x128xf32, #tpu.memory_space<vmem_shared>>) offsets(%dma_start3A_61 : memref<128xi32, #tpu.memory_space<vmem>>) semaphore(%run_scoped3A_58 : memref<!tpu.dma_semaphore, #tpu.memory_space<semaphore_mem>>) {add = true}
      %dma_wait3A_65 = arith.constant 0 : i32
      %dma_wait3A_66 = tpu.memref_slice %arg6[%run_scoped3A, %dma_wait3A_65] : memref<80x128xi32, #tpu.memory_space<vmem>> -> memref<1x128xi32, #tpu.memory_space<vmem>>
      %dma_wait3A_67 = tpu.memref_squeeze %dma_wait3A_66 : memref<1x128xi32, #tpu.memory_space<vmem>> -> memref<128xi32, #tpu.memory_space<vmem>>
      %dma_wait3A_68 = arith.constant 0 : i32
      %dma_wait3A_69 = arith.constant 0 : i32
      %dma_wait3A_70 = tpu.memref_slice %arg9[%dma_wait3A_68, %dma_wait3A_69] : memref<10000x128xf32, #tpu.memory_space<vmem_shared>> -> memref<10000x128xf32, #tpu.memory_space<vmem_shared>>
      tpu.wait_indirect_dma semaphore(%run_scoped3A_58 : memref<!tpu.dma_semaphore, #tpu.memory_space<semaphore_mem>>) src(%arg7 : memref<128x128xf32, #tpu.memory_space<vmem>>) dst(%dma_wait3A_70 : memref<10000x128xf32, #tpu.memory_space<vmem_shared>>)
      tpu.yield
    }) : () -> ()
    %dma_wait3A_37 = arith.constant 79 : i32
    %dma_wait3A_38 = arith.constant 0 : i32
    %dma_wait3A_39 = arith.constant 0 : i32
    %dma_wait3A_40 = tpu.memref_slice %arg2[%add3A, %dma_wait3A_37, %dma_wait3A_38, %dma_wait3A_39] : memref<32x80x128x128xf32, #tpu.memory_space<hbm>> -> memref<1x1x128x128xf32, #tpu.memory_space<hbm>>
    %dma_wait3A_41 = tpu.memref_squeeze %dma_wait3A_40 : memref<1x1x128x128xf32, #tpu.memory_space<hbm>> -> memref<128x128xf32, #tpu.memory_space<hbm>>
    %dma_wait3A_42 = arith.constant 0 : i32
    %dma_wait3A_43 = arith.constant 0 : i32
    %dma_wait3A_44 = tpu.memref_slice %arg2[%add3A, %dma_wait3A_37, %dma_wait3A_42, %dma_wait3A_43] : memref<32x80x128x128xf32, #tpu.memory_space<hbm>> -> memref<1x1x128x128xf32, #tpu.memory_space<hbm>>
    %dma_wait3A_45 = tpu.memref_squeeze %dma_wait3A_44 : memref<1x1x128x128xf32, #tpu.memory_space<hbm>> -> memref<128x128xf32, #tpu.memory_space<hbm>>
    tpu.wait_dma2 semaphore(%arg11 : memref<!tpu.dma_semaphore, #tpu.memory_space<semaphore_mem>>) src(%dma_wait3A_45 : memref<128x128xf32, #tpu.memory_space<hbm>>) dst(%arg8 : memref<128x128xf32, #tpu.memory_space<vmem>>)
    %run_scoped3A_46 = arith.constant 79 : i32
    "tpu.region"() ({
      %run_scoped3A_58 = tpu.sem_alloc : memref<!tpu.dma_semaphore, #tpu.memory_space<semaphore_mem>>
      %dma_start3A_59 = arith.constant 0 : i32
      %dma_start3A_60 = tpu.memref_slice %arg6[%run_scoped3A_46, %dma_start3A_59] : memref<80x128xi32, #tpu.memory_space<vmem>> -> memref<1x128xi32, #tpu.memory_space<vmem>>
      %dma_start3A_61 = tpu.memref_squeeze %dma_start3A_60 : memref<1x128xi32, #tpu.memory_space<vmem>> -> memref<128xi32, #tpu.memory_space<vmem>>
      %dma_start3A_62 = arith.constant 0 : i32
      %dma_start3A_63 = arith.constant 0 : i32
      %dma_start3A_64 = tpu.memref_slice %arg9[%dma_start3A_62, %dma_start3A_63] : memref<10000x128xf32, #tpu.memory_space<vmem_shared>> -> memref<10000x128xf32, #tpu.memory_space<vmem_shared>>
      tpu.enqueue_indirect_dma source(%arg8 : memref<128x128xf32, #tpu.memory_space<vmem>>) target(%dma_start3A_64 : memref<10000x128xf32, #tpu.memory_space<vmem_shared>>) offsets(%dma_start3A_61 : memref<128xi32, #tpu.memory_space<vmem>>) semaphore(%run_scoped3A_58 : memref<!tpu.dma_semaphore, #tpu.memory_space<semaphore_mem>>) {add = true}
      %dma_wait3A_65 = arith.constant 0 : i32
      %dma_wait3A_66 = tpu.memref_slice %arg6[%run_scoped3A_46, %dma_wait3A_65] : memref<80x128xi32, #tpu.memory_space<vmem>> -> memref<1x128xi32, #tpu.memory_space<vmem>>
      %dma_wait3A_67 = tpu.memref_squeeze %dma_wait3A_66 : memref<1x128xi32, #tpu.memory_space<vmem>> -> memref<128xi32, #tpu.memory_space<vmem>>
      %dma_wait3A_68 = arith.constant 0 : i32
      %dma_wait3A_69 = arith.constant 0 : i32
      %dma_wait3A_70 = tpu.memref_slice %arg9[%dma_wait3A_68, %dma_wait3A_69] : memref<10000x128xf32, #tpu.memory_space<vmem_shared>> -> memref<10000x128xf32, #tpu.memory_space<vmem_shared>>
      tpu.wait_indirect_dma semaphore(%run_scoped3A_58 : memref<!tpu.dma_semaphore, #tpu.memory_space<semaphore_mem>>) src(%arg8 : memref<128x128xf32, #tpu.memory_space<vmem>>) dst(%dma_wait3A_70 : memref<10000x128xf32, #tpu.memory_space<vmem_shared>>)
      tpu.yield
    }) : () -> ()
    %barrier3A_47 = arith.constant 0 : index
    tpu.barrier barrier_id(%barrier3A_47)
    %lt3A_48 = arith.constant 15 : i32
    %lt3A_49 = arith.cmpi slt, %arg1, %lt3A_48 : i32
    %convert_element_type3A_50 = arith.extui %lt3A_49 : i1 to i32
    %cond3A_51 = arith.constant 0 : i32
    %cond3A_52 = arith.cmpi ne, %convert_element_type3A_50, %cond3A_51 : i32
    scf.if %cond3A_52 {
      %mul3A_58 = arith.constant 624 : i32
      %mul3A_59 = arith.muli %arg1, %mul3A_58 : i32
      %mul3A_60 = arith.constant 624 : i32
      %mul3A_61 = arith.muli %arg1, %mul3A_60 : i32
      "tpu.region"() ({
        %run_scoped3A_62 = tpu.sem_alloc : memref<!tpu.dma_semaphore, #tpu.memory_space<semaphore_mem>>
        %dma_start3A_63 = arith.constant 0 : i32
        %dma_start3A_64 = tpu.memref_slice %arg5[%arg0, %mul3A_61, %dma_start3A_63] : memref<2x10000x128xf32, #tpu.memory_space<hbm>> -> memref<1x624x128xf32, #tpu.memory_space<hbm>>
        %dma_start3A_65 = tpu.memref_squeeze %dma_start3A_64 : memref<1x624x128xf32, #tpu.memory_space<hbm>> -> memref<624x128xf32, #tpu.memory_space<hbm>>
        %dma_start3A_66 = arith.constant 0 : i32
        %dma_start3A_67 = tpu.memref_slice %arg9[%mul3A_59, %dma_start3A_66] : memref<10000x128xf32, #tpu.memory_space<vmem_shared>> -> memref<624x128xf32, #tpu.memory_space<vmem_shared>>
        tpu.enqueue_dma source(%dma_start3A_67 : memref<624x128xf32, #tpu.memory_space<vmem_shared>>) target(%dma_start3A_65 : memref<624x128xf32, #tpu.memory_space<hbm>>) target_semaphore(%run_scoped3A_62 : memref<!tpu.dma_semaphore, #tpu.memory_space<semaphore_mem>>)
        %dma_wait3A_68 = arith.constant 0 : i32
        %dma_wait3A_69 = tpu.memref_slice %arg5[%arg0, %mul3A_61, %dma_wait3A_68] : memref<2x10000x128xf32, #tpu.memory_space<hbm>> -> memref<1x624x128xf32, #tpu.memory_space<hbm>>
        %dma_wait3A_70 = tpu.memref_squeeze %dma_wait3A_69 : memref<1x624x128xf32, #tpu.memory_space<hbm>> -> memref<624x128xf32, #tpu.memory_space<hbm>>
        %dma_wait3A_71 = arith.constant 0 : i32
        %dma_wait3A_72 = tpu.memref_slice %arg9[%mul3A_59, %dma_wait3A_71] : memref<10000x128xf32, #tpu.memory_space<vmem_shared>> -> memref<624x128xf32, #tpu.memory_space<vmem_shared>>
        tpu.wait_dma2 semaphore(%run_scoped3A_62 : memref<!tpu.dma_semaphore, #tpu.memory_space<semaphore_mem>>) src(%dma_wait3A_72 : memref<624x128xf32, #tpu.memory_space<vmem_shared>>) dst(%dma_wait3A_70 : memref<624x128xf32, #tpu.memory_space<hbm>>)
        tpu.yield
      }) : () -> ()
    } else {
    }
    %eq3A_53 = arith.constant 15 : i32
    %eq3A_54 = arith.cmpi eq, %arg1, %eq3A_53 : i32
    %convert_element_type3A_55 = arith.extui %eq3A_54 : i1 to i32
    %cond3A_56 = arith.constant 0 : i32
    %cond3A_57 = arith.cmpi ne, %convert_element_type3A_55, %cond3A_56 : i32
    scf.if %cond3A_57 {
      "tpu.region"() ({
        %run_scoped3A_58 = tpu.sem_alloc : memref<!tpu.dma_semaphore, #tpu.memory_space<semaphore_mem>>
        %dma_start3A_59 = arith.constant 9360 : i32
        %dma_start3A_60 = arith.constant 0 : i32
        %dma_start3A_61 = tpu.memref_slice %arg5[%arg0, %dma_start3A_59, %dma_start3A_60] : memref<2x10000x128xf32, #tpu.memory_space<hbm>> -> memref<1x640x128xf32, #tpu.memory_space<hbm>>
        %dma_start3A_62 = tpu.memref_squeeze %dma_start3A_61 : memref<1x640x128xf32, #tpu.memory_space<hbm>> -> memref<640x128xf32, #tpu.memory_space<hbm>>
        %dma_start3A_63 = arith.constant 9360 : i32
        %dma_start3A_64 = arith.constant 0 : i32
        %dma_start3A_65 = tpu.memref_slice %arg9[%dma_start3A_63, %dma_start3A_64] : memref<10000x128xf32, #tpu.memory_space<vmem_shared>> -> memref<640x128xf32, #tpu.memory_space<vmem_shared>>
        tpu.enqueue_dma source(%dma_start3A_65 : memref<640x128xf32, #tpu.memory_space<vmem_shared>>) target(%dma_start3A_62 : memref<640x128xf32, #tpu.memory_space<hbm>>) target_semaphore(%run_scoped3A_58 : memref<!tpu.dma_semaphore, #tpu.memory_space<semaphore_mem>>)
        %dma_wait3A_66 = arith.constant 9360 : i32
        %dma_wait3A_67 = arith.constant 0 : i32
        %dma_wait3A_68 = tpu.memref_slice %arg5[%arg0, %dma_wait3A_66, %dma_wait3A_67] : memref<2x10000x128xf32, #tpu.memory_space<hbm>> -> memref<1x640x128xf32, #tpu.memory_space<hbm>>
        %dma_wait3A_69 = tpu.memref_squeeze %dma_wait3A_68 : memref<1x640x128xf32, #tpu.memory_space<hbm>> -> memref<640x128xf32, #tpu.memory_space<hbm>>
        %dma_wait3A_70 = arith.constant 9360 : i32
        %dma_wait3A_71 = arith.constant 0 : i32
        %dma_wait3A_72 = tpu.memref_slice %arg9[%dma_wait3A_70, %dma_wait3A_71] : memref<10000x128xf32, #tpu.memory_space<vmem_shared>> -> memref<640x128xf32, #tpu.memory_space<vmem_shared>>
        tpu.wait_dma2 semaphore(%run_scoped3A_58 : memref<!tpu.dma_semaphore, #tpu.memory_space<semaphore_mem>>) src(%dma_wait3A_72 : memref<640x128xf32, #tpu.memory_space<vmem_shared>>) dst(%dma_wait3A_69 : memref<640x128xf32, #tpu.memory_space<hbm>>)
        tpu.yield
      }) : () -> ()
    } else {
    }
    return
  }
}

#map = affine_map<(d0, d1) -> (0, 0)>
#map1 = affine_map<(d0, d1) -> (0, 0, 0)>
#map2 = affine_map<(d0, d1) -> (0, 0, 0, 0)>
module attributes {stable_mosaic.version = 14 : i64} {
  func.func @_gather(%arg0: i32, %arg1: i32, %arg2: memref<10000x128xf32, #tpu.memory_space<hbm>>, %arg3: memref<32x80x128xi32, #tpu.memory_space<hbm>>, %arg4: memref<32x80x128x128xf32, #tpu.memory_space<hbm>>, %arg5: memref<80x128xi32, #tpu.memory_space<vmem>>, %arg6: memref<128x128xf32, #tpu.memory_space<vmem>>, %arg7: memref<128x128xf32, #tpu.memory_space<vmem>>, %arg8: memref<!tpu.dma_semaphore, #tpu.memory_space<semaphore_mem>>, %arg9: memref<!tpu.dma_semaphore, #tpu.memory_space<semaphore_mem>>) attributes {dimension_semantics = [#tpu.dimension_semantics<core_parallel>, #tpu.dimension_semantics<subcore_parallel>], iteration_bounds = array<i64: 2, 16>, scalar_prefetch = 0 : i64, scratch_operands = 5 : i64, tpu.core_type = #tpu.core_type<sc_vector_subcore>, window_params = [{transform_indices = #map}, {transform_indices = #map1}, {transform_indices = #map2}]} {
    %mul3A = arith.constant 2 : i32
    %mul3A_0 = arith.muli %arg1, %mul3A : i32
    %add3A = arith.addi %mul3A_0, %arg0 : i32
    "tpu.region"() ({
      %run_scoped3A_33 = tpu.sem_alloc : memref<!tpu.dma_semaphore, #tpu.memory_space<semaphore_mem>>
      %dma_start3A_34 = arith.constant 0 : i32
      %dma_start3A_35 = arith.constant 0 : i32
      %dma_start3A_36 = tpu.memref_slice %arg3[%add3A, %dma_start3A_34, %dma_start3A_35] : memref<32x80x128xi32, #tpu.memory_space<hbm>> -> memref<1x80x128xi32, #tpu.memory_space<hbm>>
      %dma_start3A_37 = tpu.memref_squeeze %dma_start3A_36 : memref<1x80x128xi32, #tpu.memory_space<hbm>> -> memref<80x128xi32, #tpu.memory_space<hbm>>
      %dma_start3A_38 = arith.constant 0 : i32
      %dma_start3A_39 = arith.constant 0 : i32
      %dma_start3A_40 = tpu.memref_slice %arg3[%add3A, %dma_start3A_38, %dma_start3A_39] : memref<32x80x128xi32, #tpu.memory_space<hbm>> -> memref<1x80x128xi32, #tpu.memory_space<hbm>>
      %dma_start3A_41 = tpu.memref_squeeze %dma_start3A_40 : memref<1x80x128xi32, #tpu.memory_space<hbm>> -> memref<80x128xi32, #tpu.memory_space<hbm>>
      tpu.enqueue_dma source(%dma_start3A_41 : memref<80x128xi32, #tpu.memory_space<hbm>>) target(%arg5 : memref<80x128xi32, #tpu.memory_space<vmem>>) target_semaphore(%run_scoped3A_33 : memref<!tpu.dma_semaphore, #tpu.memory_space<semaphore_mem>>)
      %dma_wait3A_42 = arith.constant 0 : i32
      %dma_wait3A_43 = arith.constant 0 : i32
      %dma_wait3A_44 = tpu.memref_slice %arg3[%add3A, %dma_wait3A_42, %dma_wait3A_43] : memref<32x80x128xi32, #tpu.memory_space<hbm>> -> memref<1x80x128xi32, #tpu.memory_space<hbm>>
      %dma_wait3A_45 = tpu.memref_squeeze %dma_wait3A_44 : memref<1x80x128xi32, #tpu.memory_space<hbm>> -> memref<80x128xi32, #tpu.memory_space<hbm>>
      %dma_wait3A_46 = arith.constant 0 : i32
      %dma_wait3A_47 = arith.constant 0 : i32
      %dma_wait3A_48 = tpu.memref_slice %arg3[%add3A, %dma_wait3A_46, %dma_wait3A_47] : memref<32x80x128xi32, #tpu.memory_space<hbm>> -> memref<1x80x128xi32, #tpu.memory_space<hbm>>
      %dma_wait3A_49 = tpu.memref_squeeze %dma_wait3A_48 : memref<1x80x128xi32, #tpu.memory_space<hbm>> -> memref<80x128xi32, #tpu.memory_space<hbm>>
      tpu.wait_dma2 semaphore(%run_scoped3A_33 : memref<!tpu.dma_semaphore, #tpu.memory_space<semaphore_mem>>) src(%dma_wait3A_49 : memref<80x128xi32, #tpu.memory_space<hbm>>) dst(%arg5 : memref<80x128xi32, #tpu.memory_space<vmem>>)
      tpu.yield
    }) : () -> ()
    %dma_start3A = arith.constant 0 : i32
    %dma_start3A_1 = arith.constant 0 : i32
    %dma_start3A_2 = tpu.memref_slice %arg5[%dma_start3A, %dma_start3A_1] : memref<80x128xi32, #tpu.memory_space<vmem>> -> memref<1x128xi32, #tpu.memory_space<vmem>>
    %dma_start3A_3 = tpu.memref_squeeze %dma_start3A_2 : memref<1x128xi32, #tpu.memory_space<vmem>> -> memref<128xi32, #tpu.memory_space<vmem>>
    %dma_start3A_4 = arith.constant 0 : i32
    %dma_start3A_5 = arith.constant 0 : i32
    %dma_start3A_6 = tpu.memref_slice %arg2[%dma_start3A_4, %dma_start3A_5] : memref<10000x128xf32, #tpu.memory_space<hbm>> -> memref<10000x128xf32, #tpu.memory_space<hbm>>
    tpu.enqueue_indirect_dma source(%dma_start3A_6 : memref<10000x128xf32, #tpu.memory_space<hbm>>) target(%arg6 : memref<128x128xf32, #tpu.memory_space<vmem>>) offsets(%dma_start3A_3 : memref<128xi32, #tpu.memory_space<vmem>>) semaphore(%arg8 : memref<!tpu.dma_semaphore, #tpu.memory_space<semaphore_mem>>)
    %scan3A = arith.constant 0 : i32
    %scan3A_7 = arith.constant 0 : i32
    %scan3A_8 = arith.constant 39 : i32
    %scan3A_9 = arith.addi %scan3A_7, %scan3A_8 : i32
    %scan3A_10 = arith.constant 1 : i32
    scf.for %scan3A_33 = %scan3A_7 to %scan3A_9 step %scan3A_10  : i32 {
      %mul3A_34 = arith.constant 2 : i32
      %mul3A_35 = arith.muli %mul3A_34, %scan3A_33 : i32
      %dma_wait3A_36 = arith.constant 0 : i32
      %dma_wait3A_37 = tpu.memref_slice %arg5[%mul3A_35, %dma_wait3A_36] : memref<80x128xi32, #tpu.memory_space<vmem>> -> memref<1x128xi32, #tpu.memory_space<vmem>>
      %dma_wait3A_38 = tpu.memref_squeeze %dma_wait3A_37 : memref<1x128xi32, #tpu.memory_space<vmem>> -> memref<128xi32, #tpu.memory_space<vmem>>
      %dma_wait3A_39 = arith.constant 0 : i32
      %dma_wait3A_40 = arith.constant 0 : i32
      %dma_wait3A_41 = tpu.memref_slice %arg2[%dma_wait3A_39, %dma_wait3A_40] : memref<10000x128xf32, #tpu.memory_space<hbm>> -> memref<10000x128xf32, #tpu.memory_space<hbm>>
      tpu.wait_indirect_dma semaphore(%arg8 : memref<!tpu.dma_semaphore, #tpu.memory_space<semaphore_mem>>) src(%dma_wait3A_41 : memref<10000x128xf32, #tpu.memory_space<hbm>>) dst(%arg6 : memref<128x128xf32, #tpu.memory_space<vmem>>)
      %add3A_42 = arith.constant 1 : i32
      %add3A_43 = arith.addi %mul3A_35, %add3A_42 : i32
      %dma_start3A_44 = arith.constant 0 : i32
      %dma_start3A_45 = tpu.memref_slice %arg5[%add3A_43, %dma_start3A_44] : memref<80x128xi32, #tpu.memory_space<vmem>> -> memref<1x128xi32, #tpu.memory_space<vmem>>
      %dma_start3A_46 = tpu.memref_squeeze %dma_start3A_45 : memref<1x128xi32, #tpu.memory_space<vmem>> -> memref<128xi32, #tpu.memory_space<vmem>>
      %dma_start3A_47 = arith.constant 0 : i32
      %dma_start3A_48 = arith.constant 0 : i32
      %dma_start3A_49 = tpu.memref_slice %arg2[%dma_start3A_47, %dma_start3A_48] : memref<10000x128xf32, #tpu.memory_space<hbm>> -> memref<10000x128xf32, #tpu.memory_space<hbm>>
      tpu.enqueue_indirect_dma source(%dma_start3A_49 : memref<10000x128xf32, #tpu.memory_space<hbm>>) target(%arg7 : memref<128x128xf32, #tpu.memory_space<vmem>>) offsets(%dma_start3A_46 : memref<128xi32, #tpu.memory_space<vmem>>) semaphore(%arg9 : memref<!tpu.dma_semaphore, #tpu.memory_space<semaphore_mem>>)
      "tpu.region"() ({
        %run_scoped3A_68 = tpu.sem_alloc : memref<!tpu.dma_semaphore, #tpu.memory_space<semaphore_mem>>
        %dma_start3A_69 = arith.constant 0 : i32
        %dma_start3A_70 = arith.constant 0 : i32
        %dma_start3A_71 = tpu.memref_slice %arg4[%add3A, %mul3A_35, %dma_start3A_69, %dma_start3A_70] : memref<32x80x128x128xf32, #tpu.memory_space<hbm>> -> memref<1x1x128x128xf32, #tpu.memory_space<hbm>>
        %dma_start3A_72 = tpu.memref_squeeze %dma_start3A_71 : memref<1x1x128x128xf32, #tpu.memory_space<hbm>> -> memref<128x128xf32, #tpu.memory_space<hbm>>
        %dma_start3A_73 = arith.constant 0 : i32
        %dma_start3A_74 = arith.constant 0 : i32
        %dma_start3A_75 = tpu.memref_slice %arg4[%add3A, %mul3A_35, %dma_start3A_73, %dma_start3A_74] : memref<32x80x128x128xf32, #tpu.memory_space<hbm>> -> memref<1x1x128x128xf32, #tpu.memory_space<hbm>>
        %dma_start3A_76 = tpu.memref_squeeze %dma_start3A_75 : memref<1x1x128x128xf32, #tpu.memory_space<hbm>> -> memref<128x128xf32, #tpu.memory_space<hbm>>
        tpu.enqueue_dma source(%arg6 : memref<128x128xf32, #tpu.memory_space<vmem>>) target(%dma_start3A_76 : memref<128x128xf32, #tpu.memory_space<hbm>>) target_semaphore(%run_scoped3A_68 : memref<!tpu.dma_semaphore, #tpu.memory_space<semaphore_mem>>)
        %dma_wait3A_77 = arith.constant 0 : i32
        %dma_wait3A_78 = arith.constant 0 : i32
        %dma_wait3A_79 = tpu.memref_slice %arg4[%add3A, %mul3A_35, %dma_wait3A_77, %dma_wait3A_78] : memref<32x80x128x128xf32, #tpu.memory_space<hbm>> -> memref<1x1x128x128xf32, #tpu.memory_space<hbm>>
        %dma_wait3A_80 = tpu.memref_squeeze %dma_wait3A_79 : memref<1x1x128x128xf32, #tpu.memory_space<hbm>> -> memref<128x128xf32, #tpu.memory_space<hbm>>
        %dma_wait3A_81 = arith.constant 0 : i32
        %dma_wait3A_82 = arith.constant 0 : i32
        %dma_wait3A_83 = tpu.memref_slice %arg4[%add3A, %mul3A_35, %dma_wait3A_81, %dma_wait3A_82] : memref<32x80x128x128xf32, #tpu.memory_space<hbm>> -> memref<1x1x128x128xf32, #tpu.memory_space<hbm>>
        %dma_wait3A_84 = tpu.memref_squeeze %dma_wait3A_83 : memref<1x1x128x128xf32, #tpu.memory_space<hbm>> -> memref<128x128xf32, #tpu.memory_space<hbm>>
        tpu.wait_dma2 semaphore(%run_scoped3A_68 : memref<!tpu.dma_semaphore, #tpu.memory_space<semaphore_mem>>) src(%arg6 : memref<128x128xf32, #tpu.memory_space<vmem>>) dst(%dma_wait3A_84 : memref<128x128xf32, #tpu.memory_space<hbm>>)
        tpu.yield
      }) : () -> ()
      %add3A_50 = arith.constant 2 : i32
      %add3A_51 = arith.addi %mul3A_35, %add3A_50 : i32
      %dma_start3A_52 = arith.constant 0 : i32
      %dma_start3A_53 = tpu.memref_slice %arg5[%add3A_51, %dma_start3A_52] : memref<80x128xi32, #tpu.memory_space<vmem>> -> memref<1x128xi32, #tpu.memory_space<vmem>>
      %dma_start3A_54 = tpu.memref_squeeze %dma_start3A_53 : memref<1x128xi32, #tpu.memory_space<vmem>> -> memref<128xi32, #tpu.memory_space<vmem>>
      %dma_start3A_55 = arith.constant 0 : i32
      %dma_start3A_56 = arith.constant 0 : i32
      %dma_start3A_57 = tpu.memref_slice %arg2[%dma_start3A_55, %dma_start3A_56] : memref<10000x128xf32, #tpu.memory_space<hbm>> -> memref<10000x128xf32, #tpu.memory_space<hbm>>
      tpu.enqueue_indirect_dma source(%dma_start3A_57 : memref<10000x128xf32, #tpu.memory_space<hbm>>) target(%arg6 : memref<128x128xf32, #tpu.memory_space<vmem>>) offsets(%dma_start3A_54 : memref<128xi32, #tpu.memory_space<vmem>>) semaphore(%arg8 : memref<!tpu.dma_semaphore, #tpu.memory_space<semaphore_mem>>)
      %add3A_58 = arith.constant 1 : i32
      %add3A_59 = arith.addi %mul3A_35, %add3A_58 : i32
      %dma_wait3A_60 = arith.constant 0 : i32
      %dma_wait3A_61 = tpu.memref_slice %arg5[%add3A_59, %dma_wait3A_60] : memref<80x128xi32, #tpu.memory_space<vmem>> -> memref<1x128xi32, #tpu.memory_space<vmem>>
      %dma_wait3A_62 = tpu.memref_squeeze %dma_wait3A_61 : memref<1x128xi32, #tpu.memory_space<vmem>> -> memref<128xi32, #tpu.memory_space<vmem>>
      %dma_wait3A_63 = arith.constant 0 : i32
      %dma_wait3A_64 = arith.constant 0 : i32
      %dma_wait3A_65 = tpu.memref_slice %arg2[%dma_wait3A_63, %dma_wait3A_64] : memref<10000x128xf32, #tpu.memory_space<hbm>> -> memref<10000x128xf32, #tpu.memory_space<hbm>>
      tpu.wait_indirect_dma semaphore(%arg9 : memref<!tpu.dma_semaphore, #tpu.memory_space<semaphore_mem>>) src(%dma_wait3A_65 : memref<10000x128xf32, #tpu.memory_space<hbm>>) dst(%arg7 : memref<128x128xf32, #tpu.memory_space<vmem>>)
      %add3A_66 = arith.constant 1 : i32
      %add3A_67 = arith.addi %mul3A_35, %add3A_66 : i32
      "tpu.region"() ({
        %run_scoped3A_68 = tpu.sem_alloc : memref<!tpu.dma_semaphore, #tpu.memory_space<semaphore_mem>>
        %dma_start3A_69 = arith.constant 0 : i32
        %dma_start3A_70 = arith.constant 0 : i32
        %dma_start3A_71 = tpu.memref_slice %arg4[%add3A, %add3A_67, %dma_start3A_69, %dma_start3A_70] : memref<32x80x128x128xf32, #tpu.memory_space<hbm>> -> memref<1x1x128x128xf32, #tpu.memory_space<hbm>>
        %dma_start3A_72 = tpu.memref_squeeze %dma_start3A_71 : memref<1x1x128x128xf32, #tpu.memory_space<hbm>> -> memref<128x128xf32, #tpu.memory_space<hbm>>
        %dma_start3A_73 = arith.constant 0 : i32
        %dma_start3A_74 = arith.constant 0 : i32
        %dma_start3A_75 = tpu.memref_slice %arg4[%add3A, %add3A_67, %dma_start3A_73, %dma_start3A_74] : memref<32x80x128x128xf32, #tpu.memory_space<hbm>> -> memref<1x1x128x128xf32, #tpu.memory_space<hbm>>
        %dma_start3A_76 = tpu.memref_squeeze %dma_start3A_75 : memref<1x1x128x128xf32, #tpu.memory_space<hbm>> -> memref<128x128xf32, #tpu.memory_space<hbm>>
        tpu.enqueue_dma source(%arg7 : memref<128x128xf32, #tpu.memory_space<vmem>>) target(%dma_start3A_76 : memref<128x128xf32, #tpu.memory_space<hbm>>) target_semaphore(%run_scoped3A_68 : memref<!tpu.dma_semaphore, #tpu.memory_space<semaphore_mem>>)
        %dma_wait3A_77 = arith.constant 0 : i32
        %dma_wait3A_78 = arith.constant 0 : i32
        %dma_wait3A_79 = tpu.memref_slice %arg4[%add3A, %add3A_67, %dma_wait3A_77, %dma_wait3A_78] : memref<32x80x128x128xf32, #tpu.memory_space<hbm>> -> memref<1x1x128x128xf32, #tpu.memory_space<hbm>>
        %dma_wait3A_80 = tpu.memref_squeeze %dma_wait3A_79 : memref<1x1x128x128xf32, #tpu.memory_space<hbm>> -> memref<128x128xf32, #tpu.memory_space<hbm>>
        %dma_wait3A_81 = arith.constant 0 : i32
        %dma_wait3A_82 = arith.constant 0 : i32
        %dma_wait3A_83 = tpu.memref_slice %arg4[%add3A, %add3A_67, %dma_wait3A_81, %dma_wait3A_82] : memref<32x80x128x128xf32, #tpu.memory_space<hbm>> -> memref<1x1x128x128xf32, #tpu.memory_space<hbm>>
        %dma_wait3A_84 = tpu.memref_squeeze %dma_wait3A_83 : memref<1x1x128x128xf32, #tpu.memory_space<hbm>> -> memref<128x128xf32, #tpu.memory_space<hbm>>
        tpu.wait_dma2 semaphore(%run_scoped3A_68 : memref<!tpu.dma_semaphore, #tpu.memory_space<semaphore_mem>>) src(%arg7 : memref<128x128xf32, #tpu.memory_space<vmem>>) dst(%dma_wait3A_84 : memref<128x128xf32, #tpu.memory_space<hbm>>)
        tpu.yield
      }) : () -> ()
    }
    %scan3A_11 = arith.constant 39 : i32
    %dma_wait3A = arith.constant 78 : i32
    %dma_wait3A_12 = arith.constant 0 : i32
    %dma_wait3A_13 = tpu.memref_slice %arg5[%dma_wait3A, %dma_wait3A_12] : memref<80x128xi32, #tpu.memory_space<vmem>> -> memref<1x128xi32, #tpu.memory_space<vmem>>
    %dma_wait3A_14 = tpu.memref_squeeze %dma_wait3A_13 : memref<1x128xi32, #tpu.memory_space<vmem>> -> memref<128xi32, #tpu.memory_space<vmem>>
    %dma_wait3A_15 = arith.constant 0 : i32
    %dma_wait3A_16 = arith.constant 0 : i32
    %dma_wait3A_17 = tpu.memref_slice %arg2[%dma_wait3A_15, %dma_wait3A_16] : memref<10000x128xf32, #tpu.memory_space<hbm>> -> memref<10000x128xf32, #tpu.memory_space<hbm>>
    tpu.wait_indirect_dma semaphore(%arg8 : memref<!tpu.dma_semaphore, #tpu.memory_space<semaphore_mem>>) src(%dma_wait3A_17 : memref<10000x128xf32, #tpu.memory_space<hbm>>) dst(%arg6 : memref<128x128xf32, #tpu.memory_space<vmem>>)
    %dma_start3A_18 = arith.constant 79 : i32
    %dma_start3A_19 = arith.constant 0 : i32
    %dma_start3A_20 = tpu.memref_slice %arg5[%dma_start3A_18, %dma_start3A_19] : memref<80x128xi32, #tpu.memory_space<vmem>> -> memref<1x128xi32, #tpu.memory_space<vmem>>
    %dma_start3A_21 = tpu.memref_squeeze %dma_start3A_20 : memref<1x128xi32, #tpu.memory_space<vmem>> -> memref<128xi32, #tpu.memory_space<vmem>>
    %dma_start3A_22 = arith.constant 0 : i32
    %dma_start3A_23 = arith.constant 0 : i32
    %dma_start3A_24 = tpu.memref_slice %arg2[%dma_start3A_22, %dma_start3A_23] : memref<10000x128xf32, #tpu.memory_space<hbm>> -> memref<10000x128xf32, #tpu.memory_space<hbm>>
    tpu.enqueue_indirect_dma source(%dma_start3A_24 : memref<10000x128xf32, #tpu.memory_space<hbm>>) target(%arg7 : memref<128x128xf32, #tpu.memory_space<vmem>>) offsets(%dma_start3A_21 : memref<128xi32, #tpu.memory_space<vmem>>) semaphore(%arg9 : memref<!tpu.dma_semaphore, #tpu.memory_space<semaphore_mem>>)
    %run_scoped3A = arith.constant 78 : i32
    "tpu.region"() ({
      %run_scoped3A_33 = tpu.sem_alloc : memref<!tpu.dma_semaphore, #tpu.memory_space<semaphore_mem>>
      %dma_start3A_34 = arith.constant 0 : i32
      %dma_start3A_35 = arith.constant 0 : i32
      %dma_start3A_36 = tpu.memref_slice %arg4[%add3A, %run_scoped3A, %dma_start3A_34, %dma_start3A_35] : memref<32x80x128x128xf32, #tpu.memory_space<hbm>> -> memref<1x1x128x128xf32, #tpu.memory_space<hbm>>
      %dma_start3A_37 = tpu.memref_squeeze %dma_start3A_36 : memref<1x1x128x128xf32, #tpu.memory_space<hbm>> -> memref<128x128xf32, #tpu.memory_space<hbm>>
      %dma_start3A_38 = arith.constant 0 : i32
      %dma_start3A_39 = arith.constant 0 : i32
      %dma_start3A_40 = tpu.memref_slice %arg4[%add3A, %run_scoped3A, %dma_start3A_38, %dma_start3A_39] : memref<32x80x128x128xf32, #tpu.memory_space<hbm>> -> memref<1x1x128x128xf32, #tpu.memory_space<hbm>>
      %dma_start3A_41 = tpu.memref_squeeze %dma_start3A_40 : memref<1x1x128x128xf32, #tpu.memory_space<hbm>> -> memref<128x128xf32, #tpu.memory_space<hbm>>
      tpu.enqueue_dma source(%arg6 : memref<128x128xf32, #tpu.memory_space<vmem>>) target(%dma_start3A_41 : memref<128x128xf32, #tpu.memory_space<hbm>>) target_semaphore(%run_scoped3A_33 : memref<!tpu.dma_semaphore, #tpu.memory_space<semaphore_mem>>)
      %dma_wait3A_42 = arith.constant 0 : i32
      %dma_wait3A_43 = arith.constant 0 : i32
      %dma_wait3A_44 = tpu.memref_slice %arg4[%add3A, %run_scoped3A, %dma_wait3A_42, %dma_wait3A_43] : memref<32x80x128x128xf32, #tpu.memory_space<hbm>> -> memref<1x1x128x128xf32, #tpu.memory_space<hbm>>
      %dma_wait3A_45 = tpu.memref_squeeze %dma_wait3A_44 : memref<1x1x128x128xf32, #tpu.memory_space<hbm>> -> memref<128x128xf32, #tpu.memory_space<hbm>>
      %dma_wait3A_46 = arith.constant 0 : i32
      %dma_wait3A_47 = arith.constant 0 : i32
      %dma_wait3A_48 = tpu.memref_slice %arg4[%add3A, %run_scoped3A, %dma_wait3A_46, %dma_wait3A_47] : memref<32x80x128x128xf32, #tpu.memory_space<hbm>> -> memref<1x1x128x128xf32, #tpu.memory_space<hbm>>
      %dma_wait3A_49 = tpu.memref_squeeze %dma_wait3A_48 : memref<1x1x128x128xf32, #tpu.memory_space<hbm>> -> memref<128x128xf32, #tpu.memory_space<hbm>>
      tpu.wait_dma2 semaphore(%run_scoped3A_33 : memref<!tpu.dma_semaphore, #tpu.memory_space<semaphore_mem>>) src(%arg6 : memref<128x128xf32, #tpu.memory_space<vmem>>) dst(%dma_wait3A_49 : memref<128x128xf32, #tpu.memory_space<hbm>>)
      tpu.yield
    }) : () -> ()
    %dma_wait3A_25 = arith.constant 79 : i32
    %dma_wait3A_26 = arith.constant 0 : i32
    %dma_wait3A_27 = tpu.memref_slice %arg5[%dma_wait3A_25, %dma_wait3A_26] : memref<80x128xi32, #tpu.memory_space<vmem>> -> memref<1x128xi32, #tpu.memory_space<vmem>>
    %dma_wait3A_28 = tpu.memref_squeeze %dma_wait3A_27 : memref<1x128xi32, #tpu.memory_space<vmem>> -> memref<128xi32, #tpu.memory_space<vmem>>
    %dma_wait3A_29 = arith.constant 0 : i32
    %dma_wait3A_30 = arith.constant 0 : i32
    %dma_wait3A_31 = tpu.memref_slice %arg2[%dma_wait3A_29, %dma_wait3A_30] : memref<10000x128xf32, #tpu.memory_space<hbm>> -> memref<10000x128xf32, #tpu.memory_space<hbm>>
    tpu.wait_indirect_dma semaphore(%arg9 : memref<!tpu.dma_semaphore, #tpu.memory_space<semaphore_mem>>) src(%dma_wait3A_31 : memref<10000x128xf32, #tpu.memory_space<hbm>>) dst(%arg7 : memref<128x128xf32, #tpu.memory_space<vmem>>)
    %run_scoped3A_32 = arith.constant 79 : i32
    "tpu.region"() ({
      %run_scoped3A_33 = tpu.sem_alloc : memref<!tpu.dma_semaphore, #tpu.memory_space<semaphore_mem>>
      %dma_start3A_34 = arith.constant 0 : i32
      %dma_start3A_35 = arith.constant 0 : i32
      %dma_start3A_36 = tpu.memref_slice %arg4[%add3A, %run_scoped3A_32, %dma_start3A_34, %dma_start3A_35] : memref<32x80x128x128xf32, #tpu.memory_space<hbm>> -> memref<1x1x128x128xf32, #tpu.memory_space<hbm>>
      %dma_start3A_37 = tpu.memref_squeeze %dma_start3A_36 : memref<1x1x128x128xf32, #tpu.memory_space<hbm>> -> memref<128x128xf32, #tpu.memory_space<hbm>>
      %dma_start3A_38 = arith.constant 0 : i32
      %dma_start3A_39 = arith.constant 0 : i32
      %dma_start3A_40 = tpu.memref_slice %arg4[%add3A, %run_scoped3A_32, %dma_start3A_38, %dma_start3A_39] : memref<32x80x128x128xf32, #tpu.memory_space<hbm>> -> memref<1x1x128x128xf32, #tpu.memory_space<hbm>>
      %dma_start3A_41 = tpu.memref_squeeze %dma_start3A_40 : memref<1x1x128x128xf32, #tpu.memory_space<hbm>> -> memref<128x128xf32, #tpu.memory_space<hbm>>
      tpu.enqueue_dma source(%arg7 : memref<128x128xf32, #tpu.memory_space<vmem>>) target(%dma_start3A_41 : memref<128x128xf32, #tpu.memory_space<hbm>>) target_semaphore(%run_scoped3A_33 : memref<!tpu.dma_semaphore, #tpu.memory_space<semaphore_mem>>)
      %dma_wait3A_42 = arith.constant 0 : i32
      %dma_wait3A_43 = arith.constant 0 : i32
      %dma_wait3A_44 = tpu.memref_slice %arg4[%add3A, %run_scoped3A_32, %dma_wait3A_42, %dma_wait3A_43] : memref<32x80x128x128xf32, #tpu.memory_space<hbm>> -> memref<1x1x128x128xf32, #tpu.memory_space<hbm>>
      %dma_wait3A_45 = tpu.memref_squeeze %dma_wait3A_44 : memref<1x1x128x128xf32, #tpu.memory_space<hbm>> -> memref<128x128xf32, #tpu.memory_space<hbm>>
      %dma_wait3A_46 = arith.constant 0 : i32
      %dma_wait3A_47 = arith.constant 0 : i32
      %dma_wait3A_48 = tpu.memref_slice %arg4[%add3A, %run_scoped3A_32, %dma_wait3A_46, %dma_wait3A_47] : memref<32x80x128x128xf32, #tpu.memory_space<hbm>> -> memref<1x1x128x128xf32, #tpu.memory_space<hbm>>
      %dma_wait3A_49 = tpu.memref_squeeze %dma_wait3A_48 : memref<1x1x128x128xf32, #tpu.memory_space<hbm>> -> memref<128x128xf32, #tpu.memory_space<hbm>>
      tpu.wait_dma2 semaphore(%run_scoped3A_33 : memref<!tpu.dma_semaphore, #tpu.memory_space<semaphore_mem>>) src(%arg7 : memref<128x128xf32, #tpu.memory_space<vmem>>) dst(%dma_wait3A_49 : memref<128x128xf32, #tpu.memory_space<hbm>>)
      tpu.yield
    }) : () -> ()
    return
  }
}

#map = affine_map<(d0, d1) -> (0, 0)>
#map1 = affine_map<(d0, d1) -> (0, 0, 0)>
#map2 = affine_map<(d0, d1) -> (0, 0, 0, 0)>
module attributes {stable_mosaic.version = 14 : i64} {
  func.func @_gather(%arg0: i32, %arg1: i32, %arg2: memref<10000x128xf32, #tpu.memory_space<hbm>>, %arg3: memref<32x80x128xi32, #tpu.memory_space<hbm>>, %arg4: memref<32x80x128x128xf32, #tpu.memory_space<hbm>>, %arg5: memref<80x128xi32, #tpu.memory_space<vmem>>, %arg6: memref<128x128xf32, #tpu.memory_space<vmem>>, %arg7: memref<128x128xf32, #tpu.memory_space<vmem>>, %arg8: memref<!tpu.dma_semaphore, #tpu.memory_space<semaphore_mem>>, %arg9: memref<!tpu.dma_semaphore, #tpu.memory_space<semaphore_mem>>) attributes {dimension_semantics = [#tpu.dimension_semantics<core_parallel>, #tpu.dimension_semantics<subcore_parallel>], iteration_bounds = array<i64: 2, 16>, scalar_prefetch = 0 : i64, scratch_operands = 5 : i64, tpu.core_type = #tpu.core_type<sc_vector_subcore>, window_params = [{transform_indices = #map}, {transform_indices = #map1}, {transform_indices = #map2}]} {
    %mul3A = arith.constant 2 : i32
    %mul3A_0 = arith.muli %arg1, %mul3A : i32
    %add3A = arith.addi %mul3A_0, %arg0 : i32
    "tpu.region"() ({
      %run_scoped3A_33 = tpu.sem_alloc : memref<!tpu.dma_semaphore, #tpu.memory_space<semaphore_mem>>
      %dma_start3A_34 = arith.constant 0 : i32
      %dma_start3A_35 = arith.constant 0 : i32
      %dma_start3A_36 = tpu.memref_slice %arg3[%add3A, %dma_start3A_34, %dma_start3A_35] : memref<32x80x128xi32, #tpu.memory_space<hbm>> -> memref<1x80x128xi32, #tpu.memory_space<hbm>>
      %dma_start3A_37 = tpu.memref_squeeze %dma_start3A_36 : memref<1x80x128xi32, #tpu.memory_space<hbm>> -> memref<80x128xi32, #tpu.memory_space<hbm>>
      %dma_start3A_38 = arith.constant 0 : i32
      %dma_start3A_39 = arith.constant 0 : i32
      %dma_start3A_40 = tpu.memref_slice %arg3[%add3A, %dma_start3A_38, %dma_start3A_39] : memref<32x80x128xi32, #tpu.memory_space<hbm>> -> memref<1x80x128xi32, #tpu.memory_space<hbm>>
      %dma_start3A_41 = tpu.memref_squeeze %dma_start3A_40 : memref<1x80x128xi32, #tpu.memory_space<hbm>> -> memref<80x128xi32, #tpu.memory_space<hbm>>
      tpu.enqueue_dma source(%dma_start3A_41 : memref<80x128xi32, #tpu.memory_space<hbm>>) target(%arg5 : memref<80x128xi32, #tpu.memory_space<vmem>>) target_semaphore(%run_scoped3A_33 : memref<!tpu.dma_semaphore, #tpu.memory_space<semaphore_mem>>)
      %dma_wait3A_42 = arith.constant 0 : i32
      %dma_wait3A_43 = arith.constant 0 : i32
      %dma_wait3A_44 = tpu.memref_slice %arg3[%add3A, %dma_wait3A_42, %dma_wait3A_43] : memref<32x80x128xi32, #tpu.memory_space<hbm>> -> memref<1x80x128xi32, #tpu.memory_space<hbm>>
      %dma_wait3A_45 = tpu.memref_squeeze %dma_wait3A_44 : memref<1x80x128xi32, #tpu.memory_space<hbm>> -> memref<80x128xi32, #tpu.memory_space<hbm>>
      %dma_wait3A_46 = arith.constant 0 : i32
      %dma_wait3A_47 = arith.constant 0 : i32
      %dma_wait3A_48 = tpu.memref_slice %arg3[%add3A, %dma_wait3A_46, %dma_wait3A_47] : memref<32x80x128xi32, #tpu.memory_space<hbm>> -> memref<1x80x128xi32, #tpu.memory_space<hbm>>
      %dma_wait3A_49 = tpu.memref_squeeze %dma_wait3A_48 : memref<1x80x128xi32, #tpu.memory_space<hbm>> -> memref<80x128xi32, #tpu.memory_space<hbm>>
      tpu.wait_dma2 semaphore(%run_scoped3A_33 : memref<!tpu.dma_semaphore, #tpu.memory_space<semaphore_mem>>) src(%dma_wait3A_49 : memref<80x128xi32, #tpu.memory_space<hbm>>) dst(%arg5 : memref<80x128xi32, #tpu.memory_space<vmem>>)
      tpu.yield
    }) : () -> ()
    %dma_start3A = arith.constant 0 : i32
    %dma_start3A_1 = arith.constant 0 : i32
    %dma_start3A_2 = tpu.memref_slice %arg5[%dma_start3A, %dma_start3A_1] : memref<80x128xi32, #tpu.memory_space<vmem>> -> memref<1x128xi32, #tpu.memory_space<vmem>>
    %dma_start3A_3 = tpu.memref_squeeze %dma_start3A_2 : memref<1x128xi32, #tpu.memory_space<vmem>> -> memref<128xi32, #tpu.memory_space<vmem>>
    %dma_start3A_4 = arith.constant 0 : i32
    %dma_start3A_5 = arith.constant 0 : i32
    %dma_start3A_6 = tpu.memref_slice %arg2[%dma_start3A_4, %dma_start3A_5] : memref<10000x128xf32, #tpu.memory_space<hbm>> -> memref<10000x128xf32, #tpu.memory_space<hbm>>
    tpu.enqueue_indirect_dma source(%dma_start3A_6 : memref<10000x128xf32, #tpu.memory_space<hbm>>) target(%arg6 : memref<128x128xf32, #tpu.memory_space<vmem>>) offsets(%dma_start3A_3 : memref<128xi32, #tpu.memory_space<vmem>>) semaphore(%arg8 : memref<!tpu.dma_semaphore, #tpu.memory_space<semaphore_mem>>)
    %scan3A = arith.constant 0 : i32
    %scan3A_7 = arith.constant 0 : i32
    %scan3A_8 = arith.constant 39 : i32
    %scan3A_9 = arith.addi %scan3A_7, %scan3A_8 : i32
    %scan3A_10 = arith.constant 1 : i32
    scf.for %scan3A_33 = %scan3A_7 to %scan3A_9 step %scan3A_10  : i32 {
      %mul3A_34 = arith.constant 2 : i32
      %mul3A_35 = arith.muli %mul3A_34, %scan3A_33 : i32
      %dma_wait3A_36 = arith.constant 0 : i32
      %dma_wait3A_37 = tpu.memref_slice %arg5[%mul3A_35, %dma_wait3A_36] : memref<80x128xi32, #tpu.memory_space<vmem>> -> memref<1x128xi32, #tpu.memory_space<vmem>>
      %dma_wait3A_38 = tpu.memref_squeeze %dma_wait3A_37 : memref<1x128xi32, #tpu.memory_space<vmem>> -> memref<128xi32, #tpu.memory_space<vmem>>
      %dma_wait3A_39 = arith.constant 0 : i32
      %dma_wait3A_40 = arith.constant 0 : i32
      %dma_wait3A_41 = tpu.memref_slice %arg2[%dma_wait3A_39, %dma_wait3A_40] : memref<10000x128xf32, #tpu.memory_space<hbm>> -> memref<10000x128xf32, #tpu.memory_space<hbm>>
      tpu.wait_indirect_dma semaphore(%arg8 : memref<!tpu.dma_semaphore, #tpu.memory_space<semaphore_mem>>) src(%dma_wait3A_41 : memref<10000x128xf32, #tpu.memory_space<hbm>>) dst(%arg6 : memref<128x128xf32, #tpu.memory_space<vmem>>)
      %add3A_42 = arith.constant 1 : i32
      %add3A_43 = arith.addi %mul3A_35, %add3A_42 : i32
      %dma_start3A_44 = arith.constant 0 : i32
      %dma_start3A_45 = tpu.memref_slice %arg5[%add3A_43, %dma_start3A_44] : memref<80x128xi32, #tpu.memory_space<vmem>> -> memref<1x128xi32, #tpu.memory_space<vmem>>
      %dma_start3A_46 = tpu.memref_squeeze %dma_start3A_45 : memref<1x128xi32, #tpu.memory_space<vmem>> -> memref<128xi32, #tpu.memory_space<vmem>>
      %dma_start3A_47 = arith.constant 0 : i32
      %dma_start3A_48 = arith.constant 0 : i32
      %dma_start3A_49 = tpu.memref_slice %arg2[%dma_start3A_47, %dma_start3A_48] : memref<10000x128xf32, #tpu.memory_space<hbm>> -> memref<10000x128xf32, #tpu.memory_space<hbm>>
      tpu.enqueue_indirect_dma source(%dma_start3A_49 : memref<10000x128xf32, #tpu.memory_space<hbm>>) target(%arg7 : memref<128x128xf32, #tpu.memory_space<vmem>>) offsets(%dma_start3A_46 : memref<128xi32, #tpu.memory_space<vmem>>) semaphore(%arg9 : memref<!tpu.dma_semaphore, #tpu.memory_space<semaphore_mem>>)
      "tpu.region"() ({
        %run_scoped3A_68 = tpu.sem_alloc : memref<!tpu.dma_semaphore, #tpu.memory_space<semaphore_mem>>
        %dma_start3A_69 = arith.constant 0 : i32
        %dma_start3A_70 = arith.constant 0 : i32
        %dma_start3A_71 = tpu.memref_slice %arg4[%add3A, %mul3A_35, %dma_start3A_69, %dma_start3A_70] : memref<32x80x128x128xf32, #tpu.memory_space<hbm>> -> memref<1x1x128x128xf32, #tpu.memory_space<hbm>>
        %dma_start3A_72 = tpu.memref_squeeze %dma_start3A_71 : memref<1x1x128x128xf32, #tpu.memory_space<hbm>> -> memref<128x128xf32, #tpu.memory_space<hbm>>
        %dma_start3A_73 = arith.constant 0 : i32
        %dma_start3A_74 = arith.constant 0 : i32
        %dma_start3A_75 = tpu.memref_slice %arg4[%add3A, %mul3A_35, %dma_start3A_73, %dma_start3A_74] : memref<32x80x128x128xf32, #tpu.memory_space<hbm>> -> memref<1x1x128x128xf32, #tpu.memory_space<hbm>>
        %dma_start3A_76 = tpu.memref_squeeze %dma_start3A_75 : memref<1x1x128x128xf32, #tpu.memory_space<hbm>> -> memref<128x128xf32, #tpu.memory_space<hbm>>
        tpu.enqueue_dma source(%arg6 : memref<128x128xf32, #tpu.memory_space<vmem>>) target(%dma_start3A_76 : memref<128x128xf32, #tpu.memory_space<hbm>>) target_semaphore(%run_scoped3A_68 : memref<!tpu.dma_semaphore, #tpu.memory_space<semaphore_mem>>)
        %dma_wait3A_77 = arith.constant 0 : i32
        %dma_wait3A_78 = arith.constant 0 : i32
        %dma_wait3A_79 = tpu.memref_slice %arg4[%add3A, %mul3A_35, %dma_wait3A_77, %dma_wait3A_78] : memref<32x80x128x128xf32, #tpu.memory_space<hbm>> -> memref<1x1x128x128xf32, #tpu.memory_space<hbm>>
        %dma_wait3A_80 = tpu.memref_squeeze %dma_wait3A_79 : memref<1x1x128x128xf32, #tpu.memory_space<hbm>> -> memref<128x128xf32, #tpu.memory_space<hbm>>
        %dma_wait3A_81 = arith.constant 0 : i32
        %dma_wait3A_82 = arith.constant 0 : i32
        %dma_wait3A_83 = tpu.memref_slice %arg4[%add3A, %mul3A_35, %dma_wait3A_81, %dma_wait3A_82] : memref<32x80x128x128xf32, #tpu.memory_space<hbm>> -> memref<1x1x128x128xf32, #tpu.memory_space<hbm>>
        %dma_wait3A_84 = tpu.memref_squeeze %dma_wait3A_83 : memref<1x1x128x128xf32, #tpu.memory_space<hbm>> -> memref<128x128xf32, #tpu.memory_space<hbm>>
        tpu.wait_dma2 semaphore(%run_scoped3A_68 : memref<!tpu.dma_semaphore, #tpu.memory_space<semaphore_mem>>) src(%arg6 : memref<128x128xf32, #tpu.memory_space<vmem>>) dst(%dma_wait3A_84 : memref<128x128xf32, #tpu.memory_space<hbm>>)
        tpu.yield
      }) : () -> ()
      %add3A_50 = arith.constant 2 : i32
      %add3A_51 = arith.addi %mul3A_35, %add3A_50 : i32
      %dma_start3A_52 = arith.constant 0 : i32
      %dma_start3A_53 = tpu.memref_slice %arg5[%add3A_51, %dma_start3A_52] : memref<80x128xi32, #tpu.memory_space<vmem>> -> memref<1x128xi32, #tpu.memory_space<vmem>>
      %dma_start3A_54 = tpu.memref_squeeze %dma_start3A_53 : memref<1x128xi32, #tpu.memory_space<vmem>> -> memref<128xi32, #tpu.memory_space<vmem>>
      %dma_start3A_55 = arith.constant 0 : i32
      %dma_start3A_56 = arith.constant 0 : i32
      %dma_start3A_57 = tpu.memref_slice %arg2[%dma_start3A_55, %dma_start3A_56] : memref<10000x128xf32, #tpu.memory_space<hbm>> -> memref<10000x128xf32, #tpu.memory_space<hbm>>
      tpu.enqueue_indirect_dma source(%dma_start3A_57 : memref<10000x128xf32, #tpu.memory_space<hbm>>) target(%arg6 : memref<128x128xf32, #tpu.memory_space<vmem>>) offsets(%dma_start3A_54 : memref<128xi32, #tpu.memory_space<vmem>>) semaphore(%arg8 : memref<!tpu.dma_semaphore, #tpu.memory_space<semaphore_mem>>)
      %add3A_58 = arith.constant 1 : i32
      %add3A_59 = arith.addi %mul3A_35, %add3A_58 : i32
      %dma_wait3A_60 = arith.constant 0 : i32
      %dma_wait3A_61 = tpu.memref_slice %arg5[%add3A_59, %dma_wait3A_60] : memref<80x128xi32, #tpu.memory_space<vmem>> -> memref<1x128xi32, #tpu.memory_space<vmem>>
      %dma_wait3A_62 = tpu.memref_squeeze %dma_wait3A_61 : memref<1x128xi32, #tpu.memory_space<vmem>> -> memref<128xi32, #tpu.memory_space<vmem>>
      %dma_wait3A_63 = arith.constant 0 : i32
      %dma_wait3A_64 = arith.constant 0 : i32
      %dma_wait3A_65 = tpu.memref_slice %arg2[%dma_wait3A_63, %dma_wait3A_64] : memref<10000x128xf32, #tpu.memory_space<hbm>> -> memref<10000x128xf32, #tpu.memory_space<hbm>>
      tpu.wait_indirect_dma semaphore(%arg9 : memref<!tpu.dma_semaphore, #tpu.memory_space<semaphore_mem>>) src(%dma_wait3A_65 : memref<10000x128xf32, #tpu.memory_space<hbm>>) dst(%arg7 : memref<128x128xf32, #tpu.memory_space<vmem>>)
      %add3A_66 = arith.constant 1 : i32
      %add3A_67 = arith.addi %mul3A_35, %add3A_66 : i32
      "tpu.region"() ({
        %run_scoped3A_68 = tpu.sem_alloc : memref<!tpu.dma_semaphore, #tpu.memory_space<semaphore_mem>>
        %dma_start3A_69 = arith.constant 0 : i32
        %dma_start3A_70 = arith.constant 0 : i32
        %dma_start3A_71 = tpu.memref_slice %arg4[%add3A, %add3A_67, %dma_start3A_69, %dma_start3A_70] : memref<32x80x128x128xf32, #tpu.memory_space<hbm>> -> memref<1x1x128x128xf32, #tpu.memory_space<hbm>>
        %dma_start3A_72 = tpu.memref_squeeze %dma_start3A_71 : memref<1x1x128x128xf32, #tpu.memory_space<hbm>> -> memref<128x128xf32, #tpu.memory_space<hbm>>
        %dma_start3A_73 = arith.constant 0 : i32
        %dma_start3A_74 = arith.constant 0 : i32
        %dma_start3A_75 = tpu.memref_slice %arg4[%add3A, %add3A_67, %dma_start3A_73, %dma_start3A_74] : memref<32x80x128x128xf32, #tpu.memory_space<hbm>> -> memref<1x1x128x128xf32, #tpu.memory_space<hbm>>
        %dma_start3A_76 = tpu.memref_squeeze %dma_start3A_75 : memref<1x1x128x128xf32, #tpu.memory_space<hbm>> -> memref<128x128xf32, #tpu.memory_space<hbm>>
        tpu.enqueue_dma source(%arg7 : memref<128x128xf32, #tpu.memory_space<vmem>>) target(%dma_start3A_76 : memref<128x128xf32, #tpu.memory_space<hbm>>) target_semaphore(%run_scoped3A_68 : memref<!tpu.dma_semaphore, #tpu.memory_space<semaphore_mem>>)
        %dma_wait3A_77 = arith.constant 0 : i32
        %dma_wait3A_78 = arith.constant 0 : i32
        %dma_wait3A_79 = tpu.memref_slice %arg4[%add3A, %add3A_67, %dma_wait3A_77, %dma_wait3A_78] : memref<32x80x128x128xf32, #tpu.memory_space<hbm>> -> memref<1x1x128x128xf32, #tpu.memory_space<hbm>>
        %dma_wait3A_80 = tpu.memref_squeeze %dma_wait3A_79 : memref<1x1x128x128xf32, #tpu.memory_space<hbm>> -> memref<128x128xf32, #tpu.memory_space<hbm>>
        %dma_wait3A_81 = arith.constant 0 : i32
        %dma_wait3A_82 = arith.constant 0 : i32
        %dma_wait3A_83 = tpu.memref_slice %arg4[%add3A, %add3A_67, %dma_wait3A_81, %dma_wait3A_82] : memref<32x80x128x128xf32, #tpu.memory_space<hbm>> -> memref<1x1x128x128xf32, #tpu.memory_space<hbm>>
        %dma_wait3A_84 = tpu.memref_squeeze %dma_wait3A_83 : memref<1x1x128x128xf32, #tpu.memory_space<hbm>> -> memref<128x128xf32, #tpu.memory_space<hbm>>
        tpu.wait_dma2 semaphore(%run_scoped3A_68 : memref<!tpu.dma_semaphore, #tpu.memory_space<semaphore_mem>>) src(%arg7 : memref<128x128xf32, #tpu.memory_space<vmem>>) dst(%dma_wait3A_84 : memref<128x128xf32, #tpu.memory_space<hbm>>)
        tpu.yield
      }) : () -> ()
    }
    %scan3A_11 = arith.constant 39 : i32
    %dma_wait3A = arith.constant 78 : i32
    %dma_wait3A_12 = arith.constant 0 : i32
    %dma_wait3A_13 = tpu.memref_slice %arg5[%dma_wait3A, %dma_wait3A_12] : memref<80x128xi32, #tpu.memory_space<vmem>> -> memref<1x128xi32, #tpu.memory_space<vmem>>
    %dma_wait3A_14 = tpu.memref_squeeze %dma_wait3A_13 : memref<1x128xi32, #tpu.memory_space<vmem>> -> memref<128xi32, #tpu.memory_space<vmem>>
    %dma_wait3A_15 = arith.constant 0 : i32
    %dma_wait3A_16 = arith.constant 0 : i32
    %dma_wait3A_17 = tpu.memref_slice %arg2[%dma_wait3A_15, %dma_wait3A_16] : memref<10000x128xf32, #tpu.memory_space<hbm>> -> memref<10000x128xf32, #tpu.memory_space<hbm>>
    tpu.wait_indirect_dma semaphore(%arg8 : memref<!tpu.dma_semaphore, #tpu.memory_space<semaphore_mem>>) src(%dma_wait3A_17 : memref<10000x128xf32, #tpu.memory_space<hbm>>) dst(%arg6 : memref<128x128xf32, #tpu.memory_space<vmem>>)
    %dma_start3A_18 = arith.constant 79 : i32
    %dma_start3A_19 = arith.constant 0 : i32
    %dma_start3A_20 = tpu.memref_slice %arg5[%dma_start3A_18, %dma_start3A_19] : memref<80x128xi32, #tpu.memory_space<vmem>> -> memref<1x128xi32, #tpu.memory_space<vmem>>
    %dma_start3A_21 = tpu.memref_squeeze %dma_start3A_20 : memref<1x128xi32, #tpu.memory_space<vmem>> -> memref<128xi32, #tpu.memory_space<vmem>>
    %dma_start3A_22 = arith.constant 0 : i32
    %dma_start3A_23 = arith.constant 0 : i32
    %dma_start3A_24 = tpu.memref_slice %arg2[%dma_start3A_22, %dma_start3A_23] : memref<10000x128xf32, #tpu.memory_space<hbm>> -> memref<10000x128xf32, #tpu.memory_space<hbm>>
    tpu.enqueue_indirect_dma source(%dma_start3A_24 : memref<10000x128xf32, #tpu.memory_space<hbm>>) target(%arg7 : memref<128x128xf32, #tpu.memory_space<vmem>>) offsets(%dma_start3A_21 : memref<128xi32, #tpu.memory_space<vmem>>) semaphore(%arg9 : memref<!tpu.dma_semaphore, #tpu.memory_space<semaphore_mem>>)
    %run_scoped3A = arith.constant 78 : i32
    "tpu.region"() ({
      %run_scoped3A_33 = tpu.sem_alloc : memref<!tpu.dma_semaphore, #tpu.memory_space<semaphore_mem>>
      %dma_start3A_34 = arith.constant 0 : i32
      %dma_start3A_35 = arith.constant 0 : i32
      %dma_start3A_36 = tpu.memref_slice %arg4[%add3A, %run_scoped3A, %dma_start3A_34, %dma_start3A_35] : memref<32x80x128x128xf32, #tpu.memory_space<hbm>> -> memref<1x1x128x128xf32, #tpu.memory_space<hbm>>
      %dma_start3A_37 = tpu.memref_squeeze %dma_start3A_36 : memref<1x1x128x128xf32, #tpu.memory_space<hbm>> -> memref<128x128xf32, #tpu.memory_space<hbm>>
      %dma_start3A_38 = arith.constant 0 : i32
      %dma_start3A_39 = arith.constant 0 : i32
      %dma_start3A_40 = tpu.memref_slice %arg4[%add3A, %run_scoped3A, %dma_start3A_38, %dma_start3A_39] : memref<32x80x128x128xf32, #tpu.memory_space<hbm>> -> memref<1x1x128x128xf32, #tpu.memory_space<hbm>>
      %dma_start3A_41 = tpu.memref_squeeze %dma_start3A_40 : memref<1x1x128x128xf32, #tpu.memory_space<hbm>> -> memref<128x128xf32, #tpu.memory_space<hbm>>
      tpu.enqueue_dma source(%arg6 : memref<128x128xf32, #tpu.memory_space<vmem>>) target(%dma_start3A_41 : memref<128x128xf32, #tpu.memory_space<hbm>>) target_semaphore(%run_scoped3A_33 : memref<!tpu.dma_semaphore, #tpu.memory_space<semaphore_mem>>)
      %dma_wait3A_42 = arith.constant 0 : i32
      %dma_wait3A_43 = arith.constant 0 : i32
      %dma_wait3A_44 = tpu.memref_slice %arg4[%add3A, %run_scoped3A, %dma_wait3A_42, %dma_wait3A_43] : memref<32x80x128x128xf32, #tpu.memory_space<hbm>> -> memref<1x1x128x128xf32, #tpu.memory_space<hbm>>
      %dma_wait3A_45 = tpu.memref_squeeze %dma_wait3A_44 : memref<1x1x128x128xf32, #tpu.memory_space<hbm>> -> memref<128x128xf32, #tpu.memory_space<hbm>>
      %dma_wait3A_46 = arith.constant 0 : i32
      %dma_wait3A_47 = arith.constant 0 : i32
      %dma_wait3A_48 = tpu.memref_slice %arg4[%add3A, %run_scoped3A, %dma_wait3A_46, %dma_wait3A_47] : memref<32x80x128x128xf32, #tpu.memory_space<hbm>> -> memref<1x1x128x128xf32, #tpu.memory_space<hbm>>
      %dma_wait3A_49 = tpu.memref_squeeze %dma_wait3A_48 : memref<1x1x128x128xf32, #tpu.memory_space<hbm>> -> memref<128x128xf32, #tpu.memory_space<hbm>>
      tpu.wait_dma2 semaphore(%run_scoped3A_33 : memref<!tpu.dma_semaphore, #tpu.memory_space<semaphore_mem>>) src(%arg6 : memref<128x128xf32, #tpu.memory_space<vmem>>) dst(%dma_wait3A_49 : memref<128x128xf32, #tpu.memory_space<hbm>>)
      tpu.yield
    }) : () -> ()
    %dma_wait3A_25 = arith.constant 79 : i32
    %dma_wait3A_26 = arith.constant 0 : i32
    %dma_wait3A_27 = tpu.memref_slice %arg5[%dma_wait3A_25, %dma_wait3A_26] : memref<80x128xi32, #tpu.memory_space<vmem>> -> memref<1x128xi32, #tpu.memory_space<vmem>>
    %dma_wait3A_28 = tpu.memref_squeeze %dma_wait3A_27 : memref<1x128xi32, #tpu.memory_space<vmem>> -> memref<128xi32, #tpu.memory_space<vmem>>
    %dma_wait3A_29 = arith.constant 0 : i32
    %dma_wait3A_30 = arith.constant 0 : i32
    %dma_wait3A_31 = tpu.memref_slice %arg2[%dma_wait3A_29, %dma_wait3A_30] : memref<10000x128xf32, #tpu.memory_space<hbm>> -> memref<10000x128xf32, #tpu.memory_space<hbm>>
    tpu.wait_indirect_dma semaphore(%arg9 : memref<!tpu.dma_semaphore, #tpu.memory_space<semaphore_mem>>) src(%dma_wait3A_31 : memref<10000x128xf32, #tpu.memory_space<hbm>>) dst(%arg7 : memref<128x128xf32, #tpu.memory_space<vmem>>)
    %run_scoped3A_32 = arith.constant 79 : i32
    "tpu.region"() ({
      %run_scoped3A_33 = tpu.sem_alloc : memref<!tpu.dma_semaphore, #tpu.memory_space<semaphore_mem>>
      %dma_start3A_34 = arith.constant 0 : i32
      %dma_start3A_35 = arith.constant 0 : i32
      %dma_start3A_36 = tpu.memref_slice %arg4[%add3A, %run_scoped3A_32, %dma_start3A_34, %dma_start3A_35] : memref<32x80x128x128xf32, #tpu.memory_space<hbm>> -> memref<1x1x128x128xf32, #tpu.memory_space<hbm>>
      %dma_start3A_37 = tpu.memref_squeeze %dma_start3A_36 : memref<1x1x128x128xf32, #tpu.memory_space<hbm>> -> memref<128x128xf32, #tpu.memory_space<hbm>>
      %dma_start3A_38 = arith.constant 0 : i32
      %dma_start3A_39 = arith.constant 0 : i32
      %dma_start3A_40 = tpu.memref_slice %arg4[%add3A, %run_scoped3A_32, %dma_start3A_38, %dma_start3A_39] : memref<32x80x128x128xf32, #tpu.memory_space<hbm>> -> memref<1x1x128x128xf32, #tpu.memory_space<hbm>>
      %dma_start3A_41 = tpu.memref_squeeze %dma_start3A_40 : memref<1x1x128x128xf32, #tpu.memory_space<hbm>> -> memref<128x128xf32, #tpu.memory_space<hbm>>
      tpu.enqueue_dma source(%arg7 : memref<128x128xf32, #tpu.memory_space<vmem>>) target(%dma_start3A_41 : memref<128x128xf32, #tpu.memory_space<hbm>>) target_semaphore(%run_scoped3A_33 : memref<!tpu.dma_semaphore, #tpu.memory_space<semaphore_mem>>)
      %dma_wait3A_42 = arith.constant 0 : i32
      %dma_wait3A_43 = arith.constant 0 : i32
      %dma_wait3A_44 = tpu.memref_slice %arg4[%add3A, %run_scoped3A_32, %dma_wait3A_42, %dma_wait3A_43] : memref<32x80x128x128xf32, #tpu.memory_space<hbm>> -> memref<1x1x128x128xf32, #tpu.memory_space<hbm>>
      %dma_wait3A_45 = tpu.memref_squeeze %dma_wait3A_44 : memref<1x1x128x128xf32, #tpu.memory_space<hbm>> -> memref<128x128xf32, #tpu.memory_space<hbm>>
      %dma_wait3A_46 = arith.constant 0 : i32
      %dma_wait3A_47 = arith.constant 0 : i32
      %dma_wait3A_48 = tpu.memref_slice %arg4[%add3A, %run_scoped3A_32, %dma_wait3A_46, %dma_wait3A_47] : memref<32x80x128x128xf32, #tpu.memory_space<hbm>> -> memref<1x1x128x128xf32, #tpu.memory_space<hbm>>
      %dma_wait3A_49 = tpu.memref_squeeze %dma_wait3A_48 : memref<1x1x128x128xf32, #tpu.memory_space<hbm>> -> memref<128x128xf32, #tpu.memory_space<hbm>>
      tpu.wait_dma2 semaphore(%run_scoped3A_33 : memref<!tpu.dma_semaphore, #tpu.memory_space<semaphore_mem>>) src(%arg7 : memref<128x128xf32, #tpu.memory_space<vmem>>) dst(%dma_wait3A_49 : memref<128x128xf32, #tpu.memory_space<hbm>>)
      tpu.yield
    }) : () -> ()
    return
  }
}

#map = affine_map<(d0, d1) -> (0, 0, 0, 0)>
#map1 = affine_map<(d0, d1) -> (0, 0, 0)>
#map2 = affine_map<(d0, d1) -> (0, 0)>
module attributes {stable_mosaic.version = 14 : i64} {
  func.func @_scatter(%arg0: i32, %arg1: i32, %arg2: memref<32x80x128x128xf32, #tpu.memory_space<hbm>>, %arg3: memref<32x80x128xi32, #tpu.memory_space<hbm>>, %arg4: memref<640x128xf32, #tpu.memory_space<hbm>>, %arg5: memref<2x10000x128xf32, #tpu.memory_space<hbm>>, %arg6: memref<80x128xi32, #tpu.memory_space<vmem>>, %arg7: memref<128x128xf32, #tpu.memory_space<vmem>>, %arg8: memref<128x128xf32, #tpu.memory_space<vmem>>, %arg9: memref<10000x128xf32, #tpu.memory_space<vmem_shared>>, %arg10: memref<!tpu.dma_semaphore, #tpu.memory_space<semaphore_mem>>, %arg11: memref<!tpu.dma_semaphore, #tpu.memory_space<semaphore_mem>>) attributes {dimension_semantics = [#tpu.dimension_semantics<core_parallel>, #tpu.dimension_semantics<subcore_parallel>], iteration_bounds = array<i64: 2, 16>, scalar_prefetch = 0 : i64, scratch_operands = 6 : i64, tpu.core_type = #tpu.core_type<sc_vector_subcore>, window_params = [{transform_indices = #map}, {transform_indices = #map1}, {transform_indices = #map2}, {transform_indices = #map1}]} {
    %mul3A = arith.constant 2 : i32
    %mul3A_0 = arith.muli %arg1, %mul3A : i32
    %add3A = arith.addi %mul3A_0, %arg0 : i32
    "tpu.region"() ({
      %run_scoped3A_58 = tpu.sem_alloc : memref<!tpu.dma_semaphore, #tpu.memory_space<semaphore_mem>>
      %dma_start3A_59 = arith.constant 0 : i32
      %dma_start3A_60 = arith.constant 0 : i32
      %dma_start3A_61 = tpu.memref_slice %arg3[%add3A, %dma_start3A_59, %dma_start3A_60] : memref<32x80x128xi32, #tpu.memory_space<hbm>> -> memref<1x80x128xi32, #tpu.memory_space<hbm>>
      %dma_start3A_62 = tpu.memref_squeeze %dma_start3A_61 : memref<1x80x128xi32, #tpu.memory_space<hbm>> -> memref<80x128xi32, #tpu.memory_space<hbm>>
      %dma_start3A_63 = arith.constant 0 : i32
      %dma_start3A_64 = arith.constant 0 : i32
      %dma_start3A_65 = tpu.memref_slice %arg3[%add3A, %dma_start3A_63, %dma_start3A_64] : memref<32x80x128xi32, #tpu.memory_space<hbm>> -> memref<1x80x128xi32, #tpu.memory_space<hbm>>
      %dma_start3A_66 = tpu.memref_squeeze %dma_start3A_65 : memref<1x80x128xi32, #tpu.memory_space<hbm>> -> memref<80x128xi32, #tpu.memory_space<hbm>>
      tpu.enqueue_dma source(%dma_start3A_66 : memref<80x128xi32, #tpu.memory_space<hbm>>) target(%arg6 : memref<80x128xi32, #tpu.memory_space<vmem>>) target_semaphore(%run_scoped3A_58 : memref<!tpu.dma_semaphore, #tpu.memory_space<semaphore_mem>>)
      %dma_wait3A_67 = arith.constant 0 : i32
      %dma_wait3A_68 = arith.constant 0 : i32
      %dma_wait3A_69 = tpu.memref_slice %arg3[%add3A, %dma_wait3A_67, %dma_wait3A_68] : memref<32x80x128xi32, #tpu.memory_space<hbm>> -> memref<1x80x128xi32, #tpu.memory_space<hbm>>
      %dma_wait3A_70 = tpu.memref_squeeze %dma_wait3A_69 : memref<1x80x128xi32, #tpu.memory_space<hbm>> -> memref<80x128xi32, #tpu.memory_space<hbm>>
      %dma_wait3A_71 = arith.constant 0 : i32
      %dma_wait3A_72 = arith.constant 0 : i32
      %dma_wait3A_73 = tpu.memref_slice %arg3[%add3A, %dma_wait3A_71, %dma_wait3A_72] : memref<32x80x128xi32, #tpu.memory_space<hbm>> -> memref<1x80x128xi32, #tpu.memory_space<hbm>>
      %dma_wait3A_74 = tpu.memref_squeeze %dma_wait3A_73 : memref<1x80x128xi32, #tpu.memory_space<hbm>> -> memref<80x128xi32, #tpu.memory_space<hbm>>
      tpu.wait_dma2 semaphore(%run_scoped3A_58 : memref<!tpu.dma_semaphore, #tpu.memory_space<semaphore_mem>>) src(%dma_wait3A_74 : memref<80x128xi32, #tpu.memory_space<hbm>>) dst(%arg6 : memref<80x128xi32, #tpu.memory_space<vmem>>)
      tpu.yield
    }) : () -> ()
    %lt3A = arith.constant 15 : i32
    %lt3A_1 = arith.cmpi slt, %arg1, %lt3A : i32
    %convert_element_type3A = arith.extui %lt3A_1 : i1 to i32
    %cond3A = arith.constant 0 : i32
    %cond3A_2 = arith.cmpi ne, %convert_element_type3A, %cond3A : i32
    scf.if %cond3A_2 {
      %mul3A_58 = arith.constant 624 : i32
      %mul3A_59 = arith.muli %arg1, %mul3A_58 : i32
      "tpu.region"() ({
        %run_scoped3A_60 = tpu.sem_alloc : memref<!tpu.dma_semaphore, #tpu.memory_space<semaphore_mem>>
        %dma_start3A_61 = arith.constant 0 : i32
        %dma_start3A_62 = tpu.memref_slice %arg9[%mul3A_59, %dma_start3A_61] : memref<10000x128xf32, #tpu.memory_space<vmem_shared>> -> memref<624x128xf32, #tpu.memory_space<vmem_shared>>
        %dma_start3A_63 = arith.constant 0 : i32
        %dma_start3A_64 = arith.constant 0 : i32
        %dma_start3A_65 = tpu.memref_slice %arg4[%dma_start3A_63, %dma_start3A_64] : memref<640x128xf32, #tpu.memory_space<hbm>> -> memref<624x128xf32, #tpu.memory_space<hbm>>
        tpu.enqueue_dma source(%dma_start3A_65 : memref<624x128xf32, #tpu.memory_space<hbm>>) target(%dma_start3A_62 : memref<624x128xf32, #tpu.memory_space<vmem_shared>>) target_semaphore(%run_scoped3A_60 : memref<!tpu.dma_semaphore, #tpu.memory_space<semaphore_mem>>)
        %dma_wait3A_66 = arith.constant 0 : i32
        %dma_wait3A_67 = tpu.memref_slice %arg9[%mul3A_59, %dma_wait3A_66] : memref<10000x128xf32, #tpu.memory_space<vmem_shared>> -> memref<624x128xf32, #tpu.memory_space<vmem_shared>>
        %dma_wait3A_68 = arith.constant 0 : i32
        %dma_wait3A_69 = arith.constant 0 : i32
        %dma_wait3A_70 = tpu.memref_slice %arg4[%dma_wait3A_68, %dma_wait3A_69] : memref<640x128xf32, #tpu.memory_space<hbm>> -> memref<624x128xf32, #tpu.memory_space<hbm>>
        tpu.wait_dma2 semaphore(%run_scoped3A_60 : memref<!tpu.dma_semaphore, #tpu.memory_space<semaphore_mem>>) src(%dma_wait3A_70 : memref<624x128xf32, #tpu.memory_space<hbm>>) dst(%dma_wait3A_67 : memref<624x128xf32, #tpu.memory_space<vmem_shared>>)
        tpu.yield
      }) : () -> ()
    } else {
    }
    %eq3A = arith.constant 15 : i32
    %eq3A_3 = arith.cmpi eq, %arg1, %eq3A : i32
    %convert_element_type3A_4 = arith.extui %eq3A_3 : i1 to i32
    %cond3A_5 = arith.constant 0 : i32
    %cond3A_6 = arith.cmpi ne, %convert_element_type3A_4, %cond3A_5 : i32
    scf.if %cond3A_6 {
      "tpu.region"() ({
        %run_scoped3A_58 = tpu.sem_alloc : memref<!tpu.dma_semaphore, #tpu.memory_space<semaphore_mem>>
        %dma_start3A_59 = arith.constant 9360 : i32
        %dma_start3A_60 = arith.constant 0 : i32
        %dma_start3A_61 = tpu.memref_slice %arg9[%dma_start3A_59, %dma_start3A_60] : memref<10000x128xf32, #tpu.memory_space<vmem_shared>> -> memref<640x128xf32, #tpu.memory_space<vmem_shared>>
        tpu.enqueue_dma source(%arg4 : memref<640x128xf32, #tpu.memory_space<hbm>>) target(%dma_start3A_61 : memref<640x128xf32, #tpu.memory_space<vmem_shared>>) target_semaphore(%run_scoped3A_58 : memref<!tpu.dma_semaphore, #tpu.memory_space<semaphore_mem>>)
        %dma_wait3A_62 = arith.constant 9360 : i32
        %dma_wait3A_63 = arith.constant 0 : i32
        %dma_wait3A_64 = tpu.memref_slice %arg9[%dma_wait3A_62, %dma_wait3A_63] : memref<10000x128xf32, #tpu.memory_space<vmem_shared>> -> memref<640x128xf32, #tpu.memory_space<vmem_shared>>
        tpu.wait_dma2 semaphore(%run_scoped3A_58 : memref<!tpu.dma_semaphore, #tpu.memory_space<semaphore_mem>>) src(%arg4 : memref<640x128xf32, #tpu.memory_space<hbm>>) dst(%dma_wait3A_64 : memref<640x128xf32, #tpu.memory_space<vmem_shared>>)
        tpu.yield
      }) : () -> ()
    } else {
    }
    %barrier3A = arith.constant 0 : index
    tpu.barrier barrier_id(%barrier3A)
    %dma_start3A = arith.constant 0 : i32
    %dma_start3A_7 = arith.constant 0 : i32
    %dma_start3A_8 = arith.constant 0 : i32
    %dma_start3A_9 = tpu.memref_slice %arg2[%add3A, %dma_start3A, %dma_start3A_7, %dma_start3A_8] : memref<32x80x128x128xf32, #tpu.memory_space<hbm>> -> memref<1x1x128x128xf32, #tpu.memory_space<hbm>>
    %dma_start3A_10 = tpu.memref_squeeze %dma_start3A_9 : memref<1x1x128x128xf32, #tpu.memory_space<hbm>> -> memref<128x128xf32, #tpu.memory_space<hbm>>
    %dma_start3A_11 = arith.constant 0 : i32
    %dma_start3A_12 = arith.constant 0 : i32
    %dma_start3A_13 = tpu.memref_slice %arg2[%add3A, %dma_start3A, %dma_start3A_11, %dma_start3A_12] : memref<32x80x128x128xf32, #tpu.memory_space<hbm>> -> memref<1x1x128x128xf32, #tpu.memory_space<hbm>>
    %dma_start3A_14 = tpu.memref_squeeze %dma_start3A_13 : memref<1x1x128x128xf32, #tpu.memory_space<hbm>> -> memref<128x128xf32, #tpu.memory_space<hbm>>
    tpu.enqueue_dma source(%dma_start3A_14 : memref<128x128xf32, #tpu.memory_space<hbm>>) target(%arg7 : memref<128x128xf32, #tpu.memory_space<vmem>>) target_semaphore(%arg10 : memref<!tpu.dma_semaphore, #tpu.memory_space<semaphore_mem>>)
    %scan3A = arith.constant 0 : i32
    %scan3A_15 = arith.constant 0 : i32
    %scan3A_16 = arith.constant 39 : i32
    %scan3A_17 = arith.addi %scan3A_15, %scan3A_16 : i32
    %scan3A_18 = arith.constant 1 : i32
    scf.for %scan3A_58 = %scan3A_15 to %scan3A_17 step %scan3A_18  : i32 {
      %mul3A_59 = arith.constant 2 : i32
      %mul3A_60 = arith.muli %mul3A_59, %scan3A_58 : i32
      %dma_wait3A_61 = arith.constant 0 : i32
      %dma_wait3A_62 = arith.constant 0 : i32
      %dma_wait3A_63 = tpu.memref_slice %arg2[%add3A, %mul3A_60, %dma_wait3A_61, %dma_wait3A_62] : memref<32x80x128x128xf32, #tpu.memory_space<hbm>> -> memref<1x1x128x128xf32, #tpu.memory_space<hbm>>
      %dma_wait3A_64 = tpu.memref_squeeze %dma_wait3A_63 : memref<1x1x128x128xf32, #tpu.memory_space<hbm>> -> memref<128x128xf32, #tpu.memory_space<hbm>>
      %dma_wait3A_65 = arith.constant 0 : i32
      %dma_wait3A_66 = arith.constant 0 : i32
      %dma_wait3A_67 = tpu.memref_slice %arg2[%add3A, %mul3A_60, %dma_wait3A_65, %dma_wait3A_66] : memref<32x80x128x128xf32, #tpu.memory_space<hbm>> -> memref<1x1x128x128xf32, #tpu.memory_space<hbm>>
      %dma_wait3A_68 = tpu.memref_squeeze %dma_wait3A_67 : memref<1x1x128x128xf32, #tpu.memory_space<hbm>> -> memref<128x128xf32, #tpu.memory_space<hbm>>
      tpu.wait_dma2 semaphore(%arg10 : memref<!tpu.dma_semaphore, #tpu.memory_space<semaphore_mem>>) src(%dma_wait3A_68 : memref<128x128xf32, #tpu.memory_space<hbm>>) dst(%arg7 : memref<128x128xf32, #tpu.memory_space<vmem>>)
      %add3A_69 = arith.constant 1 : i32
      %add3A_70 = arith.addi %mul3A_60, %add3A_69 : i32
      %dma_start3A_71 = arith.constant 0 : i32
      %dma_start3A_72 = arith.constant 0 : i32
      %dma_start3A_73 = tpu.memref_slice %arg2[%add3A, %add3A_70, %dma_start3A_71, %dma_start3A_72] : memref<32x80x128x128xf32, #tpu.memory_space<hbm>> -> memref<1x1x128x128xf32, #tpu.memory_space<hbm>>
      %dma_start3A_74 = tpu.memref_squeeze %dma_start3A_73 : memref<1x1x128x128xf32, #tpu.memory_space<hbm>> -> memref<128x128xf32, #tpu.memory_space<hbm>>
      %dma_start3A_75 = arith.constant 0 : i32
      %dma_start3A_76 = arith.constant 0 : i32
      %dma_start3A_77 = tpu.memref_slice %arg2[%add3A, %add3A_70, %dma_start3A_75, %dma_start3A_76] : memref<32x80x128x128xf32, #tpu.memory_space<hbm>> -> memref<1x1x128x128xf32, #tpu.memory_space<hbm>>
      %dma_start3A_78 = tpu.memref_squeeze %dma_start3A_77 : memref<1x1x128x128xf32, #tpu.memory_space<hbm>> -> memref<128x128xf32, #tpu.memory_space<hbm>>
      tpu.enqueue_dma source(%dma_start3A_78 : memref<128x128xf32, #tpu.memory_space<hbm>>) target(%arg8 : memref<128x128xf32, #tpu.memory_space<vmem>>) target_semaphore(%arg11 : memref<!tpu.dma_semaphore, #tpu.memory_space<semaphore_mem>>)
      "tpu.region"() ({
        %run_scoped3A_101 = tpu.sem_alloc : memref<!tpu.dma_semaphore, #tpu.memory_space<semaphore_mem>>
        %dma_start3A_102 = arith.constant 0 : i32
        %dma_start3A_103 = tpu.memref_slice %arg6[%mul3A_60, %dma_start3A_102] : memref<80x128xi32, #tpu.memory_space<vmem>> -> memref<1x128xi32, #tpu.memory_space<vmem>>
        %dma_start3A_104 = tpu.memref_squeeze %dma_start3A_103 : memref<1x128xi32, #tpu.memory_space<vmem>> -> memref<128xi32, #tpu.memory_space<vmem>>
        %dma_start3A_105 = arith.constant 0 : i32
        %dma_start3A_106 = arith.constant 0 : i32
        %dma_start3A_107 = tpu.memref_slice %arg9[%dma_start3A_105, %dma_start3A_106] : memref<10000x128xf32, #tpu.memory_space<vmem_shared>> -> memref<10000x128xf32, #tpu.memory_space<vmem_shared>>
        tpu.enqueue_indirect_dma source(%arg7 : memref<128x128xf32, #tpu.memory_space<vmem>>) target(%dma_start3A_107 : memref<10000x128xf32, #tpu.memory_space<vmem_shared>>) offsets(%dma_start3A_104 : memref<128xi32, #tpu.memory_space<vmem>>) semaphore(%run_scoped3A_101 : memref<!tpu.dma_semaphore, #tpu.memory_space<semaphore_mem>>) {add = true}
        %dma_wait3A_108 = arith.constant 0 : i32
        %dma_wait3A_109 = tpu.memref_slice %arg6[%mul3A_60, %dma_wait3A_108] : memref<80x128xi32, #tpu.memory_space<vmem>> -> memref<1x128xi32, #tpu.memory_space<vmem>>
        %dma_wait3A_110 = tpu.memref_squeeze %dma_wait3A_109 : memref<1x128xi32, #tpu.memory_space<vmem>> -> memref<128xi32, #tpu.memory_space<vmem>>
        %dma_wait3A_111 = arith.constant 0 : i32
        %dma_wait3A_112 = arith.constant 0 : i32
        %dma_wait3A_113 = tpu.memref_slice %arg9[%dma_wait3A_111, %dma_wait3A_112] : memref<10000x128xf32, #tpu.memory_space<vmem_shared>> -> memref<10000x128xf32, #tpu.memory_space<vmem_shared>>
        tpu.wait_indirect_dma semaphore(%run_scoped3A_101 : memref<!tpu.dma_semaphore, #tpu.memory_space<semaphore_mem>>) src(%arg7 : memref<128x128xf32, #tpu.memory_space<vmem>>) dst(%dma_wait3A_113 : memref<10000x128xf32, #tpu.memory_space<vmem_shared>>)
        tpu.yield
      }) : () -> ()
      %add3A_79 = arith.constant 2 : i32
      %add3A_80 = arith.addi %mul3A_60, %add3A_79 : i32
      %dma_start3A_81 = arith.constant 0 : i32
      %dma_start3A_82 = arith.constant 0 : i32
      %dma_start3A_83 = tpu.memref_slice %arg2[%add3A, %add3A_80, %dma_start3A_81, %dma_start3A_82] : memref<32x80x128x128xf32, #tpu.memory_space<hbm>> -> memref<1x1x128x128xf32, #tpu.memory_space<hbm>>
      %dma_start3A_84 = tpu.memref_squeeze %dma_start3A_83 : memref<1x1x128x128xf32, #tpu.memory_space<hbm>> -> memref<128x128xf32, #tpu.memory_space<hbm>>
      %dma_start3A_85 = arith.constant 0 : i32
      %dma_start3A_86 = arith.constant 0 : i32
      %dma_start3A_87 = tpu.memref_slice %arg2[%add3A, %add3A_80, %dma_start3A_85, %dma_start3A_86] : memref<32x80x128x128xf32, #tpu.memory_space<hbm>> -> memref<1x1x128x128xf32, #tpu.memory_space<hbm>>
      %dma_start3A_88 = tpu.memref_squeeze %dma_start3A_87 : memref<1x1x128x128xf32, #tpu.memory_space<hbm>> -> memref<128x128xf32, #tpu.memory_space<hbm>>
      tpu.enqueue_dma source(%dma_start3A_88 : memref<128x128xf32, #tpu.memory_space<hbm>>) target(%arg7 : memref<128x128xf32, #tpu.memory_space<vmem>>) target_semaphore(%arg10 : memref<!tpu.dma_semaphore, #tpu.memory_space<semaphore_mem>>)
      %add3A_89 = arith.constant 1 : i32
      %add3A_90 = arith.addi %mul3A_60, %add3A_89 : i32
      %dma_wait3A_91 = arith.constant 0 : i32
      %dma_wait3A_92 = arith.constant 0 : i32
      %dma_wait3A_93 = tpu.memref_slice %arg2[%add3A, %add3A_90, %dma_wait3A_91, %dma_wait3A_92] : memref<32x80x128x128xf32, #tpu.memory_space<hbm>> -> memref<1x1x128x128xf32, #tpu.memory_space<hbm>>
      %dma_wait3A_94 = tpu.memref_squeeze %dma_wait3A_93 : memref<1x1x128x128xf32, #tpu.memory_space<hbm>> -> memref<128x128xf32, #tpu.memory_space<hbm>>
      %dma_wait3A_95 = arith.constant 0 : i32
      %dma_wait3A_96 = arith.constant 0 : i32
      %dma_wait3A_97 = tpu.memref_slice %arg2[%add3A, %add3A_90, %dma_wait3A_95, %dma_wait3A_96] : memref<32x80x128x128xf32, #tpu.memory_space<hbm>> -> memref<1x1x128x128xf32, #tpu.memory_space<hbm>>
      %dma_wait3A_98 = tpu.memref_squeeze %dma_wait3A_97 : memref<1x1x128x128xf32, #tpu.memory_space<hbm>> -> memref<128x128xf32, #tpu.memory_space<hbm>>
      tpu.wait_dma2 semaphore(%arg11 : memref<!tpu.dma_semaphore, #tpu.memory_space<semaphore_mem>>) src(%dma_wait3A_98 : memref<128x128xf32, #tpu.memory_space<hbm>>) dst(%arg8 : memref<128x128xf32, #tpu.memory_space<vmem>>)
      %add3A_99 = arith.constant 1 : i32
      %add3A_100 = arith.addi %mul3A_60, %add3A_99 : i32
      "tpu.region"() ({
        %run_scoped3A_101 = tpu.sem_alloc : memref<!tpu.dma_semaphore, #tpu.memory_space<semaphore_mem>>
        %dma_start3A_102 = arith.constant 0 : i32
        %dma_start3A_103 = tpu.memref_slice %arg6[%add3A_100, %dma_start3A_102] : memref<80x128xi32, #tpu.memory_space<vmem>> -> memref<1x128xi32, #tpu.memory_space<vmem>>
        %dma_start3A_104 = tpu.memref_squeeze %dma_start3A_103 : memref<1x128xi32, #tpu.memory_space<vmem>> -> memref<128xi32, #tpu.memory_space<vmem>>
        %dma_start3A_105 = arith.constant 0 : i32
        %dma_start3A_106 = arith.constant 0 : i32
        %dma_start3A_107 = tpu.memref_slice %arg9[%dma_start3A_105, %dma_start3A_106] : memref<10000x128xf32, #tpu.memory_space<vmem_shared>> -> memref<10000x128xf32, #tpu.memory_space<vmem_shared>>
        tpu.enqueue_indirect_dma source(%arg8 : memref<128x128xf32, #tpu.memory_space<vmem>>) target(%dma_start3A_107 : memref<10000x128xf32, #tpu.memory_space<vmem_shared>>) offsets(%dma_start3A_104 : memref<128xi32, #tpu.memory_space<vmem>>) semaphore(%run_scoped3A_101 : memref<!tpu.dma_semaphore, #tpu.memory_space<semaphore_mem>>) {add = true}
        %dma_wait3A_108 = arith.constant 0 : i32
        %dma_wait3A_109 = tpu.memref_slice %arg6[%add3A_100, %dma_wait3A_108] : memref<80x128xi32, #tpu.memory_space<vmem>> -> memref<1x128xi32, #tpu.memory_space<vmem>>
        %dma_wait3A_110 = tpu.memref_squeeze %dma_wait3A_109 : memref<1x128xi32, #tpu.memory_space<vmem>> -> memref<128xi32, #tpu.memory_space<vmem>>
        %dma_wait3A_111 = arith.constant 0 : i32
        %dma_wait3A_112 = arith.constant 0 : i32
        %dma_wait3A_113 = tpu.memref_slice %arg9[%dma_wait3A_111, %dma_wait3A_112] : memref<10000x128xf32, #tpu.memory_space<vmem_shared>> -> memref<10000x128xf32, #tpu.memory_space<vmem_shared>>
        tpu.wait_indirect_dma semaphore(%run_scoped3A_101 : memref<!tpu.dma_semaphore, #tpu.memory_space<semaphore_mem>>) src(%arg8 : memref<128x128xf32, #tpu.memory_space<vmem>>) dst(%dma_wait3A_113 : memref<10000x128xf32, #tpu.memory_space<vmem_shared>>)
        tpu.yield
      }) : () -> ()
    }
    %scan3A_19 = arith.constant 39 : i32
    %dma_wait3A = arith.constant 78 : i32
    %dma_wait3A_20 = arith.constant 0 : i32
    %dma_wait3A_21 = arith.constant 0 : i32
    %dma_wait3A_22 = tpu.memref_slice %arg2[%add3A, %dma_wait3A, %dma_wait3A_20, %dma_wait3A_21] : memref<32x80x128x128xf32, #tpu.memory_space<hbm>> -> memref<1x1x128x128xf32, #tpu.memory_space<hbm>>
    %dma_wait3A_23 = tpu.memref_squeeze %dma_wait3A_22 : memref<1x1x128x128xf32, #tpu.memory_space<hbm>> -> memref<128x128xf32, #tpu.memory_space<hbm>>
    %dma_wait3A_24 = arith.constant 0 : i32
    %dma_wait3A_25 = arith.constant 0 : i32
    %dma_wait3A_26 = tpu.memref_slice %arg2[%add3A, %dma_wait3A, %dma_wait3A_24, %dma_wait3A_25] : memref<32x80x128x128xf32, #tpu.memory_space<hbm>> -> memref<1x1x128x128xf32, #tpu.memory_space<hbm>>
    %dma_wait3A_27 = tpu.memref_squeeze %dma_wait3A_26 : memref<1x1x128x128xf32, #tpu.memory_space<hbm>> -> memref<128x128xf32, #tpu.memory_space<hbm>>
    tpu.wait_dma2 semaphore(%arg10 : memref<!tpu.dma_semaphore, #tpu.memory_space<semaphore_mem>>) src(%dma_wait3A_27 : memref<128x128xf32, #tpu.memory_space<hbm>>) dst(%arg7 : memref<128x128xf32, #tpu.memory_space<vmem>>)
    %dma_start3A_28 = arith.constant 79 : i32
    %dma_start3A_29 = arith.constant 0 : i32
    %dma_start3A_30 = arith.constant 0 : i32
    %dma_start3A_31 = tpu.memref_slice %arg2[%add3A, %dma_start3A_28, %dma_start3A_29, %dma_start3A_30] : memref<32x80x128x128xf32, #tpu.memory_space<hbm>> -> memref<1x1x128x128xf32, #tpu.memory_space<hbm>>
    %dma_start3A_32 = tpu.memref_squeeze %dma_start3A_31 : memref<1x1x128x128xf32, #tpu.memory_space<hbm>> -> memref<128x128xf32, #tpu.memory_space<hbm>>
    %dma_start3A_33 = arith.constant 0 : i32
    %dma_start3A_34 = arith.constant 0 : i32
    %dma_start3A_35 = tpu.memref_slice %arg2[%add3A, %dma_start3A_28, %dma_start3A_33, %dma_start3A_34] : memref<32x80x128x128xf32, #tpu.memory_space<hbm>> -> memref<1x1x128x128xf32, #tpu.memory_space<hbm>>
    %dma_start3A_36 = tpu.memref_squeeze %dma_start3A_35 : memref<1x1x128x128xf32, #tpu.memory_space<hbm>> -> memref<128x128xf32, #tpu.memory_space<hbm>>
    tpu.enqueue_dma source(%dma_start3A_36 : memref<128x128xf32, #tpu.memory_space<hbm>>) target(%arg8 : memref<128x128xf32, #tpu.memory_space<vmem>>) target_semaphore(%arg11 : memref<!tpu.dma_semaphore, #tpu.memory_space<semaphore_mem>>)
    %run_scoped3A = arith.constant 78 : i32
    "tpu.region"() ({
      %run_scoped3A_58 = tpu.sem_alloc : memref<!tpu.dma_semaphore, #tpu.memory_space<semaphore_mem>>
      %dma_start3A_59 = arith.constant 0 : i32
      %dma_start3A_60 = tpu.memref_slice %arg6[%run_scoped3A, %dma_start3A_59] : memref<80x128xi32, #tpu.memory_space<vmem>> -> memref<1x128xi32, #tpu.memory_space<vmem>>
      %dma_start3A_61 = tpu.memref_squeeze %dma_start3A_60 : memref<1x128xi32, #tpu.memory_space<vmem>> -> memref<128xi32, #tpu.memory_space<vmem>>
      %dma_start3A_62 = arith.constant 0 : i32
      %dma_start3A_63 = arith.constant 0 : i32
      %dma_start3A_64 = tpu.memref_slice %arg9[%dma_start3A_62, %dma_start3A_63] : memref<10000x128xf32, #tpu.memory_space<vmem_shared>> -> memref<10000x128xf32, #tpu.memory_space<vmem_shared>>
      tpu.enqueue_indirect_dma source(%arg7 : memref<128x128xf32, #tpu.memory_space<vmem>>) target(%dma_start3A_64 : memref<10000x128xf32, #tpu.memory_space<vmem_shared>>) offsets(%dma_start3A_61 : memref<128xi32, #tpu.memory_space<vmem>>) semaphore(%run_scoped3A_58 : memref<!tpu.dma_semaphore, #tpu.memory_space<semaphore_mem>>) {add = true}
      %dma_wait3A_65 = arith.constant 0 : i32
      %dma_wait3A_66 = tpu.memref_slice %arg6[%run_scoped3A, %dma_wait3A_65] : memref<80x128xi32, #tpu.memory_space<vmem>> -> memref<1x128xi32, #tpu.memory_space<vmem>>
      %dma_wait3A_67 = tpu.memref_squeeze %dma_wait3A_66 : memref<1x128xi32, #tpu.memory_space<vmem>> -> memref<128xi32, #tpu.memory_space<vmem>>
      %dma_wait3A_68 = arith.constant 0 : i32
      %dma_wait3A_69 = arith.constant 0 : i32
      %dma_wait3A_70 = tpu.memref_slice %arg9[%dma_wait3A_68, %dma_wait3A_69] : memref<10000x128xf32, #tpu.memory_space<vmem_shared>> -> memref<10000x128xf32, #tpu.memory_space<vmem_shared>>
      tpu.wait_indirect_dma semaphore(%run_scoped3A_58 : memref<!tpu.dma_semaphore, #tpu.memory_space<semaphore_mem>>) src(%arg7 : memref<128x128xf32, #tpu.memory_space<vmem>>) dst(%dma_wait3A_70 : memref<10000x128xf32, #tpu.memory_space<vmem_shared>>)
      tpu.yield
    }) : () -> ()
    %dma_wait3A_37 = arith.constant 79 : i32
    %dma_wait3A_38 = arith.constant 0 : i32
    %dma_wait3A_39 = arith.constant 0 : i32
    %dma_wait3A_40 = tpu.memref_slice %arg2[%add3A, %dma_wait3A_37, %dma_wait3A_38, %dma_wait3A_39] : memref<32x80x128x128xf32, #tpu.memory_space<hbm>> -> memref<1x1x128x128xf32, #tpu.memory_space<hbm>>
    %dma_wait3A_41 = tpu.memref_squeeze %dma_wait3A_40 : memref<1x1x128x128xf32, #tpu.memory_space<hbm>> -> memref<128x128xf32, #tpu.memory_space<hbm>>
    %dma_wait3A_42 = arith.constant 0 : i32
    %dma_wait3A_43 = arith.constant 0 : i32
    %dma_wait3A_44 = tpu.memref_slice %arg2[%add3A, %dma_wait3A_37, %dma_wait3A_42, %dma_wait3A_43] : memref<32x80x128x128xf32, #tpu.memory_space<hbm>> -> memref<1x1x128x128xf32, #tpu.memory_space<hbm>>
    %dma_wait3A_45 = tpu.memref_squeeze %dma_wait3A_44 : memref<1x1x128x128xf32, #tpu.memory_space<hbm>> -> memref<128x128xf32, #tpu.memory_space<hbm>>
    tpu.wait_dma2 semaphore(%arg11 : memref<!tpu.dma_semaphore, #tpu.memory_space<semaphore_mem>>) src(%dma_wait3A_45 : memref<128x128xf32, #tpu.memory_space<hbm>>) dst(%arg8 : memref<128x128xf32, #tpu.memory_space<vmem>>)
    %run_scoped3A_46 = arith.constant 79 : i32
    "tpu.region"() ({
      %run_scoped3A_58 = tpu.sem_alloc : memref<!tpu.dma_semaphore, #tpu.memory_space<semaphore_mem>>
      %dma_start3A_59 = arith.constant 0 : i32
      %dma_start3A_60 = tpu.memref_slice %arg6[%run_scoped3A_46, %dma_start3A_59] : memref<80x128xi32, #tpu.memory_space<vmem>> -> memref<1x128xi32, #tpu.memory_space<vmem>>
      %dma_start3A_61 = tpu.memref_squeeze %dma_start3A_60 : memref<1x128xi32, #tpu.memory_space<vmem>> -> memref<128xi32, #tpu.memory_space<vmem>>
      %dma_start3A_62 = arith.constant 0 : i32
      %dma_start3A_63 = arith.constant 0 : i32
      %dma_start3A_64 = tpu.memref_slice %arg9[%dma_start3A_62, %dma_start3A_63] : memref<10000x128xf32, #tpu.memory_space<vmem_shared>> -> memref<10000x128xf32, #tpu.memory_space<vmem_shared>>
      tpu.enqueue_indirect_dma source(%arg8 : memref<128x128xf32, #tpu.memory_space<vmem>>) target(%dma_start3A_64 : memref<10000x128xf32, #tpu.memory_space<vmem_shared>>) offsets(%dma_start3A_61 : memref<128xi32, #tpu.memory_space<vmem>>) semaphore(%run_scoped3A_58 : memref<!tpu.dma_semaphore, #tpu.memory_space<semaphore_mem>>) {add = true}
      %dma_wait3A_65 = arith.constant 0 : i32
      %dma_wait3A_66 = tpu.memref_slice %arg6[%run_scoped3A_46, %dma_wait3A_65] : memref<80x128xi32, #tpu.memory_space<vmem>> -> memref<1x128xi32, #tpu.memory_space<vmem>>
      %dma_wait3A_67 = tpu.memref_squeeze %dma_wait3A_66 : memref<1x128xi32, #tpu.memory_space<vmem>> -> memref<128xi32, #tpu.memory_space<vmem>>
      %dma_wait3A_68 = arith.constant 0 : i32
      %dma_wait3A_69 = arith.constant 0 : i32
      %dma_wait3A_70 = tpu.memref_slice %arg9[%dma_wait3A_68, %dma_wait3A_69] : memref<10000x128xf32, #tpu.memory_space<vmem_shared>> -> memref<10000x128xf32, #tpu.memory_space<vmem_shared>>
      tpu.wait_indirect_dma semaphore(%run_scoped3A_58 : memref<!tpu.dma_semaphore, #tpu.memory_space<semaphore_mem>>) src(%arg8 : memref<128x128xf32, #tpu.memory_space<vmem>>) dst(%dma_wait3A_70 : memref<10000x128xf32, #tpu.memory_space<vmem_shared>>)
      tpu.yield
    }) : () -> ()
    %barrier3A_47 = arith.constant 0 : index
    tpu.barrier barrier_id(%barrier3A_47)
    %lt3A_48 = arith.constant 15 : i32
    %lt3A_49 = arith.cmpi slt, %arg1, %lt3A_48 : i32
    %convert_element_type3A_50 = arith.extui %lt3A_49 : i1 to i32
    %cond3A_51 = arith.constant 0 : i32
    %cond3A_52 = arith.cmpi ne, %convert_element_type3A_50, %cond3A_51 : i32
    scf.if %cond3A_52 {
      %mul3A_58 = arith.constant 624 : i32
      %mul3A_59 = arith.muli %arg1, %mul3A_58 : i32
      %mul3A_60 = arith.constant 624 : i32
      %mul3A_61 = arith.muli %arg1, %mul3A_60 : i32
      "tpu.region"() ({
        %run_scoped3A_62 = tpu.sem_alloc : memref<!tpu.dma_semaphore, #tpu.memory_space<semaphore_mem>>
        %dma_start3A_63 = arith.constant 0 : i32
        %dma_start3A_64 = tpu.memref_slice %arg5[%arg0, %mul3A_61, %dma_start3A_63] : memref<2x10000x128xf32, #tpu.memory_space<hbm>> -> memref<1x624x128xf32, #tpu.memory_space<hbm>>
        %dma_start3A_65 = tpu.memref_squeeze %dma_start3A_64 : memref<1x624x128xf32, #tpu.memory_space<hbm>> -> memref<624x128xf32, #tpu.memory_space<hbm>>
        %dma_start3A_66 = arith.constant 0 : i32
        %dma_start3A_67 = tpu.memref_slice %arg9[%mul3A_59, %dma_start3A_66] : memref<10000x128xf32, #tpu.memory_space<vmem_shared>> -> memref<624x128xf32, #tpu.memory_space<vmem_shared>>
        tpu.enqueue_dma source(%dma_start3A_67 : memref<624x128xf32, #tpu.memory_space<vmem_shared>>) target(%dma_start3A_65 : memref<624x128xf32, #tpu.memory_space<hbm>>) target_semaphore(%run_scoped3A_62 : memref<!tpu.dma_semaphore, #tpu.memory_space<semaphore_mem>>)
        %dma_wait3A_68 = arith.constant 0 : i32
        %dma_wait3A_69 = tpu.memref_slice %arg5[%arg0, %mul3A_61, %dma_wait3A_68] : memref<2x10000x128xf32, #tpu.memory_space<hbm>> -> memref<1x624x128xf32, #tpu.memory_space<hbm>>
        %dma_wait3A_70 = tpu.memref_squeeze %dma_wait3A_69 : memref<1x624x128xf32, #tpu.memory_space<hbm>> -> memref<624x128xf32, #tpu.memory_space<hbm>>
        %dma_wait3A_71 = arith.constant 0 : i32
        %dma_wait3A_72 = tpu.memref_slice %arg9[%mul3A_59, %dma_wait3A_71] : memref<10000x128xf32, #tpu.memory_space<vmem_shared>> -> memref<624x128xf32, #tpu.memory_space<vmem_shared>>
        tpu.wait_dma2 semaphore(%run_scoped3A_62 : memref<!tpu.dma_semaphore, #tpu.memory_space<semaphore_mem>>) src(%dma_wait3A_72 : memref<624x128xf32, #tpu.memory_space<vmem_shared>>) dst(%dma_wait3A_70 : memref<624x128xf32, #tpu.memory_space<hbm>>)
        tpu.yield
      }) : () -> ()
    } else {
    }
    %eq3A_53 = arith.constant 15 : i32
    %eq3A_54 = arith.cmpi eq, %arg1, %eq3A_53 : i32
    %convert_element_type3A_55 = arith.extui %eq3A_54 : i1 to i32
    %cond3A_56 = arith.constant 0 : i32
    %cond3A_57 = arith.cmpi ne, %convert_element_type3A_55, %cond3A_56 : i32
    scf.if %cond3A_57 {
      "tpu.region"() ({
        %run_scoped3A_58 = tpu.sem_alloc : memref<!tpu.dma_semaphore, #tpu.memory_space<semaphore_mem>>
        %dma_start3A_59 = arith.constant 9360 : i32
        %dma_start3A_60 = arith.constant 0 : i32
        %dma_start3A_61 = tpu.memref_slice %arg5[%arg0, %dma_start3A_59, %dma_start3A_60] : memref<2x10000x128xf32, #tpu.memory_space<hbm>> -> memref<1x640x128xf32, #tpu.memory_space<hbm>>
        %dma_start3A_62 = tpu.memref_squeeze %dma_start3A_61 : memref<1x640x128xf32, #tpu.memory_space<hbm>> -> memref<640x128xf32, #tpu.memory_space<hbm>>
        %dma_start3A_63 = arith.constant 9360 : i32
        %dma_start3A_64 = arith.constant 0 : i32
        %dma_start3A_65 = tpu.memref_slice %arg9[%dma_start3A_63, %dma_start3A_64] : memref<10000x128xf32, #tpu.memory_space<vmem_shared>> -> memref<640x128xf32, #tpu.memory_space<vmem_shared>>
        tpu.enqueue_dma source(%dma_start3A_65 : memref<640x128xf32, #tpu.memory_space<vmem_shared>>) target(%dma_start3A_62 : memref<640x128xf32, #tpu.memory_space<hbm>>) target_semaphore(%run_scoped3A_58 : memref<!tpu.dma_semaphore, #tpu.memory_space<semaphore_mem>>)
        %dma_wait3A_66 = arith.constant 9360 : i32
        %dma_wait3A_67 = arith.constant 0 : i32
        %dma_wait3A_68 = tpu.memref_slice %arg5[%arg0, %dma_wait3A_66, %dma_wait3A_67] : memref<2x10000x128xf32, #tpu.memory_space<hbm>> -> memref<1x640x128xf32, #tpu.memory_space<hbm>>
        %dma_wait3A_69 = tpu.memref_squeeze %dma_wait3A_68 : memref<1x640x128xf32, #tpu.memory_space<hbm>> -> memref<640x128xf32, #tpu.memory_space<hbm>>
        %dma_wait3A_70 = arith.constant 9360 : i32
        %dma_wait3A_71 = arith.constant 0 : i32
        %dma_wait3A_72 = tpu.memref_slice %arg9[%dma_wait3A_70, %dma_wait3A_71] : memref<10000x128xf32, #tpu.memory_space<vmem_shared>> -> memref<640x128xf32, #tpu.memory_space<vmem_shared>>
        tpu.wait_dma2 semaphore(%run_scoped3A_58 : memref<!tpu.dma_semaphore, #tpu.memory_space<semaphore_mem>>) src(%dma_wait3A_72 : memref<640x128xf32, #tpu.memory_space<vmem_shared>>) dst(%dma_wait3A_69 : memref<640x128xf32, #tpu.memory_space<hbm>>)
        tpu.yield
      }) : () -> ()
    } else {
    }
    return
  }
}

#map = affine_map<(d0, d1) -> (0, 0)>
#map1 = affine_map<(d0, d1) -> (0, 0, 0)>
#map2 = affine_map<(d0, d1) -> (0, 0, 0, 0)>
module attributes {stable_mosaic.version = 14 : i64} {
  func.func @_gather(%arg0: i32, %arg1: i32, %arg2: memref<10000x128xf32, #tpu.memory_space<hbm>>, %arg3: memref<32x80x128xi32, #tpu.memory_space<hbm>>, %arg4: memref<32x80x128x128xf32, #tpu.memory_space<hbm>>, %arg5: memref<80x128xi32, #tpu.memory_space<vmem>>, %arg6: memref<128x128xf32, #tpu.memory_space<vmem>>, %arg7: memref<128x128xf32, #tpu.memory_space<vmem>>, %arg8: memref<!tpu.dma_semaphore, #tpu.memory_space<semaphore_mem>>, %arg9: memref<!tpu.dma_semaphore, #tpu.memory_space<semaphore_mem>>) attributes {dimension_semantics = [#tpu.dimension_semantics<core_parallel>, #tpu.dimension_semantics<subcore_parallel>], iteration_bounds = array<i64: 2, 16>, scalar_prefetch = 0 : i64, scratch_operands = 5 : i64, tpu.core_type = #tpu.core_type<sc_vector_subcore>, window_params = [{transform_indices = #map}, {transform_indices = #map1}, {transform_indices = #map2}]} {
    %mul3A = arith.constant 2 : i32
    %mul3A_0 = arith.muli %arg1, %mul3A : i32
    %add3A = arith.addi %mul3A_0, %arg0 : i32
    "tpu.region"() ({
      %run_scoped3A_33 = tpu.sem_alloc : memref<!tpu.dma_semaphore, #tpu.memory_space<semaphore_mem>>
      %dma_start3A_34 = arith.constant 0 : i32
      %dma_start3A_35 = arith.constant 0 : i32
      %dma_start3A_36 = tpu.memref_slice %arg3[%add3A, %dma_start3A_34, %dma_start3A_35] : memref<32x80x128xi32, #tpu.memory_space<hbm>> -> memref<1x80x128xi32, #tpu.memory_space<hbm>>
      %dma_start3A_37 = tpu.memref_squeeze %dma_start3A_36 : memref<1x80x128xi32, #tpu.memory_space<hbm>> -> memref<80x128xi32, #tpu.memory_space<hbm>>
      %dma_start3A_38 = arith.constant 0 : i32
      %dma_start3A_39 = arith.constant 0 : i32
      %dma_start3A_40 = tpu.memref_slice %arg3[%add3A, %dma_start3A_38, %dma_start3A_39] : memref<32x80x128xi32, #tpu.memory_space<hbm>> -> memref<1x80x128xi32, #tpu.memory_space<hbm>>
      %dma_start3A_41 = tpu.memref_squeeze %dma_start3A_40 : memref<1x80x128xi32, #tpu.memory_space<hbm>> -> memref<80x128xi32, #tpu.memory_space<hbm>>
      tpu.enqueue_dma source(%dma_start3A_41 : memref<80x128xi32, #tpu.memory_space<hbm>>) target(%arg5 : memref<80x128xi32, #tpu.memory_space<vmem>>) target_semaphore(%run_scoped3A_33 : memref<!tpu.dma_semaphore, #tpu.memory_space<semaphore_mem>>)
      %dma_wait3A_42 = arith.constant 0 : i32
      %dma_wait3A_43 = arith.constant 0 : i32
      %dma_wait3A_44 = tpu.memref_slice %arg3[%add3A, %dma_wait3A_42, %dma_wait3A_43] : memref<32x80x128xi32, #tpu.memory_space<hbm>> -> memref<1x80x128xi32, #tpu.memory_space<hbm>>
      %dma_wait3A_45 = tpu.memref_squeeze %dma_wait3A_44 : memref<1x80x128xi32, #tpu.memory_space<hbm>> -> memref<80x128xi32, #tpu.memory_space<hbm>>
      %dma_wait3A_46 = arith.constant 0 : i32
      %dma_wait3A_47 = arith.constant 0 : i32
      %dma_wait3A_48 = tpu.memref_slice %arg3[%add3A, %dma_wait3A_46, %dma_wait3A_47] : memref<32x80x128xi32, #tpu.memory_space<hbm>> -> memref<1x80x128xi32, #tpu.memory_space<hbm>>
      %dma_wait3A_49 = tpu.memref_squeeze %dma_wait3A_48 : memref<1x80x128xi32, #tpu.memory_space<hbm>> -> memref<80x128xi32, #tpu.memory_space<hbm>>
      tpu.wait_dma2 semaphore(%run_scoped3A_33 : memref<!tpu.dma_semaphore, #tpu.memory_space<semaphore_mem>>) src(%dma_wait3A_49 : memref<80x128xi32, #tpu.memory_space<hbm>>) dst(%arg5 : memref<80x128xi32, #tpu.memory_space<vmem>>)
      tpu.yield
    }) : () -> ()
    %dma_start3A = arith.constant 0 : i32
    %dma_start3A_1 = arith.constant 0 : i32
    %dma_start3A_2 = tpu.memref_slice %arg5[%dma_start3A, %dma_start3A_1] : memref<80x128xi32, #tpu.memory_space<vmem>> -> memref<1x128xi32, #tpu.memory_space<vmem>>
    %dma_start3A_3 = tpu.memref_squeeze %dma_start3A_2 : memref<1x128xi32, #tpu.memory_space<vmem>> -> memref<128xi32, #tpu.memory_space<vmem>>
    %dma_start3A_4 = arith.constant 0 : i32
    %dma_start3A_5 = arith.constant 0 : i32
    %dma_start3A_6 = tpu.memref_slice %arg2[%dma_start3A_4, %dma_start3A_5] : memref<10000x128xf32, #tpu.memory_space<hbm>> -> memref<10000x128xf32, #tpu.memory_space<hbm>>
    tpu.enqueue_indirect_dma source(%dma_start3A_6 : memref<10000x128xf32, #tpu.memory_space<hbm>>) target(%arg6 : memref<128x128xf32, #tpu.memory_space<vmem>>) offsets(%dma_start3A_3 : memref<128xi32, #tpu.memory_space<vmem>>) semaphore(%arg8 : memref<!tpu.dma_semaphore, #tpu.memory_space<semaphore_mem>>)
    %scan3A = arith.constant 0 : i32
    %scan3A_7 = arith.constant 0 : i32
    %scan3A_8 = arith.constant 39 : i32
    %scan3A_9 = arith.addi %scan3A_7, %scan3A_8 : i32
    %scan3A_10 = arith.constant 1 : i32
    scf.for %scan3A_33 = %scan3A_7 to %scan3A_9 step %scan3A_10  : i32 {
      %mul3A_34 = arith.constant 2 : i32
      %mul3A_35 = arith.muli %mul3A_34, %scan3A_33 : i32
      %dma_wait3A_36 = arith.constant 0 : i32
      %dma_wait3A_37 = tpu.memref_slice %arg5[%mul3A_35, %dma_wait3A_36] : memref<80x128xi32, #tpu.memory_space<vmem>> -> memref<1x128xi32, #tpu.memory_space<vmem>>
      %dma_wait3A_38 = tpu.memref_squeeze %dma_wait3A_37 : memref<1x128xi32, #tpu.memory_space<vmem>> -> memref<128xi32, #tpu.memory_space<vmem>>
      %dma_wait3A_39 = arith.constant 0 : i32
      %dma_wait3A_40 = arith.constant 0 : i32
      %dma_wait3A_41 = tpu.memref_slice %arg2[%dma_wait3A_39, %dma_wait3A_40] : memref<10000x128xf32, #tpu.memory_space<hbm>> -> memref<10000x128xf32, #tpu.memory_space<hbm>>
      tpu.wait_indirect_dma semaphore(%arg8 : memref<!tpu.dma_semaphore, #tpu.memory_space<semaphore_mem>>) src(%dma_wait3A_41 : memref<10000x128xf32, #tpu.memory_space<hbm>>) dst(%arg6 : memref<128x128xf32, #tpu.memory_space<vmem>>)
      %add3A_42 = arith.constant 1 : i32
      %add3A_43 = arith.addi %mul3A_35, %add3A_42 : i32
      %dma_start3A_44 = arith.constant 0 : i32
      %dma_start3A_45 = tpu.memref_slice %arg5[%add3A_43, %dma_start3A_44] : memref<80x128xi32, #tpu.memory_space<vmem>> -> memref<1x128xi32, #tpu.memory_space<vmem>>
      %dma_start3A_46 = tpu.memref_squeeze %dma_start3A_45 : memref<1x128xi32, #tpu.memory_space<vmem>> -> memref<128xi32, #tpu.memory_space<vmem>>
      %dma_start3A_47 = arith.constant 0 : i32
      %dma_start3A_48 = arith.constant 0 : i32
      %dma_start3A_49 = tpu.memref_slice %arg2[%dma_start3A_47, %dma_start3A_48] : memref<10000x128xf32, #tpu.memory_space<hbm>> -> memref<10000x128xf32, #tpu.memory_space<hbm>>
      tpu.enqueue_indirect_dma source(%dma_start3A_49 : memref<10000x128xf32, #tpu.memory_space<hbm>>) target(%arg7 : memref<128x128xf32, #tpu.memory_space<vmem>>) offsets(%dma_start3A_46 : memref<128xi32, #tpu.memory_space<vmem>>) semaphore(%arg9 : memref<!tpu.dma_semaphore, #tpu.memory_space<semaphore_mem>>)
      "tpu.region"() ({
        %run_scoped3A_68 = tpu.sem_alloc : memref<!tpu.dma_semaphore, #tpu.memory_space<semaphore_mem>>
        %dma_start3A_69 = arith.constant 0 : i32
        %dma_start3A_70 = arith.constant 0 : i32
        %dma_start3A_71 = tpu.memref_slice %arg4[%add3A, %mul3A_35, %dma_start3A_69, %dma_start3A_70] : memref<32x80x128x128xf32, #tpu.memory_space<hbm>> -> memref<1x1x128x128xf32, #tpu.memory_space<hbm>>
        %dma_start3A_72 = tpu.memref_squeeze %dma_start3A_71 : memref<1x1x128x128xf32, #tpu.memory_space<hbm>> -> memref<128x128xf32, #tpu.memory_space<hbm>>
        %dma_start3A_73 = arith.constant 0 : i32
        %dma_start3A_74 = arith.constant 0 : i32
        %dma_start3A_75 = tpu.memref_slice %arg4[%add3A, %mul3A_35, %dma_start3A_73, %dma_start3A_74] : memref<32x80x128x128xf32, #tpu.memory_space<hbm>> -> memref<1x1x128x128xf32, #tpu.memory_space<hbm>>
        %dma_start3A_76 = tpu.memref_squeeze %dma_start3A_75 : memref<1x1x128x128xf32, #tpu.memory_space<hbm>> -> memref<128x128xf32, #tpu.memory_space<hbm>>
        tpu.enqueue_dma source(%arg6 : memref<128x128xf32, #tpu.memory_space<vmem>>) target(%dma_start3A_76 : memref<128x128xf32, #tpu.memory_space<hbm>>) target_semaphore(%run_scoped3A_68 : memref<!tpu.dma_semaphore, #tpu.memory_space<semaphore_mem>>)
        %dma_wait3A_77 = arith.constant 0 : i32
        %dma_wait3A_78 = arith.constant 0 : i32
        %dma_wait3A_79 = tpu.memref_slice %arg4[%add3A, %mul3A_35, %dma_wait3A_77, %dma_wait3A_78] : memref<32x80x128x128xf32, #tpu.memory_space<hbm>> -> memref<1x1x128x128xf32, #tpu.memory_space<hbm>>
        %dma_wait3A_80 = tpu.memref_squeeze %dma_wait3A_79 : memref<1x1x128x128xf32, #tpu.memory_space<hbm>> -> memref<128x128xf32, #tpu.memory_space<hbm>>
        %dma_wait3A_81 = arith.constant 0 : i32
        %dma_wait3A_82 = arith.constant 0 : i32
        %dma_wait3A_83 = tpu.memref_slice %arg4[%add3A, %mul3A_35, %dma_wait3A_81, %dma_wait3A_82] : memref<32x80x128x128xf32, #tpu.memory_space<hbm>> -> memref<1x1x128x128xf32, #tpu.memory_space<hbm>>
        %dma_wait3A_84 = tpu.memref_squeeze %dma_wait3A_83 : memref<1x1x128x128xf32, #tpu.memory_space<hbm>> -> memref<128x128xf32, #tpu.memory_space<hbm>>
        tpu.wait_dma2 semaphore(%run_scoped3A_68 : memref<!tpu.dma_semaphore, #tpu.memory_space<semaphore_mem>>) src(%arg6 : memref<128x128xf32, #tpu.memory_space<vmem>>) dst(%dma_wait3A_84 : memref<128x128xf32, #tpu.memory_space<hbm>>)
        tpu.yield
      }) : () -> ()
      %add3A_50 = arith.constant 2 : i32
      %add3A_51 = arith.addi %mul3A_35, %add3A_50 : i32
      %dma_start3A_52 = arith.constant 0 : i32
      %dma_start3A_53 = tpu.memref_slice %arg5[%add3A_51, %dma_start3A_52] : memref<80x128xi32, #tpu.memory_space<vmem>> -> memref<1x128xi32, #tpu.memory_space<vmem>>
      %dma_start3A_54 = tpu.memref_squeeze %dma_start3A_53 : memref<1x128xi32, #tpu.memory_space<vmem>> -> memref<128xi32, #tpu.memory_space<vmem>>
      %dma_start3A_55 = arith.constant 0 : i32
      %dma_start3A_56 = arith.constant 0 : i32
      %dma_start3A_57 = tpu.memref_slice %arg2[%dma_start3A_55, %dma_start3A_56] : memref<10000x128xf32, #tpu.memory_space<hbm>> -> memref<10000x128xf32, #tpu.memory_space<hbm>>
      tpu.enqueue_indirect_dma source(%dma_start3A_57 : memref<10000x128xf32, #tpu.memory_space<hbm>>) target(%arg6 : memref<128x128xf32, #tpu.memory_space<vmem>>) offsets(%dma_start3A_54 : memref<128xi32, #tpu.memory_space<vmem>>) semaphore(%arg8 : memref<!tpu.dma_semaphore, #tpu.memory_space<semaphore_mem>>)
      %add3A_58 = arith.constant 1 : i32
      %add3A_59 = arith.addi %mul3A_35, %add3A_58 : i32
      %dma_wait3A_60 = arith.constant 0 : i32
      %dma_wait3A_61 = tpu.memref_slice %arg5[%add3A_59, %dma_wait3A_60] : memref<80x128xi32, #tpu.memory_space<vmem>> -> memref<1x128xi32, #tpu.memory_space<vmem>>
      %dma_wait3A_62 = tpu.memref_squeeze %dma_wait3A_61 : memref<1x128xi32, #tpu.memory_space<vmem>> -> memref<128xi32, #tpu.memory_space<vmem>>
      %dma_wait3A_63 = arith.constant 0 : i32
      %dma_wait3A_64 = arith.constant 0 : i32
      %dma_wait3A_65 = tpu.memref_slice %arg2[%dma_wait3A_63, %dma_wait3A_64] : memref<10000x128xf32, #tpu.memory_space<hbm>> -> memref<10000x128xf32, #tpu.memory_space<hbm>>
      tpu.wait_indirect_dma semaphore(%arg9 : memref<!tpu.dma_semaphore, #tpu.memory_space<semaphore_mem>>) src(%dma_wait3A_65 : memref<10000x128xf32, #tpu.memory_space<hbm>>) dst(%arg7 : memref<128x128xf32, #tpu.memory_space<vmem>>)
      %add3A_66 = arith.constant 1 : i32
      %add3A_67 = arith.addi %mul3A_35, %add3A_66 : i32
      "tpu.region"() ({
        %run_scoped3A_68 = tpu.sem_alloc : memref<!tpu.dma_semaphore, #tpu.memory_space<semaphore_mem>>
        %dma_start3A_69 = arith.constant 0 : i32
        %dma_start3A_70 = arith.constant 0 : i32
        %dma_start3A_71 = tpu.memref_slice %arg4[%add3A, %add3A_67, %dma_start3A_69, %dma_start3A_70] : memref<32x80x128x128xf32, #tpu.memory_space<hbm>> -> memref<1x1x128x128xf32, #tpu.memory_space<hbm>>
        %dma_start3A_72 = tpu.memref_squeeze %dma_start3A_71 : memref<1x1x128x128xf32, #tpu.memory_space<hbm>> -> memref<128x128xf32, #tpu.memory_space<hbm>>
        %dma_start3A_73 = arith.constant 0 : i32
        %dma_start3A_74 = arith.constant 0 : i32
        %dma_start3A_75 = tpu.memref_slice %arg4[%add3A, %add3A_67, %dma_start3A_73, %dma_start3A_74] : memref<32x80x128x128xf32, #tpu.memory_space<hbm>> -> memref<1x1x128x128xf32, #tpu.memory_space<hbm>>
        %dma_start3A_76 = tpu.memref_squeeze %dma_start3A_75 : memref<1x1x128x128xf32, #tpu.memory_space<hbm>> -> memref<128x128xf32, #tpu.memory_space<hbm>>
        tpu.enqueue_dma source(%arg7 : memref<128x128xf32, #tpu.memory_space<vmem>>) target(%dma_start3A_76 : memref<128x128xf32, #tpu.memory_space<hbm>>) target_semaphore(%run_scoped3A_68 : memref<!tpu.dma_semaphore, #tpu.memory_space<semaphore_mem>>)
        %dma_wait3A_77 = arith.constant 0 : i32
        %dma_wait3A_78 = arith.constant 0 : i32
        %dma_wait3A_79 = tpu.memref_slice %arg4[%add3A, %add3A_67, %dma_wait3A_77, %dma_wait3A_78] : memref<32x80x128x128xf32, #tpu.memory_space<hbm>> -> memref<1x1x128x128xf32, #tpu.memory_space<hbm>>
        %dma_wait3A_80 = tpu.memref_squeeze %dma_wait3A_79 : memref<1x1x128x128xf32, #tpu.memory_space<hbm>> -> memref<128x128xf32, #tpu.memory_space<hbm>>
        %dma_wait3A_81 = arith.constant 0 : i32
        %dma_wait3A_82 = arith.constant 0 : i32
        %dma_wait3A_83 = tpu.memref_slice %arg4[%add3A, %add3A_67, %dma_wait3A_81, %dma_wait3A_82] : memref<32x80x128x128xf32, #tpu.memory_space<hbm>> -> memref<1x1x128x128xf32, #tpu.memory_space<hbm>>
        %dma_wait3A_84 = tpu.memref_squeeze %dma_wait3A_83 : memref<1x1x128x128xf32, #tpu.memory_space<hbm>> -> memref<128x128xf32, #tpu.memory_space<hbm>>
        tpu.wait_dma2 semaphore(%run_scoped3A_68 : memref<!tpu.dma_semaphore, #tpu.memory_space<semaphore_mem>>) src(%arg7 : memref<128x128xf32, #tpu.memory_space<vmem>>) dst(%dma_wait3A_84 : memref<128x128xf32, #tpu.memory_space<hbm>>)
        tpu.yield
      }) : () -> ()
    }
    %scan3A_11 = arith.constant 39 : i32
    %dma_wait3A = arith.constant 78 : i32
    %dma_wait3A_12 = arith.constant 0 : i32
    %dma_wait3A_13 = tpu.memref_slice %arg5[%dma_wait3A, %dma_wait3A_12] : memref<80x128xi32, #tpu.memory_space<vmem>> -> memref<1x128xi32, #tpu.memory_space<vmem>>
    %dma_wait3A_14 = tpu.memref_squeeze %dma_wait3A_13 : memref<1x128xi32, #tpu.memory_space<vmem>> -> memref<128xi32, #tpu.memory_space<vmem>>
    %dma_wait3A_15 = arith.constant 0 : i32
    %dma_wait3A_16 = arith.constant 0 : i32
    %dma_wait3A_17 = tpu.memref_slice %arg2[%dma_wait3A_15, %dma_wait3A_16] : memref<10000x128xf32, #tpu.memory_space<hbm>> -> memref<10000x128xf32, #tpu.memory_space<hbm>>
    tpu.wait_indirect_dma semaphore(%arg8 : memref<!tpu.dma_semaphore, #tpu.memory_space<semaphore_mem>>) src(%dma_wait3A_17 : memref<10000x128xf32, #tpu.memory_space<hbm>>) dst(%arg6 : memref<128x128xf32, #tpu.memory_space<vmem>>)
    %dma_start3A_18 = arith.constant 79 : i32
    %dma_start3A_19 = arith.constant 0 : i32
    %dma_start3A_20 = tpu.memref_slice %arg5[%dma_start3A_18, %dma_start3A_19] : memref<80x128xi32, #tpu.memory_space<vmem>> -> memref<1x128xi32, #tpu.memory_space<vmem>>
    %dma_start3A_21 = tpu.memref_squeeze %dma_start3A_20 : memref<1x128xi32, #tpu.memory_space<vmem>> -> memref<128xi32, #tpu.memory_space<vmem>>
    %dma_start3A_22 = arith.constant 0 : i32
    %dma_start3A_23 = arith.constant 0 : i32
    %dma_start3A_24 = tpu.memref_slice %arg2[%dma_start3A_22, %dma_start3A_23] : memref<10000x128xf32, #tpu.memory_space<hbm>> -> memref<10000x128xf32, #tpu.memory_space<hbm>>
    tpu.enqueue_indirect_dma source(%dma_start3A_24 : memref<10000x128xf32, #tpu.memory_space<hbm>>) target(%arg7 : memref<128x128xf32, #tpu.memory_space<vmem>>) offsets(%dma_start3A_21 : memref<128xi32, #tpu.memory_space<vmem>>) semaphore(%arg9 : memref<!tpu.dma_semaphore, #tpu.memory_space<semaphore_mem>>)
    %run_scoped3A = arith.constant 78 : i32
    "tpu.region"() ({
      %run_scoped3A_33 = tpu.sem_alloc : memref<!tpu.dma_semaphore, #tpu.memory_space<semaphore_mem>>
      %dma_start3A_34 = arith.constant 0 : i32
      %dma_start3A_35 = arith.constant 0 : i32
      %dma_start3A_36 = tpu.memref_slice %arg4[%add3A, %run_scoped3A, %dma_start3A_34, %dma_start3A_35] : memref<32x80x128x128xf32, #tpu.memory_space<hbm>> -> memref<1x1x128x128xf32, #tpu.memory_space<hbm>>
      %dma_start3A_37 = tpu.memref_squeeze %dma_start3A_36 : memref<1x1x128x128xf32, #tpu.memory_space<hbm>> -> memref<128x128xf32, #tpu.memory_space<hbm>>
      %dma_start3A_38 = arith.constant 0 : i32
      %dma_start3A_39 = arith.constant 0 : i32
      %dma_start3A_40 = tpu.memref_slice %arg4[%add3A, %run_scoped3A, %dma_start3A_38, %dma_start3A_39] : memref<32x80x128x128xf32, #tpu.memory_space<hbm>> -> memref<1x1x128x128xf32, #tpu.memory_space<hbm>>
      %dma_start3A_41 = tpu.memref_squeeze %dma_start3A_40 : memref<1x1x128x128xf32, #tpu.memory_space<hbm>> -> memref<128x128xf32, #tpu.memory_space<hbm>>
      tpu.enqueue_dma source(%arg6 : memref<128x128xf32, #tpu.memory_space<vmem>>) target(%dma_start3A_41 : memref<128x128xf32, #tpu.memory_space<hbm>>) target_semaphore(%run_scoped3A_33 : memref<!tpu.dma_semaphore, #tpu.memory_space<semaphore_mem>>)
      %dma_wait3A_42 = arith.constant 0 : i32
      %dma_wait3A_43 = arith.constant 0 : i32
      %dma_wait3A_44 = tpu.memref_slice %arg4[%add3A, %run_scoped3A, %dma_wait3A_42, %dma_wait3A_43] : memref<32x80x128x128xf32, #tpu.memory_space<hbm>> -> memref<1x1x128x128xf32, #tpu.memory_space<hbm>>
      %dma_wait3A_45 = tpu.memref_squeeze %dma_wait3A_44 : memref<1x1x128x128xf32, #tpu.memory_space<hbm>> -> memref<128x128xf32, #tpu.memory_space<hbm>>
      %dma_wait3A_46 = arith.constant 0 : i32
      %dma_wait3A_47 = arith.constant 0 : i32
      %dma_wait3A_48 = tpu.memref_slice %arg4[%add3A, %run_scoped3A, %dma_wait3A_46, %dma_wait3A_47] : memref<32x80x128x128xf32, #tpu.memory_space<hbm>> -> memref<1x1x128x128xf32, #tpu.memory_space<hbm>>
      %dma_wait3A_49 = tpu.memref_squeeze %dma_wait3A_48 : memref<1x1x128x128xf32, #tpu.memory_space<hbm>> -> memref<128x128xf32, #tpu.memory_space<hbm>>
      tpu.wait_dma2 semaphore(%run_scoped3A_33 : memref<!tpu.dma_semaphore, #tpu.memory_space<semaphore_mem>>) src(%arg6 : memref<128x128xf32, #tpu.memory_space<vmem>>) dst(%dma_wait3A_49 : memref<128x128xf32, #tpu.memory_space<hbm>>)
      tpu.yield
    }) : () -> ()
    %dma_wait3A_25 = arith.constant 79 : i32
    %dma_wait3A_26 = arith.constant 0 : i32
    %dma_wait3A_27 = tpu.memref_slice %arg5[%dma_wait3A_25, %dma_wait3A_26] : memref<80x128xi32, #tpu.memory_space<vmem>> -> memref<1x128xi32, #tpu.memory_space<vmem>>
    %dma_wait3A_28 = tpu.memref_squeeze %dma_wait3A_27 : memref<1x128xi32, #tpu.memory_space<vmem>> -> memref<128xi32, #tpu.memory_space<vmem>>
    %dma_wait3A_29 = arith.constant 0 : i32
    %dma_wait3A_30 = arith.constant 0 : i32
    %dma_wait3A_31 = tpu.memref_slice %arg2[%dma_wait3A_29, %dma_wait3A_30] : memref<10000x128xf32, #tpu.memory_space<hbm>> -> memref<10000x128xf32, #tpu.memory_space<hbm>>
    tpu.wait_indirect_dma semaphore(%arg9 : memref<!tpu.dma_semaphore, #tpu.memory_space<semaphore_mem>>) src(%dma_wait3A_31 : memref<10000x128xf32, #tpu.memory_space<hbm>>) dst(%arg7 : memref<128x128xf32, #tpu.memory_space<vmem>>)
    %run_scoped3A_32 = arith.constant 79 : i32
    "tpu.region"() ({
      %run_scoped3A_33 = tpu.sem_alloc : memref<!tpu.dma_semaphore, #tpu.memory_space<semaphore_mem>>
      %dma_start3A_34 = arith.constant 0 : i32
      %dma_start3A_35 = arith.constant 0 : i32
      %dma_start3A_36 = tpu.memref_slice %arg4[%add3A, %run_scoped3A_32, %dma_start3A_34, %dma_start3A_35] : memref<32x80x128x128xf32, #tpu.memory_space<hbm>> -> memref<1x1x128x128xf32, #tpu.memory_space<hbm>>
      %dma_start3A_37 = tpu.memref_squeeze %dma_start3A_36 : memref<1x1x128x128xf32, #tpu.memory_space<hbm>> -> memref<128x128xf32, #tpu.memory_space<hbm>>
      %dma_start3A_38 = arith.constant 0 : i32
      %dma_start3A_39 = arith.constant 0 : i32
      %dma_start3A_40 = tpu.memref_slice %arg4[%add3A, %run_scoped3A_32, %dma_start3A_38, %dma_start3A_39] : memref<32x80x128x128xf32, #tpu.memory_space<hbm>> -> memref<1x1x128x128xf32, #tpu.memory_space<hbm>>
      %dma_start3A_41 = tpu.memref_squeeze %dma_start3A_40 : memref<1x1x128x128xf32, #tpu.memory_space<hbm>> -> memref<128x128xf32, #tpu.memory_space<hbm>>
      tpu.enqueue_dma source(%arg7 : memref<128x128xf32, #tpu.memory_space<vmem>>) target(%dma_start3A_41 : memref<128x128xf32, #tpu.memory_space<hbm>>) target_semaphore(%run_scoped3A_33 : memref<!tpu.dma_semaphore, #tpu.memory_space<semaphore_mem>>)
      %dma_wait3A_42 = arith.constant 0 : i32
      %dma_wait3A_43 = arith.constant 0 : i32
      %dma_wait3A_44 = tpu.memref_slice %arg4[%add3A, %run_scoped3A_32, %dma_wait3A_42, %dma_wait3A_43] : memref<32x80x128x128xf32, #tpu.memory_space<hbm>> -> memref<1x1x128x128xf32, #tpu.memory_space<hbm>>
      %dma_wait3A_45 = tpu.memref_squeeze %dma_wait3A_44 : memref<1x1x128x128xf32, #tpu.memory_space<hbm>> -> memref<128x128xf32, #tpu.memory_space<hbm>>
      %dma_wait3A_46 = arith.constant 0 : i32
      %dma_wait3A_47 = arith.constant 0 : i32
      %dma_wait3A_48 = tpu.memref_slice %arg4[%add3A, %run_scoped3A_32, %dma_wait3A_46, %dma_wait3A_47] : memref<32x80x128x128xf32, #tpu.memory_space<hbm>> -> memref<1x1x128x128xf32, #tpu.memory_space<hbm>>
      %dma_wait3A_49 = tpu.memref_squeeze %dma_wait3A_48 : memref<1x1x128x128xf32, #tpu.memory_space<hbm>> -> memref<128x128xf32, #tpu.memory_space<hbm>>
      tpu.wait_dma2 semaphore(%run_scoped3A_33 : memref<!tpu.dma_semaphore, #tpu.memory_space<semaphore_mem>>) src(%arg7 : memref<128x128xf32, #tpu.memory_space<vmem>>) dst(%dma_wait3A_49 : memref<128x128xf32, #tpu.memory_space<hbm>>)
      tpu.yield
    }) : () -> ()
    return
  }
}

#map = affine_map<(d0, d1) -> (0, 0, 0, 0)>
#map1 = affine_map<(d0, d1) -> (0, 0, 0)>
#map2 = affine_map<(d0, d1) -> (0, 0)>
module attributes {stable_mosaic.version = 14 : i64} {
  func.func @_scatter(%arg0: i32, %arg1: i32, %arg2: memref<32x80x128x128xf32, #tpu.memory_space<hbm>>, %arg3: memref<32x80x128xi32, #tpu.memory_space<hbm>>, %arg4: memref<640x128xf32, #tpu.memory_space<hbm>>, %arg5: memref<2x10000x128xf32, #tpu.memory_space<hbm>>, %arg6: memref<80x128xi32, #tpu.memory_space<vmem>>, %arg7: memref<128x128xf32, #tpu.memory_space<vmem>>, %arg8: memref<128x128xf32, #tpu.memory_space<vmem>>, %arg9: memref<10000x128xf32, #tpu.memory_space<vmem_shared>>, %arg10: memref<!tpu.dma_semaphore, #tpu.memory_space<semaphore_mem>>, %arg11: memref<!tpu.dma_semaphore, #tpu.memory_space<semaphore_mem>>) attributes {dimension_semantics = [#tpu.dimension_semantics<core_parallel>, #tpu.dimension_semantics<subcore_parallel>], iteration_bounds = array<i64: 2, 16>, scalar_prefetch = 0 : i64, scratch_operands = 6 : i64, tpu.core_type = #tpu.core_type<sc_vector_subcore>, window_params = [{transform_indices = #map}, {transform_indices = #map1}, {transform_indices = #map2}, {transform_indices = #map1}]} {
    %mul3A = arith.constant 2 : i32
    %mul3A_0 = arith.muli %arg1, %mul3A : i32
    %add3A = arith.addi %mul3A_0, %arg0 : i32
    "tpu.region"() ({
      %run_scoped3A_58 = tpu.sem_alloc : memref<!tpu.dma_semaphore, #tpu.memory_space<semaphore_mem>>
      %dma_start3A_59 = arith.constant 0 : i32
      %dma_start3A_60 = arith.constant 0 : i32
      %dma_start3A_61 = tpu.memref_slice %arg3[%add3A, %dma_start3A_59, %dma_start3A_60] : memref<32x80x128xi32, #tpu.memory_space<hbm>> -> memref<1x80x128xi32, #tpu.memory_space<hbm>>
      %dma_start3A_62 = tpu.memref_squeeze %dma_start3A_61 : memref<1x80x128xi32, #tpu.memory_space<hbm>> -> memref<80x128xi32, #tpu.memory_space<hbm>>
      %dma_start3A_63 = arith.constant 0 : i32
      %dma_start3A_64 = arith.constant 0 : i32
      %dma_start3A_65 = tpu.memref_slice %arg3[%add3A, %dma_start3A_63, %dma_start3A_64] : memref<32x80x128xi32, #tpu.memory_space<hbm>> -> memref<1x80x128xi32, #tpu.memory_space<hbm>>
      %dma_start3A_66 = tpu.memref_squeeze %dma_start3A_65 : memref<1x80x128xi32, #tpu.memory_space<hbm>> -> memref<80x128xi32, #tpu.memory_space<hbm>>
      tpu.enqueue_dma source(%dma_start3A_66 : memref<80x128xi32, #tpu.memory_space<hbm>>) target(%arg6 : memref<80x128xi32, #tpu.memory_space<vmem>>) target_semaphore(%run_scoped3A_58 : memref<!tpu.dma_semaphore, #tpu.memory_space<semaphore_mem>>)
      %dma_wait3A_67 = arith.constant 0 : i32
      %dma_wait3A_68 = arith.constant 0 : i32
      %dma_wait3A_69 = tpu.memref_slice %arg3[%add3A, %dma_wait3A_67, %dma_wait3A_68] : memref<32x80x128xi32, #tpu.memory_space<hbm>> -> memref<1x80x128xi32, #tpu.memory_space<hbm>>
      %dma_wait3A_70 = tpu.memref_squeeze %dma_wait3A_69 : memref<1x80x128xi32, #tpu.memory_space<hbm>> -> memref<80x128xi32, #tpu.memory_space<hbm>>
      %dma_wait3A_71 = arith.constant 0 : i32
      %dma_wait3A_72 = arith.constant 0 : i32
      %dma_wait3A_73 = tpu.memref_slice %arg3[%add3A, %dma_wait3A_71, %dma_wait3A_72] : memref<32x80x128xi32, #tpu.memory_space<hbm>> -> memref<1x80x128xi32, #tpu.memory_space<hbm>>
      %dma_wait3A_74 = tpu.memref_squeeze %dma_wait3A_73 : memref<1x80x128xi32, #tpu.memory_space<hbm>> -> memref<80x128xi32, #tpu.memory_space<hbm>>
      tpu.wait_dma2 semaphore(%run_scoped3A_58 : memref<!tpu.dma_semaphore, #tpu.memory_space<semaphore_mem>>) src(%dma_wait3A_74 : memref<80x128xi32, #tpu.memory_space<hbm>>) dst(%arg6 : memref<80x128xi32, #tpu.memory_space<vmem>>)
      tpu.yield
    }) : () -> ()
    %lt3A = arith.constant 15 : i32
    %lt3A_1 = arith.cmpi slt, %arg1, %lt3A : i32
    %convert_element_type3A = arith.extui %lt3A_1 : i1 to i32
    %cond3A = arith.constant 0 : i32
    %cond3A_2 = arith.cmpi ne, %convert_element_type3A, %cond3A : i32
    scf.if %cond3A_2 {
      %mul3A_58 = arith.constant 624 : i32
      %mul3A_59 = arith.muli %arg1, %mul3A_58 : i32
      "tpu.region"() ({
        %run_scoped3A_60 = tpu.sem_alloc : memref<!tpu.dma_semaphore, #tpu.memory_space<semaphore_mem>>
        %dma_start3A_61 = arith.constant 0 : i32
        %dma_start3A_62 = tpu.memref_slice %arg9[%mul3A_59, %dma_start3A_61] : memref<10000x128xf32, #tpu.memory_space<vmem_shared>> -> memref<624x128xf32, #tpu.memory_space<vmem_shared>>
        %dma_start3A_63 = arith.constant 0 : i32
        %dma_start3A_64 = arith.constant 0 : i32
        %dma_start3A_65 = tpu.memref_slice %arg4[%dma_start3A_63, %dma_start3A_64] : memref<640x128xf32, #tpu.memory_space<hbm>> -> memref<624x128xf32, #tpu.memory_space<hbm>>
        tpu.enqueue_dma source(%dma_start3A_65 : memref<624x128xf32, #tpu.memory_space<hbm>>) target(%dma_start3A_62 : memref<624x128xf32, #tpu.memory_space<vmem_shared>>) target_semaphore(%run_scoped3A_60 : memref<!tpu.dma_semaphore, #tpu.memory_space<semaphore_mem>>)
        %dma_wait3A_66 = arith.constant 0 : i32
        %dma_wait3A_67 = tpu.memref_slice %arg9[%mul3A_59, %dma_wait3A_66] : memref<10000x128xf32, #tpu.memory_space<vmem_shared>> -> memref<624x128xf32, #tpu.memory_space<vmem_shared>>
        %dma_wait3A_68 = arith.constant 0 : i32
        %dma_wait3A_69 = arith.constant 0 : i32
        %dma_wait3A_70 = tpu.memref_slice %arg4[%dma_wait3A_68, %dma_wait3A_69] : memref<640x128xf32, #tpu.memory_space<hbm>> -> memref<624x128xf32, #tpu.memory_space<hbm>>
        tpu.wait_dma2 semaphore(%run_scoped3A_60 : memref<!tpu.dma_semaphore, #tpu.memory_space<semaphore_mem>>) src(%dma_wait3A_70 : memref<624x128xf32, #tpu.memory_space<hbm>>) dst(%dma_wait3A_67 : memref<624x128xf32, #tpu.memory_space<vmem_shared>>)
        tpu.yield
      }) : () -> ()
    } else {
    }
    %eq3A = arith.constant 15 : i32
    %eq3A_3 = arith.cmpi eq, %arg1, %eq3A : i32
    %convert_element_type3A_4 = arith.extui %eq3A_3 : i1 to i32
    %cond3A_5 = arith.constant 0 : i32
    %cond3A_6 = arith.cmpi ne, %convert_element_type3A_4, %cond3A_5 : i32
    scf.if %cond3A_6 {
      "tpu.region"() ({
        %run_scoped3A_58 = tpu.sem_alloc : memref<!tpu.dma_semaphore, #tpu.memory_space<semaphore_mem>>
        %dma_start3A_59 = arith.constant 9360 : i32
        %dma_start3A_60 = arith.constant 0 : i32
        %dma_start3A_61 = tpu.memref_slice %arg9[%dma_start3A_59, %dma_start3A_60] : memref<10000x128xf32, #tpu.memory_space<vmem_shared>> -> memref<640x128xf32, #tpu.memory_space<vmem_shared>>
        tpu.enqueue_dma source(%arg4 : memref<640x128xf32, #tpu.memory_space<hbm>>) target(%dma_start3A_61 : memref<640x128xf32, #tpu.memory_space<vmem_shared>>) target_semaphore(%run_scoped3A_58 : memref<!tpu.dma_semaphore, #tpu.memory_space<semaphore_mem>>)
        %dma_wait3A_62 = arith.constant 9360 : i32
        %dma_wait3A_63 = arith.constant 0 : i32
        %dma_wait3A_64 = tpu.memref_slice %arg9[%dma_wait3A_62, %dma_wait3A_63] : memref<10000x128xf32, #tpu.memory_space<vmem_shared>> -> memref<640x128xf32, #tpu.memory_space<vmem_shared>>
        tpu.wait_dma2 semaphore(%run_scoped3A_58 : memref<!tpu.dma_semaphore, #tpu.memory_space<semaphore_mem>>) src(%arg4 : memref<640x128xf32, #tpu.memory_space<hbm>>) dst(%dma_wait3A_64 : memref<640x128xf32, #tpu.memory_space<vmem_shared>>)
        tpu.yield
      }) : () -> ()
    } else {
    }
    %barrier3A = arith.constant 0 : index
    tpu.barrier barrier_id(%barrier3A)
    %dma_start3A = arith.constant 0 : i32
    %dma_start3A_7 = arith.constant 0 : i32
    %dma_start3A_8 = arith.constant 0 : i32
    %dma_start3A_9 = tpu.memref_slice %arg2[%add3A, %dma_start3A, %dma_start3A_7, %dma_start3A_8] : memref<32x80x128x128xf32, #tpu.memory_space<hbm>> -> memref<1x1x128x128xf32, #tpu.memory_space<hbm>>
    %dma_start3A_10 = tpu.memref_squeeze %dma_start3A_9 : memref<1x1x128x128xf32, #tpu.memory_space<hbm>> -> memref<128x128xf32, #tpu.memory_space<hbm>>
    %dma_start3A_11 = arith.constant 0 : i32
    %dma_start3A_12 = arith.constant 0 : i32
    %dma_start3A_13 = tpu.memref_slice %arg2[%add3A, %dma_start3A, %dma_start3A_11, %dma_start3A_12] : memref<32x80x128x128xf32, #tpu.memory_space<hbm>> -> memref<1x1x128x128xf32, #tpu.memory_space<hbm>>
    %dma_start3A_14 = tpu.memref_squeeze %dma_start3A_13 : memref<1x1x128x128xf32, #tpu.memory_space<hbm>> -> memref<128x128xf32, #tpu.memory_space<hbm>>
    tpu.enqueue_dma source(%dma_start3A_14 : memref<128x128xf32, #tpu.memory_space<hbm>>) target(%arg7 : memref<128x128xf32, #tpu.memory_space<vmem>>) target_semaphore(%arg10 : memref<!tpu.dma_semaphore, #tpu.memory_space<semaphore_mem>>)
    %scan3A = arith.constant 0 : i32
    %scan3A_15 = arith.constant 0 : i32
    %scan3A_16 = arith.constant 39 : i32
    %scan3A_17 = arith.addi %scan3A_15, %scan3A_16 : i32
    %scan3A_18 = arith.constant 1 : i32
    scf.for %scan3A_58 = %scan3A_15 to %scan3A_17 step %scan3A_18  : i32 {
      %mul3A_59 = arith.constant 2 : i32
      %mul3A_60 = arith.muli %mul3A_59, %scan3A_58 : i32
      %dma_wait3A_61 = arith.constant 0 : i32
      %dma_wait3A_62 = arith.constant 0 : i32
      %dma_wait3A_63 = tpu.memref_slice %arg2[%add3A, %mul3A_60, %dma_wait3A_61, %dma_wait3A_62] : memref<32x80x128x128xf32, #tpu.memory_space<hbm>> -> memref<1x1x128x128xf32, #tpu.memory_space<hbm>>
      %dma_wait3A_64 = tpu.memref_squeeze %dma_wait3A_63 : memref<1x1x128x128xf32, #tpu.memory_space<hbm>> -> memref<128x128xf32, #tpu.memory_space<hbm>>
      %dma_wait3A_65 = arith.constant 0 : i32
      %dma_wait3A_66 = arith.constant 0 : i32
      %dma_wait3A_67 = tpu.memref_slice %arg2[%add3A, %mul3A_60, %dma_wait3A_65, %dma_wait3A_66] : memref<32x80x128x128xf32, #tpu.memory_space<hbm>> -> memref<1x1x128x128xf32, #tpu.memory_space<hbm>>
      %dma_wait3A_68 = tpu.memref_squeeze %dma_wait3A_67 : memref<1x1x128x128xf32, #tpu.memory_space<hbm>> -> memref<128x128xf32, #tpu.memory_space<hbm>>
      tpu.wait_dma2 semaphore(%arg10 : memref<!tpu.dma_semaphore, #tpu.memory_space<semaphore_mem>>) src(%dma_wait3A_68 : memref<128x128xf32, #tpu.memory_space<hbm>>) dst(%arg7 : memref<128x128xf32, #tpu.memory_space<vmem>>)
      %add3A_69 = arith.constant 1 : i32
      %add3A_70 = arith.addi %mul3A_60, %add3A_69 : i32
      %dma_start3A_71 = arith.constant 0 : i32
      %dma_start3A_72 = arith.constant 0 : i32
      %dma_start3A_73 = tpu.memref_slice %arg2[%add3A, %add3A_70, %dma_start3A_71, %dma_start3A_72] : memref<32x80x128x128xf32, #tpu.memory_space<hbm>> -> memref<1x1x128x128xf32, #tpu.memory_space<hbm>>
      %dma_start3A_74 = tpu.memref_squeeze %dma_start3A_73 : memref<1x1x128x128xf32, #tpu.memory_space<hbm>> -> memref<128x128xf32, #tpu.memory_space<hbm>>
      %dma_start3A_75 = arith.constant 0 : i32
      %dma_start3A_76 = arith.constant 0 : i32
      %dma_start3A_77 = tpu.memref_slice %arg2[%add3A, %add3A_70, %dma_start3A_75, %dma_start3A_76] : memref<32x80x128x128xf32, #tpu.memory_space<hbm>> -> memref<1x1x128x128xf32, #tpu.memory_space<hbm>>
      %dma_start3A_78 = tpu.memref_squeeze %dma_start3A_77 : memref<1x1x128x128xf32, #tpu.memory_space<hbm>> -> memref<128x128xf32, #tpu.memory_space<hbm>>
      tpu.enqueue_dma source(%dma_start3A_78 : memref<128x128xf32, #tpu.memory_space<hbm>>) target(%arg8 : memref<128x128xf32, #tpu.memory_space<vmem>>) target_semaphore(%arg11 : memref<!tpu.dma_semaphore, #tpu.memory_space<semaphore_mem>>)
      "tpu.region"() ({
        %run_scoped3A_101 = tpu.sem_alloc : memref<!tpu.dma_semaphore, #tpu.memory_space<semaphore_mem>>
        %dma_start3A_102 = arith.constant 0 : i32
        %dma_start3A_103 = tpu.memref_slice %arg6[%mul3A_60, %dma_start3A_102] : memref<80x128xi32, #tpu.memory_space<vmem>> -> memref<1x128xi32, #tpu.memory_space<vmem>>
        %dma_start3A_104 = tpu.memref_squeeze %dma_start3A_103 : memref<1x128xi32, #tpu.memory_space<vmem>> -> memref<128xi32, #tpu.memory_space<vmem>>
        %dma_start3A_105 = arith.constant 0 : i32
        %dma_start3A_106 = arith.constant 0 : i32
        %dma_start3A_107 = tpu.memref_slice %arg9[%dma_start3A_105, %dma_start3A_106] : memref<10000x128xf32, #tpu.memory_space<vmem_shared>> -> memref<10000x128xf32, #tpu.memory_space<vmem_shared>>
        tpu.enqueue_indirect_dma source(%arg7 : memref<128x128xf32, #tpu.memory_space<vmem>>) target(%dma_start3A_107 : memref<10000x128xf32, #tpu.memory_space<vmem_shared>>) offsets(%dma_start3A_104 : memref<128xi32, #tpu.memory_space<vmem>>) semaphore(%run_scoped3A_101 : memref<!tpu.dma_semaphore, #tpu.memory_space<semaphore_mem>>) {add = true}
        %dma_wait3A_108 = arith.constant 0 : i32
        %dma_wait3A_109 = tpu.memref_slice %arg6[%mul3A_60, %dma_wait3A_108] : memref<80x128xi32, #tpu.memory_space<vmem>> -> memref<1x128xi32, #tpu.memory_space<vmem>>
        %dma_wait3A_110 = tpu.memref_squeeze %dma_wait3A_109 : memref<1x128xi32, #tpu.memory_space<vmem>> -> memref<128xi32, #tpu.memory_space<vmem>>
        %dma_wait3A_111 = arith.constant 0 : i32
        %dma_wait3A_112 = arith.constant 0 : i32
        %dma_wait3A_113 = tpu.memref_slice %arg9[%dma_wait3A_111, %dma_wait3A_112] : memref<10000x128xf32, #tpu.memory_space<vmem_shared>> -> memref<10000x128xf32, #tpu.memory_space<vmem_shared>>
        tpu.wait_indirect_dma semaphore(%run_scoped3A_101 : memref<!tpu.dma_semaphore, #tpu.memory_space<semaphore_mem>>) src(%arg7 : memref<128x128xf32, #tpu.memory_space<vmem>>) dst(%dma_wait3A_113 : memref<10000x128xf32, #tpu.memory_space<vmem_shared>>)
        tpu.yield
      }) : () -> ()
      %add3A_79 = arith.constant 2 : i32
      %add3A_80 = arith.addi %mul3A_60, %add3A_79 : i32
      %dma_start3A_81 = arith.constant 0 : i32
      %dma_start3A_82 = arith.constant 0 : i32
      %dma_start3A_83 = tpu.memref_slice %arg2[%add3A, %add3A_80, %dma_start3A_81, %dma_start3A_82] : memref<32x80x128x128xf32, #tpu.memory_space<hbm>> -> memref<1x1x128x128xf32, #tpu.memory_space<hbm>>
      %dma_start3A_84 = tpu.memref_squeeze %dma_start3A_83 : memref<1x1x128x128xf32, #tpu.memory_space<hbm>> -> memref<128x128xf32, #tpu.memory_space<hbm>>
      %dma_start3A_85 = arith.constant 0 : i32
      %dma_start3A_86 = arith.constant 0 : i32
      %dma_start3A_87 = tpu.memref_slice %arg2[%add3A, %add3A_80, %dma_start3A_85, %dma_start3A_86] : memref<32x80x128x128xf32, #tpu.memory_space<hbm>> -> memref<1x1x128x128xf32, #tpu.memory_space<hbm>>
      %dma_start3A_88 = tpu.memref_squeeze %dma_start3A_87 : memref<1x1x128x128xf32, #tpu.memory_space<hbm>> -> memref<128x128xf32, #tpu.memory_space<hbm>>
      tpu.enqueue_dma source(%dma_start3A_88 : memref<128x128xf32, #tpu.memory_space<hbm>>) target(%arg7 : memref<128x128xf32, #tpu.memory_space<vmem>>) target_semaphore(%arg10 : memref<!tpu.dma_semaphore, #tpu.memory_space<semaphore_mem>>)
      %add3A_89 = arith.constant 1 : i32
      %add3A_90 = arith.addi %mul3A_60, %add3A_89 : i32
      %dma_wait3A_91 = arith.constant 0 : i32
      %dma_wait3A_92 = arith.constant 0 : i32
      %dma_wait3A_93 = tpu.memref_slice %arg2[%add3A, %add3A_90, %dma_wait3A_91, %dma_wait3A_92] : memref<32x80x128x128xf32, #tpu.memory_space<hbm>> -> memref<1x1x128x128xf32, #tpu.memory_space<hbm>>
      %dma_wait3A_94 = tpu.memref_squeeze %dma_wait3A_93 : memref<1x1x128x128xf32, #tpu.memory_space<hbm>> -> memref<128x128xf32, #tpu.memory_space<hbm>>
      %dma_wait3A_95 = arith.constant 0 : i32
      %dma_wait3A_96 = arith.constant 0 : i32
      %dma_wait3A_97 = tpu.memref_slice %arg2[%add3A, %add3A_90, %dma_wait3A_95, %dma_wait3A_96] : memref<32x80x128x128xf32, #tpu.memory_space<hbm>> -> memref<1x1x128x128xf32, #tpu.memory_space<hbm>>
      %dma_wait3A_98 = tpu.memref_squeeze %dma_wait3A_97 : memref<1x1x128x128xf32, #tpu.memory_space<hbm>> -> memref<128x128xf32, #tpu.memory_space<hbm>>
      tpu.wait_dma2 semaphore(%arg11 : memref<!tpu.dma_semaphore, #tpu.memory_space<semaphore_mem>>) src(%dma_wait3A_98 : memref<128x128xf32, #tpu.memory_space<hbm>>) dst(%arg8 : memref<128x128xf32, #tpu.memory_space<vmem>>)
      %add3A_99 = arith.constant 1 : i32
      %add3A_100 = arith.addi %mul3A_60, %add3A_99 : i32
      "tpu.region"() ({
        %run_scoped3A_101 = tpu.sem_alloc : memref<!tpu.dma_semaphore, #tpu.memory_space<semaphore_mem>>
        %dma_start3A_102 = arith.constant 0 : i32
        %dma_start3A_103 = tpu.memref_slice %arg6[%add3A_100, %dma_start3A_102] : memref<80x128xi32, #tpu.memory_space<vmem>> -> memref<1x128xi32, #tpu.memory_space<vmem>>
        %dma_start3A_104 = tpu.memref_squeeze %dma_start3A_103 : memref<1x128xi32, #tpu.memory_space<vmem>> -> memref<128xi32, #tpu.memory_space<vmem>>
        %dma_start3A_105 = arith.constant 0 : i32
        %dma_start3A_106 = arith.constant 0 : i32
        %dma_start3A_107 = tpu.memref_slice %arg9[%dma_start3A_105, %dma_start3A_106] : memref<10000x128xf32, #tpu.memory_space<vmem_shared>> -> memref<10000x128xf32, #tpu.memory_space<vmem_shared>>
        tpu.enqueue_indirect_dma source(%arg8 : memref<128x128xf32, #tpu.memory_space<vmem>>) target(%dma_start3A_107 : memref<10000x128xf32, #tpu.memory_space<vmem_shared>>) offsets(%dma_start3A_104 : memref<128xi32, #tpu.memory_space<vmem>>) semaphore(%run_scoped3A_101 : memref<!tpu.dma_semaphore, #tpu.memory_space<semaphore_mem>>) {add = true}
        %dma_wait3A_108 = arith.constant 0 : i32
        %dma_wait3A_109 = tpu.memref_slice %arg6[%add3A_100, %dma_wait3A_108] : memref<80x128xi32, #tpu.memory_space<vmem>> -> memref<1x128xi32, #tpu.memory_space<vmem>>
        %dma_wait3A_110 = tpu.memref_squeeze %dma_wait3A_109 : memref<1x128xi32, #tpu.memory_space<vmem>> -> memref<128xi32, #tpu.memory_space<vmem>>
        %dma_wait3A_111 = arith.constant 0 : i32
        %dma_wait3A_112 = arith.constant 0 : i32
        %dma_wait3A_113 = tpu.memref_slice %arg9[%dma_wait3A_111, %dma_wait3A_112] : memref<10000x128xf32, #tpu.memory_space<vmem_shared>> -> memref<10000x128xf32, #tpu.memory_space<vmem_shared>>
        tpu.wait_indirect_dma semaphore(%run_scoped3A_101 : memref<!tpu.dma_semaphore, #tpu.memory_space<semaphore_mem>>) src(%arg8 : memref<128x128xf32, #tpu.memory_space<vmem>>) dst(%dma_wait3A_113 : memref<10000x128xf32, #tpu.memory_space<vmem_shared>>)
        tpu.yield
      }) : () -> ()
    }
    %scan3A_19 = arith.constant 39 : i32
    %dma_wait3A = arith.constant 78 : i32
    %dma_wait3A_20 = arith.constant 0 : i32
    %dma_wait3A_21 = arith.constant 0 : i32
    %dma_wait3A_22 = tpu.memref_slice %arg2[%add3A, %dma_wait3A, %dma_wait3A_20, %dma_wait3A_21] : memref<32x80x128x128xf32, #tpu.memory_space<hbm>> -> memref<1x1x128x128xf32, #tpu.memory_space<hbm>>
    %dma_wait3A_23 = tpu.memref_squeeze %dma_wait3A_22 : memref<1x1x128x128xf32, #tpu.memory_space<hbm>> -> memref<128x128xf32, #tpu.memory_space<hbm>>
    %dma_wait3A_24 = arith.constant 0 : i32
    %dma_wait3A_25 = arith.constant 0 : i32
    %dma_wait3A_26 = tpu.memref_slice %arg2[%add3A, %dma_wait3A, %dma_wait3A_24, %dma_wait3A_25] : memref<32x80x128x128xf32, #tpu.memory_space<hbm>> -> memref<1x1x128x128xf32, #tpu.memory_space<hbm>>
    %dma_wait3A_27 = tpu.memref_squeeze %dma_wait3A_26 : memref<1x1x128x128xf32, #tpu.memory_space<hbm>> -> memref<128x128xf32, #tpu.memory_space<hbm>>
    tpu.wait_dma2 semaphore(%arg10 : memref<!tpu.dma_semaphore, #tpu.memory_space<semaphore_mem>>) src(%dma_wait3A_27 : memref<128x128xf32, #tpu.memory_space<hbm>>) dst(%arg7 : memref<128x128xf32, #tpu.memory_space<vmem>>)
    %dma_start3A_28 = arith.constant 79 : i32
    %dma_start3A_29 = arith.constant 0 : i32
    %dma_start3A_30 = arith.constant 0 : i32
    %dma_start3A_31 = tpu.memref_slice %arg2[%add3A, %dma_start3A_28, %dma_start3A_29, %dma_start3A_30] : memref<32x80x128x128xf32, #tpu.memory_space<hbm>> -> memref<1x1x128x128xf32, #tpu.memory_space<hbm>>
    %dma_start3A_32 = tpu.memref_squeeze %dma_start3A_31 : memref<1x1x128x128xf32, #tpu.memory_space<hbm>> -> memref<128x128xf32, #tpu.memory_space<hbm>>
    %dma_start3A_33 = arith.constant 0 : i32
    %dma_start3A_34 = arith.constant 0 : i32
    %dma_start3A_35 = tpu.memref_slice %arg2[%add3A, %dma_start3A_28, %dma_start3A_33, %dma_start3A_34] : memref<32x80x128x128xf32, #tpu.memory_space<hbm>> -> memref<1x1x128x128xf32, #tpu.memory_space<hbm>>
    %dma_start3A_36 = tpu.memref_squeeze %dma_start3A_35 : memref<1x1x128x128xf32, #tpu.memory_space<hbm>> -> memref<128x128xf32, #tpu.memory_space<hbm>>
    tpu.enqueue_dma source(%dma_start3A_36 : memref<128x128xf32, #tpu.memory_space<hbm>>) target(%arg8 : memref<128x128xf32, #tpu.memory_space<vmem>>) target_semaphore(%arg11 : memref<!tpu.dma_semaphore, #tpu.memory_space<semaphore_mem>>)
    %run_scoped3A = arith.constant 78 : i32
    "tpu.region"() ({
      %run_scoped3A_58 = tpu.sem_alloc : memref<!tpu.dma_semaphore, #tpu.memory_space<semaphore_mem>>
      %dma_start3A_59 = arith.constant 0 : i32
      %dma_start3A_60 = tpu.memref_slice %arg6[%run_scoped3A, %dma_start3A_59] : memref<80x128xi32, #tpu.memory_space<vmem>> -> memref<1x128xi32, #tpu.memory_space<vmem>>
      %dma_start3A_61 = tpu.memref_squeeze %dma_start3A_60 : memref<1x128xi32, #tpu.memory_space<vmem>> -> memref<128xi32, #tpu.memory_space<vmem>>
      %dma_start3A_62 = arith.constant 0 : i32
      %dma_start3A_63 = arith.constant 0 : i32
      %dma_start3A_64 = tpu.memref_slice %arg9[%dma_start3A_62, %dma_start3A_63] : memref<10000x128xf32, #tpu.memory_space<vmem_shared>> -> memref<10000x128xf32, #tpu.memory_space<vmem_shared>>
      tpu.enqueue_indirect_dma source(%arg7 : memref<128x128xf32, #tpu.memory_space<vmem>>) target(%dma_start3A_64 : memref<10000x128xf32, #tpu.memory_space<vmem_shared>>) offsets(%dma_start3A_61 : memref<128xi32, #tpu.memory_space<vmem>>) semaphore(%run_scoped3A_58 : memref<!tpu.dma_semaphore, #tpu.memory_space<semaphore_mem>>) {add = true}
      %dma_wait3A_65 = arith.constant 0 : i32
      %dma_wait3A_66 = tpu.memref_slice %arg6[%run_scoped3A, %dma_wait3A_65] : memref<80x128xi32, #tpu.memory_space<vmem>> -> memref<1x128xi32, #tpu.memory_space<vmem>>
      %dma_wait3A_67 = tpu.memref_squeeze %dma_wait3A_66 : memref<1x128xi32, #tpu.memory_space<vmem>> -> memref<128xi32, #tpu.memory_space<vmem>>
      %dma_wait3A_68 = arith.constant 0 : i32
      %dma_wait3A_69 = arith.constant 0 : i32
      %dma_wait3A_70 = tpu.memref_slice %arg9[%dma_wait3A_68, %dma_wait3A_69] : memref<10000x128xf32, #tpu.memory_space<vmem_shared>> -> memref<10000x128xf32, #tpu.memory_space<vmem_shared>>
      tpu.wait_indirect_dma semaphore(%run_scoped3A_58 : memref<!tpu.dma_semaphore, #tpu.memory_space<semaphore_mem>>) src(%arg7 : memref<128x128xf32, #tpu.memory_space<vmem>>) dst(%dma_wait3A_70 : memref<10000x128xf32, #tpu.memory_space<vmem_shared>>)
      tpu.yield
    }) : () -> ()
    %dma_wait3A_37 = arith.constant 79 : i32
    %dma_wait3A_38 = arith.constant 0 : i32
    %dma_wait3A_39 = arith.constant 0 : i32
    %dma_wait3A_40 = tpu.memref_slice %arg2[%add3A, %dma_wait3A_37, %dma_wait3A_38, %dma_wait3A_39] : memref<32x80x128x128xf32, #tpu.memory_space<hbm>> -> memref<1x1x128x128xf32, #tpu.memory_space<hbm>>
    %dma_wait3A_41 = tpu.memref_squeeze %dma_wait3A_40 : memref<1x1x128x128xf32, #tpu.memory_space<hbm>> -> memref<128x128xf32, #tpu.memory_space<hbm>>
    %dma_wait3A_42 = arith.constant 0 : i32
    %dma_wait3A_43 = arith.constant 0 : i32
    %dma_wait3A_44 = tpu.memref_slice %arg2[%add3A, %dma_wait3A_37, %dma_wait3A_42, %dma_wait3A_43] : memref<32x80x128x128xf32, #tpu.memory_space<hbm>> -> memref<1x1x128x128xf32, #tpu.memory_space<hbm>>
    %dma_wait3A_45 = tpu.memref_squeeze %dma_wait3A_44 : memref<1x1x128x128xf32, #tpu.memory_space<hbm>> -> memref<128x128xf32, #tpu.memory_space<hbm>>
    tpu.wait_dma2 semaphore(%arg11 : memref<!tpu.dma_semaphore, #tpu.memory_space<semaphore_mem>>) src(%dma_wait3A_45 : memref<128x128xf32, #tpu.memory_space<hbm>>) dst(%arg8 : memref<128x128xf32, #tpu.memory_space<vmem>>)
    %run_scoped3A_46 = arith.constant 79 : i32
    "tpu.region"() ({
      %run_scoped3A_58 = tpu.sem_alloc : memref<!tpu.dma_semaphore, #tpu.memory_space<semaphore_mem>>
      %dma_start3A_59 = arith.constant 0 : i32
      %dma_start3A_60 = tpu.memref_slice %arg6[%run_scoped3A_46, %dma_start3A_59] : memref<80x128xi32, #tpu.memory_space<vmem>> -> memref<1x128xi32, #tpu.memory_space<vmem>>
      %dma_start3A_61 = tpu.memref_squeeze %dma_start3A_60 : memref<1x128xi32, #tpu.memory_space<vmem>> -> memref<128xi32, #tpu.memory_space<vmem>>
      %dma_start3A_62 = arith.constant 0 : i32
      %dma_start3A_63 = arith.constant 0 : i32
      %dma_start3A_64 = tpu.memref_slice %arg9[%dma_start3A_62, %dma_start3A_63] : memref<10000x128xf32, #tpu.memory_space<vmem_shared>> -> memref<10000x128xf32, #tpu.memory_space<vmem_shared>>
      tpu.enqueue_indirect_dma source(%arg8 : memref<128x128xf32, #tpu.memory_space<vmem>>) target(%dma_start3A_64 : memref<10000x128xf32, #tpu.memory_space<vmem_shared>>) offsets(%dma_start3A_61 : memref<128xi32, #tpu.memory_space<vmem>>) semaphore(%run_scoped3A_58 : memref<!tpu.dma_semaphore, #tpu.memory_space<semaphore_mem>>) {add = true}
      %dma_wait3A_65 = arith.constant 0 : i32
      %dma_wait3A_66 = tpu.memref_slice %arg6[%run_scoped3A_46, %dma_wait3A_65] : memref<80x128xi32, #tpu.memory_space<vmem>> -> memref<1x128xi32, #tpu.memory_space<vmem>>
      %dma_wait3A_67 = tpu.memref_squeeze %dma_wait3A_66 : memref<1x128xi32, #tpu.memory_space<vmem>> -> memref<128xi32, #tpu.memory_space<vmem>>
      %dma_wait3A_68 = arith.constant 0 : i32
      %dma_wait3A_69 = arith.constant 0 : i32
      %dma_wait3A_70 = tpu.memref_slice %arg9[%dma_wait3A_68, %dma_wait3A_69] : memref<10000x128xf32, #tpu.memory_space<vmem_shared>> -> memref<10000x128xf32, #tpu.memory_space<vmem_shared>>
      tpu.wait_indirect_dma semaphore(%run_scoped3A_58 : memref<!tpu.dma_semaphore, #tpu.memory_space<semaphore_mem>>) src(%arg8 : memref<128x128xf32, #tpu.memory_space<vmem>>) dst(%dma_wait3A_70 : memref<10000x128xf32, #tpu.memory_space<vmem_shared>>)
      tpu.yield
    }) : () -> ()
    %barrier3A_47 = arith.constant 0 : index
    tpu.barrier barrier_id(%barrier3A_47)
    %lt3A_48 = arith.constant 15 : i32
    %lt3A_49 = arith.cmpi slt, %arg1, %lt3A_48 : i32
    %convert_element_type3A_50 = arith.extui %lt3A_49 : i1 to i32
    %cond3A_51 = arith.constant 0 : i32
    %cond3A_52 = arith.cmpi ne, %convert_element_type3A_50, %cond3A_51 : i32
    scf.if %cond3A_52 {
      %mul3A_58 = arith.constant 624 : i32
      %mul3A_59 = arith.muli %arg1, %mul3A_58 : i32
      %mul3A_60 = arith.constant 624 : i32
      %mul3A_61 = arith.muli %arg1, %mul3A_60 : i32
      "tpu.region"() ({
        %run_scoped3A_62 = tpu.sem_alloc : memref<!tpu.dma_semaphore, #tpu.memory_space<semaphore_mem>>
        %dma_start3A_63 = arith.constant 0 : i32
        %dma_start3A_64 = tpu.memref_slice %arg5[%arg0, %mul3A_61, %dma_start3A_63] : memref<2x10000x128xf32, #tpu.memory_space<hbm>> -> memref<1x624x128xf32, #tpu.memory_space<hbm>>
        %dma_start3A_65 = tpu.memref_squeeze %dma_start3A_64 : memref<1x624x128xf32, #tpu.memory_space<hbm>> -> memref<624x128xf32, #tpu.memory_space<hbm>>
        %dma_start3A_66 = arith.constant 0 : i32
        %dma_start3A_67 = tpu.memref_slice %arg9[%mul3A_59, %dma_start3A_66] : memref<10000x128xf32, #tpu.memory_space<vmem_shared>> -> memref<624x128xf32, #tpu.memory_space<vmem_shared>>
        tpu.enqueue_dma source(%dma_start3A_67 : memref<624x128xf32, #tpu.memory_space<vmem_shared>>) target(%dma_start3A_65 : memref<624x128xf32, #tpu.memory_space<hbm>>) target_semaphore(%run_scoped3A_62 : memref<!tpu.dma_semaphore, #tpu.memory_space<semaphore_mem>>)
        %dma_wait3A_68 = arith.constant 0 : i32
        %dma_wait3A_69 = tpu.memref_slice %arg5[%arg0, %mul3A_61, %dma_wait3A_68] : memref<2x10000x128xf32, #tpu.memory_space<hbm>> -> memref<1x624x128xf32, #tpu.memory_space<hbm>>
        %dma_wait3A_70 = tpu.memref_squeeze %dma_wait3A_69 : memref<1x624x128xf32, #tpu.memory_space<hbm>> -> memref<624x128xf32, #tpu.memory_space<hbm>>
        %dma_wait3A_71 = arith.constant 0 : i32
        %dma_wait3A_72 = tpu.memref_slice %arg9[%mul3A_59, %dma_wait3A_71] : memref<10000x128xf32, #tpu.memory_space<vmem_shared>> -> memref<624x128xf32, #tpu.memory_space<vmem_shared>>
        tpu.wait_dma2 semaphore(%run_scoped3A_62 : memref<!tpu.dma_semaphore, #tpu.memory_space<semaphore_mem>>) src(%dma_wait3A_72 : memref<624x128xf32, #tpu.memory_space<vmem_shared>>) dst(%dma_wait3A_70 : memref<624x128xf32, #tpu.memory_space<hbm>>)
        tpu.yield
      }) : () -> ()
    } else {
    }
    %eq3A_53 = arith.constant 15 : i32
    %eq3A_54 = arith.cmpi eq, %arg1, %eq3A_53 : i32
    %convert_element_type3A_55 = arith.extui %eq3A_54 : i1 to i32
    %cond3A_56 = arith.constant 0 : i32
    %cond3A_57 = arith.cmpi ne, %convert_element_type3A_55, %cond3A_56 : i32
    scf.if %cond3A_57 {
      "tpu.region"() ({
        %run_scoped3A_58 = tpu.sem_alloc : memref<!tpu.dma_semaphore, #tpu.memory_space<semaphore_mem>>
        %dma_start3A_59 = arith.constant 9360 : i32
        %dma_start3A_60 = arith.constant 0 : i32
        %dma_start3A_61 = tpu.memref_slice %arg5[%arg0, %dma_start3A_59, %dma_start3A_60] : memref<2x10000x128xf32, #tpu.memory_space<hbm>> -> memref<1x640x128xf32, #tpu.memory_space<hbm>>
        %dma_start3A_62 = tpu.memref_squeeze %dma_start3A_61 : memref<1x640x128xf32, #tpu.memory_space<hbm>> -> memref<640x128xf32, #tpu.memory_space<hbm>>
        %dma_start3A_63 = arith.constant 9360 : i32
        %dma_start3A_64 = arith.constant 0 : i32
        %dma_start3A_65 = tpu.memref_slice %arg9[%dma_start3A_63, %dma_start3A_64] : memref<10000x128xf32, #tpu.memory_space<vmem_shared>> -> memref<640x128xf32, #tpu.memory_space<vmem_shared>>
        tpu.enqueue_dma source(%dma_start3A_65 : memref<640x128xf32, #tpu.memory_space<vmem_shared>>) target(%dma_start3A_62 : memref<640x128xf32, #tpu.memory_space<hbm>>) target_semaphore(%run_scoped3A_58 : memref<!tpu.dma_semaphore, #tpu.memory_space<semaphore_mem>>)
        %dma_wait3A_66 = arith.constant 9360 : i32
        %dma_wait3A_67 = arith.constant 0 : i32
        %dma_wait3A_68 = tpu.memref_slice %arg5[%arg0, %dma_wait3A_66, %dma_wait3A_67] : memref<2x10000x128xf32, #tpu.memory_space<hbm>> -> memref<1x640x128xf32, #tpu.memory_space<hbm>>
        %dma_wait3A_69 = tpu.memref_squeeze %dma_wait3A_68 : memref<1x640x128xf32, #tpu.memory_space<hbm>> -> memref<640x128xf32, #tpu.memory_space<hbm>>
        %dma_wait3A_70 = arith.constant 9360 : i32
        %dma_wait3A_71 = arith.constant 0 : i32
        %dma_wait3A_72 = tpu.memref_slice %arg9[%dma_wait3A_70, %dma_wait3A_71] : memref<10000x128xf32, #tpu.memory_space<vmem_shared>> -> memref<640x128xf32, #tpu.memory_space<vmem_shared>>
        tpu.wait_dma2 semaphore(%run_scoped3A_58 : memref<!tpu.dma_semaphore, #tpu.memory_space<semaphore_mem>>) src(%dma_wait3A_72 : memref<640x128xf32, #tpu.memory_space<vmem_shared>>) dst(%dma_wait3A_69 : memref<640x128xf32, #tpu.memory_space<hbm>>)
        tpu.yield
      }) : () -> ()
    } else {
    }
    return
  }
}

#map = affine_map<(d0, d1) -> (0, 0)>
#map1 = affine_map<(d0, d1) -> (0, 0, 0)>
#map2 = affine_map<(d0, d1) -> (0, 0, 0, 0)>
module attributes {stable_mosaic.version = 14 : i64} {
  func.func @_gather(%arg0: i32, %arg1: i32, %arg2: memref<10000x128xf32, #tpu.memory_space<hbm>>, %arg3: memref<32x80x128xi32, #tpu.memory_space<hbm>>, %arg4: memref<32x80x128x128xf32, #tpu.memory_space<hbm>>, %arg5: memref<80x128xi32, #tpu.memory_space<vmem>>, %arg6: memref<128x128xf32, #tpu.memory_space<vmem>>, %arg7: memref<128x128xf32, #tpu.memory_space<vmem>>, %arg8: memref<!tpu.dma_semaphore, #tpu.memory_space<semaphore_mem>>, %arg9: memref<!tpu.dma_semaphore, #tpu.memory_space<semaphore_mem>>) attributes {dimension_semantics = [#tpu.dimension_semantics<core_parallel>, #tpu.dimension_semantics<subcore_parallel>], iteration_bounds = array<i64: 2, 16>, scalar_prefetch = 0 : i64, scratch_operands = 5 : i64, tpu.core_type = #tpu.core_type<sc_vector_subcore>, window_params = [{transform_indices = #map}, {transform_indices = #map1}, {transform_indices = #map2}]} {
    %mul3A = arith.constant 2 : i32
    %mul3A_0 = arith.muli %arg1, %mul3A : i32
    %add3A = arith.addi %mul3A_0, %arg0 : i32
    "tpu.region"() ({
      %run_scoped3A_33 = tpu.sem_alloc : memref<!tpu.dma_semaphore, #tpu.memory_space<semaphore_mem>>
      %dma_start3A_34 = arith.constant 0 : i32
      %dma_start3A_35 = arith.constant 0 : i32
      %dma_start3A_36 = tpu.memref_slice %arg3[%add3A, %dma_start3A_34, %dma_start3A_35] : memref<32x80x128xi32, #tpu.memory_space<hbm>> -> memref<1x80x128xi32, #tpu.memory_space<hbm>>
      %dma_start3A_37 = tpu.memref_squeeze %dma_start3A_36 : memref<1x80x128xi32, #tpu.memory_space<hbm>> -> memref<80x128xi32, #tpu.memory_space<hbm>>
      %dma_start3A_38 = arith.constant 0 : i32
      %dma_start3A_39 = arith.constant 0 : i32
      %dma_start3A_40 = tpu.memref_slice %arg3[%add3A, %dma_start3A_38, %dma_start3A_39] : memref<32x80x128xi32, #tpu.memory_space<hbm>> -> memref<1x80x128xi32, #tpu.memory_space<hbm>>
      %dma_start3A_41 = tpu.memref_squeeze %dma_start3A_40 : memref<1x80x128xi32, #tpu.memory_space<hbm>> -> memref<80x128xi32, #tpu.memory_space<hbm>>
      tpu.enqueue_dma source(%dma_start3A_41 : memref<80x128xi32, #tpu.memory_space<hbm>>) target(%arg5 : memref<80x128xi32, #tpu.memory_space<vmem>>) target_semaphore(%run_scoped3A_33 : memref<!tpu.dma_semaphore, #tpu.memory_space<semaphore_mem>>)
      %dma_wait3A_42 = arith.constant 0 : i32
      %dma_wait3A_43 = arith.constant 0 : i32
      %dma_wait3A_44 = tpu.memref_slice %arg3[%add3A, %dma_wait3A_42, %dma_wait3A_43] : memref<32x80x128xi32, #tpu.memory_space<hbm>> -> memref<1x80x128xi32, #tpu.memory_space<hbm>>
      %dma_wait3A_45 = tpu.memref_squeeze %dma_wait3A_44 : memref<1x80x128xi32, #tpu.memory_space<hbm>> -> memref<80x128xi32, #tpu.memory_space<hbm>>
      %dma_wait3A_46 = arith.constant 0 : i32
      %dma_wait3A_47 = arith.constant 0 : i32
      %dma_wait3A_48 = tpu.memref_slice %arg3[%add3A, %dma_wait3A_46, %dma_wait3A_47] : memref<32x80x128xi32, #tpu.memory_space<hbm>> -> memref<1x80x128xi32, #tpu.memory_space<hbm>>
      %dma_wait3A_49 = tpu.memref_squeeze %dma_wait3A_48 : memref<1x80x128xi32, #tpu.memory_space<hbm>> -> memref<80x128xi32, #tpu.memory_space<hbm>>
      tpu.wait_dma2 semaphore(%run_scoped3A_33 : memref<!tpu.dma_semaphore, #tpu.memory_space<semaphore_mem>>) src(%dma_wait3A_49 : memref<80x128xi32, #tpu.memory_space<hbm>>) dst(%arg5 : memref<80x128xi32, #tpu.memory_space<vmem>>)
      tpu.yield
    }) : () -> ()
    %dma_start3A = arith.constant 0 : i32
    %dma_start3A_1 = arith.constant 0 : i32
    %dma_start3A_2 = tpu.memref_slice %arg5[%dma_start3A, %dma_start3A_1] : memref<80x128xi32, #tpu.memory_space<vmem>> -> memref<1x128xi32, #tpu.memory_space<vmem>>
    %dma_start3A_3 = tpu.memref_squeeze %dma_start3A_2 : memref<1x128xi32, #tpu.memory_space<vmem>> -> memref<128xi32, #tpu.memory_space<vmem>>
    %dma_start3A_4 = arith.constant 0 : i32
    %dma_start3A_5 = arith.constant 0 : i32
    %dma_start3A_6 = tpu.memref_slice %arg2[%dma_start3A_4, %dma_start3A_5] : memref<10000x128xf32, #tpu.memory_space<hbm>> -> memref<10000x128xf32, #tpu.memory_space<hbm>>
    tpu.enqueue_indirect_dma source(%dma_start3A_6 : memref<10000x128xf32, #tpu.memory_space<hbm>>) target(%arg6 : memref<128x128xf32, #tpu.memory_space<vmem>>) offsets(%dma_start3A_3 : memref<128xi32, #tpu.memory_space<vmem>>) semaphore(%arg8 : memref<!tpu.dma_semaphore, #tpu.memory_space<semaphore_mem>>)
    %scan3A = arith.constant 0 : i32
    %scan3A_7 = arith.constant 0 : i32
    %scan3A_8 = arith.constant 39 : i32
    %scan3A_9 = arith.addi %scan3A_7, %scan3A_8 : i32
    %scan3A_10 = arith.constant 1 : i32
    scf.for %scan3A_33 = %scan3A_7 to %scan3A_9 step %scan3A_10  : i32 {
      %mul3A_34 = arith.constant 2 : i32
      %mul3A_35 = arith.muli %mul3A_34, %scan3A_33 : i32
      %dma_wait3A_36 = arith.constant 0 : i32
      %dma_wait3A_37 = tpu.memref_slice %arg5[%mul3A_35, %dma_wait3A_36] : memref<80x128xi32, #tpu.memory_space<vmem>> -> memref<1x128xi32, #tpu.memory_space<vmem>>
      %dma_wait3A_38 = tpu.memref_squeeze %dma_wait3A_37 : memref<1x128xi32, #tpu.memory_space<vmem>> -> memref<128xi32, #tpu.memory_space<vmem>>
      %dma_wait3A_39 = arith.constant 0 : i32
      %dma_wait3A_40 = arith.constant 0 : i32
      %dma_wait3A_41 = tpu.memref_slice %arg2[%dma_wait3A_39, %dma_wait3A_40] : memref<10000x128xf32, #tpu.memory_space<hbm>> -> memref<10000x128xf32, #tpu.memory_space<hbm>>
      tpu.wait_indirect_dma semaphore(%arg8 : memref<!tpu.dma_semaphore, #tpu.memory_space<semaphore_mem>>) src(%dma_wait3A_41 : memref<10000x128xf32, #tpu.memory_space<hbm>>) dst(%arg6 : memref<128x128xf32, #tpu.memory_space<vmem>>)
      %add3A_42 = arith.constant 1 : i32
      %add3A_43 = arith.addi %mul3A_35, %add3A_42 : i32
      %dma_start3A_44 = arith.constant 0 : i32
      %dma_start3A_45 = tpu.memref_slice %arg5[%add3A_43, %dma_start3A_44] : memref<80x128xi32, #tpu.memory_space<vmem>> -> memref<1x128xi32, #tpu.memory_space<vmem>>
      %dma_start3A_46 = tpu.memref_squeeze %dma_start3A_45 : memref<1x128xi32, #tpu.memory_space<vmem>> -> memref<128xi32, #tpu.memory_space<vmem>>
      %dma_start3A_47 = arith.constant 0 : i32
      %dma_start3A_48 = arith.constant 0 : i32
      %dma_start3A_49 = tpu.memref_slice %arg2[%dma_start3A_47, %dma_start3A_48] : memref<10000x128xf32, #tpu.memory_space<hbm>> -> memref<10000x128xf32, #tpu.memory_space<hbm>>
      tpu.enqueue_indirect_dma source(%dma_start3A_49 : memref<10000x128xf32, #tpu.memory_space<hbm>>) target(%arg7 : memref<128x128xf32, #tpu.memory_space<vmem>>) offsets(%dma_start3A_46 : memref<128xi32, #tpu.memory_space<vmem>>) semaphore(%arg9 : memref<!tpu.dma_semaphore, #tpu.memory_space<semaphore_mem>>)
      "tpu.region"() ({
        %run_scoped3A_68 = tpu.sem_alloc : memref<!tpu.dma_semaphore, #tpu.memory_space<semaphore_mem>>
        %dma_start3A_69 = arith.constant 0 : i32
        %dma_start3A_70 = arith.constant 0 : i32
        %dma_start3A_71 = tpu.memref_slice %arg4[%add3A, %mul3A_35, %dma_start3A_69, %dma_start3A_70] : memref<32x80x128x128xf32, #tpu.memory_space<hbm>> -> memref<1x1x128x128xf32, #tpu.memory_space<hbm>>
        %dma_start3A_72 = tpu.memref_squeeze %dma_start3A_71 : memref<1x1x128x128xf32, #tpu.memory_space<hbm>> -> memref<128x128xf32, #tpu.memory_space<hbm>>
        %dma_start3A_73 = arith.constant 0 : i32
        %dma_start3A_74 = arith.constant 0 : i32
        %dma_start3A_75 = tpu.memref_slice %arg4[%add3A, %mul3A_35, %dma_start3A_73, %dma_start3A_74] : memref<32x80x128x128xf32, #tpu.memory_space<hbm>> -> memref<1x1x128x128xf32, #tpu.memory_space<hbm>>
        %dma_start3A_76 = tpu.memref_squeeze %dma_start3A_75 : memref<1x1x128x128xf32, #tpu.memory_space<hbm>> -> memref<128x128xf32, #tpu.memory_space<hbm>>
        tpu.enqueue_dma source(%arg6 : memref<128x128xf32, #tpu.memory_space<vmem>>) target(%dma_start3A_76 : memref<128x128xf32, #tpu.memory_space<hbm>>) target_semaphore(%run_scoped3A_68 : memref<!tpu.dma_semaphore, #tpu.memory_space<semaphore_mem>>)
        %dma_wait3A_77 = arith.constant 0 : i32
        %dma_wait3A_78 = arith.constant 0 : i32
        %dma_wait3A_79 = tpu.memref_slice %arg4[%add3A, %mul3A_35, %dma_wait3A_77, %dma_wait3A_78] : memref<32x80x128x128xf32, #tpu.memory_space<hbm>> -> memref<1x1x128x128xf32, #tpu.memory_space<hbm>>
        %dma_wait3A_80 = tpu.memref_squeeze %dma_wait3A_79 : memref<1x1x128x128xf32, #tpu.memory_space<hbm>> -> memref<128x128xf32, #tpu.memory_space<hbm>>
        %dma_wait3A_81 = arith.constant 0 : i32
        %dma_wait3A_82 = arith.constant 0 : i32
        %dma_wait3A_83 = tpu.memref_slice %arg4[%add3A, %mul3A_35, %dma_wait3A_81, %dma_wait3A_82] : memref<32x80x128x128xf32, #tpu.memory_space<hbm>> -> memref<1x1x128x128xf32, #tpu.memory_space<hbm>>
        %dma_wait3A_84 = tpu.memref_squeeze %dma_wait3A_83 : memref<1x1x128x128xf32, #tpu.memory_space<hbm>> -> memref<128x128xf32, #tpu.memory_space<hbm>>
        tpu.wait_dma2 semaphore(%run_scoped3A_68 : memref<!tpu.dma_semaphore, #tpu.memory_space<semaphore_mem>>) src(%arg6 : memref<128x128xf32, #tpu.memory_space<vmem>>) dst(%dma_wait3A_84 : memref<128x128xf32, #tpu.memory_space<hbm>>)
        tpu.yield
      }) : () -> ()
      %add3A_50 = arith.constant 2 : i32
      %add3A_51 = arith.addi %mul3A_35, %add3A_50 : i32
      %dma_start3A_52 = arith.constant 0 : i32
      %dma_start3A_53 = tpu.memref_slice %arg5[%add3A_51, %dma_start3A_52] : memref<80x128xi32, #tpu.memory_space<vmem>> -> memref<1x128xi32, #tpu.memory_space<vmem>>
      %dma_start3A_54 = tpu.memref_squeeze %dma_start3A_53 : memref<1x128xi32, #tpu.memory_space<vmem>> -> memref<128xi32, #tpu.memory_space<vmem>>
      %dma_start3A_55 = arith.constant 0 : i32
      %dma_start3A_56 = arith.constant 0 : i32
      %dma_start3A_57 = tpu.memref_slice %arg2[%dma_start3A_55, %dma_start3A_56] : memref<10000x128xf32, #tpu.memory_space<hbm>> -> memref<10000x128xf32, #tpu.memory_space<hbm>>
      tpu.enqueue_indirect_dma source(%dma_start3A_57 : memref<10000x128xf32, #tpu.memory_space<hbm>>) target(%arg6 : memref<128x128xf32, #tpu.memory_space<vmem>>) offsets(%dma_start3A_54 : memref<128xi32, #tpu.memory_space<vmem>>) semaphore(%arg8 : memref<!tpu.dma_semaphore, #tpu.memory_space<semaphore_mem>>)
      %add3A_58 = arith.constant 1 : i32
      %add3A_59 = arith.addi %mul3A_35, %add3A_58 : i32
      %dma_wait3A_60 = arith.constant 0 : i32
      %dma_wait3A_61 = tpu.memref_slice %arg5[%add3A_59, %dma_wait3A_60] : memref<80x128xi32, #tpu.memory_space<vmem>> -> memref<1x128xi32, #tpu.memory_space<vmem>>
      %dma_wait3A_62 = tpu.memref_squeeze %dma_wait3A_61 : memref<1x128xi32, #tpu.memory_space<vmem>> -> memref<128xi32, #tpu.memory_space<vmem>>
      %dma_wait3A_63 = arith.constant 0 : i32
      %dma_wait3A_64 = arith.constant 0 : i32
      %dma_wait3A_65 = tpu.memref_slice %arg2[%dma_wait3A_63, %dma_wait3A_64] : memref<10000x128xf32, #tpu.memory_space<hbm>> -> memref<10000x128xf32, #tpu.memory_space<hbm>>
      tpu.wait_indirect_dma semaphore(%arg9 : memref<!tpu.dma_semaphore, #tpu.memory_space<semaphore_mem>>) src(%dma_wait3A_65 : memref<10000x128xf32, #tpu.memory_space<hbm>>) dst(%arg7 : memref<128x128xf32, #tpu.memory_space<vmem>>)
      %add3A_66 = arith.constant 1 : i32
      %add3A_67 = arith.addi %mul3A_35, %add3A_66 : i32
      "tpu.region"() ({
        %run_scoped3A_68 = tpu.sem_alloc : memref<!tpu.dma_semaphore, #tpu.memory_space<semaphore_mem>>
        %dma_start3A_69 = arith.constant 0 : i32
        %dma_start3A_70 = arith.constant 0 : i32
        %dma_start3A_71 = tpu.memref_slice %arg4[%add3A, %add3A_67, %dma_start3A_69, %dma_start3A_70] : memref<32x80x128x128xf32, #tpu.memory_space<hbm>> -> memref<1x1x128x128xf32, #tpu.memory_space<hbm>>
        %dma_start3A_72 = tpu.memref_squeeze %dma_start3A_71 : memref<1x1x128x128xf32, #tpu.memory_space<hbm>> -> memref<128x128xf32, #tpu.memory_space<hbm>>
        %dma_start3A_73 = arith.constant 0 : i32
        %dma_start3A_74 = arith.constant 0 : i32
        %dma_start3A_75 = tpu.memref_slice %arg4[%add3A, %add3A_67, %dma_start3A_73, %dma_start3A_74] : memref<32x80x128x128xf32, #tpu.memory_space<hbm>> -> memref<1x1x128x128xf32, #tpu.memory_space<hbm>>
        %dma_start3A_76 = tpu.memref_squeeze %dma_start3A_75 : memref<1x1x128x128xf32, #tpu.memory_space<hbm>> -> memref<128x128xf32, #tpu.memory_space<hbm>>
        tpu.enqueue_dma source(%arg7 : memref<128x128xf32, #tpu.memory_space<vmem>>) target(%dma_start3A_76 : memref<128x128xf32, #tpu.memory_space<hbm>>) target_semaphore(%run_scoped3A_68 : memref<!tpu.dma_semaphore, #tpu.memory_space<semaphore_mem>>)
        %dma_wait3A_77 = arith.constant 0 : i32
        %dma_wait3A_78 = arith.constant 0 : i32
        %dma_wait3A_79 = tpu.memref_slice %arg4[%add3A, %add3A_67, %dma_wait3A_77, %dma_wait3A_78] : memref<32x80x128x128xf32, #tpu.memory_space<hbm>> -> memref<1x1x128x128xf32, #tpu.memory_space<hbm>>
        %dma_wait3A_80 = tpu.memref_squeeze %dma_wait3A_79 : memref<1x1x128x128xf32, #tpu.memory_space<hbm>> -> memref<128x128xf32, #tpu.memory_space<hbm>>
        %dma_wait3A_81 = arith.constant 0 : i32
        %dma_wait3A_82 = arith.constant 0 : i32
        %dma_wait3A_83 = tpu.memref_slice %arg4[%add3A, %add3A_67, %dma_wait3A_81, %dma_wait3A_82] : memref<32x80x128x128xf32, #tpu.memory_space<hbm>> -> memref<1x1x128x128xf32, #tpu.memory_space<hbm>>
        %dma_wait3A_84 = tpu.memref_squeeze %dma_wait3A_83 : memref<1x1x128x128xf32, #tpu.memory_space<hbm>> -> memref<128x128xf32, #tpu.memory_space<hbm>>
        tpu.wait_dma2 semaphore(%run_scoped3A_68 : memref<!tpu.dma_semaphore, #tpu.memory_space<semaphore_mem>>) src(%arg7 : memref<128x128xf32, #tpu.memory_space<vmem>>) dst(%dma_wait3A_84 : memref<128x128xf32, #tpu.memory_space<hbm>>)
        tpu.yield
      }) : () -> ()
    }
    %scan3A_11 = arith.constant 39 : i32
    %dma_wait3A = arith.constant 78 : i32
    %dma_wait3A_12 = arith.constant 0 : i32
    %dma_wait3A_13 = tpu.memref_slice %arg5[%dma_wait3A, %dma_wait3A_12] : memref<80x128xi32, #tpu.memory_space<vmem>> -> memref<1x128xi32, #tpu.memory_space<vmem>>
    %dma_wait3A_14 = tpu.memref_squeeze %dma_wait3A_13 : memref<1x128xi32, #tpu.memory_space<vmem>> -> memref<128xi32, #tpu.memory_space<vmem>>
    %dma_wait3A_15 = arith.constant 0 : i32
    %dma_wait3A_16 = arith.constant 0 : i32
    %dma_wait3A_17 = tpu.memref_slice %arg2[%dma_wait3A_15, %dma_wait3A_16] : memref<10000x128xf32, #tpu.memory_space<hbm>> -> memref<10000x128xf32, #tpu.memory_space<hbm>>
    tpu.wait_indirect_dma semaphore(%arg8 : memref<!tpu.dma_semaphore, #tpu.memory_space<semaphore_mem>>) src(%dma_wait3A_17 : memref<10000x128xf32, #tpu.memory_space<hbm>>) dst(%arg6 : memref<128x128xf32, #tpu.memory_space<vmem>>)
    %dma_start3A_18 = arith.constant 79 : i32
    %dma_start3A_19 = arith.constant 0 : i32
    %dma_start3A_20 = tpu.memref_slice %arg5[%dma_start3A_18, %dma_start3A_19] : memref<80x128xi32, #tpu.memory_space<vmem>> -> memref<1x128xi32, #tpu.memory_space<vmem>>
    %dma_start3A_21 = tpu.memref_squeeze %dma_start3A_20 : memref<1x128xi32, #tpu.memory_space<vmem>> -> memref<128xi32, #tpu.memory_space<vmem>>
    %dma_start3A_22 = arith.constant 0 : i32
    %dma_start3A_23 = arith.constant 0 : i32
    %dma_start3A_24 = tpu.memref_slice %arg2[%dma_start3A_22, %dma_start3A_23] : memref<10000x128xf32, #tpu.memory_space<hbm>> -> memref<10000x128xf32, #tpu.memory_space<hbm>>
    tpu.enqueue_indirect_dma source(%dma_start3A_24 : memref<10000x128xf32, #tpu.memory_space<hbm>>) target(%arg7 : memref<128x128xf32, #tpu.memory_space<vmem>>) offsets(%dma_start3A_21 : memref<128xi32, #tpu.memory_space<vmem>>) semaphore(%arg9 : memref<!tpu.dma_semaphore, #tpu.memory_space<semaphore_mem>>)
    %run_scoped3A = arith.constant 78 : i32
    "tpu.region"() ({
      %run_scoped3A_33 = tpu.sem_alloc : memref<!tpu.dma_semaphore, #tpu.memory_space<semaphore_mem>>
      %dma_start3A_34 = arith.constant 0 : i32
      %dma_start3A_35 = arith.constant 0 : i32
      %dma_start3A_36 = tpu.memref_slice %arg4[%add3A, %run_scoped3A, %dma_start3A_34, %dma_start3A_35] : memref<32x80x128x128xf32, #tpu.memory_space<hbm>> -> memref<1x1x128x128xf32, #tpu.memory_space<hbm>>
      %dma_start3A_37 = tpu.memref_squeeze %dma_start3A_36 : memref<1x1x128x128xf32, #tpu.memory_space<hbm>> -> memref<128x128xf32, #tpu.memory_space<hbm>>
      %dma_start3A_38 = arith.constant 0 : i32
      %dma_start3A_39 = arith.constant 0 : i32
      %dma_start3A_40 = tpu.memref_slice %arg4[%add3A, %run_scoped3A, %dma_start3A_38, %dma_start3A_39] : memref<32x80x128x128xf32, #tpu.memory_space<hbm>> -> memref<1x1x128x128xf32, #tpu.memory_space<hbm>>
      %dma_start3A_41 = tpu.memref_squeeze %dma_start3A_40 : memref<1x1x128x128xf32, #tpu.memory_space<hbm>> -> memref<128x128xf32, #tpu.memory_space<hbm>>
      tpu.enqueue_dma source(%arg6 : memref<128x128xf32, #tpu.memory_space<vmem>>) target(%dma_start3A_41 : memref<128x128xf32, #tpu.memory_space<hbm>>) target_semaphore(%run_scoped3A_33 : memref<!tpu.dma_semaphore, #tpu.memory_space<semaphore_mem>>)
      %dma_wait3A_42 = arith.constant 0 : i32
      %dma_wait3A_43 = arith.constant 0 : i32
      %dma_wait3A_44 = tpu.memref_slice %arg4[%add3A, %run_scoped3A, %dma_wait3A_42, %dma_wait3A_43] : memref<32x80x128x128xf32, #tpu.memory_space<hbm>> -> memref<1x1x128x128xf32, #tpu.memory_space<hbm>>
      %dma_wait3A_45 = tpu.memref_squeeze %dma_wait3A_44 : memref<1x1x128x128xf32, #tpu.memory_space<hbm>> -> memref<128x128xf32, #tpu.memory_space<hbm>>
      %dma_wait3A_46 = arith.constant 0 : i32
      %dma_wait3A_47 = arith.constant 0 : i32
      %dma_wait3A_48 = tpu.memref_slice %arg4[%add3A, %run_scoped3A, %dma_wait3A_46, %dma_wait3A_47] : memref<32x80x128x128xf32, #tpu.memory_space<hbm>> -> memref<1x1x128x128xf32, #tpu.memory_space<hbm>>
      %dma_wait3A_49 = tpu.memref_squeeze %dma_wait3A_48 : memref<1x1x128x128xf32, #tpu.memory_space<hbm>> -> memref<128x128xf32, #tpu.memory_space<hbm>>
      tpu.wait_dma2 semaphore(%run_scoped3A_33 : memref<!tpu.dma_semaphore, #tpu.memory_space<semaphore_mem>>) src(%arg6 : memref<128x128xf32, #tpu.memory_space<vmem>>) dst(%dma_wait3A_49 : memref<128x128xf32, #tpu.memory_space<hbm>>)
      tpu.yield
    }) : () -> ()
    %dma_wait3A_25 = arith.constant 79 : i32
    %dma_wait3A_26 = arith.constant 0 : i32
    %dma_wait3A_27 = tpu.memref_slice %arg5[%dma_wait3A_25, %dma_wait3A_26] : memref<80x128xi32, #tpu.memory_space<vmem>> -> memref<1x128xi32, #tpu.memory_space<vmem>>
    %dma_wait3A_28 = tpu.memref_squeeze %dma_wait3A_27 : memref<1x128xi32, #tpu.memory_space<vmem>> -> memref<128xi32, #tpu.memory_space<vmem>>
    %dma_wait3A_29 = arith.constant 0 : i32
    %dma_wait3A_30 = arith.constant 0 : i32
    %dma_wait3A_31 = tpu.memref_slice %arg2[%dma_wait3A_29, %dma_wait3A_30] : memref<10000x128xf32, #tpu.memory_space<hbm>> -> memref<10000x128xf32, #tpu.memory_space<hbm>>
    tpu.wait_indirect_dma semaphore(%arg9 : memref<!tpu.dma_semaphore, #tpu.memory_space<semaphore_mem>>) src(%dma_wait3A_31 : memref<10000x128xf32, #tpu.memory_space<hbm>>) dst(%arg7 : memref<128x128xf32, #tpu.memory_space<vmem>>)
    %run_scoped3A_32 = arith.constant 79 : i32
    "tpu.region"() ({
      %run_scoped3A_33 = tpu.sem_alloc : memref<!tpu.dma_semaphore, #tpu.memory_space<semaphore_mem>>
      %dma_start3A_34 = arith.constant 0 : i32
      %dma_start3A_35 = arith.constant 0 : i32
      %dma_start3A_36 = tpu.memref_slice %arg4[%add3A, %run_scoped3A_32, %dma_start3A_34, %dma_start3A_35] : memref<32x80x128x128xf32, #tpu.memory_space<hbm>> -> memref<1x1x128x128xf32, #tpu.memory_space<hbm>>
      %dma_start3A_37 = tpu.memref_squeeze %dma_start3A_36 : memref<1x1x128x128xf32, #tpu.memory_space<hbm>> -> memref<128x128xf32, #tpu.memory_space<hbm>>
      %dma_start3A_38 = arith.constant 0 : i32
      %dma_start3A_39 = arith.constant 0 : i32
      %dma_start3A_40 = tpu.memref_slice %arg4[%add3A, %run_scoped3A_32, %dma_start3A_38, %dma_start3A_39] : memref<32x80x128x128xf32, #tpu.memory_space<hbm>> -> memref<1x1x128x128xf32, #tpu.memory_space<hbm>>
      %dma_start3A_41 = tpu.memref_squeeze %dma_start3A_40 : memref<1x1x128x128xf32, #tpu.memory_space<hbm>> -> memref<128x128xf32, #tpu.memory_space<hbm>>
      tpu.enqueue_dma source(%arg7 : memref<128x128xf32, #tpu.memory_space<vmem>>) target(%dma_start3A_41 : memref<128x128xf32, #tpu.memory_space<hbm>>) target_semaphore(%run_scoped3A_33 : memref<!tpu.dma_semaphore, #tpu.memory_space<semaphore_mem>>)
      %dma_wait3A_42 = arith.constant 0 : i32
      %dma_wait3A_43 = arith.constant 0 : i32
      %dma_wait3A_44 = tpu.memref_slice %arg4[%add3A, %run_scoped3A_32, %dma_wait3A_42, %dma_wait3A_43] : memref<32x80x128x128xf32, #tpu.memory_space<hbm>> -> memref<1x1x128x128xf32, #tpu.memory_space<hbm>>
      %dma_wait3A_45 = tpu.memref_squeeze %dma_wait3A_44 : memref<1x1x128x128xf32, #tpu.memory_space<hbm>> -> memref<128x128xf32, #tpu.memory_space<hbm>>
      %dma_wait3A_46 = arith.constant 0 : i32
      %dma_wait3A_47 = arith.constant 0 : i32
      %dma_wait3A_48 = tpu.memref_slice %arg4[%add3A, %run_scoped3A_32, %dma_wait3A_46, %dma_wait3A_47] : memref<32x80x128x128xf32, #tpu.memory_space<hbm>> -> memref<1x1x128x128xf32, #tpu.memory_space<hbm>>
      %dma_wait3A_49 = tpu.memref_squeeze %dma_wait3A_48 : memref<1x1x128x128xf32, #tpu.memory_space<hbm>> -> memref<128x128xf32, #tpu.memory_space<hbm>>
      tpu.wait_dma2 semaphore(%run_scoped3A_33 : memref<!tpu.dma_semaphore, #tpu.memory_space<semaphore_mem>>) src(%arg7 : memref<128x128xf32, #tpu.memory_space<vmem>>) dst(%dma_wait3A_49 : memref<128x128xf32, #tpu.memory_space<hbm>>)
      tpu.yield
    }) : () -> ()
    return
  }
}

#map = affine_map<(d0, d1) -> (0, 0, 0, 0)>
#map1 = affine_map<(d0, d1) -> (0, 0, 0)>
#map2 = affine_map<(d0, d1) -> (0, 0)>
module attributes {stable_mosaic.version = 14 : i64} {
  func.func @_scatter(%arg0: i32, %arg1: i32, %arg2: memref<32x80x128x128xf32, #tpu.memory_space<hbm>>, %arg3: memref<32x80x128xi32, #tpu.memory_space<hbm>>, %arg4: memref<640x128xf32, #tpu.memory_space<hbm>>, %arg5: memref<2x10000x128xf32, #tpu.memory_space<hbm>>, %arg6: memref<80x128xi32, #tpu.memory_space<vmem>>, %arg7: memref<128x128xf32, #tpu.memory_space<vmem>>, %arg8: memref<128x128xf32, #tpu.memory_space<vmem>>, %arg9: memref<10000x128xf32, #tpu.memory_space<vmem_shared>>, %arg10: memref<!tpu.dma_semaphore, #tpu.memory_space<semaphore_mem>>, %arg11: memref<!tpu.dma_semaphore, #tpu.memory_space<semaphore_mem>>) attributes {dimension_semantics = [#tpu.dimension_semantics<core_parallel>, #tpu.dimension_semantics<subcore_parallel>], iteration_bounds = array<i64: 2, 16>, scalar_prefetch = 0 : i64, scratch_operands = 6 : i64, tpu.core_type = #tpu.core_type<sc_vector_subcore>, window_params = [{transform_indices = #map}, {transform_indices = #map1}, {transform_indices = #map2}, {transform_indices = #map1}]} {
    %mul3A = arith.constant 2 : i32
    %mul3A_0 = arith.muli %arg1, %mul3A : i32
    %add3A = arith.addi %mul3A_0, %arg0 : i32
    "tpu.region"() ({
      %run_scoped3A_58 = tpu.sem_alloc : memref<!tpu.dma_semaphore, #tpu.memory_space<semaphore_mem>>
      %dma_start3A_59 = arith.constant 0 : i32
      %dma_start3A_60 = arith.constant 0 : i32
      %dma_start3A_61 = tpu.memref_slice %arg3[%add3A, %dma_start3A_59, %dma_start3A_60] : memref<32x80x128xi32, #tpu.memory_space<hbm>> -> memref<1x80x128xi32, #tpu.memory_space<hbm>>
      %dma_start3A_62 = tpu.memref_squeeze %dma_start3A_61 : memref<1x80x128xi32, #tpu.memory_space<hbm>> -> memref<80x128xi32, #tpu.memory_space<hbm>>
      %dma_start3A_63 = arith.constant 0 : i32
      %dma_start3A_64 = arith.constant 0 : i32
      %dma_start3A_65 = tpu.memref_slice %arg3[%add3A, %dma_start3A_63, %dma_start3A_64] : memref<32x80x128xi32, #tpu.memory_space<hbm>> -> memref<1x80x128xi32, #tpu.memory_space<hbm>>
      %dma_start3A_66 = tpu.memref_squeeze %dma_start3A_65 : memref<1x80x128xi32, #tpu.memory_space<hbm>> -> memref<80x128xi32, #tpu.memory_space<hbm>>
      tpu.enqueue_dma source(%dma_start3A_66 : memref<80x128xi32, #tpu.memory_space<hbm>>) target(%arg6 : memref<80x128xi32, #tpu.memory_space<vmem>>) target_semaphore(%run_scoped3A_58 : memref<!tpu.dma_semaphore, #tpu.memory_space<semaphore_mem>>)
      %dma_wait3A_67 = arith.constant 0 : i32
      %dma_wait3A_68 = arith.constant 0 : i32
      %dma_wait3A_69 = tpu.memref_slice %arg3[%add3A, %dma_wait3A_67, %dma_wait3A_68] : memref<32x80x128xi32, #tpu.memory_space<hbm>> -> memref<1x80x128xi32, #tpu.memory_space<hbm>>
      %dma_wait3A_70 = tpu.memref_squeeze %dma_wait3A_69 : memref<1x80x128xi32, #tpu.memory_space<hbm>> -> memref<80x128xi32, #tpu.memory_space<hbm>>
      %dma_wait3A_71 = arith.constant 0 : i32
      %dma_wait3A_72 = arith.constant 0 : i32
      %dma_wait3A_73 = tpu.memref_slice %arg3[%add3A, %dma_wait3A_71, %dma_wait3A_72] : memref<32x80x128xi32, #tpu.memory_space<hbm>> -> memref<1x80x128xi32, #tpu.memory_space<hbm>>
      %dma_wait3A_74 = tpu.memref_squeeze %dma_wait3A_73 : memref<1x80x128xi32, #tpu.memory_space<hbm>> -> memref<80x128xi32, #tpu.memory_space<hbm>>
      tpu.wait_dma2 semaphore(%run_scoped3A_58 : memref<!tpu.dma_semaphore, #tpu.memory_space<semaphore_mem>>) src(%dma_wait3A_74 : memref<80x128xi32, #tpu.memory_space<hbm>>) dst(%arg6 : memref<80x128xi32, #tpu.memory_space<vmem>>)
      tpu.yield
    }) : () -> ()
    %lt3A = arith.constant 15 : i32
    %lt3A_1 = arith.cmpi slt, %arg1, %lt3A : i32
    %convert_element_type3A = arith.extui %lt3A_1 : i1 to i32
    %cond3A = arith.constant 0 : i32
    %cond3A_2 = arith.cmpi ne, %convert_element_type3A, %cond3A : i32
    scf.if %cond3A_2 {
      %mul3A_58 = arith.constant 624 : i32
      %mul3A_59 = arith.muli %arg1, %mul3A_58 : i32
      "tpu.region"() ({
        %run_scoped3A_60 = tpu.sem_alloc : memref<!tpu.dma_semaphore, #tpu.memory_space<semaphore_mem>>
        %dma_start3A_61 = arith.constant 0 : i32
        %dma_start3A_62 = tpu.memref_slice %arg9[%mul3A_59, %dma_start3A_61] : memref<10000x128xf32, #tpu.memory_space<vmem_shared>> -> memref<624x128xf32, #tpu.memory_space<vmem_shared>>
        %dma_start3A_63 = arith.constant 0 : i32
        %dma_start3A_64 = arith.constant 0 : i32
        %dma_start3A_65 = tpu.memref_slice %arg4[%dma_start3A_63, %dma_start3A_64] : memref<640x128xf32, #tpu.memory_space<hbm>> -> memref<624x128xf32, #tpu.memory_space<hbm>>
        tpu.enqueue_dma source(%dma_start3A_65 : memref<624x128xf32, #tpu.memory_space<hbm>>) target(%dma_start3A_62 : memref<624x128xf32, #tpu.memory_space<vmem_shared>>) target_semaphore(%run_scoped3A_60 : memref<!tpu.dma_semaphore, #tpu.memory_space<semaphore_mem>>)
        %dma_wait3A_66 = arith.constant 0 : i32
        %dma_wait3A_67 = tpu.memref_slice %arg9[%mul3A_59, %dma_wait3A_66] : memref<10000x128xf32, #tpu.memory_space<vmem_shared>> -> memref<624x128xf32, #tpu.memory_space<vmem_shared>>
        %dma_wait3A_68 = arith.constant 0 : i32
        %dma_wait3A_69 = arith.constant 0 : i32
        %dma_wait3A_70 = tpu.memref_slice %arg4[%dma_wait3A_68, %dma_wait3A_69] : memref<640x128xf32, #tpu.memory_space<hbm>> -> memref<624x128xf32, #tpu.memory_space<hbm>>
        tpu.wait_dma2 semaphore(%run_scoped3A_60 : memref<!tpu.dma_semaphore, #tpu.memory_space<semaphore_mem>>) src(%dma_wait3A_70 : memref<624x128xf32, #tpu.memory_space<hbm>>) dst(%dma_wait3A_67 : memref<624x128xf32, #tpu.memory_space<vmem_shared>>)
        tpu.yield
      }) : () -> ()
    } else {
    }
    %eq3A = arith.constant 15 : i32
    %eq3A_3 = arith.cmpi eq, %arg1, %eq3A : i32
    %convert_element_type3A_4 = arith.extui %eq3A_3 : i1 to i32
    %cond3A_5 = arith.constant 0 : i32
    %cond3A_6 = arith.cmpi ne, %convert_element_type3A_4, %cond3A_5 : i32
    scf.if %cond3A_6 {
      "tpu.region"() ({
        %run_scoped3A_58 = tpu.sem_alloc : memref<!tpu.dma_semaphore, #tpu.memory_space<semaphore_mem>>
        %dma_start3A_59 = arith.constant 9360 : i32
        %dma_start3A_60 = arith.constant 0 : i32
        %dma_start3A_61 = tpu.memref_slice %arg9[%dma_start3A_59, %dma_start3A_60] : memref<10000x128xf32, #tpu.memory_space<vmem_shared>> -> memref<640x128xf32, #tpu.memory_space<vmem_shared>>
        tpu.enqueue_dma source(%arg4 : memref<640x128xf32, #tpu.memory_space<hbm>>) target(%dma_start3A_61 : memref<640x128xf32, #tpu.memory_space<vmem_shared>>) target_semaphore(%run_scoped3A_58 : memref<!tpu.dma_semaphore, #tpu.memory_space<semaphore_mem>>)
        %dma_wait3A_62 = arith.constant 9360 : i32
        %dma_wait3A_63 = arith.constant 0 : i32
        %dma_wait3A_64 = tpu.memref_slice %arg9[%dma_wait3A_62, %dma_wait3A_63] : memref<10000x128xf32, #tpu.memory_space<vmem_shared>> -> memref<640x128xf32, #tpu.memory_space<vmem_shared>>
        tpu.wait_dma2 semaphore(%run_scoped3A_58 : memref<!tpu.dma_semaphore, #tpu.memory_space<semaphore_mem>>) src(%arg4 : memref<640x128xf32, #tpu.memory_space<hbm>>) dst(%dma_wait3A_64 : memref<640x128xf32, #tpu.memory_space<vmem_shared>>)
        tpu.yield
      }) : () -> ()
    } else {
    }
    %barrier3A = arith.constant 0 : index
    tpu.barrier barrier_id(%barrier3A)
    %dma_start3A = arith.constant 0 : i32
    %dma_start3A_7 = arith.constant 0 : i32
    %dma_start3A_8 = arith.constant 0 : i32
    %dma_start3A_9 = tpu.memref_slice %arg2[%add3A, %dma_start3A, %dma_start3A_7, %dma_start3A_8] : memref<32x80x128x128xf32, #tpu.memory_space<hbm>> -> memref<1x1x128x128xf32, #tpu.memory_space<hbm>>
    %dma_start3A_10 = tpu.memref_squeeze %dma_start3A_9 : memref<1x1x128x128xf32, #tpu.memory_space<hbm>> -> memref<128x128xf32, #tpu.memory_space<hbm>>
    %dma_start3A_11 = arith.constant 0 : i32
    %dma_start3A_12 = arith.constant 0 : i32
    %dma_start3A_13 = tpu.memref_slice %arg2[%add3A, %dma_start3A, %dma_start3A_11, %dma_start3A_12] : memref<32x80x128x128xf32, #tpu.memory_space<hbm>> -> memref<1x1x128x128xf32, #tpu.memory_space<hbm>>
    %dma_start3A_14 = tpu.memref_squeeze %dma_start3A_13 : memref<1x1x128x128xf32, #tpu.memory_space<hbm>> -> memref<128x128xf32, #tpu.memory_space<hbm>>
    tpu.enqueue_dma source(%dma_start3A_14 : memref<128x128xf32, #tpu.memory_space<hbm>>) target(%arg7 : memref<128x128xf32, #tpu.memory_space<vmem>>) target_semaphore(%arg10 : memref<!tpu.dma_semaphore, #tpu.memory_space<semaphore_mem>>)
    %scan3A = arith.constant 0 : i32
    %scan3A_15 = arith.constant 0 : i32
    %scan3A_16 = arith.constant 39 : i32
    %scan3A_17 = arith.addi %scan3A_15, %scan3A_16 : i32
    %scan3A_18 = arith.constant 1 : i32
    scf.for %scan3A_58 = %scan3A_15 to %scan3A_17 step %scan3A_18  : i32 {
      %mul3A_59 = arith.constant 2 : i32
      %mul3A_60 = arith.muli %mul3A_59, %scan3A_58 : i32
      %dma_wait3A_61 = arith.constant 0 : i32
      %dma_wait3A_62 = arith.constant 0 : i32
      %dma_wait3A_63 = tpu.memref_slice %arg2[%add3A, %mul3A_60, %dma_wait3A_61, %dma_wait3A_62] : memref<32x80x128x128xf32, #tpu.memory_space<hbm>> -> memref<1x1x128x128xf32, #tpu.memory_space<hbm>>
      %dma_wait3A_64 = tpu.memref_squeeze %dma_wait3A_63 : memref<1x1x128x128xf32, #tpu.memory_space<hbm>> -> memref<128x128xf32, #tpu.memory_space<hbm>>
      %dma_wait3A_65 = arith.constant 0 : i32
      %dma_wait3A_66 = arith.constant 0 : i32
      %dma_wait3A_67 = tpu.memref_slice %arg2[%add3A, %mul3A_60, %dma_wait3A_65, %dma_wait3A_66] : memref<32x80x128x128xf32, #tpu.memory_space<hbm>> -> memref<1x1x128x128xf32, #tpu.memory_space<hbm>>
      %dma_wait3A_68 = tpu.memref_squeeze %dma_wait3A_67 : memref<1x1x128x128xf32, #tpu.memory_space<hbm>> -> memref<128x128xf32, #tpu.memory_space<hbm>>
      tpu.wait_dma2 semaphore(%arg10 : memref<!tpu.dma_semaphore, #tpu.memory_space<semaphore_mem>>) src(%dma_wait3A_68 : memref<128x128xf32, #tpu.memory_space<hbm>>) dst(%arg7 : memref<128x128xf32, #tpu.memory_space<vmem>>)
      %add3A_69 = arith.constant 1 : i32
      %add3A_70 = arith.addi %mul3A_60, %add3A_69 : i32
      %dma_start3A_71 = arith.constant 0 : i32
      %dma_start3A_72 = arith.constant 0 : i32
      %dma_start3A_73 = tpu.memref_slice %arg2[%add3A, %add3A_70, %dma_start3A_71, %dma_start3A_72] : memref<32x80x128x128xf32, #tpu.memory_space<hbm>> -> memref<1x1x128x128xf32, #tpu.memory_space<hbm>>
      %dma_start3A_74 = tpu.memref_squeeze %dma_start3A_73 : memref<1x1x128x128xf32, #tpu.memory_space<hbm>> -> memref<128x128xf32, #tpu.memory_space<hbm>>
      %dma_start3A_75 = arith.constant 0 : i32
      %dma_start3A_76 = arith.constant 0 : i32
      %dma_start3A_77 = tpu.memref_slice %arg2[%add3A, %add3A_70, %dma_start3A_75, %dma_start3A_76] : memref<32x80x128x128xf32, #tpu.memory_space<hbm>> -> memref<1x1x128x128xf32, #tpu.memory_space<hbm>>
      %dma_start3A_78 = tpu.memref_squeeze %dma_start3A_77 : memref<1x1x128x128xf32, #tpu.memory_space<hbm>> -> memref<128x128xf32, #tpu.memory_space<hbm>>
      tpu.enqueue_dma source(%dma_start3A_78 : memref<128x128xf32, #tpu.memory_space<hbm>>) target(%arg8 : memref<128x128xf32, #tpu.memory_space<vmem>>) target_semaphore(%arg11 : memref<!tpu.dma_semaphore, #tpu.memory_space<semaphore_mem>>)
      "tpu.region"() ({
        %run_scoped3A_101 = tpu.sem_alloc : memref<!tpu.dma_semaphore, #tpu.memory_space<semaphore_mem>>
        %dma_start3A_102 = arith.constant 0 : i32
        %dma_start3A_103 = tpu.memref_slice %arg6[%mul3A_60, %dma_start3A_102] : memref<80x128xi32, #tpu.memory_space<vmem>> -> memref<1x128xi32, #tpu.memory_space<vmem>>
        %dma_start3A_104 = tpu.memref_squeeze %dma_start3A_103 : memref<1x128xi32, #tpu.memory_space<vmem>> -> memref<128xi32, #tpu.memory_space<vmem>>
        %dma_start3A_105 = arith.constant 0 : i32
        %dma_start3A_106 = arith.constant 0 : i32
        %dma_start3A_107 = tpu.memref_slice %arg9[%dma_start3A_105, %dma_start3A_106] : memref<10000x128xf32, #tpu.memory_space<vmem_shared>> -> memref<10000x128xf32, #tpu.memory_space<vmem_shared>>
        tpu.enqueue_indirect_dma source(%arg7 : memref<128x128xf32, #tpu.memory_space<vmem>>) target(%dma_start3A_107 : memref<10000x128xf32, #tpu.memory_space<vmem_shared>>) offsets(%dma_start3A_104 : memref<128xi32, #tpu.memory_space<vmem>>) semaphore(%run_scoped3A_101 : memref<!tpu.dma_semaphore, #tpu.memory_space<semaphore_mem>>) {add = true}
        %dma_wait3A_108 = arith.constant 0 : i32
        %dma_wait3A_109 = tpu.memref_slice %arg6[%mul3A_60, %dma_wait3A_108] : memref<80x128xi32, #tpu.memory_space<vmem>> -> memref<1x128xi32, #tpu.memory_space<vmem>>
        %dma_wait3A_110 = tpu.memref_squeeze %dma_wait3A_109 : memref<1x128xi32, #tpu.memory_space<vmem>> -> memref<128xi32, #tpu.memory_space<vmem>>
        %dma_wait3A_111 = arith.constant 0 : i32
        %dma_wait3A_112 = arith.constant 0 : i32
        %dma_wait3A_113 = tpu.memref_slice %arg9[%dma_wait3A_111, %dma_wait3A_112] : memref<10000x128xf32, #tpu.memory_space<vmem_shared>> -> memref<10000x128xf32, #tpu.memory_space<vmem_shared>>
        tpu.wait_indirect_dma semaphore(%run_scoped3A_101 : memref<!tpu.dma_semaphore, #tpu.memory_space<semaphore_mem>>) src(%arg7 : memref<128x128xf32, #tpu.memory_space<vmem>>) dst(%dma_wait3A_113 : memref<10000x128xf32, #tpu.memory_space<vmem_shared>>)
        tpu.yield
      }) : () -> ()
      %add3A_79 = arith.constant 2 : i32
      %add3A_80 = arith.addi %mul3A_60, %add3A_79 : i32
      %dma_start3A_81 = arith.constant 0 : i32
      %dma_start3A_82 = arith.constant 0 : i32
      %dma_start3A_83 = tpu.memref_slice %arg2[%add3A, %add3A_80, %dma_start3A_81, %dma_start3A_82] : memref<32x80x128x128xf32, #tpu.memory_space<hbm>> -> memref<1x1x128x128xf32, #tpu.memory_space<hbm>>
      %dma_start3A_84 = tpu.memref_squeeze %dma_start3A_83 : memref<1x1x128x128xf32, #tpu.memory_space<hbm>> -> memref<128x128xf32, #tpu.memory_space<hbm>>
      %dma_start3A_85 = arith.constant 0 : i32
      %dma_start3A_86 = arith.constant 0 : i32
      %dma_start3A_87 = tpu.memref_slice %arg2[%add3A, %add3A_80, %dma_start3A_85, %dma_start3A_86] : memref<32x80x128x128xf32, #tpu.memory_space<hbm>> -> memref<1x1x128x128xf32, #tpu.memory_space<hbm>>
      %dma_start3A_88 = tpu.memref_squeeze %dma_start3A_87 : memref<1x1x128x128xf32, #tpu.memory_space<hbm>> -> memref<128x128xf32, #tpu.memory_space<hbm>>
      tpu.enqueue_dma source(%dma_start3A_88 : memref<128x128xf32, #tpu.memory_space<hbm>>) target(%arg7 : memref<128x128xf32, #tpu.memory_space<vmem>>) target_semaphore(%arg10 : memref<!tpu.dma_semaphore, #tpu.memory_space<semaphore_mem>>)
      %add3A_89 = arith.constant 1 : i32
      %add3A_90 = arith.addi %mul3A_60, %add3A_89 : i32
      %dma_wait3A_91 = arith.constant 0 : i32
      %dma_wait3A_92 = arith.constant 0 : i32
      %dma_wait3A_93 = tpu.memref_slice %arg2[%add3A, %add3A_90, %dma_wait3A_91, %dma_wait3A_92] : memref<32x80x128x128xf32, #tpu.memory_space<hbm>> -> memref<1x1x128x128xf32, #tpu.memory_space<hbm>>
      %dma_wait3A_94 = tpu.memref_squeeze %dma_wait3A_93 : memref<1x1x128x128xf32, #tpu.memory_space<hbm>> -> memref<128x128xf32, #tpu.memory_space<hbm>>
      %dma_wait3A_95 = arith.constant 0 : i32
      %dma_wait3A_96 = arith.constant 0 : i32
      %dma_wait3A_97 = tpu.memref_slice %arg2[%add3A, %add3A_90, %dma_wait3A_95, %dma_wait3A_96] : memref<32x80x128x128xf32, #tpu.memory_space<hbm>> -> memref<1x1x128x128xf32, #tpu.memory_space<hbm>>
      %dma_wait3A_98 = tpu.memref_squeeze %dma_wait3A_97 : memref<1x1x128x128xf32, #tpu.memory_space<hbm>> -> memref<128x128xf32, #tpu.memory_space<hbm>>
      tpu.wait_dma2 semaphore(%arg11 : memref<!tpu.dma_semaphore, #tpu.memory_space<semaphore_mem>>) src(%dma_wait3A_98 : memref<128x128xf32, #tpu.memory_space<hbm>>) dst(%arg8 : memref<128x128xf32, #tpu.memory_space<vmem>>)
      %add3A_99 = arith.constant 1 : i32
      %add3A_100 = arith.addi %mul3A_60, %add3A_99 : i32
      "tpu.region"() ({
        %run_scoped3A_101 = tpu.sem_alloc : memref<!tpu.dma_semaphore, #tpu.memory_space<semaphore_mem>>
        %dma_start3A_102 = arith.constant 0 : i32
        %dma_start3A_103 = tpu.memref_slice %arg6[%add3A_100, %dma_start3A_102] : memref<80x128xi32, #tpu.memory_space<vmem>> -> memref<1x128xi32, #tpu.memory_space<vmem>>
        %dma_start3A_104 = tpu.memref_squeeze %dma_start3A_103 : memref<1x128xi32, #tpu.memory_space<vmem>> -> memref<128xi32, #tpu.memory_space<vmem>>
        %dma_start3A_105 = arith.constant 0 : i32
        %dma_start3A_106 = arith.constant 0 : i32
        %dma_start3A_107 = tpu.memref_slice %arg9[%dma_start3A_105, %dma_start3A_106] : memref<10000x128xf32, #tpu.memory_space<vmem_shared>> -> memref<10000x128xf32, #tpu.memory_space<vmem_shared>>
        tpu.enqueue_indirect_dma source(%arg8 : memref<128x128xf32, #tpu.memory_space<vmem>>) target(%dma_start3A_107 : memref<10000x128xf32, #tpu.memory_space<vmem_shared>>) offsets(%dma_start3A_104 : memref<128xi32, #tpu.memory_space<vmem>>) semaphore(%run_scoped3A_101 : memref<!tpu.dma_semaphore, #tpu.memory_space<semaphore_mem>>) {add = true}
        %dma_wait3A_108 = arith.constant 0 : i32
        %dma_wait3A_109 = tpu.memref_slice %arg6[%add3A_100, %dma_wait3A_108] : memref<80x128xi32, #tpu.memory_space<vmem>> -> memref<1x128xi32, #tpu.memory_space<vmem>>
        %dma_wait3A_110 = tpu.memref_squeeze %dma_wait3A_109 : memref<1x128xi32, #tpu.memory_space<vmem>> -> memref<128xi32, #tpu.memory_space<vmem>>
        %dma_wait3A_111 = arith.constant 0 : i32
        %dma_wait3A_112 = arith.constant 0 : i32
        %dma_wait3A_113 = tpu.memref_slice %arg9[%dma_wait3A_111, %dma_wait3A_112] : memref<10000x128xf32, #tpu.memory_space<vmem_shared>> -> memref<10000x128xf32, #tpu.memory_space<vmem_shared>>
        tpu.wait_indirect_dma semaphore(%run_scoped3A_101 : memref<!tpu.dma_semaphore, #tpu.memory_space<semaphore_mem>>) src(%arg8 : memref<128x128xf32, #tpu.memory_space<vmem>>) dst(%dma_wait3A_113 : memref<10000x128xf32, #tpu.memory_space<vmem_shared>>)
        tpu.yield
      }) : () -> ()
    }
    %scan3A_19 = arith.constant 39 : i32
    %dma_wait3A = arith.constant 78 : i32
    %dma_wait3A_20 = arith.constant 0 : i32
    %dma_wait3A_21 = arith.constant 0 : i32
    %dma_wait3A_22 = tpu.memref_slice %arg2[%add3A, %dma_wait3A, %dma_wait3A_20, %dma_wait3A_21] : memref<32x80x128x128xf32, #tpu.memory_space<hbm>> -> memref<1x1x128x128xf32, #tpu.memory_space<hbm>>
    %dma_wait3A_23 = tpu.memref_squeeze %dma_wait3A_22 : memref<1x1x128x128xf32, #tpu.memory_space<hbm>> -> memref<128x128xf32, #tpu.memory_space<hbm>>
    %dma_wait3A_24 = arith.constant 0 : i32
    %dma_wait3A_25 = arith.constant 0 : i32
    %dma_wait3A_26 = tpu.memref_slice %arg2[%add3A, %dma_wait3A, %dma_wait3A_24, %dma_wait3A_25] : memref<32x80x128x128xf32, #tpu.memory_space<hbm>> -> memref<1x1x128x128xf32, #tpu.memory_space<hbm>>
    %dma_wait3A_27 = tpu.memref_squeeze %dma_wait3A_26 : memref<1x1x128x128xf32, #tpu.memory_space<hbm>> -> memref<128x128xf32, #tpu.memory_space<hbm>>
    tpu.wait_dma2 semaphore(%arg10 : memref<!tpu.dma_semaphore, #tpu.memory_space<semaphore_mem>>) src(%dma_wait3A_27 : memref<128x128xf32, #tpu.memory_space<hbm>>) dst(%arg7 : memref<128x128xf32, #tpu.memory_space<vmem>>)
    %dma_start3A_28 = arith.constant 79 : i32
    %dma_start3A_29 = arith.constant 0 : i32
    %dma_start3A_30 = arith.constant 0 : i32
    %dma_start3A_31 = tpu.memref_slice %arg2[%add3A, %dma_start3A_28, %dma_start3A_29, %dma_start3A_30] : memref<32x80x128x128xf32, #tpu.memory_space<hbm>> -> memref<1x1x128x128xf32, #tpu.memory_space<hbm>>
    %dma_start3A_32 = tpu.memref_squeeze %dma_start3A_31 : memref<1x1x128x128xf32, #tpu.memory_space<hbm>> -> memref<128x128xf32, #tpu.memory_space<hbm>>
    %dma_start3A_33 = arith.constant 0 : i32
    %dma_start3A_34 = arith.constant 0 : i32
    %dma_start3A_35 = tpu.memref_slice %arg2[%add3A, %dma_start3A_28, %dma_start3A_33, %dma_start3A_34] : memref<32x80x128x128xf32, #tpu.memory_space<hbm>> -> memref<1x1x128x128xf32, #tpu.memory_space<hbm>>
    %dma_start3A_36 = tpu.memref_squeeze %dma_start3A_35 : memref<1x1x128x128xf32, #tpu.memory_space<hbm>> -> memref<128x128xf32, #tpu.memory_space<hbm>>
    tpu.enqueue_dma source(%dma_start3A_36 : memref<128x128xf32, #tpu.memory_space<hbm>>) target(%arg8 : memref<128x128xf32, #tpu.memory_space<vmem>>) target_semaphore(%arg11 : memref<!tpu.dma_semaphore, #tpu.memory_space<semaphore_mem>>)
    %run_scoped3A = arith.constant 78 : i32
    "tpu.region"() ({
      %run_scoped3A_58 = tpu.sem_alloc : memref<!tpu.dma_semaphore, #tpu.memory_space<semaphore_mem>>
      %dma_start3A_59 = arith.constant 0 : i32
      %dma_start3A_60 = tpu.memref_slice %arg6[%run_scoped3A, %dma_start3A_59] : memref<80x128xi32, #tpu.memory_space<vmem>> -> memref<1x128xi32, #tpu.memory_space<vmem>>
      %dma_start3A_61 = tpu.memref_squeeze %dma_start3A_60 : memref<1x128xi32, #tpu.memory_space<vmem>> -> memref<128xi32, #tpu.memory_space<vmem>>
      %dma_start3A_62 = arith.constant 0 : i32
      %dma_start3A_63 = arith.constant 0 : i32
      %dma_start3A_64 = tpu.memref_slice %arg9[%dma_start3A_62, %dma_start3A_63] : memref<10000x128xf32, #tpu.memory_space<vmem_shared>> -> memref<10000x128xf32, #tpu.memory_space<vmem_shared>>
      tpu.enqueue_indirect_dma source(%arg7 : memref<128x128xf32, #tpu.memory_space<vmem>>) target(%dma_start3A_64 : memref<10000x128xf32, #tpu.memory_space<vmem_shared>>) offsets(%dma_start3A_61 : memref<128xi32, #tpu.memory_space<vmem>>) semaphore(%run_scoped3A_58 : memref<!tpu.dma_semaphore, #tpu.memory_space<semaphore_mem>>) {add = true}
      %dma_wait3A_65 = arith.constant 0 : i32
      %dma_wait3A_66 = tpu.memref_slice %arg6[%run_scoped3A, %dma_wait3A_65] : memref<80x128xi32, #tpu.memory_space<vmem>> -> memref<1x128xi32, #tpu.memory_space<vmem>>
      %dma_wait3A_67 = tpu.memref_squeeze %dma_wait3A_66 : memref<1x128xi32, #tpu.memory_space<vmem>> -> memref<128xi32, #tpu.memory_space<vmem>>
      %dma_wait3A_68 = arith.constant 0 : i32
      %dma_wait3A_69 = arith.constant 0 : i32
      %dma_wait3A_70 = tpu.memref_slice %arg9[%dma_wait3A_68, %dma_wait3A_69] : memref<10000x128xf32, #tpu.memory_space<vmem_shared>> -> memref<10000x128xf32, #tpu.memory_space<vmem_shared>>
      tpu.wait_indirect_dma semaphore(%run_scoped3A_58 : memref<!tpu.dma_semaphore, #tpu.memory_space<semaphore_mem>>) src(%arg7 : memref<128x128xf32, #tpu.memory_space<vmem>>) dst(%dma_wait3A_70 : memref<10000x128xf32, #tpu.memory_space<vmem_shared>>)
      tpu.yield
    }) : () -> ()
    %dma_wait3A_37 = arith.constant 79 : i32
    %dma_wait3A_38 = arith.constant 0 : i32
    %dma_wait3A_39 = arith.constant 0 : i32
    %dma_wait3A_40 = tpu.memref_slice %arg2[%add3A, %dma_wait3A_37, %dma_wait3A_38, %dma_wait3A_39] : memref<32x80x128x128xf32, #tpu.memory_space<hbm>> -> memref<1x1x128x128xf32, #tpu.memory_space<hbm>>
    %dma_wait3A_41 = tpu.memref_squeeze %dma_wait3A_40 : memref<1x1x128x128xf32, #tpu.memory_space<hbm>> -> memref<128x128xf32, #tpu.memory_space<hbm>>
    %dma_wait3A_42 = arith.constant 0 : i32
    %dma_wait3A_43 = arith.constant 0 : i32
    %dma_wait3A_44 = tpu.memref_slice %arg2[%add3A, %dma_wait3A_37, %dma_wait3A_42, %dma_wait3A_43] : memref<32x80x128x128xf32, #tpu.memory_space<hbm>> -> memref<1x1x128x128xf32, #tpu.memory_space<hbm>>
    %dma_wait3A_45 = tpu.memref_squeeze %dma_wait3A_44 : memref<1x1x128x128xf32, #tpu.memory_space<hbm>> -> memref<128x128xf32, #tpu.memory_space<hbm>>
    tpu.wait_dma2 semaphore(%arg11 : memref<!tpu.dma_semaphore, #tpu.memory_space<semaphore_mem>>) src(%dma_wait3A_45 : memref<128x128xf32, #tpu.memory_space<hbm>>) dst(%arg8 : memref<128x128xf32, #tpu.memory_space<vmem>>)
    %run_scoped3A_46 = arith.constant 79 : i32
    "tpu.region"() ({
      %run_scoped3A_58 = tpu.sem_alloc : memref<!tpu.dma_semaphore, #tpu.memory_space<semaphore_mem>>
      %dma_start3A_59 = arith.constant 0 : i32
      %dma_start3A_60 = tpu.memref_slice %arg6[%run_scoped3A_46, %dma_start3A_59] : memref<80x128xi32, #tpu.memory_space<vmem>> -> memref<1x128xi32, #tpu.memory_space<vmem>>
      %dma_start3A_61 = tpu.memref_squeeze %dma_start3A_60 : memref<1x128xi32, #tpu.memory_space<vmem>> -> memref<128xi32, #tpu.memory_space<vmem>>
      %dma_start3A_62 = arith.constant 0 : i32
      %dma_start3A_63 = arith.constant 0 : i32
      %dma_start3A_64 = tpu.memref_slice %arg9[%dma_start3A_62, %dma_start3A_63] : memref<10000x128xf32, #tpu.memory_space<vmem_shared>> -> memref<10000x128xf32, #tpu.memory_space<vmem_shared>>
      tpu.enqueue_indirect_dma source(%arg8 : memref<128x128xf32, #tpu.memory_space<vmem>>) target(%dma_start3A_64 : memref<10000x128xf32, #tpu.memory_space<vmem_shared>>) offsets(%dma_start3A_61 : memref<128xi32, #tpu.memory_space<vmem>>) semaphore(%run_scoped3A_58 : memref<!tpu.dma_semaphore, #tpu.memory_space<semaphore_mem>>) {add = true}
      %dma_wait3A_65 = arith.constant 0 : i32
      %dma_wait3A_66 = tpu.memref_slice %arg6[%run_scoped3A_46, %dma_wait3A_65] : memref<80x128xi32, #tpu.memory_space<vmem>> -> memref<1x128xi32, #tpu.memory_space<vmem>>
      %dma_wait3A_67 = tpu.memref_squeeze %dma_wait3A_66 : memref<1x128xi32, #tpu.memory_space<vmem>> -> memref<128xi32, #tpu.memory_space<vmem>>
      %dma_wait3A_68 = arith.constant 0 : i32
      %dma_wait3A_69 = arith.constant 0 : i32
      %dma_wait3A_70 = tpu.memref_slice %arg9[%dma_wait3A_68, %dma_wait3A_69] : memref<10000x128xf32, #tpu.memory_space<vmem_shared>> -> memref<10000x128xf32, #tpu.memory_space<vmem_shared>>
      tpu.wait_indirect_dma semaphore(%run_scoped3A_58 : memref<!tpu.dma_semaphore, #tpu.memory_space<semaphore_mem>>) src(%arg8 : memref<128x128xf32, #tpu.memory_space<vmem>>) dst(%dma_wait3A_70 : memref<10000x128xf32, #tpu.memory_space<vmem_shared>>)
      tpu.yield
    }) : () -> ()
    %barrier3A_47 = arith.constant 0 : index
    tpu.barrier barrier_id(%barrier3A_47)
    %lt3A_48 = arith.constant 15 : i32
    %lt3A_49 = arith.cmpi slt, %arg1, %lt3A_48 : i32
    %convert_element_type3A_50 = arith.extui %lt3A_49 : i1 to i32
    %cond3A_51 = arith.constant 0 : i32
    %cond3A_52 = arith.cmpi ne, %convert_element_type3A_50, %cond3A_51 : i32
    scf.if %cond3A_52 {
      %mul3A_58 = arith.constant 624 : i32
      %mul3A_59 = arith.muli %arg1, %mul3A_58 : i32
      %mul3A_60 = arith.constant 624 : i32
      %mul3A_61 = arith.muli %arg1, %mul3A_60 : i32
      "tpu.region"() ({
        %run_scoped3A_62 = tpu.sem_alloc : memref<!tpu.dma_semaphore, #tpu.memory_space<semaphore_mem>>
        %dma_start3A_63 = arith.constant 0 : i32
        %dma_start3A_64 = tpu.memref_slice %arg5[%arg0, %mul3A_61, %dma_start3A_63] : memref<2x10000x128xf32, #tpu.memory_space<hbm>> -> memref<1x624x128xf32, #tpu.memory_space<hbm>>
        %dma_start3A_65 = tpu.memref_squeeze %dma_start3A_64 : memref<1x624x128xf32, #tpu.memory_space<hbm>> -> memref<624x128xf32, #tpu.memory_space<hbm>>
        %dma_start3A_66 = arith.constant 0 : i32
        %dma_start3A_67 = tpu.memref_slice %arg9[%mul3A_59, %dma_start3A_66] : memref<10000x128xf32, #tpu.memory_space<vmem_shared>> -> memref<624x128xf32, #tpu.memory_space<vmem_shared>>
        tpu.enqueue_dma source(%dma_start3A_67 : memref<624x128xf32, #tpu.memory_space<vmem_shared>>) target(%dma_start3A_65 : memref<624x128xf32, #tpu.memory_space<hbm>>) target_semaphore(%run_scoped3A_62 : memref<!tpu.dma_semaphore, #tpu.memory_space<semaphore_mem>>)
        %dma_wait3A_68 = arith.constant 0 : i32
        %dma_wait3A_69 = tpu.memref_slice %arg5[%arg0, %mul3A_61, %dma_wait3A_68] : memref<2x10000x128xf32, #tpu.memory_space<hbm>> -> memref<1x624x128xf32, #tpu.memory_space<hbm>>
        %dma_wait3A_70 = tpu.memref_squeeze %dma_wait3A_69 : memref<1x624x128xf32, #tpu.memory_space<hbm>> -> memref<624x128xf32, #tpu.memory_space<hbm>>
        %dma_wait3A_71 = arith.constant 0 : i32
        %dma_wait3A_72 = tpu.memref_slice %arg9[%mul3A_59, %dma_wait3A_71] : memref<10000x128xf32, #tpu.memory_space<vmem_shared>> -> memref<624x128xf32, #tpu.memory_space<vmem_shared>>
        tpu.wait_dma2 semaphore(%run_scoped3A_62 : memref<!tpu.dma_semaphore, #tpu.memory_space<semaphore_mem>>) src(%dma_wait3A_72 : memref<624x128xf32, #tpu.memory_space<vmem_shared>>) dst(%dma_wait3A_70 : memref<624x128xf32, #tpu.memory_space<hbm>>)
        tpu.yield
      }) : () -> ()
    } else {
    }
    %eq3A_53 = arith.constant 15 : i32
    %eq3A_54 = arith.cmpi eq, %arg1, %eq3A_53 : i32
    %convert_element_type3A_55 = arith.extui %eq3A_54 : i1 to i32
    %cond3A_56 = arith.constant 0 : i32
    %cond3A_57 = arith.cmpi ne, %convert_element_type3A_55, %cond3A_56 : i32
    scf.if %cond3A_57 {
      "tpu.region"() ({
        %run_scoped3A_58 = tpu.sem_alloc : memref<!tpu.dma_semaphore, #tpu.memory_space<semaphore_mem>>
        %dma_start3A_59 = arith.constant 9360 : i32
        %dma_start3A_60 = arith.constant 0 : i32
        %dma_start3A_61 = tpu.memref_slice %arg5[%arg0, %dma_start3A_59, %dma_start3A_60] : memref<2x10000x128xf32, #tpu.memory_space<hbm>> -> memref<1x640x128xf32, #tpu.memory_space<hbm>>
        %dma_start3A_62 = tpu.memref_squeeze %dma_start3A_61 : memref<1x640x128xf32, #tpu.memory_space<hbm>> -> memref<640x128xf32, #tpu.memory_space<hbm>>
        %dma_start3A_63 = arith.constant 9360 : i32
        %dma_start3A_64 = arith.constant 0 : i32
        %dma_start3A_65 = tpu.memref_slice %arg9[%dma_start3A_63, %dma_start3A_64] : memref<10000x128xf32, #tpu.memory_space<vmem_shared>> -> memref<640x128xf32, #tpu.memory_space<vmem_shared>>
        tpu.enqueue_dma source(%dma_start3A_65 : memref<640x128xf32, #tpu.memory_space<vmem_shared>>) target(%dma_start3A_62 : memref<640x128xf32, #tpu.memory_space<hbm>>) target_semaphore(%run_scoped3A_58 : memref<!tpu.dma_semaphore, #tpu.memory_space<semaphore_mem>>)
        %dma_wait3A_66 = arith.constant 9360 : i32
        %dma_wait3A_67 = arith.constant 0 : i32
        %dma_wait3A_68 = tpu.memref_slice %arg5[%arg0, %dma_wait3A_66, %dma_wait3A_67] : memref<2x10000x128xf32, #tpu.memory_space<hbm>> -> memref<1x640x128xf32, #tpu.memory_space<hbm>>
        %dma_wait3A_69 = tpu.memref_squeeze %dma_wait3A_68 : memref<1x640x128xf32, #tpu.memory_space<hbm>> -> memref<640x128xf32, #tpu.memory_space<hbm>>
        %dma_wait3A_70 = arith.constant 9360 : i32
        %dma_wait3A_71 = arith.constant 0 : i32
        %dma_wait3A_72 = tpu.memref_slice %arg9[%dma_wait3A_70, %dma_wait3A_71] : memref<10000x128xf32, #tpu.memory_space<vmem_shared>> -> memref<640x128xf32, #tpu.memory_space<vmem_shared>>
        tpu.wait_dma2 semaphore(%run_scoped3A_58 : memref<!tpu.dma_semaphore, #tpu.memory_space<semaphore_mem>>) src(%dma_wait3A_72 : memref<640x128xf32, #tpu.memory_space<vmem_shared>>) dst(%dma_wait3A_69 : memref<640x128xf32, #tpu.memory_space<hbm>>)
        tpu.yield
      }) : () -> ()
    } else {
    }
    return
  }
}

module attributes {stable_mosaic.version = 14 : i64} {
  func.func @k(%arg0: i32, %arg1: memref<10240x1xf32, #tpu.memory_space<vmem>>, %arg2: memref<10240x128xf32, #tpu.memory_space<vmem>>) attributes {dimension_semantics = [#tpu.dimension_semantics<arbitrary>], iteration_bounds = array<i64: 32>, scalar_prefetch = 0 : i64, scratch_operands = 0 : i64, tpu.core_type = #tpu.core_type<tc>, window_params = [{transform_indices = @transform_0, window_bounds = array<i64: 10240, 1>}, {transform_indices = @transform_1, window_bounds = array<i64: 10240, 128>}]} {
    %get3A = arith.constant 0 : index
    %get3A_0 = arith.constant 0 : index
    %get3A_1 = vector.load %arg1[%get3A, %get3A_0] : memref<10240x1xf32, #tpu.memory_space<vmem>>, vector<10240x1xf32>
    %broadcast_in_dim3A = vector.shape_cast %get3A_1 : vector<10240x1xf32> to vector<10240x1xf32>
    %broadcast_in_dim3A_2 = vector.broadcast %broadcast_in_dim3A : vector<10240x1xf32> to vector<10240x128xf32>
    %swap3A = arith.constant 0 : index
    %swap3A_3 = arith.constant 0 : index
    %swap3A_4 = vector.load %arg2[%swap3A, %swap3A_3] : memref<10240x128xf32, #tpu.memory_space<vmem>>, vector<10240x128xf32>
    tpu.vector_store %arg2[%swap3A, %swap3A_3], %broadcast_in_dim3A_2 {strides = array<i32>} : memref<10240x128xf32, #tpu.memory_space<vmem>>, vector<10240x128xf32>,
    return
  }
  func.func @transform_0(%arg0: i32) -> (i32, i32) {
    %c0_i32 = arith.constant 0 : i32
    %c0_i32_0 = arith.constant 0 : i32
    return %arg0, %c0_i32 : i32, i32
  }
  func.func @transform_1(%arg0: i32) -> (i32, i32) {
    %c0_i32 = arith.constant 0 : i32
    %c0_i32_0 = arith.constant 0 : i32
    return %arg0, %c0_i32 : i32, i32
  }
}

module attributes {stable_mosaic.version = 14 : i64} {
  func.func @k(%arg0: i32, %arg1: memref<2x10000x128xf32, #tpu.memory_space<vmem>>, %arg2: memref<10000x128xf32, #tpu.memory_space<vmem>>, %arg3: memref<10000x1xf32, #tpu.memory_space<vmem>>, %arg4: memref<10000x128xf32, #tpu.memory_space<vmem>>) attributes {dimension_semantics = [#tpu.dimension_semantics<arbitrary>], iteration_bounds = array<i64: 1>, scalar_prefetch = 0 : i64, scratch_operands = 0 : i64, tpu.core_type = #tpu.core_type<tc>, window_params = [{pipeline_mode = #tpu.pipeline_mode<synchronous>, transform_indices = @transform_0, window_bounds = array<i64: 2, 10000, 128>}, {pipeline_mode = #tpu.pipeline_mode<synchronous>, transform_indices = @transform_1, window_bounds = array<i64: 10000, 128>}, {pipeline_mode = #tpu.pipeline_mode<synchronous>, transform_indices = @transform_2, window_bounds = array<i64: 10000, 1>}, {pipeline_mode = #tpu.pipeline_mode<synchronous>, transform_indices = @transform_3, window_bounds = array<i64: 10000, 128>}]} {
    %get3A = arith.constant 0 : index
    %get3A_0 = arith.constant 0 : index
    %get3A_1 = arith.constant 0 : index
    %get3A_2 = vector.load %arg1[%get3A, %get3A_0, %get3A_1] : memref<2x10000x128xf32, #tpu.memory_space<vmem>>, vector<1x10000x1xf32>
    %get3A_3 = vector.shape_cast %get3A_2 : vector<1x10000x1xf32> to vector<10000xf32>
    %get3A_4 = arith.constant 1 : index
    %get3A_5 = arith.constant 0 : index
    %get3A_6 = arith.constant 0 : index
    %get3A_7 = vector.load %arg1[%get3A_4, %get3A_5, %get3A_6] : memref<2x10000x128xf32, #tpu.memory_space<vmem>>, vector<1x10000x1xf32>
    %get3A_8 = vector.shape_cast %get3A_7 : vector<1x10000x1xf32> to vector<10000xf32>
    %add3A = arith.addf %get3A_3, %get3A_8 : vector<10000xf32>
    %gt3A = arith.constant 0.000000e+00 : f32
    %gt3A_9 = vector.broadcast %gt3A : f32 to vector<10000xf32>
    %gt3A_10 = arith.cmpf ogt, %add3A, %gt3A_9 : vector<10000xf32>
    %rsqrt3A = math.rsqrt %add3A : vector<10000xf32>
    %jit3A = arith.constant 0.000000e+00 : f32
    %broadcast_in_dim3A = vector.broadcast %jit3A : f32 to vector<10000xf32>
    %select_n3A = arith.select %gt3A_10, %rsqrt3A, %broadcast_in_dim3A : vector<10000xi1>, vector<10000xf32>
    %broadcast_in_dim3A_11 = vector.shape_cast %select_n3A : vector<10000xf32> to vector<10000x1xf32>
    %swap3A = arith.constant 0 : index
    %swap3A_12 = arith.constant 0 : index
    %swap3A_13 = vector.load %arg3[%swap3A, %swap3A_12] : memref<10000x1xf32, #tpu.memory_space<vmem>>, vector<10000x1xf32>
    tpu.vector_store %arg3[%swap3A, %swap3A_12], %broadcast_in_dim3A_11 {strides = array<i32>} : memref<10000x1xf32, #tpu.memory_space<vmem>>, vector<10000x1xf32>,
    %get3A_14 = arith.constant 0 : index
    %get3A_15 = arith.constant 0 : index
    %get3A_16 = vector.load %arg2[%get3A_14, %get3A_15] : memref<10000x128xf32, #tpu.memory_space<vmem>>, vector<10000x128xf32>
    %broadcast_in_dim3A_17 = vector.shape_cast %select_n3A : vector<10000xf32> to vector<10000x1xf32>
    %mul3A = vector.broadcast %broadcast_in_dim3A_17 : vector<10000x1xf32> to vector<10000x128xf32>
    %mul3A_18 = arith.mulf %get3A_16, %mul3A : vector<10000x128xf32>
    %swap3A_19 = arith.constant 0 : index
    %swap3A_20 = arith.constant 0 : index
    %swap3A_21 = vector.load %arg4[%swap3A_19, %swap3A_20] : memref<10000x128xf32, #tpu.memory_space<vmem>>, vector<10000x128xf32>
    tpu.vector_store %arg4[%swap3A_19, %swap3A_20], %mul3A_18 {strides = array<i32>} : memref<10000x128xf32, #tpu.memory_space<vmem>>, vector<10000x128xf32>,
    return
  }
  func.func @transform_0(%arg0: i32) -> (i32, i32, i32) {
    %c0_i32 = arith.constant 0 : i32
    %c0_i32_0 = arith.constant 0 : i32
    %c0_i32_1 = arith.constant 0 : i32
    %c0_i32_2 = arith.constant 0 : i32
    return %c0_i32, %c0_i32_0, %c0_i32_1 : i32, i32, i32
  }
  func.func @transform_1(%arg0: i32) -> (i32, i32) {
    %c0_i32 = arith.constant 0 : i32
    %c0_i32_0 = arith.constant 0 : i32
    %c0_i32_1 = arith.constant 0 : i32
    return %c0_i32, %c0_i32_0 : i32, i32
  }
  func.func @transform_2(%arg0: i32) -> (i32, i32) {
    %c0_i32 = arith.constant 0 : i32
    %c0_i32_0 = arith.constant 0 : i32
    %c0_i32_1 = arith.constant 0 : i32
    return %c0_i32, %c0_i32_0 : i32, i32
  }
  func.func @transform_3(%arg0: i32) -> (i32, i32) {
    %c0_i32 = arith.constant 0 : i32
    %c0_i32_0 = arith.constant 0 : i32
    %c0_i32_1 = arith.constant 0 : i32
    return %c0_i32, %c0_i32_0 : i32, i32
  }
}

module attributes {stable_mosaic.version = 14 : i64} {
  func.func @k(%arg0: i32, %arg1: memref<10240x128xf32, #tpu.memory_space<vmem>>, %arg2: memref<10240x1xf32, #tpu.memory_space<vmem>>, %arg3: memref<10240x128xf32, #tpu.memory_space<vmem>>) attributes {dimension_semantics = [#tpu.dimension_semantics<arbitrary>], iteration_bounds = array<i64: 32>, scalar_prefetch = 0 : i64, scratch_operands = 0 : i64, tpu.core_type = #tpu.core_type<tc>, window_params = [{transform_indices = @transform_0, window_bounds = array<i64: 10240, 128>}, {transform_indices = @transform_1, window_bounds = array<i64: 10240, 1>}, {transform_indices = @transform_2, window_bounds = array<i64: 10240, 128>}]} {
    %get3A = arith.constant 0 : index
    %get3A_0 = arith.constant 0 : index
    %get3A_1 = vector.load %arg1[%get3A, %get3A_0] : memref<10240x128xf32, #tpu.memory_space<vmem>>, vector<10240x128xf32>
    %get3A_2 = arith.constant 0 : index
    %get3A_3 = arith.constant 0 : index
    %get3A_4 = vector.load %arg2[%get3A_2, %get3A_3] : memref<10240x1xf32, #tpu.memory_space<vmem>>, vector<10240x1xf32>
    %mul3A = vector.broadcast %get3A_4 : vector<10240x1xf32> to vector<10240x128xf32>
    %mul3A_5 = arith.mulf %get3A_1, %mul3A : vector<10240x128xf32>
    %swap3A = arith.constant 0 : index
    %swap3A_6 = arith.constant 0 : index
    %swap3A_7 = vector.load %arg3[%swap3A, %swap3A_6] : memref<10240x128xf32, #tpu.memory_space<vmem>>, vector<10240x128xf32>
    tpu.vector_store %arg3[%swap3A, %swap3A_6], %mul3A_5 {strides = array<i32>} : memref<10240x128xf32, #tpu.memory_space<vmem>>, vector<10240x128xf32>,
    return
  }
  func.func @transform_0(%arg0: i32) -> (i32, i32) {
    %c0_i32 = arith.constant 0 : i32
    %c0_i32_0 = arith.constant 0 : i32
    return %arg0, %c0_i32 : i32, i32
  }
  func.func @transform_1(%arg0: i32) -> (i32, i32) {
    %c0_i32 = arith.constant 0 : i32
    %c0_i32_0 = arith.constant 0 : i32
    return %arg0, %c0_i32 : i32, i32
  }
  func.func @transform_2(%arg0: i32) -> (i32, i32) {
    %c0_i32 = arith.constant 0 : i32
    %c0_i32_0 = arith.constant 0 : i32
    return %arg0, %c0_i32 : i32, i32
  }
}

module attributes {stable_mosaic.version = 14 : i64} {
  func.func @k(%arg0: i32, %arg1: memref<2x2000x128xf32, #tpu.memory_space<vmem>>, %arg2: memref<2000x1xf32, #tpu.memory_space<vmem>>, %arg3: memref<2000x128xf32, #tpu.memory_space<vmem>>, %arg4: memref<3x128x128xf32, #tpu.memory_space<vmem>>, %arg5: memref<2000x128xf32, #tpu.memory_space<vmem>>, %arg6: memref<2000x128xf32, #tpu.memory_space<vmem>>) attributes {dimension_semantics = [#tpu.dimension_semantics<arbitrary>], iteration_bounds = array<i64: 5>, scalar_prefetch = 0 : i64, scratch_operands = 0 : i64, tpu.core_type = #tpu.core_type<tc>, window_params = [{transform_indices = @transform_0, window_bounds = array<i64: 2, 2000, 128>}, {transform_indices = @transform_1, window_bounds = array<i64: 2000, 1>}, {transform_indices = @transform_2, window_bounds = array<i64: 2000, 128>}, {pipeline_mode = #tpu.pipeline_mode<synchronous>, transform_indices = @transform_3, window_bounds = array<i64: 3, 128, 128>}, {transform_indices = @transform_4, window_bounds = array<i64: 2000, 128>}, {transform_indices = @transform_5, window_bounds = array<i64: 2000, 128>}]} {
    %get3A = arith.constant 0 : index
    %get3A_0 = arith.constant 0 : index
    %get3A_1 = vector.load %arg2[%get3A, %get3A_0] : memref<2000x1xf32, #tpu.memory_space<vmem>>, vector<2000x1xf32>
    %get3A_2 = arith.constant 0 : index
    %get3A_3 = arith.constant 0 : index
    %get3A_4 = arith.constant 0 : index
    %get3A_5 = vector.load %arg1[%get3A_2, %get3A_3, %get3A_4] : memref<2x2000x128xf32, #tpu.memory_space<vmem>>, vector<1x2000x128xf32>
    %get3A_6 = vector.shape_cast %get3A_5 : vector<1x2000x128xf32> to vector<2000x128xf32>
    %get3A_7 = arith.constant 1 : index
    %get3A_8 = arith.constant 0 : index
    %get3A_9 = arith.constant 0 : index
    %get3A_10 = vector.load %arg1[%get3A_7, %get3A_8, %get3A_9] : memref<2x2000x128xf32, #tpu.memory_space<vmem>>, vector<1x2000x128xf32>
    %get3A_11 = vector.shape_cast %get3A_10 : vector<1x2000x128xf32> to vector<2000x128xf32>
    %add3A = arith.addf %get3A_6, %get3A_11 : vector<2000x128xf32>
    %neg3A = arith.constant 0.000000e+00 : f32
    %neg3A_12 = vector.broadcast %neg3A : f32 to vector<2000x128xf32>
    %neg3A_13 = arith.subf %neg3A_12, %add3A : vector<2000x128xf32>
    %mul3A = vector.broadcast %get3A_1 : vector<2000x1xf32> to vector<2000x128xf32>
    %mul3A_14 = arith.mulf %neg3A_13, %mul3A : vector<2000x128xf32>
    %mul3A_15 = vector.broadcast %get3A_1 : vector<2000x1xf32> to vector<2000x128xf32>
    %mul3A_16 = arith.mulf %mul3A_14, %mul3A_15 : vector<2000x128xf32>
    %swap3A = arith.constant 0 : index
    %swap3A_17 = arith.constant 0 : index
    %swap3A_18 = vector.load %arg5[%swap3A, %swap3A_17] : memref<2000x128xf32, #tpu.memory_space<vmem>>, vector<2000x128xf32>
    tpu.vector_store %arg5[%swap3A, %swap3A_17], %mul3A_16 {strides = array<i32>} : memref<2000x128xf32, #tpu.memory_space<vmem>>, vector<2000x128xf32>,
    %get3A_19 = arith.constant 0 : index
    %get3A_20 = arith.constant 0 : index
    %get3A_21 = vector.load %arg3[%get3A_19, %get3A_20] : memref<2000x128xf32, #tpu.memory_space<vmem>>, vector<2000x128xf32>
    %get3A_22 = arith.constant 0 : index
    %get3A_23 = arith.constant 0 : index
    %get3A_24 = arith.constant 0 : index
    %get3A_25 = vector.load %arg4[%get3A_22, %get3A_23, %get3A_24] : memref<3x128x128xf32, #tpu.memory_space<vmem>>, vector<1x128x128xf32>
    %get3A_26 = vector.shape_cast %get3A_25 : vector<1x128x128xf32> to vector<128x128xf32>
    %dot_general3A = arith.constant dense<0.000000e+00> : vector<2000x128xf32>
    %dot_general3A_27 = tpu.matmul %get3A_21, %get3A_26, %dot_general3A {dimension_numbers = #tpu.dot_dimension_numbers<[1], [0], [0], [1], [0, 0, 1, 1], [], []>, transpose_lhs_hint = false} : vector<2000x128xf32>, vector<128x128xf32>, vector<2000x128xf32> -> vector<2000x128xf32>
    %get3A_28 = arith.constant 1 : index
    %get3A_29 = arith.constant 0 : index
    %get3A_30 = arith.constant 0 : index
    %get3A_31 = vector.load %arg4[%get3A_28, %get3A_29, %get3A_30] : memref<3x128x128xf32, #tpu.memory_space<vmem>>, vector<1x128x128xf32>
    %get3A_32 = vector.shape_cast %get3A_31 : vector<1x128x128xf32> to vector<128x128xf32>
    %dot_general3A_33 = arith.constant dense<0.000000e+00> : vector<2000x128xf32>
    %dot_general3A_34 = tpu.matmul %mul3A_14, %get3A_32, %dot_general3A_33 {dimension_numbers = #tpu.dot_dimension_numbers<[1], [0], [0], [1], [0, 0, 1, 1], [], []>, transpose_lhs_hint = false} : vector<2000x128xf32>, vector<128x128xf32>, vector<2000x128xf32> -> vector<2000x128xf32>
    %add3A_35 = arith.addf %dot_general3A_27, %dot_general3A_34 : vector<2000x128xf32>
    %swap3A_36 = arith.constant 0 : index
    %swap3A_37 = arith.constant 0 : index
    %swap3A_38 = vector.load %arg6[%swap3A_36, %swap3A_37] : memref<2000x128xf32, #tpu.memory_space<vmem>>, vector<2000x128xf32>
    tpu.vector_store %arg6[%swap3A_36, %swap3A_37], %add3A_35 {strides = array<i32>} : memref<2000x128xf32, #tpu.memory_space<vmem>>, vector<2000x128xf32>,
    return
  }
  func.func @transform_0(%arg0: i32) -> (i32, i32, i32) {
    %c0_i32 = arith.constant 0 : i32
    %c0_i32_0 = arith.constant 0 : i32
    %c0_i32_1 = arith.constant 0 : i32
    return %c0_i32, %arg0, %c0_i32_0 : i32, i32, i32
  }
  func.func @transform_1(%arg0: i32) -> (i32, i32) {
    %c0_i32 = arith.constant 0 : i32
    %c0_i32_0 = arith.constant 0 : i32
    return %arg0, %c0_i32 : i32, i32
  }
  func.func @transform_2(%arg0: i32) -> (i32, i32) {
    %c0_i32 = arith.constant 0 : i32
    %c0_i32_0 = arith.constant 0 : i32
    return %arg0, %c0_i32 : i32, i32
  }
  func.func @transform_3(%arg0: i32) -> (i32, i32, i32) {
    %c0_i32 = arith.constant 0 : i32
    %c0_i32_0 = arith.constant 0 : i32
    %c0_i32_1 = arith.constant 0 : i32
    %c0_i32_2 = arith.constant 0 : i32
    return %c0_i32, %c0_i32_0, %c0_i32_1 : i32, i32, i32
  }
  func.func @transform_4(%arg0: i32) -> (i32, i32) {
    %c0_i32 = arith.constant 0 : i32
    %c0_i32_0 = arith.constant 0 : i32
    return %arg0, %c0_i32 : i32, i32
  }
  func.func @transform_5(%arg0: i32) -> (i32, i32) {
    %c0_i32 = arith.constant 0 : i32
    %c0_i32_0 = arith.constant 0 : i32
    return %arg0, %c0_i32 : i32, i32
  }
}

module attributes {stable_mosaic.version = 14 : i64} {
  func.func @k(%arg0: i32, %arg1: memref<2x2000x128xf32, #tpu.memory_space<vmem>>, %arg2: memref<2000x1xf32, #tpu.memory_space<vmem>>, %arg3: memref<2000x128xf32, #tpu.memory_space<vmem>>, %arg4: memref<2000x128xf32, #tpu.memory_space<vmem>>, %arg5: memref<3x128x128xf32, #tpu.memory_space<vmem>>, %arg6: memref<1x128xf32, #tpu.memory_space<vmem>>, %arg7: memref<2000x128xf32, #tpu.memory_space<vmem>>, %arg8: memref<2000x128xf32, #tpu.memory_space<vmem>>) attributes {dimension_semantics = [#tpu.dimension_semantics<arbitrary>], iteration_bounds = array<i64: 5>, scalar_prefetch = 0 : i64, scratch_operands = 0 : i64, tpu.core_type = #tpu.core_type<tc>, window_params = [{transform_indices = @transform_0, window_bounds = array<i64: 2, 2000, 128>}, {transform_indices = @transform_1, window_bounds = array<i64: 2000, 1>}, {transform_indices = @transform_2, window_bounds = array<i64: 2000, 128>}, {transform_indices = @transform_3, window_bounds = array<i64: 2000, 128>}, {pipeline_mode = #tpu.pipeline_mode<synchronous>, transform_indices = @transform_4, window_bounds = array<i64: 3, 128, 128>}, {pipeline_mode = #tpu.pipeline_mode<synchronous>, transform_indices = @transform_5, window_bounds = array<i64: 1, 128>}, {transform_indices = @transform_6, window_bounds = array<i64: 2000, 128>}, {transform_indices = @transform_7, window_bounds = array<i64: 2000, 128>}]} {
    %get3A = arith.constant 0 : index
    %get3A_0 = arith.constant 0 : index
    %get3A_1 = vector.load %arg2[%get3A, %get3A_0] : memref<2000x1xf32, #tpu.memory_space<vmem>>, vector<2000x1xf32>
    %get3A_2 = arith.constant 0 : index
    %get3A_3 = arith.constant 0 : index
    %get3A_4 = arith.constant 0 : index
    %get3A_5 = vector.load %arg1[%get3A_2, %get3A_3, %get3A_4] : memref<2x2000x128xf32, #tpu.memory_space<vmem>>, vector<1x2000x128xf32>
    %get3A_6 = vector.shape_cast %get3A_5 : vector<1x2000x128xf32> to vector<2000x128xf32>
    %get3A_7 = arith.constant 1 : index
    %get3A_8 = arith.constant 0 : index
    %get3A_9 = arith.constant 0 : index
    %get3A_10 = vector.load %arg1[%get3A_7, %get3A_8, %get3A_9] : memref<2x2000x128xf32, #tpu.memory_space<vmem>>, vector<1x2000x128xf32>
    %get3A_11 = vector.shape_cast %get3A_10 : vector<1x2000x128xf32> to vector<2000x128xf32>
    %add3A = arith.addf %get3A_6, %get3A_11 : vector<2000x128xf32>
    %mul3A = arith.constant -2.000000e+00 : f32
    %mul3A_12 = vector.broadcast %mul3A : f32 to vector<2000x128xf32>
    %mul3A_13 = arith.mulf %mul3A_12, %add3A : vector<2000x128xf32>
    %mul3A_14 = vector.broadcast %get3A_1 : vector<2000x1xf32> to vector<2000x128xf32>
    %mul3A_15 = arith.mulf %mul3A_13, %mul3A_14 : vector<2000x128xf32>
    %get3A_16 = arith.constant 0 : index
    %get3A_17 = arith.constant 0 : index
    %get3A_18 = vector.load %arg3[%get3A_16, %get3A_17] : memref<2000x128xf32, #tpu.memory_space<vmem>>, vector<2000x128xf32>
    %sub3A = arith.subf %mul3A_15, %get3A_18 : vector<2000x128xf32>
    %get3A_19 = arith.constant 0 : index
    %get3A_20 = arith.constant 0 : index
    %get3A_21 = vector.load %arg4[%get3A_19, %get3A_20] : memref<2000x128xf32, #tpu.memory_space<vmem>>, vector<2000x128xf32>
    %get3A_22 = arith.constant 2 : index
    %get3A_23 = arith.constant 0 : index
    %get3A_24 = arith.constant 0 : index
    %get3A_25 = vector.load %arg5[%get3A_22, %get3A_23, %get3A_24] : memref<3x128x128xf32, #tpu.memory_space<vmem>>, vector<1x128x128xf32>
    %get3A_26 = vector.shape_cast %get3A_25 : vector<1x128x128xf32> to vector<128x128xf32>
    %dot_general3A = arith.constant dense<0.000000e+00> : vector<2000x128xf32>
    %dot_general3A_27 = tpu.matmul %sub3A, %get3A_26, %dot_general3A {dimension_numbers = #tpu.dot_dimension_numbers<[1], [0], [0], [1], [0, 0, 1, 1], [], []>, transpose_lhs_hint = false} : vector<2000x128xf32>, vector<128x128xf32>, vector<2000x128xf32> -> vector<2000x128xf32>
    %add3A_28 = arith.addf %get3A_21, %dot_general3A_27 : vector<2000x128xf32>
    %get3A_29 = arith.constant 0 : index
    %get3A_30 = arith.constant 0 : index
    %get3A_31 = vector.load %arg6[%get3A_29, %get3A_30] : memref<1x128xf32, #tpu.memory_space<vmem>>, vector<1x128xf32>
    %add3A_32 = vector.broadcast %get3A_31 : vector<1x128xf32> to vector<2000x128xf32>
    %add3A_33 = arith.addf %add3A_28, %add3A_32 : vector<2000x128xf32>
    %max3A = arith.constant 0.000000e+00 : f32
    %max3A_34 = vector.broadcast %max3A : f32 to vector<2000x128xf32>
    %max3A_35 = arith.maximumf %add3A_33, %max3A_34 : vector<2000x128xf32>
    %swap3A = arith.constant 0 : index
    %swap3A_36 = arith.constant 0 : index
    %swap3A_37 = vector.load %arg7[%swap3A, %swap3A_36] : memref<2000x128xf32, #tpu.memory_space<vmem>>, vector<2000x128xf32>
    tpu.vector_store %arg7[%swap3A, %swap3A_36], %max3A_35 {strides = array<i32>} : memref<2000x128xf32, #tpu.memory_space<vmem>>, vector<2000x128xf32>,
    %mul3A_38 = vector.broadcast %get3A_1 : vector<2000x1xf32> to vector<2000x128xf32>
    %mul3A_39 = arith.mulf %max3A_35, %mul3A_38 : vector<2000x128xf32>
    %swap3A_40 = arith.constant 0 : index
    %swap3A_41 = arith.constant 0 : index
    %swap3A_42 = vector.load %arg8[%swap3A_40, %swap3A_41] : memref<2000x128xf32, #tpu.memory_space<vmem>>, vector<2000x128xf32>
    tpu.vector_store %arg8[%swap3A_40, %swap3A_41], %mul3A_39 {strides = array<i32>} : memref<2000x128xf32, #tpu.memory_space<vmem>>, vector<2000x128xf32>,
    return
  }
  func.func @transform_0(%arg0: i32) -> (i32, i32, i32) {
    %c0_i32 = arith.constant 0 : i32
    %c0_i32_0 = arith.constant 0 : i32
    %c0_i32_1 = arith.constant 0 : i32
    return %c0_i32, %arg0, %c0_i32_0 : i32, i32, i32
  }
  func.func @transform_1(%arg0: i32) -> (i32, i32) {
    %c0_i32 = arith.constant 0 : i32
    %c0_i32_0 = arith.constant 0 : i32
    return %arg0, %c0_i32 : i32, i32
  }
  func.func @transform_2(%arg0: i32) -> (i32, i32) {
    %c0_i32 = arith.constant 0 : i32
    %c0_i32_0 = arith.constant 0 : i32
    return %arg0, %c0_i32 : i32, i32
  }
  func.func @transform_3(%arg0: i32) -> (i32, i32) {
    %c0_i32 = arith.constant 0 : i32
    %c0_i32_0 = arith.constant 0 : i32
    return %arg0, %c0_i32 : i32, i32
  }
  func.func @transform_4(%arg0: i32) -> (i32, i32, i32) {
    %c0_i32 = arith.constant 0 : i32
    %c0_i32_0 = arith.constant 0 : i32
    %c0_i32_1 = arith.constant 0 : i32
    %c0_i32_2 = arith.constant 0 : i32
    return %c0_i32, %c0_i32_0, %c0_i32_1 : i32, i32, i32
  }
  func.func @transform_5(%arg0: i32) -> (i32, i32) {
    %c0_i32 = arith.constant 0 : i32
    %c0_i32_0 = arith.constant 0 : i32
    %c0_i32_1 = arith.constant 0 : i32
    return %c0_i32, %c0_i32_0 : i32, i32
  }
  func.func @transform_6(%arg0: i32) -> (i32, i32) {
    %c0_i32 = arith.constant 0 : i32
    %c0_i32_0 = arith.constant 0 : i32
    return %arg0, %c0_i32 : i32, i32
  }
  func.func @transform_7(%arg0: i32) -> (i32, i32) {
    %c0_i32 = arith.constant 0 : i32
    %c0_i32_0 = arith.constant 0 : i32
    return %arg0, %c0_i32 : i32, i32
  }
}

module attributes {stable_mosaic.version = 14 : i64} {
  func.func @k(%arg0: i32, %arg1: memref<2x2000x128xf32, #tpu.memory_space<vmem>>, %arg2: memref<2000x1xf32, #tpu.memory_space<vmem>>, %arg3: memref<2000x128xf32, #tpu.memory_space<vmem>>, %arg4: memref<2000x128xf32, #tpu.memory_space<vmem>>, %arg5: memref<3x128x128xf32, #tpu.memory_space<vmem>>, %arg6: memref<1x128xf32, #tpu.memory_space<vmem>>, %arg7: memref<2000x128xf32, #tpu.memory_space<vmem>>, %arg8: memref<2000x128xf32, #tpu.memory_space<vmem>>) attributes {dimension_semantics = [#tpu.dimension_semantics<arbitrary>], iteration_bounds = array<i64: 5>, scalar_prefetch = 0 : i64, scratch_operands = 0 : i64, tpu.core_type = #tpu.core_type<tc>, window_params = [{transform_indices = @transform_0, window_bounds = array<i64: 2, 2000, 128>}, {transform_indices = @transform_1, window_bounds = array<i64: 2000, 1>}, {transform_indices = @transform_2, window_bounds = array<i64: 2000, 128>}, {transform_indices = @transform_3, window_bounds = array<i64: 2000, 128>}, {pipeline_mode = #tpu.pipeline_mode<synchronous>, transform_indices = @transform_4, window_bounds = array<i64: 3, 128, 128>}, {pipeline_mode = #tpu.pipeline_mode<synchronous>, transform_indices = @transform_5, window_bounds = array<i64: 1, 128>}, {transform_indices = @transform_6, window_bounds = array<i64: 2000, 128>}, {transform_indices = @transform_7, window_bounds = array<i64: 2000, 128>}]} {
    %get3A = arith.constant 0 : index
    %get3A_0 = arith.constant 0 : index
    %get3A_1 = vector.load %arg2[%get3A, %get3A_0] : memref<2000x1xf32, #tpu.memory_space<vmem>>, vector<2000x1xf32>
    %get3A_2 = arith.constant 0 : index
    %get3A_3 = arith.constant 0 : index
    %get3A_4 = arith.constant 0 : index
    %get3A_5 = vector.load %arg1[%get3A_2, %get3A_3, %get3A_4] : memref<2x2000x128xf32, #tpu.memory_space<vmem>>, vector<1x2000x128xf32>
    %get3A_6 = vector.shape_cast %get3A_5 : vector<1x2000x128xf32> to vector<2000x128xf32>
    %get3A_7 = arith.constant 1 : index
    %get3A_8 = arith.constant 0 : index
    %get3A_9 = arith.constant 0 : index
    %get3A_10 = vector.load %arg1[%get3A_7, %get3A_8, %get3A_9] : memref<2x2000x128xf32, #tpu.memory_space<vmem>>, vector<1x2000x128xf32>
    %get3A_11 = vector.shape_cast %get3A_10 : vector<1x2000x128xf32> to vector<2000x128xf32>
    %add3A = arith.addf %get3A_6, %get3A_11 : vector<2000x128xf32>
    %mul3A = arith.constant -2.000000e+00 : f32
    %mul3A_12 = vector.broadcast %mul3A : f32 to vector<2000x128xf32>
    %mul3A_13 = arith.mulf %mul3A_12, %add3A : vector<2000x128xf32>
    %mul3A_14 = vector.broadcast %get3A_1 : vector<2000x1xf32> to vector<2000x128xf32>
    %mul3A_15 = arith.mulf %mul3A_13, %mul3A_14 : vector<2000x128xf32>
    %get3A_16 = arith.constant 0 : index
    %get3A_17 = arith.constant 0 : index
    %get3A_18 = vector.load %arg3[%get3A_16, %get3A_17] : memref<2000x128xf32, #tpu.memory_space<vmem>>, vector<2000x128xf32>
    %sub3A = arith.subf %mul3A_15, %get3A_18 : vector<2000x128xf32>
    %get3A_19 = arith.constant 0 : index
    %get3A_20 = arith.constant 0 : index
    %get3A_21 = vector.load %arg4[%get3A_19, %get3A_20] : memref<2000x128xf32, #tpu.memory_space<vmem>>, vector<2000x128xf32>
    %get3A_22 = arith.constant 2 : index
    %get3A_23 = arith.constant 0 : index
    %get3A_24 = arith.constant 0 : index
    %get3A_25 = vector.load %arg5[%get3A_22, %get3A_23, %get3A_24] : memref<3x128x128xf32, #tpu.memory_space<vmem>>, vector<1x128x128xf32>
    %get3A_26 = vector.shape_cast %get3A_25 : vector<1x128x128xf32> to vector<128x128xf32>
    %dot_general3A = arith.constant dense<0.000000e+00> : vector<2000x128xf32>
    %dot_general3A_27 = tpu.matmul %sub3A, %get3A_26, %dot_general3A {dimension_numbers = #tpu.dot_dimension_numbers<[1], [0], [0], [1], [0, 0, 1, 1], [], []>, transpose_lhs_hint = false} : vector<2000x128xf32>, vector<128x128xf32>, vector<2000x128xf32> -> vector<2000x128xf32>
    %add3A_28 = arith.addf %get3A_21, %dot_general3A_27 : vector<2000x128xf32>
    %get3A_29 = arith.constant 0 : index
    %get3A_30 = arith.constant 0 : index
    %get3A_31 = vector.load %arg6[%get3A_29, %get3A_30] : memref<1x128xf32, #tpu.memory_space<vmem>>, vector<1x128xf32>
    %add3A_32 = vector.broadcast %get3A_31 : vector<1x128xf32> to vector<2000x128xf32>
    %add3A_33 = arith.addf %add3A_28, %add3A_32 : vector<2000x128xf32>
    %max3A = arith.constant 0.000000e+00 : f32
    %max3A_34 = vector.broadcast %max3A : f32 to vector<2000x128xf32>
    %max3A_35 = arith.maximumf %add3A_33, %max3A_34 : vector<2000x128xf32>
    %swap3A = arith.constant 0 : index
    %swap3A_36 = arith.constant 0 : index
    %swap3A_37 = vector.load %arg7[%swap3A, %swap3A_36] : memref<2000x128xf32, #tpu.memory_space<vmem>>, vector<2000x128xf32>
    tpu.vector_store %arg7[%swap3A, %swap3A_36], %max3A_35 {strides = array<i32>} : memref<2000x128xf32, #tpu.memory_space<vmem>>, vector<2000x128xf32>,
    %mul3A_38 = vector.broadcast %get3A_1 : vector<2000x1xf32> to vector<2000x128xf32>
    %mul3A_39 = arith.mulf %max3A_35, %mul3A_38 : vector<2000x128xf32>
    %swap3A_40 = arith.constant 0 : index
    %swap3A_41 = arith.constant 0 : index
    %swap3A_42 = vector.load %arg8[%swap3A_40, %swap3A_41] : memref<2000x128xf32, #tpu.memory_space<vmem>>, vector<2000x128xf32>
    tpu.vector_store %arg8[%swap3A_40, %swap3A_41], %mul3A_39 {strides = array<i32>} : memref<2000x128xf32, #tpu.memory_space<vmem>>, vector<2000x128xf32>,
    return
  }
  func.func @transform_0(%arg0: i32) -> (i32, i32, i32) {
    %c0_i32 = arith.constant 0 : i32
    %c0_i32_0 = arith.constant 0 : i32
    %c0_i32_1 = arith.constant 0 : i32
    return %c0_i32, %arg0, %c0_i32_0 : i32, i32, i32
  }
  func.func @transform_1(%arg0: i32) -> (i32, i32) {
    %c0_i32 = arith.constant 0 : i32
    %c0_i32_0 = arith.constant 0 : i32
    return %arg0, %c0_i32 : i32, i32
  }
  func.func @transform_2(%arg0: i32) -> (i32, i32) {
    %c0_i32 = arith.constant 0 : i32
    %c0_i32_0 = arith.constant 0 : i32
    return %arg0, %c0_i32 : i32, i32
  }
  func.func @transform_3(%arg0: i32) -> (i32, i32) {
    %c0_i32 = arith.constant 0 : i32
    %c0_i32_0 = arith.constant 0 : i32
    return %arg0, %c0_i32 : i32, i32
  }
  func.func @transform_4(%arg0: i32) -> (i32, i32, i32) {
    %c0_i32 = arith.constant 0 : i32
    %c0_i32_0 = arith.constant 0 : i32
    %c0_i32_1 = arith.constant 0 : i32
    %c0_i32_2 = arith.constant 0 : i32
    return %c0_i32, %c0_i32_0, %c0_i32_1 : i32, i32, i32
  }
  func.func @transform_5(%arg0: i32) -> (i32, i32) {
    %c0_i32 = arith.constant 0 : i32
    %c0_i32_0 = arith.constant 0 : i32
    %c0_i32_1 = arith.constant 0 : i32
    return %c0_i32, %c0_i32_0 : i32, i32
  }
  func.func @transform_6(%arg0: i32) -> (i32, i32) {
    %c0_i32 = arith.constant 0 : i32
    %c0_i32_0 = arith.constant 0 : i32
    return %arg0, %c0_i32 : i32, i32
  }
  func.func @transform_7(%arg0: i32) -> (i32, i32) {
    %c0_i32 = arith.constant 0 : i32
    %c0_i32_0 = arith.constant 0 : i32
    return %arg0, %c0_i32 : i32, i32
  }
}

module attributes {stable_mosaic.version = 14 : i64} {
  func.func @k(%arg0: i32, %arg1: memref<2000x128xf32, #tpu.memory_space<vmem>>, %arg2: memref<128x64xf32, #tpu.memory_space<vmem>>, %arg3: memref<1x64xf32, #tpu.memory_space<vmem>>, %arg4: memref<2000x64xf32, #tpu.memory_space<vmem>>) attributes {dimension_semantics = [#tpu.dimension_semantics<arbitrary>], iteration_bounds = array<i64: 5>, scalar_prefetch = 0 : i64, scratch_operands = 0 : i64, tpu.core_type = #tpu.core_type<tc>, window_params = [{transform_indices = @transform_0, window_bounds = array<i64: 2000, 128>}, {pipeline_mode = #tpu.pipeline_mode<synchronous>, transform_indices = @transform_1, window_bounds = array<i64: 128, 64>}, {pipeline_mode = #tpu.pipeline_mode<synchronous>, transform_indices = @transform_2, window_bounds = array<i64: 1, 64>}, {transform_indices = @transform_3, window_bounds = array<i64: 2000, 64>}]} {
    %get3A = arith.constant 0 : index
    %get3A_0 = arith.constant 0 : index
    %get3A_1 = vector.load %arg1[%get3A, %get3A_0] : memref<2000x128xf32, #tpu.memory_space<vmem>>, vector<2000x128xf32>
    %get3A_2 = arith.constant 0 : index
    %get3A_3 = arith.constant 0 : index
    %get3A_4 = vector.load %arg2[%get3A_2, %get3A_3] : memref<128x64xf32, #tpu.memory_space<vmem>>, vector<128x64xf32>
    %dot_general3A = arith.constant dense<0.000000e+00> : vector<2000x64xf32>
    %dot_general3A_5 = tpu.matmul %get3A_1, %get3A_4, %dot_general3A {dimension_numbers = #tpu.dot_dimension_numbers<[1], [0], [0], [1], [0, 0, 1, 1], [], []>, transpose_lhs_hint = false} : vector<2000x128xf32>, vector<128x64xf32>, vector<2000x64xf32> -> vector<2000x64xf32>
    %get3A_6 = arith.constant 0 : index
    %get3A_7 = arith.constant 0 : index
    %get3A_8 = vector.load %arg3[%get3A_6, %get3A_7] : memref<1x64xf32, #tpu.memory_space<vmem>>, vector<1x64xf32>
    %add3A = vector.broadcast %get3A_8 : vector<1x64xf32> to vector<2000x64xf32>
    %add3A_9 = arith.addf %dot_general3A_5, %add3A : vector<2000x64xf32>
    %reduce_max3A = arith.constant dense<0xFF800000> : vector<2000xf32>
    %reduce_max3A_10 = vector.multi_reduction <maximumf>, %add3A_9, %reduce_max3A [1] : vector<2000x64xf32> to vector<2000xf32>
    %broadcast_in_dim3A = vector.shape_cast %reduce_max3A_10 : vector<2000xf32> to vector<2000x1xf32>
    %sub3A = vector.broadcast %broadcast_in_dim3A : vector<2000x1xf32> to vector<2000x64xf32>
    %sub3A_11 = arith.subf %add3A_9, %sub3A : vector<2000x64xf32>
    %exp3A = math.exp %sub3A_11 : vector<2000x64xf32>
    %reduce_sum3A = arith.constant dense<0.000000e+00> : vector<2000xf32>
    %reduce_sum3A_12 = vector.multi_reduction <add>, %exp3A, %reduce_sum3A [1] : vector<2000x64xf32> to vector<2000xf32>
    %broadcast_in_dim3A_13 = vector.shape_cast %reduce_sum3A_12 : vector<2000xf32> to vector<2000x1xf32>
    %log3A = math.log %broadcast_in_dim3A_13 : vector<2000x1xf32>
    %sub3A_14 = vector.broadcast %log3A : vector<2000x1xf32> to vector<2000x64xf32>
    %sub3A_15 = arith.subf %sub3A_11, %sub3A_14 : vector<2000x64xf32>
    %swap3A = arith.constant 0 : index
    %swap3A_16 = arith.constant 0 : index
    %swap3A_17 = vector.load %arg4[%swap3A, %swap3A_16] : memref<2000x64xf32, #tpu.memory_space<vmem>>, vector<2000x64xf32>
    tpu.vector_store %arg4[%swap3A, %swap3A_16], %sub3A_15 {strides = array<i32>} : memref<2000x64xf32, #tpu.memory_space<vmem>>, vector<2000x64xf32>,
    return
  }
  func.func @transform_0(%arg0: i32) -> (i32, i32) {
    %c0_i32 = arith.constant 0 : i32
    %c0_i32_0 = arith.constant 0 : i32
    return %arg0, %c0_i32 : i32, i32
  }
  func.func @transform_1(%arg0: i32) -> (i32, i32) {
    %c0_i32 = arith.constant 0 : i32
    %c0_i32_0 = arith.constant 0 : i32
    %c0_i32_1 = arith.constant 0 : i32
    return %c0_i32, %c0_i32_0 : i32, i32
  }
  func.func @transform_2(%arg0: i32) -> (i32, i32) {
    %c0_i32 = arith.constant 0 : i32
    %c0_i32_0 = arith.constant 0 : i32
    %c0_i32_1 = arith.constant 0 : i32
    return %c0_i32, %c0_i32_0 : i32, i32
  }
  func.func @transform_3(%arg0: i32) -> (i32, i32) {
    %c0_i32 = arith.constant 0 : i32
    %c0_i32_0 = arith.constant 0 : i32
    return %arg0, %c0_i32 : i32, i32
  }
}

</mosaic_0001>

<sc_bundles>
// kernel: kernel.22.cloned.1.call-start
scs
__scs_entry_jumppad:
0x0: {  	(pc) =	sbr.rel $0x88, $3  }
0x1: {  	(tag) =	ssettag $0x0;
	lr =	simm.s32 $0x1  }
0x2: {  	[smem:$0x3F98] =	sst lr;
	_ =	strace $0xD0000000  }
0x3: {  	_ = 	snop  }
0x4: {  	_ = 	snop  }
0x5: {  	_ = 	snop  }
0x6: {  	_ = 	snop  }
0x7: {  	_ = 	snop  }
__scs_overlays_trampoline_lowered:
0x8: {  	[smem:$0x3FA7] =	sst s0  }
0x9: {  	[smem:$0x3FA8] =	sst s1  }
0xa: {  	[smem:$0x3FA9] =	sst s2  }
0xb: {  	[smem:$0x3FAA] =	sst s3  }
0xc: {  	[smem:$0x3FAB] =	sst s4  }
0xd: {  	[smem:$0x3FAC] =	sst s5  }
0xe: {  	[smem:$0x3FAD] =	sst s6  }
0xf: {  	[smem:$0x3FAE] =	sst s7  }
0x10: {  	[smem:$0x3FAF] =	sst s8  }
0x11: {  	[smem:$0x3FB0] =	sst s9;
	s0 =	simm.s32 @!p0 $0x0  }
0x12: {  	s1 =	sld [smem:$0x3F96];
	s0 =	simm.s32 @p0 $0x1  }
0x13: {  	[smem:$0x3FB1] =	sst s0;
	s0 =	simm.s32 @!p1 $0x0  }
0x14: {  	s2 =	sld [smem:$0x3F95];
	s0 =	simm.s32 @p1 $0x1  }
0x15: {  	[smem:$0x3FB2] =	sst s0;
	s0 =	simm.s32 @!p2 $0x0  }
0x16: {  	s3 =	sld [smem:$0x3FDB];
	s0 =	simm.s32 @p2 $0x1  }
0x17: {  	s4 =	simm.s32 $0x1BF5;
	[smem:$0x3FB4] =	sst s0  }
0x18: {  	s0 =	sld [smem:$0x3F97];
	_ =	swait.ge [sflag:s4], $0x0  }
0x19: {  	s7 =	sld [smem:$0x3F98]  }
0x1a: {  	s8 =	sadd.s32 $0xFFFFE003, lr  }
0x1b: {  	s9 =	sadd.s32 $0xFFFFFEF7, lr;
	s5 =	simm.s32 $0xFFFFFFFF;
	p2 =	slt.u32 s8, $0xFFFFF086  }
0x1c: {  	p1 =	slt.u32 s9, $0xF7A;
	s5 =	simm.s32 @!p2 $0x0  }
0x1d: {  	s5 =	simm.s32 @p1 $0x1;
	p0 =	seq.s32 s7, s2  }
0x1e: {  	s7 =	smul.u32 @!p0 $0xF7A, s2;
	p2 =	seq.s32 @!p0 s5, $0x0  }
0x1f: {  	s9 =	smul.u32 $0xF7A, s1;
	s8 =	simm.s32 @!p0 $0x1BF5;
	p2 =	por !p2, p0  }
0x20: {  	[sflag:s8] =	ssyncset.s32 @!p0 $0xFFFFF086;
	s6 =	sadd.s32 @!p0 s3, s7;
	s7 =	simm.s32 @!p0 $0x108  }
0x21: {  	s3 =	sadd.s32 s3, s9;
	s6 =	sadd.s32 @!p0 $0x88, s6;
	s7 =	simm.s32 @p2 $0x1082  }
0x22: {  	[simem:s7], [sflag:s8] =	dma.local @!p0 [hbm:s6], $0xF7A  }
0x23: {  	s9 =	sor.u32 $0xD0000000, s2;
	s6 =	simm.s32 $0x108;
	_ =	swait.ge @!p0 [sflag:s8], $0x0  }
0x24: {  	s3 =	sadd.s32 $0x88, s3;
	s6 =	simm.s32 @!p1 $0x1082;
	[sflag:s4] =	ssyncset.s32 $0xFFFFF086  }
0x25: {  	[simem:s6], [sflag:s4] =	dma.local [hbm:s3], $0xF7A  }
0x26: {  	[smem:$0x3F98] =	sst s1;
	(tag) =	ssettag s2;
	_ =	strace s9  }
0x27: {  	s1 =	sld [smem:$0x3FA8]  }
0x28: {  	s2 =	sld [smem:$0x3FA9]  }
0x29: {  	s4 =	sld [smem:$0x3FAB]  }
0x2a: {  	p0 =	seq.s32 s5, $0x0;
	s5 =	sld [smem:$0x3FAC]  }
0x2b: {  	s6 =	sld [smem:$0x3FAD]  }
0x2c: {  	s7 =	sld [smem:$0x3FAE]  }
0x2d: {  	s3 =	simm.s32 $0x108;
	s8 =	sld [smem:$0x3FAF]  }
0x2e: {  	s3 =	simm.s32 @!p0 $0x1082;
	s9 =	sld [smem:$0x3FB0]  }
0x2f: {  	lr =	sadd.s32 s0, s3;
	s0 =	sld [smem:$0x3FA7]  }
0x30: {  	s3 =	sld [smem:$0x3FAA]  }
0x31: {  	[smem:$0x3FB3] =	sst s10  }
0x32: {  	s10 =	sld [smem:$0x3FB1];
	_ =	sdelay $0x3  }
0x33: {  	p0 =	seq.s32 s10, $0x1;
	s10 =	sld [smem:$0x3FB3];
	_ =	sdelay $0x3  }
0x34: {  	[smem:$0x3FB3] =	sst s10  }
0x35: {  	s10 =	sld [smem:$0x3FB2];
	_ =	sdelay $0x3  }
0x36: {  	p1 =	seq.s32 s10, $0x1;
	s10 =	sld [smem:$0x3FB3];
	_ =	sdelay $0x3  }
0x37: {  	[smem:$0x3FB3] =	sst s10  }
0x38: {  	s10 =	sld [smem:$0x3FB4]  }
0x39: {  	_ = 	snop;
	(pc) =	sbr.ind lr, $3  }
0x3a: {  	_ = 	snop  }
0x3b: {  	_ = 	snop  }
0x3c: {  	p2 =	seq.s32 s10, $0x1;
	s10 =	sld [smem:$0x3FB3]  }
0x3d: {  	_ =	shalt  }
0x3e: {  	_ =	shalt  }
0x3f: {  	_ =	shalt  }
0x40: {  	_ =	shalt  }
0x41: {  	_ =	shalt  }
0x42: {  	_ =	shalt  }
0x43: {  	_ =	shalt  }
0x44: {  	_ =	shalt  }
0x45: {  	_ =	shalt  }
0x46: {  	_ =	shalt  }
0x47: {  	_ =	shalt  }
0x48: {  	_ =	shalt  }
0x49: {  	_ =	shalt  }
0x4a: {  	_ =	shalt  }
0x4b: {  	_ =	shalt  }
0x4c: {  	_ =	shalt  }
0x4d: {  	_ =	shalt  }
0x4e: {  	_ =	shalt  }
0x4f: {  	_ =	shalt  }
0x50: {  	_ =	shalt  }
0x51: {  	_ =	shalt  }
0x52: {  	_ =	shalt  }
0x53: {  	_ =	shalt  }
0x54: {  	_ =	shalt  }
0x55: {  	_ =	shalt  }
0x56: {  	_ =	shalt  }
0x57: {  	_ =	shalt  }
0x58: {  	_ =	shalt  }
0x59: {  	_ =	shalt  }
0x5a: {  	_ =	shalt  }
0x5b: {  	_ =	shalt  }
0x5c: {  	_ =	shalt  }
0x5d: {  	_ =	shalt  }
0x5e: {  	_ =	shalt  }
0x5f: {  	_ =	shalt  }
0x60: {  	_ =	shalt  }
0x61: {  	_ =	shalt  }
0x62: {  	_ =	shalt  }
0x63: {  	_ =	shalt  }
0x64: {  	_ =	shalt  }
0x65: {  	_ =	shalt  }
0x66: {  	_ =	shalt  }
0x67: {  	_ =	shalt  }
0x68: {  	_ =	shalt  }
0x69: {  	_ =	shalt  }
0x6a: {  	_ =	shalt  }
0x6b: {  	_ =	shalt  }
0x6c: {  	_ =	shalt  }
0x6d: {  	_ =	shalt  }
0x6e: {  	_ =	shalt  }
0x6f: {  	_ =	shalt  }
0x70: {  	_ =	shalt  }
0x71: {  	_ =	shalt  }
0x72: {  	_ =	shalt  }
0x73: {  	_ =	shalt  }
0x74: {  	_ =	shalt  }
0x75: {  	_ =	shalt  }
0x76: {  	_ =	shalt  }
0x77: {  	_ =	shalt  }
0x78: {  	_ =	shalt  }
0x79: {  	_ =	shalt  }
0x7a: {  	_ =	shalt  }
0x7b: {  	_ =	shalt  }
0x7c: {  	_ =	shalt  }
0x7d: {  	_ =	shalt  }
0x7e: {  	_ =	shalt  }
0x7f: {  	_ =	shalt  }
0x80: {  	_ =	shalt  }
0x81: {  	_ =	shalt  }
0x82: {  	_ =	shalt  }
0x83: {  	_ =	shalt  }
0x84: {  	_ =	shalt  }
0x85: {  	_ =	shalt  }
0x86: {  	_ =	shalt  }
0x87: {  	_ =	shalt  }
.Lfunc_end0:
.L_simem_size_0:
called_computation_lowered:
.L_overlay_start_0:
0x88: {  	s2 =	sld [smem:$0x3FD9]  }
0x89: {  	s3 =	sld [smem:$0x3FFE];
	_ =	sdelay $0x1  }
0x8a: {  	s1 =	srdreg.scid  }
0x8b: {  	s0 =	sand.u32 $0x1, s1  }
0x8c: {  	s17 =	sshll.u32 s0, $0xA;
	s2 =	sadd.s32 s3, s2  }
0x8d: {  	s2 =	sadd.s32 s2, s17  }
0x8e: {  	[smem:$0x3FBF] =	sst s2  }
0x8f: {  	_ = 	snop  }
0x90: {  	s2 =	sld [smem:$0x3FD0];
	(tm) =	ssettm $0x1  }
0x91: {  	s18 =	sld [smem:$0x3FFB];
	_ =	sdelay $0x3  }
0x92: {  	_ =	strace s18  }
0x93: {  	s3 =	sld [smem:$0x3FFC];
	_ =	sdelay $0x3  }
0x94: {  	_ =	strace s3  }
0x95: {  	s3 =	sld [smem:$0x3FFD];
	_ =	sdelay $0x3  }
0x96: {  	_ =	strace s3  }
0x97: {  	_ =	strace $0x8FFFFFFF  }
0x98: {  	s19 =	sld [smem:$0x3FDB];
	_ =	sdelay $0x1  }
0x99: {  	s4 =	simm.s32 $_scs_section_size  }
0x9a: {  	s5 =	simm.s32 $_size__tile_overlayer_lowered;
	s6 =	simm.s32 $_tile_overlayer_lowered  }
0x9b: {  	s22 =	simm.s32 $0x1BFF;
	s21 =	sshll.u32 s6, $0x1;
	s3 =	sadd.s32 s4, s19  }
0x9c: {  	s7 =	simm.s32 $0x0;
	s20 =	sshll.u32 s5, $0x1;
	s5 =	sadd.s32 s21, s3  }
0x9d: {  	[timem:s7], [sflag:s22] =	dma.local [hbm:s5], s20  }
0x9e: {  	_ =	swait.ge [sflag:s22], s20  }
0x9f: {  	s4 =	ssub.s32 $0x0, s20;
	[sflag:s22] =	ssyncset.done $0x0  }
0xa0: {  	[sflag:s22] =	ssyncadd.s32 s4;
	_ =	sdelay $0x1  }
0xa1: {  	s23 =	simm.s32 $0x1B8B  }
0xa2: {  	_ =	swait.ge [sflag:s23], $0x1  }
0xa3: {  	[sflag:s23] =	ssyncset.done $0x0  }
0xa4: {  	s25 =	simm.s32 $0x1B8E;
	s24 =	sld [smem:$0x3FFE];
	[sflag:s23] =	ssyncadd.s32 $0xFFFFFFFF  }
0xa5: {  	s26 =	simm.s32 $execute0_lowered;
	[smem:$0x3FD2] =	sst s25  }
0xa6: {  	s5 =	sshll.u32 s26, $0x1;
	_ =	strace $0x80000046;
	[dreg:$0x1] =	wrdreg $0xFFFFFFFF  }
0xa7: {  	s28 =	simm.s32 $_size_execute0_lowered;
	s3 =	sadd.s32 s3, s5;
	[dreg:$0x0] =	wrdreg $0x0  }
0xa8: {  	s5 =	sshll.u32 s28, $0x1;
	[dreg:$0x2] =	wrdreg s3  }
0xa9: {  	[dreg:$0x3] =	wrdreg s5  }
0xaa: {  	[dreg:$0x4] =	wrdreg $0xC0  }
0xab: {  	_ =	task [dreg:s7], $0x5FFFF  }
0xac: {  	[dreg:$0x1] =	wrdreg $0xFFFFFFFF  }
0xad: {  	[dreg:$0x0] =	wrdreg $0x60  }
0xae: {  	[dreg:$0x2] =	wrdreg s24  }
0xaf: {  	[dreg:$0x3] =	wrdreg s2  }
0xb0: {  	[dreg:$0x4] =	wrdreg $0xA8000  }
0xb1: {  	[dreg:$0x5] =	wrdreg $0x9  }
0xb2: {  	_ =	task.clear_ibuf [dreg:s7], $0x6FFFF;
	_ =	strace $0x90000046  }
0xb3: {  	s29 =	simm.s32 $0x9;
	_ =	strace $0x80000048  }
0xb4: {  	_ =	swait.ge [sflag:s29], $0x1  }
0xb5: {  	[sflag:s29] =	ssyncadd.s32 $0xFFFFFFFF  }
0xb6: {  	_ =	strace $0x90000048  }
0xb7: {  	_ =	sfence  }
0xb8: {  	s30 =	sld [smem:$0x0];
	_ =	sdelay $0x2  }
0xb9: {  	s31 =	sshll.u32 s1, $0xD;
	s1 =	sshrl.u32 s1, $0x2  }
0xba: {  	s3 =	sand.u32 $0x4000, s31;
	s1 =	sadd.s32 s1, s30  }
0xbb: {  	s0 =	sor.u32 s3, s0;
	s1 =	sshll.u32 s1, $0x11  }
0xbc: {  	s0 =	sor.u32 s1, s0  }
0xbd: {  	s0 =	sadd.s32 $0x8F2B, s0  }
0xbe: {  	[sflag:s0] =	ssyncadd.remote.s32 $0x1  }
0xbf: {  	_ =	sfence.sel $0xFFFF  }
0xc0: {  	[dreg:$0x0] =	wrdreg $0xFFFFFFFF;
	(pc) =	sbr.abs _section_cstart, $3  }
0xc1: {  	[dreg:$0x1] =	wrdreg $0xFFFFFFFF  }
0xc2: {  	_ =	task.clear_ibuf [dreg:s7], $0x2FFFF;
	_ =	strace $0x9FFFFFFF  }
0xc3: {  	(tm) =	ssettm $0x7FFFFFFF  }
tec
execute0_lowered:
.L_overlay_start_1:
0x0: {  	(tag) =	ssettag $0x1  }
0x1: {  	s5 =	rddreg [dreg:$0x0]  }
0x2: {  	s6 =	rddreg [dreg:$0x1]  }
0x3: {  	s2 =	rddreg [dreg:$0x2]  }
0x4: {  	s0 =	rddreg [dreg:$0x3];
	s3 =	simm.s32 $0x0;
	s4 =	srdreg.scid  }
0x5: {  	s1 =	stileid.u32;
	s18 =	simm.s32 $0x1;
	s19 =	simm.s32 $0x6800  }
0x6: {  	s20 =	simm.s32 $0x80;
	s21 =	simm.s32 $0x2;
	s22 =	simm.s32 $0x2700  }
0x7: {  	s7 =	sand.u32 $0x1, s4;
	s12 =	sadd.s32 $0x50FA00, s5;
	s4 =	sadd.s32 $0xA0FA00, s5  }
0x8: {  	[smem:$0x7FF] =	sst s3;
	s13 =	smul.u32 $0x4E000, s1;
	s14 =	sadd.s32 $0xA12200, s5  }
0x9: {  	s23 =	sshll.u32 s1, $0x1;
	s28 =	smul.u32 $0x13800, s1;
	s15 =	sadd.s32 $0x124800, s2  }
0xa: {  	s29 =	smul.u32 $0x280000, s1;
	p0 =	seq.s32 s1, $0xF;
	_ =	strace $0x80000047  }
0xb: {  	s8 =	sor.u32 s7, s23;
	s9 =	ssub.s32 $0x2, s7;
	s25 =	smul.u32 $0x138800, s7  }
0xc: {  	s30 =	smul.u32 $0x140000, s7;
	s17 =	sshll.u32 @!p0 s1, $0x6;
	s23 =	simm.s32 $0x2780  }
0xd: {  	s10 =	smul.u32 $0x500, s8;
	s11 =	sshrl.u32 s9, $0x1;
	s24 =	sshrl.u32 s13, $0x2  }
0xe: {  	s8 =	smul.u32 $0x140000, s8;
	s11 =	ssub.s32 s9, s11;
	s16 =	sadd.s32 s24, s2  }
0xf: {  	s9 =	sshrl.u32 s25, $0x3;
	s13 =	sadd.s32 s30, s29;
	s24 =	simm.s32 $0x0  }
0x10: {  	s5 =	sadd.s32 s6, s10;
	s26 =	sshrl.u32 s8, $0x3;
	s8 =	sadd.s32 s28, s25  }
0x11: {  	s9 =	sadd.s32 s14, s9;
	s10 =	smax.u32 s11, $0x1;
	s31 =	sor.u32 $0x8000, s13  }
0x12: {  	s13 =	sor.u32 $0x4000, s13;
	s16 =	sshrl.u32 @!p0 s16, $0x3;
	s6 =	sadd.s32 s12, s26  }
0x13: {  	s8 =	sshrl.u32 s8, $0x3;
	s9 =	sadd.s32 $0x24900, s9;
	s11 =	sshrl.u32 s31, $0x3  }
0x14: {  	s13 =	sshrl.u32 s13, $0x3;
	s7 =	sadd.s32 $0x27800, s6;
	s8 =	sadd.s32 s14, s8  }
0x15: {  	s11 =	sadd.s32 s11, s12;
	s12 =	sadd.s32 s13, s12;
	s13 =	simm.s32 $0x3  }
0x16: {  	s14 =	sshrl.u32 @p0 s15, $0x3;
	s15 =	sor.u32 @!p0 $0x1C03, s17;
	s17 =	simm.s32 $0x2800  }
.LBB2_1:
0x17: {  	[tilespmem:s3], [sflag:$0x3] =	stream.linear.gather [hbm4b:s5+s3], $0x2800, $0x38;
	[tilespmem:$0x1E080] =	vst v63  }
0x18: {  	_ =	swait.ge [sflag:s13], $0x2800  }
0x19: {  	[sflag:s13] =	ssyncset.done $0x0  }
0x1a: {  	s25 =	simm.s32 @p0 $0x1FC3;
	[sflag:s13] =	ssyncadd.s32 $0xFFFFD800  }
0x1b: {  	[spmem:s14], [sflag:s25] =	dma.local @p0 [hbm:s4], $0x2800  }
0x1c: {  	s25 =	simm.s32 @p0 $0x3  }
0x1d: {  	_ =	swait.ge @p0 [sflag:s25], $0x2800  }
0x1e: {  	[sflag:s25] =	ssyncset.done @p0 $0x0  }
0x1f: {  	[sflag:s25] =	ssyncadd.s32 @p0 $0xFFFFD800;
	s25 =	simm.s32 @!p0 $0x3  }
0x20: {  	[spmem:s16], [sflag:s15] =	dma.local @!p0 [hbm:s4], $0x2700  }
0x21: {  	_ =	swait.ge @!p0 [sflag:s25], $0x2700  }
0x22: {  	[sflag:s25] =	ssyncset.done @!p0 $0x0  }
0x23: {  	[sflag:s25] =	ssyncadd.s32 @!p0 $0xFFFFD900  }
0x24: {  	[bflag:$0x0] =	sbarrier.arrive $0xFFFF  }
0x25: {  	[tilespmem:s17], [sflag:$0x1] =	stream.linear.gather [hbm4b:s6+s3], $0x4000, $0x38;
	[tilespmem:$0x1E080] =	vst v63  }
0x26: {  	_ =	swait.ge [sflag:s18], $0x4000  }
0x27: {  	[sflag:s18] =	ssyncset.done $0x0  }
0x28: {  	s29 =	sadd.s32 $0x0, s12;
	[sflag:s18] =	ssyncadd.s32 $0xFFFFC000  }
0x29: {  	[tilespmem:s19], [sflag:$0x2] =	stream.linear.gather [hbm4b:s29+s3], $0x4000, $0x38;
	[tilespmem:$0x1E080] =	vst v63  }
0x2a: {  	_ = 	snop  }
0x2b: {  	[spmem:s2] =	stream.indirect.scatter.add.f32 [tilespmem:s17], [sflag:$0x3], $0x80, s3, s20, $0xb8;
	[tilespmem:$0x1E080] =	vst v63  }
0x2c: {  	_ =	swait.ge [sflag:s13], $0x4000  }
0x2d: {  	[sflag:s13] =	ssyncset.done $0x0  }
0x2e: {  	s30 =	sadd.s32 $0x0, s11;
	[sflag:s13] =	ssyncadd.s32 $0xFFFFC000  }
0x2f: {  	[tilespmem:s17], [sflag:$0x1] =	stream.linear.gather [hbm4b:s30+s3], $0x4000, $0x38;
	[tilespmem:$0x1E080] =	vst v63  }
0x30: {  	_ =	swait.ge [sflag:s21], $0x4000  }
0x31: {  	[sflag:s21] =	ssyncset.done $0x0  }
0x32: {  	s31 =	simm.s32 $0x80;
	[sflag:s21] =	ssyncadd.s32 $0xFFFFC000  }
0x33: {  	[spmem:s2] =	stream.indirect.scatter.add.f32 [tilespmem:s19], [sflag:$0x3], $0x80, s31, s20, $0xb8;
	[tilespmem:$0x1E080] =	vst v63  }
0x34: {  	_ =	swait.ge [sflag:s13], $0x4000  }
0x35: {  	s26 =	simm.s32 $0x0;
	s25 =	simm.s32 $0x1000;
	[sflag:s13] =	ssyncset.done $0x0  }
.LBB2_2:
0x36: {  	p1 =	sne.s32 s25, $0x26000;
	[sflag:s13] =	ssyncadd.s32 $0xFFFFC000;
	s26 =	sadd.s32 $0x100, s26  }
0x37: {  	s28 =	smov.u32 s25;
	s25 =	sadd.s32 $0x1000, s25;
	_ =	swait.ge [sflag:s18], $0x4000  }
0x38: {  	[sflag:s18] =	ssyncset.done $0x0  }
0x39: {  	s29 =	sadd.s32 s28, s12;
	[sflag:s18] =	ssyncadd.s32 $0xFFFFC000  }
0x3a: {  	[tilespmem:s19], [sflag:$0x2] =	stream.linear.gather [hbm4b:s29+s3], $0x4000, $0x38;
	[tilespmem:$0x1E080] =	vst v63  }
0x3b: {  	_ = 	snop  }
0x3c: {  	[spmem:s2] =	stream.indirect.scatter.add.f32 [tilespmem:s17], [sflag:$0x3], $0x80, s26, s20, $0xb8;
	[tilespmem:$0x1E080] =	vst v63  }
0x3d: {  	_ =	swait.ge [sflag:s13], $0x4000  }
0x3e: {  	[sflag:s13] =	ssyncset.done $0x0  }
0x3f: {  	s28 =	sadd.s32 s28, s11;
	[sflag:s13] =	ssyncadd.s32 $0xFFFFC000  }
0x40: {  	[tilespmem:s17], [sflag:$0x1] =	stream.linear.gather [hbm4b:s28+s3], $0x4000, $0x38;
	[tilespmem:$0x1E080] =	vst v63  }
0x41: {  	_ =	swait.ge [sflag:s21], $0x4000  }
.Ltmp0:
0x42: {  	[sflag:s21] =	ssyncset.done $0x0;
	(pc) =	sbr.rel @p1 .LBB2_2-.Ltmp0, $4  }
0x43: {  	s28 =	sadd.s32 $0x80, s26;
	[sflag:s21] =	ssyncadd.s32 $0xFFFFC000  }
0x44: {  	[spmem:s2] =	stream.indirect.scatter.add.f32 [tilespmem:s19], [sflag:$0x3], $0x80, s28, s20, $0xb8;
	[tilespmem:$0x1E080] =	vst v63  }
0x45: {  	_ =	swait.ge [sflag:s13], $0x4000  }
0x46: {  	[sflag:s13] =	ssyncset.done $0x0  }
0x47: {  	[sflag:s13] =	ssyncadd.s32 $0xFFFFC000  }
0x48: {  	_ =	swait.ge [sflag:s18], $0x4000  }
0x49: {  	[sflag:s18] =	ssyncset.done $0x0  }
0x4a: {  	[sflag:s18] =	ssyncadd.s32 $0xFFFFC000  }
0x4b: {  	[tilespmem:s19], [sflag:$0x2] =	stream.linear.gather [hbm4b:s7+s3], $0x4000, $0x38;
	[tilespmem:$0x1E080] =	vst v63  }
0x4c: {  	_ = 	snop  }
0x4d: {  	[spmem:s2] =	stream.indirect.scatter.add.f32 [tilespmem:s17], [sflag:$0x3], $0x80, s22, s20, $0xb8;
	[tilespmem:$0x1E080] =	vst v63  }
0x4e: {  	_ =	swait.ge [sflag:s13], $0x4000  }
0x4f: {  	[sflag:s13] =	ssyncset.done $0x0  }
0x50: {  	[sflag:s13] =	ssyncadd.s32 $0xFFFFC000  }
0x51: {  	_ =	swait.ge [sflag:s21], $0x4000  }
0x52: {  	[sflag:s21] =	ssyncset.done $0x0  }
0x53: {  	[sflag:s21] =	ssyncadd.s32 $0xFFFFC000  }
0x54: {  	[spmem:s2] =	stream.indirect.scatter.add.f32 [tilespmem:s19], [sflag:$0x3], $0x80, s23, s20, $0xb8;
	[tilespmem:$0x1E080] =	vst v63  }
0x55: {  	_ =	swait.ge [sflag:s13], $0x4000  }
0x56: {  	[sflag:s13] =	ssyncset.done $0x0  }
0x57: {  	[sflag:s13] =	ssyncadd.s32 $0xFFFFC000  }
0x58: {  	s25 =	simm.s32 @p0 $0x1FC3;
	[bflag:$0x0] =	sbarrier.arrive $0xFFFF  }
0x59: {  	[hbm:s9], [sflag:s25] =	dma.local @p0 [spmem:s14], $0x2800  }
0x5a: {  	s25 =	simm.s32 @p0 $0x3  }
0x5b: {  	s24 =	sadd.s32 $0x1, s24;
	_ =	swait.ge @p0 [sflag:s25], $0x2800  }
0x5c: {  	p1 =	sne.s32 s24, s10;
	[sflag:s25] =	ssyncset.done @p0 $0x0  }
.Ltmp1:
0x5d: {  	[sflag:s25] =	ssyncadd.s32 @p0 $0xFFFFD800;
	s25 =	simm.s32 @!p0 $0x3;
	(pc) =	sbr.rel @p1 .LBB2_1-.Ltmp1, $4  }
0x5e: {  	[hbm:s8], [sflag:s15] =	dma.local @!p0 [spmem:s16], $0x2700  }
0x5f: {  	_ =	swait.ge @!p0 [sflag:s25], $0x2700  }
0x60: {  	[sflag:s25] =	ssyncset.done @!p0 $0x0  }
0x61: {  	[sflag:s25] =	ssyncadd.s32 @!p0 $0xFFFFD900  }
0x62: {  	_ =	sfence.sel $0x180000  }
0x63: {  	[bflag:$0x0] =	sbarrier.arrive $0xFFFF  }
0x64: {  	p0 =	sne.s32 s1, $0x0;
	_ =	strace $0x90000047  }
0x65: {  	s0 =	sadd.s32 @!p0 $0x100000, s0;
	[bflag:$0x2] =	sbarrier.arrive $0xFFFF  }
0x66: {  	[sflag:s0] =	ssyncadd.tile.s32 @!p0 $0x1;
	_ =	shalt  }
.Lfunc_end2:
_tile_overlayer_lowered:
.L_overlay_start_2:
0x67: {  	(tag) =	ssettag $0x2  }
0x68: {  	s0 =	rddreg [dreg:$0x0];
	s2 =	stileid.u32  }
0x69: {  	s1 =	rddreg [dreg:$0x1];
	p0 =	sne.s32 s2, $0x0  }
0x6a: {  	s3 =	rddreg [dreg:$0x2];
	[bflag:$0x3] =	sbarrier.arrive $0xFFFF;
	s2 =	simm.s32 @!p0 $0x1C03  }
0x6b: {  	[timem:s3], [sflag:s2] =	dma.local @!p0 [hbm:s0], s1  }
0x6c: {  	s0 =	simm.s32 @!p0 $0x3  }
0x6d: {  	_ =	swait.ge @!p0 [sflag:s0], s1  }
0x6e: {  	s1 =	ssub.s32 @!p0 $0x0, s1;
	[sflag:s0] =	ssyncset.done @!p0 $0x0  }
0x6f: {  	[sflag:s0] =	ssyncadd.s32 @!p0 s1  }
0x70: {  	[bflag:$0x3] =	sbarrier.arrive $0xFFFF  }
0x71: {  	_ =	shalt  }

// kernel: kernel.25.cloned.1.call-start
scs
__scs_entry_jumppad:
0x0: {  	(pc) =	sbr.rel $0x88, $3  }
0x1: {  	(tag) =	ssettag $0x0;
	lr =	simm.s32 $0x1  }
0x2: {  	[smem:$0x3F98] =	sst lr;
	_ =	strace $0xD0000000  }
0x3: {  	_ = 	snop  }
0x4: {  	_ = 	snop  }
0x5: {  	_ = 	snop  }
0x6: {  	_ = 	snop  }
0x7: {  	_ = 	snop  }
__scs_overlays_trampoline_lowered:
0x8: {  	[smem:$0x3FA7] =	sst s0  }
0x9: {  	[smem:$0x3FA8] =	sst s1  }
0xa: {  	[smem:$0x3FA9] =	sst s2  }
0xb: {  	[smem:$0x3FAA] =	sst s3  }
0xc: {  	[smem:$0x3FAB] =	sst s4  }
0xd: {  	[smem:$0x3FAC] =	sst s5  }
0xe: {  	[smem:$0x3FAD] =	sst s6  }
0xf: {  	[smem:$0x3FAE] =	sst s7  }
0x10: {  	[smem:$0x3FAF] =	sst s8  }
0x11: {  	[smem:$0x3FB0] =	sst s9;
	s0 =	simm.s32 @!p0 $0x0  }
0x12: {  	s1 =	sld [smem:$0x3F96];
	s0 =	simm.s32 @p0 $0x1  }
0x13: {  	[smem:$0x3FB1] =	sst s0;
	s0 =	simm.s32 @!p1 $0x0  }
0x14: {  	s2 =	sld [smem:$0x3F95];
	s0 =	simm.s32 @p1 $0x1  }
0x15: {  	[smem:$0x3FB2] =	sst s0;
	s0 =	simm.s32 @!p2 $0x0  }
0x16: {  	s3 =	sld [smem:$0x3FDB];
	s0 =	simm.s32 @p2 $0x1  }
0x17: {  	s4 =	simm.s32 $0x1BF5;
	[smem:$0x3FB4] =	sst s0  }
0x18: {  	s0 =	sld [smem:$0x3F97];
	_ =	swait.ge [sflag:s4], $0x0  }
0x19: {  	s7 =	sld [smem:$0x3F98]  }
0x1a: {  	s8 =	sadd.s32 $0xFFFFE003, lr  }
0x1b: {  	s9 =	sadd.s32 $0xFFFFFEF7, lr;
	s5 =	simm.s32 $0xFFFFFFFF;
	p2 =	slt.u32 s8, $0xFFFFF086  }
0x1c: {  	p1 =	slt.u32 s9, $0xF7A;
	s5 =	simm.s32 @!p2 $0x0  }
0x1d: {  	s5 =	simm.s32 @p1 $0x1;
	p0 =	seq.s32 s7, s2  }
0x1e: {  	s7 =	smul.u32 @!p0 $0xF7A, s2;
	p2 =	seq.s32 @!p0 s5, $0x0  }
0x1f: {  	s9 =	smul.u32 $0xF7A, s1;
	s8 =	simm.s32 @!p0 $0x1BF5;
	p2 =	por !p2, p0  }
0x20: {  	[sflag:s8] =	ssyncset.s32 @!p0 $0xFFFFF086;
	s6 =	sadd.s32 @!p0 s3, s7;
	s7 =	simm.s32 @!p0 $0x108  }
0x21: {  	s3 =	sadd.s32 s3, s9;
	s6 =	sadd.s32 @!p0 $0x88, s6;
	s7 =	simm.s32 @p2 $0x1082  }
0x22: {  	[simem:s7], [sflag:s8] =	dma.local @!p0 [hbm:s6], $0xF7A  }
0x23: {  	s9 =	sor.u32 $0xD0000000, s2;
	s6 =	simm.s32 $0x108;
	_ =	swait.ge @!p0 [sflag:s8], $0x0  }
0x24: {  	s3 =	sadd.s32 $0x88, s3;
	s6 =	simm.s32 @!p1 $0x1082;
	[sflag:s4] =	ssyncset.s32 $0xFFFFF086  }
0x25: {  	[simem:s6], [sflag:s4] =	dma.local [hbm:s3], $0xF7A  }
0x26: {  	[smem:$0x3F98] =	sst s1;
	(tag) =	ssettag s2;
	_ =	strace s9  }
0x27: {  	s1 =	sld [smem:$0x3FA8]  }
0x28: {  	s2 =	sld [smem:$0x3FA9]  }
0x29: {  	s4 =	sld [smem:$0x3FAB]  }
0x2a: {  	p0 =	seq.s32 s5, $0x0;
	s5 =	sld [smem:$0x3FAC]  }
0x2b: {  	s6 =	sld [smem:$0x3FAD]  }
0x2c: {  	s7 =	sld [smem:$0x3FAE]  }
0x2d: {  	s3 =	simm.s32 $0x108;
	s8 =	sld [smem:$0x3FAF]  }
0x2e: {  	s3 =	simm.s32 @!p0 $0x1082;
	s9 =	sld [smem:$0x3FB0]  }
0x2f: {  	lr =	sadd.s32 s0, s3;
	s0 =	sld [smem:$0x3FA7]  }
0x30: {  	s3 =	sld [smem:$0x3FAA]  }
0x31: {  	[smem:$0x3FB3] =	sst s10  }
0x32: {  	s10 =	sld [smem:$0x3FB1];
	_ =	sdelay $0x3  }
0x33: {  	p0 =	seq.s32 s10, $0x1;
	s10 =	sld [smem:$0x3FB3];
	_ =	sdelay $0x3  }
0x34: {  	[smem:$0x3FB3] =	sst s10  }
0x35: {  	s10 =	sld [smem:$0x3FB2];
	_ =	sdelay $0x3  }
0x36: {  	p1 =	seq.s32 s10, $0x1;
	s10 =	sld [smem:$0x3FB3];
	_ =	sdelay $0x3  }
0x37: {  	[smem:$0x3FB3] =	sst s10  }
0x38: {  	s10 =	sld [smem:$0x3FB4]  }
0x39: {  	_ = 	snop;
	(pc) =	sbr.ind lr, $3  }
0x3a: {  	_ = 	snop  }
0x3b: {  	_ = 	snop  }
0x3c: {  	p2 =	seq.s32 s10, $0x1;
	s10 =	sld [smem:$0x3FB3]  }
0x3d: {  	_ =	shalt  }
0x3e: {  	_ =	shalt  }
0x3f: {  	_ =	shalt  }
0x40: {  	_ =	shalt  }
0x41: {  	_ =	shalt  }
0x42: {  	_ =	shalt  }
0x43: {  	_ =	shalt  }
0x44: {  	_ =	shalt  }
0x45: {  	_ =	shalt  }
0x46: {  	_ =	shalt  }
0x47: {  	_ =	shalt  }
0x48: {  	_ =	shalt  }
0x49: {  	_ =	shalt  }
0x4a: {  	_ =	shalt  }
0x4b: {  	_ =	shalt  }
0x4c: {  	_ =	shalt  }
0x4d: {  	_ =	shalt  }
0x4e: {  	_ =	shalt  }
0x4f: {  	_ =	shalt  }
0x50: {  	_ =	shalt  }
0x51: {  	_ =	shalt  }
0x52: {  	_ =	shalt  }
0x53: {  	_ =	shalt  }
0x54: {  	_ =	shalt  }
0x55: {  	_ =	shalt  }
0x56: {  	_ =	shalt  }
0x57: {  	_ =	shalt  }
0x58: {  	_ =	shalt  }
0x59: {  	_ =	shalt  }
0x5a: {  	_ =	shalt  }
0x5b: {  	_ =	shalt  }
0x5c: {  	_ =	shalt  }
0x5d: {  	_ =	shalt  }
0x5e: {  	_ =	shalt  }
0x5f: {  	_ =	shalt  }
0x60: {  	_ =	shalt  }
0x61: {  	_ =	shalt  }
0x62: {  	_ =	shalt  }
0x63: {  	_ =	shalt  }
0x64: {  	_ =	shalt  }
0x65: {  	_ =	shalt  }
0x66: {  	_ =	shalt  }
0x67: {  	_ =	shalt  }
0x68: {  	_ =	shalt  }
0x69: {  	_ =	shalt  }
0x6a: {  	_ =	shalt  }
0x6b: {  	_ =	shalt  }
0x6c: {  	_ =	shalt  }
0x6d: {  	_ =	shalt  }
0x6e: {  	_ =	shalt  }
0x6f: {  	_ =	shalt  }
0x70: {  	_ =	shalt  }
0x71: {  	_ =	shalt  }
0x72: {  	_ =	shalt  }
0x73: {  	_ =	shalt  }
0x74: {  	_ =	shalt  }
0x75: {  	_ =	shalt  }
0x76: {  	_ =	shalt  }
0x77: {  	_ =	shalt  }
0x78: {  	_ =	shalt  }
0x79: {  	_ =	shalt  }
0x7a: {  	_ =	shalt  }
0x7b: {  	_ =	shalt  }
0x7c: {  	_ =	shalt  }
0x7d: {  	_ =	shalt  }
0x7e: {  	_ =	shalt  }
0x7f: {  	_ =	shalt  }
0x80: {  	_ =	shalt  }
0x81: {  	_ =	shalt  }
0x82: {  	_ =	shalt  }
0x83: {  	_ =	shalt  }
0x84: {  	_ =	shalt  }
0x85: {  	_ =	shalt  }
0x86: {  	_ =	shalt  }
0x87: {  	_ =	shalt  }
.Lfunc_end0:
.L_simem_size_0:
called_computation.1_lowered:
.L_overlay_start_0:
0x88: {  	s2 =	sld [smem:$0x3FD9]  }
0x89: {  	s3 =	sld [smem:$0x3FFE];
	_ =	sdelay $0x1  }
0x8a: {  	s1 =	srdreg.scid  }
0x8b: {  	s0 =	sand.u32 $0x1, s1  }
0x8c: {  	s17 =	sshll.u32 s0, $0xA;
	s2 =	sadd.s32 s3, s2  }
0x8d: {  	s2 =	sadd.s32 s2, s17  }
0x8e: {  	[smem:$0x3FBF] =	sst s2  }
0x8f: {  	_ = 	snop  }
0x90: {  	s2 =	sld [smem:$0x3FD0];
	(tm) =	ssettm $0x1  }
0x91: {  	s18 =	sld [smem:$0x3FFB];
	_ =	sdelay $0x3  }
0x92: {  	_ =	strace s18  }
0x93: {  	s3 =	sld [smem:$0x3FFC];
	_ =	sdelay $0x3  }
0x94: {  	_ =	strace s3  }
0x95: {  	s3 =	sld [smem:$0x3FFD];
	_ =	sdelay $0x3  }
0x96: {  	_ =	strace s3  }
0x97: {  	_ =	strace $0x8FFFFFFF  }
0x98: {  	s19 =	sld [smem:$0x3FDB];
	_ =	sdelay $0x1  }
0x99: {  	s4 =	simm.s32 $_scs_section_size  }
0x9a: {  	s5 =	simm.s32 $_size__tile_overlayer_lowered;
	s6 =	simm.s32 $_tile_overlayer_lowered  }
0x9b: {  	s22 =	simm.s32 $0x1BFF;
	s21 =	sshll.u32 s6, $0x1;
	s3 =	sadd.s32 s4, s19  }
0x9c: {  	s7 =	simm.s32 $0x0;
	s20 =	sshll.u32 s5, $0x1;
	s5 =	sadd.s32 s21, s3  }
0x9d: {  	[timem:s7], [sflag:s22] =	dma.local [hbm:s5], s20  }
0x9e: {  	_ =	swait.ge [sflag:s22], s20  }
0x9f: {  	s4 =	ssub.s32 $0x0, s20;
	[sflag:s22] =	ssyncset.done $0x0  }
0xa0: {  	[sflag:s22] =	ssyncadd.s32 s4;
	_ =	sdelay $0x1  }
0xa1: {  	s23 =	simm.s32 $0x1B8B  }
0xa2: {  	_ =	swait.ge [sflag:s23], $0x1  }
0xa3: {  	[sflag:s23] =	ssyncset.done $0x0  }
0xa4: {  	s25 =	simm.s32 $0x1B8E;
	s24 =	sld [smem:$0x3FFE];
	[sflag:s23] =	ssyncadd.s32 $0xFFFFFFFF  }
0xa5: {  	s26 =	simm.s32 $execute0_lowered;
	[smem:$0x3FD2] =	sst s25  }
0xa6: {  	s5 =	sshll.u32 s26, $0x1;
	_ =	strace $0x80000049;
	[dreg:$0x1] =	wrdreg $0xFFFFFFFF  }
0xa7: {  	s28 =	simm.s32 $_size_execute0_lowered;
	s3 =	sadd.s32 s3, s5;
	[dreg:$0x0] =	wrdreg $0x0  }
0xa8: {  	s5 =	sshll.u32 s28, $0x1;
	[dreg:$0x2] =	wrdreg s3  }
0xa9: {  	[dreg:$0x3] =	wrdreg s5  }
0xaa: {  	[dreg:$0x4] =	wrdreg $0xC0  }
0xab: {  	_ =	task [dreg:s7], $0x5FFFF  }
0xac: {  	[dreg:$0x1] =	wrdreg $0xFFFFFFFF  }
0xad: {  	[dreg:$0x0] =	wrdreg $0x60  }
0xae: {  	[dreg:$0x2] =	wrdreg s24  }
0xaf: {  	[dreg:$0x3] =	wrdreg s2  }
0xb0: {  	[dreg:$0x4] =	wrdreg $0x9  }
0xb1: {  	_ =	task.clear_ibuf [dreg:s7], $0x5FFFF;
	_ =	strace $0x90000049  }
0xb2: {  	s29 =	simm.s32 $0x9;
	_ =	strace $0x8000004B  }
0xb3: {  	_ =	swait.ge [sflag:s29], $0x1  }
0xb4: {  	[sflag:s29] =	ssyncadd.s32 $0xFFFFFFFF  }
0xb5: {  	_ =	strace $0x9000004B  }
0xb6: {  	_ =	sfence  }
0xb7: {  	s30 =	sld [smem:$0x0];
	_ =	sdelay $0x2  }
0xb8: {  	s31 =	sshll.u32 s1, $0xD;
	s1 =	sshrl.u32 s1, $0x2  }
0xb9: {  	s3 =	sand.u32 $0x4000, s31;
	s1 =	sadd.s32 s1, s30  }
0xba: {  	s0 =	sor.u32 s3, s0;
	s1 =	sshll.u32 s1, $0x11  }
0xbb: {  	s0 =	sor.u32 s1, s0  }
0xbc: {  	s0 =	sadd.s32 $0x8F2B, s0  }
0xbd: {  	[sflag:s0] =	ssyncadd.remote.s32 $0x1  }
0xbe: {  	_ =	sfence.sel $0xFFFF  }
0xbf: {  	[dreg:$0x0] =	wrdreg $0xFFFFFFFF;
	(pc) =	sbr.abs _section_cstart, $3  }
0xc0: {  	[dreg:$0x1] =	wrdreg $0xFFFFFFFF  }
0xc1: {  	_ =	task.clear_ibuf [dreg:s7], $0x2FFFF;
	_ =	strace $0x9FFFFFFF  }
0xc2: {  	(tm) =	ssettm $0x7FFFFFFF  }
0xc3: {  	_ =	shalt  }
tec
execute0_lowered:
.L_overlay_start_1:
0x0: {  	(tag) =	ssettag $0x1  }
0x1: {  	s3 =	rddreg [dreg:$0x0];
	s1 =	srdreg.scid  }
0x2: {  	s0 =	stileid.u32;
	s4 =	rddreg [dreg:$0x1]  }
0x3: {  	s2 =	simm.s32 $0x0;
	s13 =	simm.s32 $0x1;
	s14 =	simm.s32 $0x6800  }
0x4: {  	s15 =	simm.s32 $0x2;
	s16 =	simm.s32 $0x2780;
	s17 =	simm.s32 $0x0  }
0x5: {  	s5 =	sand.u32 $0x1, s1;
	s6 =	sshll.u32 s0, $0x1;
	s1 =	rddreg [dreg:$0x2]  }
0x6: {  	[smem:$0x7FF] =	sst s2;
	s9 =	sadd.s32 $0xA12200, s3;
	s10 =	smul.u32 $0x280000, s0  }
0x7: {  	s6 =	sor.u32 s5, s6;
	s8 =	ssub.s32 $0x2, s5;
	s12 =	smul.u32 $0x140000, s5  }
0x8: {  	s3 =	sadd.s32 $0x50FA00, s3;
	s7 =	smul.u32 $0x500, s6;
	s11 =	sshrl.u32 s8, $0x1  }
0x9: {  	_ =	strace $0x8000004A;
	s6 =	smul.u32 $0x140000, s6;
	s8 =	ssub.s32 s8, s11  }
0xa: {  	s29 =	sadd.s32 s12, s10;
	s11 =	simm.s32 $0x80;
	s12 =	simm.s32 $0x2800  }
0xb: {  	s6 =	sshrl.u32 s6, $0x3;
	s4 =	sadd.s32 s4, s7;
	s10 =	sshrl.u32 s29, $0x3  }
0xc: {  	s30 =	sor.u32 $0x4000, s29;
	s7 =	smax.u32 s8, $0x1;
	s6 =	sadd.s32 s9, s6  }
0xd: {  	s8 =	sadd.s32 s10, s9;
	s31 =	sshrl.u32 s30, $0x3;
	s10 =	simm.s32 $0x3  }
0xe: {  	s5 =	sadd.s32 $0x27000, s6;
	s6 =	sadd.s32 $0x27800, s6;
	s9 =	sadd.s32 s31, s9  }
.LBB2_1:
0xf: {  	[tilespmem:s2], [sflag:$0x3] =	stream.linear.gather [hbm4b:s4+s2], $0x2800, $0x38;
	[tilespmem:$0xA800] =	vst v63  }
0x10: {  	_ =	swait.ge [sflag:s10], $0x2800  }
0x11: {  	[sflag:s10] =	ssyncset.done $0x0  }
0x12: {  	[sflag:s10] =	ssyncadd.s32 $0xFFFFD800  }
0x13: {  	[tilespmem:s12], [sflag:$0x1] =	stream.indirect.gather [hbm4b:s3+s11], $0x80, s2, s11, $0xb8;
	[tilespmem:$0xA800] =	vst v63  }
0x14: {  	_ =	swait.ge [sflag:s13], $0x4000  }
0x15: {  	[sflag:s13] =	ssyncset.done $0x0  }
0x16: {  	s18 =	simm.s32 $0x80;
	[sflag:s13] =	ssyncadd.s32 $0xFFFFC000  }
0x17: {  	[tilespmem:s14], [sflag:$0x2] =	stream.indirect.gather [hbm4b:s3+s11], $0x80, s18, s11, $0xb8;
	[tilespmem:$0xA800] =	vst v63  }
0x18: {  	s31 =	sadd.s32 $0x0, s8  }
0x19: {  	[hbm4b:s31+s2] =	stream.linear.scatter [tilespmem:s12], [sflag:$0x3], $0x4000, $0x38;
	[tilespmem:$0xA800] =	vst v63  }
0x1a: {  	_ =	swait.ge [sflag:s10], $0x4000  }
0x1b: {  	[sflag:s10] =	ssyncset.done $0x0  }
0x1c: {  	s18 =	simm.s32 $0x100;
	[sflag:s10] =	ssyncadd.s32 $0xFFFFC000  }
0x1d: {  	[tilespmem:s12], [sflag:$0x1] =	stream.indirect.gather [hbm4b:s3+s11], $0x80, s18, s11, $0xb8;
	[tilespmem:$0xA800] =	vst v63  }
0x1e: {  	_ =	swait.ge [sflag:s15], $0x4000  }
0x1f: {  	[sflag:s15] =	ssyncset.done $0x0  }
0x20: {  	s19 =	sadd.s32 $0x0, s9;
	[sflag:s15] =	ssyncadd.s32 $0xFFFFC000  }
0x21: {  	[hbm4b:s19+s2] =	stream.linear.scatter [tilespmem:s14], [sflag:$0x3], $0x4000, $0x38;
	[tilespmem:$0xA800] =	vst v63  }
0x22: {  	_ =	swait.ge [sflag:s10], $0x4000  }
0x23: {  	s19 =	simm.s32 $0x1000;
	[sflag:s10] =	ssyncset.done $0x0  }
.LBB2_2:
0x24: {  	p0 =	sne.s32 s19, $0x26000;
	[sflag:s10] =	ssyncadd.s32 $0xFFFFC000;
	s18 =	sadd.s32 $0x100, s18  }
0x25: {  	s20 =	smov.u32 s19;
	s19 =	sadd.s32 $0x1000, s19;
	_ =	swait.ge [sflag:s13], $0x4000  }
0x26: {  	[sflag:s13] =	ssyncset.done $0x0  }
0x27: {  	s21 =	sadd.s32 $0xFFFFFF80, s18;
	[sflag:s13] =	ssyncadd.s32 $0xFFFFC000  }
0x28: {  	[tilespmem:s14], [sflag:$0x2] =	stream.indirect.gather [hbm4b:s3+s11], $0x80, s21, s11, $0xb8;
	[tilespmem:$0xA800] =	vst v63  }
0x29: {  	s21 =	sadd.s32 s20, s8  }
0x2a: {  	[hbm4b:s21+s2] =	stream.linear.scatter [tilespmem:s12], [sflag:$0x3], $0x4000, $0x38;
	[tilespmem:$0xA800] =	vst v63  }
0x2b: {  	_ =	swait.ge [sflag:s10], $0x4000  }
0x2c: {  	[sflag:s10] =	ssyncset.done $0x0  }
0x2d: {  	[sflag:s10] =	ssyncadd.s32 $0xFFFFC000  }
0x2e: {  	[tilespmem:s12], [sflag:$0x1] =	stream.indirect.gather [hbm4b:s3+s11], $0x80, s18, s11, $0xb8;
	[tilespmem:$0xA800] =	vst v63  }
0x2f: {  	_ =	swait.ge [sflag:s15], $0x4000  }
.Ltmp0:
0x30: {  	[sflag:s15] =	ssyncset.done $0x0;
	(pc) =	sbr.rel @p0 .LBB2_2-.Ltmp0, $4  }
0x31: {  	s20 =	sadd.s32 s20, s9;
	[sflag:s15] =	ssyncadd.s32 $0xFFFFC000  }
0x32: {  	[hbm4b:s20+s2] =	stream.linear.scatter [tilespmem:s14], [sflag:$0x3], $0x4000, $0x38;
	[tilespmem:$0xA800] =	vst v63  }
0x33: {  	_ =	swait.ge [sflag:s10], $0x4000  }
0x34: {  	[sflag:s10] =	ssyncset.done $0x0  }
0x35: {  	[sflag:s10] =	ssyncadd.s32 $0xFFFFC000  }
0x36: {  	_ =	swait.ge [sflag:s13], $0x4000  }
0x37: {  	[sflag:s13] =	ssyncset.done $0x0  }
0x38: {  	[sflag:s13] =	ssyncadd.s32 $0xFFFFC000  }
0x39: {  	[tilespmem:s14], [sflag:$0x2] =	stream.indirect.gather [hbm4b:s3+s11], $0x80, s16, s11, $0xb8;
	[tilespmem:$0xA800] =	vst v63  }
0x3a: {  	_ = 	snop  }
0x3b: {  	[hbm4b:s5+s2] =	stream.linear.scatter [tilespmem:s12], [sflag:$0x3], $0x4000, $0x38;
	[tilespmem:$0xA800] =	vst v63  }
0x3c: {  	_ =	swait.ge [sflag:s10], $0x4000  }
0x3d: {  	[sflag:s10] =	ssyncset.done $0x0  }
0x3e: {  	[sflag:s10] =	ssyncadd.s32 $0xFFFFC000  }
0x3f: {  	s17 =	sadd.s32 $0x1, s17;
	_ =	swait.ge [sflag:s15], $0x4000  }
0x40: {  	p0 =	sne.s32 s17, s7;
	[sflag:s15] =	ssyncset.done $0x0  }
.Ltmp1:
0x41: {  	[sflag:s15] =	ssyncadd.s32 $0xFFFFC000;
	(pc) =	sbr.rel @p0 .LBB2_1-.Ltmp1, $4  }
0x42: {  	[hbm4b:s6+s2] =	stream.linear.scatter [tilespmem:s14], [sflag:$0x3], $0x4000, $0x38;
	[tilespmem:$0xA800] =	vst v63  }
0x43: {  	_ =	swait.ge [sflag:s10], $0x4000  }
0x44: {  	[sflag:s10] =	ssyncset.done $0x0  }
0x45: {  	[sflag:s10] =	ssyncadd.s32 $0xFFFFC000  }
0x46: {  	_ =	sfence.sel $0x180000  }
0x47: {  	[bflag:$0x0] =	sbarrier.arrive $0xFFFF  }
0x48: {  	p0 =	sne.s32 s0, $0x0;
	_ =	strace $0x9000004A  }
0x49: {  	s0 =	sadd.s32 @!p0 $0x100000, s1;
	[bflag:$0x2] =	sbarrier.arrive $0xFFFF  }
0x4a: {  	[sflag:s0] =	ssyncadd.tile.s32 @!p0 $0x1;
	_ =	shalt  }
.Lfunc_end2:
_tile_overlayer_lowered:
.L_overlay_start_2:
0x4b: {  	(tag) =	ssettag $0x2  }
0x4c: {  	s0 =	rddreg [dreg:$0x0];
	s2 =	stileid.u32  }
0x4d: {  	s1 =	rddreg [dreg:$0x1];
	p0 =	sne.s32 s2, $0x0  }
0x4e: {  	s3 =	rddreg [dreg:$0x2];
	[bflag:$0x3] =	sbarrier.arrive $0xFFFF;
	s2 =	simm.s32 @!p0 $0x1C03  }
0x4f: {  	[timem:s3], [sflag:s2] =	dma.local @!p0 [hbm:s0], s1  }
0x50: {  	s0 =	simm.s32 @!p0 $0x3  }
0x51: {  	_ =	swait.ge @!p0 [sflag:s0], s1  }
0x52: {  	s1 =	ssub.s32 @!p0 $0x0, s1;
	[sflag:s0] =	ssyncset.done @!p0 $0x0  }
0x53: {  	[sflag:s0] =	ssyncadd.s32 @!p0 s1  }
0x54: {  	[bflag:$0x3] =	sbarrier.arrive $0xFFFF  }
0x55: {  	_ =	shalt  }

// kernel: kernel.28.cloned.1.call-start
scs
__scs_entry_jumppad:
0x0: {  	(pc) =	sbr.rel $0x88, $3  }
0x1: {  	(tag) =	ssettag $0x0;
	lr =	simm.s32 $0x1  }
0x2: {  	[smem:$0x3F98] =	sst lr;
	_ =	strace $0xD0000000  }
0x3: {  	_ = 	snop  }
0x4: {  	_ = 	snop  }
0x5: {  	_ = 	snop  }
0x6: {  	_ = 	snop  }
0x7: {  	_ = 	snop  }
__scs_overlays_trampoline_lowered:
0x8: {  	[smem:$0x3FA7] =	sst s0  }
0x9: {  	[smem:$0x3FA8] =	sst s1  }
0xa: {  	[smem:$0x3FA9] =	sst s2  }
0xb: {  	[smem:$0x3FAA] =	sst s3  }
0xc: {  	[smem:$0x3FAB] =	sst s4  }
0xd: {  	[smem:$0x3FAC] =	sst s5  }
0xe: {  	[smem:$0x3FAD] =	sst s6  }
0xf: {  	[smem:$0x3FAE] =	sst s7  }
0x10: {  	[smem:$0x3FAF] =	sst s8  }
0x11: {  	[smem:$0x3FB0] =	sst s9;
	s0 =	simm.s32 @!p0 $0x0  }
0x12: {  	s1 =	sld [smem:$0x3F96];
	s0 =	simm.s32 @p0 $0x1  }
0x13: {  	[smem:$0x3FB1] =	sst s0;
	s0 =	simm.s32 @!p1 $0x0  }
0x14: {  	s2 =	sld [smem:$0x3F95];
	s0 =	simm.s32 @p1 $0x1  }
0x15: {  	[smem:$0x3FB2] =	sst s0;
	s0 =	simm.s32 @!p2 $0x0  }
0x16: {  	s3 =	sld [smem:$0x3FDB];
	s0 =	simm.s32 @p2 $0x1  }
0x17: {  	s4 =	simm.s32 $0x1BF5;
	[smem:$0x3FB4] =	sst s0  }
0x18: {  	s0 =	sld [smem:$0x3F97];
	_ =	swait.ge [sflag:s4], $0x0  }
0x19: {  	s7 =	sld [smem:$0x3F98]  }
0x1a: {  	s8 =	sadd.s32 $0xFFFFE003, lr  }
0x1b: {  	s9 =	sadd.s32 $0xFFFFFEF7, lr;
	s5 =	simm.s32 $0xFFFFFFFF;
	p2 =	slt.u32 s8, $0xFFFFF086  }
0x1c: {  	p1 =	slt.u32 s9, $0xF7A;
	s5 =	simm.s32 @!p2 $0x0  }
0x1d: {  	s5 =	simm.s32 @p1 $0x1;
	p0 =	seq.s32 s7, s2  }
0x1e: {  	s7 =	smul.u32 @!p0 $0xF7A, s2;
	p2 =	seq.s32 @!p0 s5, $0x0  }
0x1f: {  	s9 =	smul.u32 $0xF7A, s1;
	s8 =	simm.s32 @!p0 $0x1BF5;
	p2 =	por !p2, p0  }
0x20: {  	[sflag:s8] =	ssyncset.s32 @!p0 $0xFFFFF086;
	s6 =	sadd.s32 @!p0 s3, s7;
	s7 =	simm.s32 @!p0 $0x108  }
0x21: {  	s3 =	sadd.s32 s3, s9;
	s6 =	sadd.s32 @!p0 $0x88, s6;
	s7 =	simm.s32 @p2 $0x1082  }
0x22: {  	[simem:s7], [sflag:s8] =	dma.local @!p0 [hbm:s6], $0xF7A  }
0x23: {  	s9 =	sor.u32 $0xD0000000, s2;
	s6 =	simm.s32 $0x108;
	_ =	swait.ge @!p0 [sflag:s8], $0x0  }
0x24: {  	s3 =	sadd.s32 $0x88, s3;
	s6 =	simm.s32 @!p1 $0x1082;
	[sflag:s4] =	ssyncset.s32 $0xFFFFF086  }
0x25: {  	[simem:s6], [sflag:s4] =	dma.local [hbm:s3], $0xF7A  }
0x26: {  	[smem:$0x3F98] =	sst s1;
	(tag) =	ssettag s2;
	_ =	strace s9  }
0x27: {  	s1 =	sld [smem:$0x3FA8]  }
0x28: {  	s2 =	sld [smem:$0x3FA9]  }
0x29: {  	s4 =	sld [smem:$0x3FAB]  }
0x2a: {  	p0 =	seq.s32 s5, $0x0;
	s5 =	sld [smem:$0x3FAC]  }
0x2b: {  	s6 =	sld [smem:$0x3FAD]  }
0x2c: {  	s7 =	sld [smem:$0x3FAE]  }
0x2d: {  	s3 =	simm.s32 $0x108;
	s8 =	sld [smem:$0x3FAF]  }
0x2e: {  	s3 =	simm.s32 @!p0 $0x1082;
	s9 =	sld [smem:$0x3FB0]  }
0x2f: {  	lr =	sadd.s32 s0, s3;
	s0 =	sld [smem:$0x3FA7]  }
0x30: {  	s3 =	sld [smem:$0x3FAA]  }
0x31: {  	[smem:$0x3FB3] =	sst s10  }
0x32: {  	s10 =	sld [smem:$0x3FB1];
	_ =	sdelay $0x3  }
0x33: {  	p0 =	seq.s32 s10, $0x1;
	s10 =	sld [smem:$0x3FB3];
	_ =	sdelay $0x3  }
0x34: {  	[smem:$0x3FB3] =	sst s10  }
0x35: {  	s10 =	sld [smem:$0x3FB2];
	_ =	sdelay $0x3  }
0x36: {  	p1 =	seq.s32 s10, $0x1;
	s10 =	sld [smem:$0x3FB3];
	_ =	sdelay $0x3  }
0x37: {  	[smem:$0x3FB3] =	sst s10  }
0x38: {  	s10 =	sld [smem:$0x3FB4]  }
0x39: {  	_ = 	snop;
	(pc) =	sbr.ind lr, $3  }
0x3a: {  	_ = 	snop  }
0x3b: {  	_ = 	snop  }
0x3c: {  	p2 =	seq.s32 s10, $0x1;
	s10 =	sld [smem:$0x3FB3]  }
0x3d: {  	_ =	shalt  }
0x3e: {  	_ =	shalt  }
0x3f: {  	_ =	shalt  }
0x40: {  	_ =	shalt  }
0x41: {  	_ =	shalt  }
0x42: {  	_ =	shalt  }
0x43: {  	_ =	shalt  }
0x44: {  	_ =	shalt  }
0x45: {  	_ =	shalt  }
0x46: {  	_ =	shalt  }
0x47: {  	_ =	shalt  }
0x48: {  	_ =	shalt  }
0x49: {  	_ =	shalt  }
0x4a: {  	_ =	shalt  }
0x4b: {  	_ =	shalt  }
0x4c: {  	_ =	shalt  }
0x4d: {  	_ =	shalt  }
0x4e: {  	_ =	shalt  }
0x4f: {  	_ =	shalt  }
0x50: {  	_ =	shalt  }
0x51: {  	_ =	shalt  }
0x52: {  	_ =	shalt  }
0x53: {  	_ =	shalt  }
0x54: {  	_ =	shalt  }
0x55: {  	_ =	shalt  }
0x56: {  	_ =	shalt  }
0x57: {  	_ =	shalt  }
0x58: {  	_ =	shalt  }
0x59: {  	_ =	shalt  }
0x5a: {  	_ =	shalt  }
0x5b: {  	_ =	shalt  }
0x5c: {  	_ =	shalt  }
0x5d: {  	_ =	shalt  }
0x5e: {  	_ =	shalt  }
0x5f: {  	_ =	shalt  }
0x60: {  	_ =	shalt  }
0x61: {  	_ =	shalt  }
0x62: {  	_ =	shalt  }
0x63: {  	_ =	shalt  }
0x64: {  	_ =	shalt  }
0x65: {  	_ =	shalt  }
0x66: {  	_ =	shalt  }
0x67: {  	_ =	shalt  }
0x68: {  	_ =	shalt  }
0x69: {  	_ =	shalt  }
0x6a: {  	_ =	shalt  }
0x6b: {  	_ =	shalt  }
0x6c: {  	_ =	shalt  }
0x6d: {  	_ =	shalt  }
0x6e: {  	_ =	shalt  }
0x6f: {  	_ =	shalt  }
0x70: {  	_ =	shalt  }
0x71: {  	_ =	shalt  }
0x72: {  	_ =	shalt  }
0x73: {  	_ =	shalt  }
0x74: {  	_ =	shalt  }
0x75: {  	_ =	shalt  }
0x76: {  	_ =	shalt  }
0x77: {  	_ =	shalt  }
0x78: {  	_ =	shalt  }
0x79: {  	_ =	shalt  }
0x7a: {  	_ =	shalt  }
0x7b: {  	_ =	shalt  }
0x7c: {  	_ =	shalt  }
0x7d: {  	_ =	shalt  }
0x7e: {  	_ =	shalt  }
0x7f: {  	_ =	shalt  }
0x80: {  	_ =	shalt  }
0x81: {  	_ =	shalt  }
0x82: {  	_ =	shalt  }
0x83: {  	_ =	shalt  }
0x84: {  	_ =	shalt  }
0x85: {  	_ =	shalt  }
0x86: {  	_ =	shalt  }
0x87: {  	_ =	shalt  }
.Lfunc_end0:
.L_simem_size_0:
called_computation.2_lowered:
.L_overlay_start_0:
0x88: {  	s2 =	sld [smem:$0x3FD9]  }
0x89: {  	s3 =	sld [smem:$0x3FFE];
	_ =	sdelay $0x1  }
0x8a: {  	s1 =	srdreg.scid  }
0x8b: {  	s0 =	sand.u32 $0x1, s1  }
0x8c: {  	s16 =	sshll.u32 s0, $0xA;
	s2 =	sadd.s32 s3, s2  }
0x8d: {  	s2 =	sadd.s32 s2, s16  }
0x8e: {  	[smem:$0x3FBF] =	sst s2  }
0x8f: {  	_ = 	snop  }
0x90: {  	(tm) =	ssettm $0x1  }
0x91: {  	s17 =	sld [smem:$0x3FFB];
	_ =	sdelay $0x3  }
0x92: {  	_ =	strace s17  }
0x93: {  	s2 =	sld [smem:$0x3FFC];
	_ =	sdelay $0x3  }
0x94: {  	_ =	strace s2  }
0x95: {  	s2 =	sld [smem:$0x3FFD];
	_ =	sdelay $0x3  }
0x96: {  	_ =	strace s2  }
0x97: {  	_ =	strace $0x8FFFFFFF  }
0x98: {  	s18 =	sld [smem:$0x3FDB];
	_ =	sdelay $0x1  }
0x99: {  	s19 =	simm.s32 $_scs_section_size  }
0x9a: {  	s4 =	simm.s32 $_size__tile_overlayer_lowered;
	s5 =	simm.s32 $_tile_overlayer_lowered  }
0x9b: {  	s22 =	simm.s32 $0x1BFF;
	s21 =	sshll.u32 s5, $0x1;
	s2 =	sadd.s32 s19, s18  }
0x9c: {  	s6 =	simm.s32 $0x0;
	s20 =	sshll.u32 s4, $0x1;
	s4 =	sadd.s32 s21, s2  }
0x9d: {  	[timem:s6], [sflag:s22] =	dma.local [hbm:s4], s20  }
0x9e: {  	_ =	swait.ge [sflag:s22], s20  }
0x9f: {  	s3 =	ssub.s32 $0x0, s20;
	[sflag:s22] =	ssyncset.done $0x0  }
0xa0: {  	[sflag:s22] =	ssyncadd.s32 s3;
	_ =	sdelay $0x1  }
0xa1: {  	s23 =	simm.s32 $0x1B8B  }
0xa2: {  	_ =	swait.ge [sflag:s23], $0x1  }
0xa3: {  	[sflag:s23] =	ssyncset.done $0x0  }
0xa4: {  	s25 =	simm.s32 $0x1B8E;
	s24 =	sld [smem:$0x3FFE];
	[sflag:s23] =	ssyncadd.s32 $0xFFFFFFFF  }
0xa5: {  	s26 =	simm.s32 $execute0_lowered;
	[smem:$0x3FD2] =	sst s25  }
0xa6: {  	s4 =	sshll.u32 s26, $0x1;
	_ =	strace $0x8000004C;
	[dreg:$0x1] =	wrdreg $0xFFFFFFFF  }
0xa7: {  	s28 =	simm.s32 $_size_execute0_lowered;
	s2 =	sadd.s32 s2, s4;
	[dreg:$0x0] =	wrdreg $0x0  }
0xa8: {  	s4 =	sshll.u32 s28, $0x1;
	[dreg:$0x2] =	wrdreg s2  }
0xa9: {  	[dreg:$0x3] =	wrdreg s4  }
0xaa: {  	[dreg:$0x4] =	wrdreg $0xC0  }
0xab: {  	_ =	task [dreg:s6], $0x5FFFF  }
0xac: {  	[dreg:$0x1] =	wrdreg $0xFFFFFFFF  }
0xad: {  	[dreg:$0x0] =	wrdreg $0x60  }
0xae: {  	[dreg:$0x2] =	wrdreg s24  }
0xaf: {  	[dreg:$0x3] =	wrdreg $0xA8000  }
0xb0: {  	[dreg:$0x4] =	wrdreg $0x9  }
0xb1: {  	_ =	task.clear_ibuf [dreg:s6], $0x5FFFF;
	_ =	strace $0x9000004C  }
0xb2: {  	s29 =	simm.s32 $0x9;
	_ =	strace $0x8000004E  }
0xb3: {  	_ =	swait.ge [sflag:s29], $0x1  }
0xb4: {  	[sflag:s29] =	ssyncadd.s32 $0xFFFFFFFF  }
0xb5: {  	_ =	strace $0x9000004E  }
0xb6: {  	_ =	sfence  }
0xb7: {  	s30 =	sld [smem:$0x0];
	_ =	sdelay $0x2  }
0xb8: {  	s31 =	sshll.u32 s1, $0xD;
	s1 =	sshrl.u32 s1, $0x2  }
0xb9: {  	s3 =	sand.u32 $0x4000, s31;
	s1 =	sadd.s32 s1, s30  }
0xba: {  	s0 =	sor.u32 s3, s0;
	s1 =	sshll.u32 s1, $0x11  }
0xbb: {  	s0 =	sor.u32 s1, s0  }
0xbc: {  	s0 =	sadd.s32 $0x8F2B, s0  }
0xbd: {  	[sflag:s0] =	ssyncadd.remote.s32 $0x1  }
0xbe: {  	_ =	sfence.sel $0xFFFF  }
0xbf: {  	[dreg:$0x0] =	wrdreg $0xFFFFFFFF;
	(pc) =	sbr.abs _section_cstart, $3  }
0xc0: {  	[dreg:$0x1] =	wrdreg $0xFFFFFFFF  }
0xc1: {  	_ =	task.clear_ibuf [dreg:s6], $0x2FFFF;
	_ =	strace $0x9FFFFFFF  }
0xc2: {  	(tm) =	ssettm $0x7FFFFFFF  }
0xc3: {  	_ =	shalt  }
tec
execute0_lowered:
.L_overlay_start_1:
0x0: {  	(tag) =	ssettag $0x1  }
0x1: {  	s5 =	rddreg [dreg:$0x0]  }
0x2: {  	s1 =	srdreg.scid;
	s0 =	stileid.u32  }
0x3: {  	s2 =	rddreg [dreg:$0x1];
	s3 =	simm.s32 $0x0;
	s17 =	simm.s32 $0x2800  }
0x4: {  	s18 =	simm.s32 $0x1;
	s19 =	simm.s32 $0x6800;
	s20 =	simm.s32 $0x80  }
0x5: {  	s21 =	simm.s32 $0x2;
	s22 =	simm.s32 $0x2700;
	s23 =	simm.s32 $0x2780  }
0x6: {  	s24 =	simm.s32 $0x0;
	s7 =	sand.u32 $0x1, s1;
	s4 =	sshll.u32 s0, $0x1  }
0x7: {  	s1 =	rddreg [dreg:$0x2];
	s12 =	sadd.s32 $0xF12200, s5;
	s11 =	smul.u32 $0x4E000, s0  }
0x8: {  	[smem:$0x7FF] =	sst s3;
	s13 =	sadd.s32 $0x567E00, s5;
	s28 =	smul.u32 $0x13800, s0  }
0x9: {  	s14 =	sadd.s32 $0x124800, s2;
	s29 =	smul.u32 $0x280000, s0;
	p0 =	seq.s32 s0, $0xF  }
0xa: {  	s6 =	sor.u32 s7, s4;
	_ =	strace $0x8000004D;
	s26 =	smul.u32 $0x138800, s7  }
0xb: {  	s9 =	ssub.s32 $0x2, s7;
	s15 =	smul.u32 $0x140000, s7;
	s14 =	sshrl.u32 @p0 s14, $0x3  }
0xc: {  	s4 =	smul.u32 $0x500, s6;
	s10 =	sshrl.u32 s9, $0x1;
	s25 =	sshrl.u32 s11, $0x2  }
0xd: {  	s6 =	smul.u32 $0x140000, s6;
	s10 =	ssub.s32 s9, s10;
	s16 =	sadd.s32 s25, s2  }
0xe: {  	s9 =	sshrl.u32 s26, $0x3;
	s11 =	sadd.s32 s15, s29;
	s15 =	sshll.u32 @!p0 s0, $0x6  }
0xf: {  	s8 =	sadd.s32 s4, s5;
	s4 =	sadd.s32 $0xA0FA00, s5;
	s6 =	sshrl.u32 s6, $0x3  }
0x10: {  	s9 =	sadd.s32 s13, s9;
	s10 =	smax.u32 s10, $0x1;
	s30 =	sor.u32 $0x8000, s11  }
0x11: {  	s11 =	sor.u32 $0x4000, s11;
	s15 =	sor.u32 @!p0 $0x1C03, s15;
	s16 =	sshrl.u32 @!p0 s16, $0x3  }
0x12: {  	s5 =	sadd.s32 $0x55DE00, s8;
	s6 =	sadd.s32 s12, s6;
	s8 =	sadd.s32 s28, s26  }
0x13: {  	s9 =	sadd.s32 $0x24900, s9;
	s31 =	sshrl.u32 s11, $0x3;
	s8 =	sshrl.u32 s8, $0x3  }
0x14: {  	s7 =	sadd.s32 $0x27800, s6;
	s8 =	sadd.s32 s13, s8;
	s13 =	sshrl.u32 s30, $0x3  }
0x15: {  	s11 =	sadd.s32 s13, s12;
	s12 =	sadd.s32 s31, s12;
	s13 =	simm.s32 $0x3  }
.LBB2_1:
0x16: {  	[tilespmem:s3], [sflag:$0x3] =	stream.linear.gather [hbm4b:s5+s3], $0x2800, $0x38;
	[tilespmem:$0x1E080] =	vst v63  }
0x17: {  	_ =	swait.ge [sflag:s13], $0x2800  }
0x18: {  	[sflag:s13] =	ssyncset.done $0x0  }
0x19: {  	s25 =	simm.s32 @p0 $0x1FC3;
	[sflag:s13] =	ssyncadd.s32 $0xFFFFD800  }
0x1a: {  	[spmem:s14], [sflag:s25] =	dma.local @p0 [hbm:s4], $0x2800  }
0x1b: {  	s25 =	simm.s32 @p0 $0x3  }
0x1c: {  	_ =	swait.ge @p0 [sflag:s25], $0x2800  }
0x1d: {  	[sflag:s25] =	ssyncset.done @p0 $0x0  }
0x1e: {  	[sflag:s25] =	ssyncadd.s32 @p0 $0xFFFFD800;
	s25 =	simm.s32 @!p0 $0x3  }
0x1f: {  	[spmem:s16], [sflag:s15] =	dma.local @!p0 [hbm:s4], $0x2700  }
0x20: {  	_ =	swait.ge @!p0 [sflag:s25], $0x2700  }
0x21: {  	[sflag:s25] =	ssyncset.done @!p0 $0x0  }
0x22: {  	[sflag:s25] =	ssyncadd.s32 @!p0 $0xFFFFD900  }
0x23: {  	[bflag:$0x0] =	sbarrier.arrive $0xFFFF  }
0x24: {  	[tilespmem:s17], [sflag:$0x1] =	stream.linear.gather [hbm4b:s6+s3], $0x4000, $0x38;
	[tilespmem:$0x1E080] =	vst v63  }
0x25: {  	_ =	swait.ge [sflag:s18], $0x4000  }
0x26: {  	[sflag:s18] =	ssyncset.done $0x0  }
0x27: {  	s29 =	sadd.s32 $0x0, s12;
	[sflag:s18] =	ssyncadd.s32 $0xFFFFC000  }
0x28: {  	[tilespmem:s19], [sflag:$0x2] =	stream.linear.gather [hbm4b:s29+s3], $0x4000, $0x38;
	[tilespmem:$0x1E080] =	vst v63  }
0x29: {  	_ = 	snop  }
0x2a: {  	[spmem:s2] =	stream.indirect.scatter.add.f32 [tilespmem:s17], [sflag:$0x3], $0x80, s3, s20, $0xb8;
	[tilespmem:$0x1E080] =	vst v63  }
0x2b: {  	_ =	swait.ge [sflag:s13], $0x4000  }
0x2c: {  	[sflag:s13] =	ssyncset.done $0x0  }
0x2d: {  	s30 =	sadd.s32 $0x0, s11;
	[sflag:s13] =	ssyncadd.s32 $0xFFFFC000  }
0x2e: {  	[tilespmem:s17], [sflag:$0x1] =	stream.linear.gather [hbm4b:s30+s3], $0x4000, $0x38;
	[tilespmem:$0x1E080] =	vst v63  }
0x2f: {  	_ =	swait.ge [sflag:s21], $0x4000  }
0x30: {  	[sflag:s21] =	ssyncset.done $0x0  }
0x31: {  	s31 =	simm.s32 $0x80;
	[sflag:s21] =	ssyncadd.s32 $0xFFFFC000  }
0x32: {  	[spmem:s2] =	stream.indirect.scatter.add.f32 [tilespmem:s19], [sflag:$0x3], $0x80, s31, s20, $0xb8;
	[tilespmem:$0x1E080] =	vst v63  }
0x33: {  	_ =	swait.ge [sflag:s13], $0x4000  }
0x34: {  	s26 =	simm.s32 $0x0;
	s25 =	simm.s32 $0x1000;
	[sflag:s13] =	ssyncset.done $0x0  }
.LBB2_2:
0x35: {  	p1 =	sne.s32 s25, $0x26000;
	[sflag:s13] =	ssyncadd.s32 $0xFFFFC000;
	s26 =	sadd.s32 $0x100, s26  }
0x36: {  	s28 =	smov.u32 s25;
	s25 =	sadd.s32 $0x1000, s25;
	_ =	swait.ge [sflag:s18], $0x4000  }
0x37: {  	[sflag:s18] =	ssyncset.done $0x0  }
0x38: {  	s29 =	sadd.s32 s28, s12;
	[sflag:s18] =	ssyncadd.s32 $0xFFFFC000  }
0x39: {  	[tilespmem:s19], [sflag:$0x2] =	stream.linear.gather [hbm4b:s29+s3], $0x4000, $0x38;
	[tilespmem:$0x1E080] =	vst v63  }
0x3a: {  	_ = 	snop  }
0x3b: {  	[spmem:s2] =	stream.indirect.scatter.add.f32 [tilespmem:s17], [sflag:$0x3], $0x80, s26, s20, $0xb8;
	[tilespmem:$0x1E080] =	vst v63  }
0x3c: {  	_ =	swait.ge [sflag:s13], $0x4000  }
0x3d: {  	[sflag:s13] =	ssyncset.done $0x0  }
0x3e: {  	s28 =	sadd.s32 s28, s11;
	[sflag:s13] =	ssyncadd.s32 $0xFFFFC000  }
0x3f: {  	[tilespmem:s17], [sflag:$0x1] =	stream.linear.gather [hbm4b:s28+s3], $0x4000, $0x38;
	[tilespmem:$0x1E080] =	vst v63  }
0x40: {  	_ =	swait.ge [sflag:s21], $0x4000  }
.Ltmp0:
0x41: {  	[sflag:s21] =	ssyncset.done $0x0;
	(pc) =	sbr.rel @p1 .LBB2_2-.Ltmp0, $4  }
0x42: {  	s28 =	sadd.s32 $0x80, s26;
	[sflag:s21] =	ssyncadd.s32 $0xFFFFC000  }
0x43: {  	[spmem:s2] =	stream.indirect.scatter.add.f32 [tilespmem:s19], [sflag:$0x3], $0x80, s28, s20, $0xb8;
	[tilespmem:$0x1E080] =	vst v63  }
0x44: {  	_ =	swait.ge [sflag:s13], $0x4000  }
0x45: {  	[sflag:s13] =	ssyncset.done $0x0  }
0x46: {  	[sflag:s13] =	ssyncadd.s32 $0xFFFFC000  }
0x47: {  	_ =	swait.ge [sflag:s18], $0x4000  }
0x48: {  	[sflag:s18] =	ssyncset.done $0x0  }
0x49: {  	[sflag:s18] =	ssyncadd.s32 $0xFFFFC000  }
0x4a: {  	[tilespmem:s19], [sflag:$0x2] =	stream.linear.gather [hbm4b:s7+s3], $0x4000, $0x38;
	[tilespmem:$0x1E080] =	vst v63  }
0x4b: {  	_ = 	snop  }
0x4c: {  	[spmem:s2] =	stream.indirect.scatter.add.f32 [tilespmem:s17], [sflag:$0x3], $0x80, s22, s20, $0xb8;
	[tilespmem:$0x1E080] =	vst v63  }
0x4d: {  	_ =	swait.ge [sflag:s13], $0x4000  }
0x4e: {  	[sflag:s13] =	ssyncset.done $0x0  }
0x4f: {  	[sflag:s13] =	ssyncadd.s32 $0xFFFFC000  }
0x50: {  	_ =	swait.ge [sflag:s21], $0x4000  }
0x51: {  	[sflag:s21] =	ssyncset.done $0x0  }
0x52: {  	[sflag:s21] =	ssyncadd.s32 $0xFFFFC000  }
0x53: {  	[spmem:s2] =	stream.indirect.scatter.add.f32 [tilespmem:s19], [sflag:$0x3], $0x80, s23, s20, $0xb8;
	[tilespmem:$0x1E080] =	vst v63  }
0x54: {  	_ =	swait.ge [sflag:s13], $0x4000  }
0x55: {  	[sflag:s13] =	ssyncset.done $0x0  }
0x56: {  	[sflag:s13] =	ssyncadd.s32 $0xFFFFC000  }
0x57: {  	s25 =	simm.s32 @p0 $0x1FC3;
	[bflag:$0x0] =	sbarrier.arrive $0xFFFF  }
0x58: {  	[hbm:s9], [sflag:s25] =	dma.local @p0 [spmem:s14], $0x2800  }
0x59: {  	s25 =	simm.s32 @p0 $0x3  }
0x5a: {  	s24 =	sadd.s32 $0x1, s24;
	_ =	swait.ge @p0 [sflag:s25], $0x2800  }
0x5b: {  	p1 =	sne.s32 s24, s10;
	[sflag:s25] =	ssyncset.done @p0 $0x0  }
.Ltmp1:
0x5c: {  	[sflag:s25] =	ssyncadd.s32 @p0 $0xFFFFD800;
	s25 =	simm.s32 @!p0 $0x3;
	(pc) =	sbr.rel @p1 .LBB2_1-.Ltmp1, $4  }
0x5d: {  	[hbm:s8], [sflag:s15] =	dma.local @!p0 [spmem:s16], $0x2700  }
0x5e: {  	_ =	swait.ge @!p0 [sflag:s25], $0x2700  }
0x5f: {  	[sflag:s25] =	ssyncset.done @!p0 $0x0  }
0x60: {  	[sflag:s25] =	ssyncadd.s32 @!p0 $0xFFFFD900  }
0x61: {  	_ =	sfence.sel $0x180000  }
0x62: {  	[bflag:$0x0] =	sbarrier.arrive $0xFFFF  }
0x63: {  	p0 =	sne.s32 s0, $0x0;
	_ =	strace $0x9000004D  }
0x64: {  	s0 =	sadd.s32 @!p0 $0x100000, s1;
	[bflag:$0x2] =	sbarrier.arrive $0xFFFF  }
0x65: {  	[sflag:s0] =	ssyncadd.tile.s32 @!p0 $0x1;
	_ =	shalt  }
.Lfunc_end2:
_tile_overlayer_lowered:
.L_overlay_start_2:
0x66: {  	(tag) =	ssettag $0x2  }
0x67: {  	s0 =	rddreg [dreg:$0x0];
	s2 =	stileid.u32  }
0x68: {  	s1 =	rddreg [dreg:$0x1];
	p0 =	sne.s32 s2, $0x0  }
0x69: {  	s3 =	rddreg [dreg:$0x2];
	[bflag:$0x3] =	sbarrier.arrive $0xFFFF;
	s2 =	simm.s32 @!p0 $0x1C03  }
0x6a: {  	[timem:s3], [sflag:s2] =	dma.local @!p0 [hbm:s0], s1  }
0x6b: {  	s0 =	simm.s32 @!p0 $0x3  }
0x6c: {  	_ =	swait.ge @!p0 [sflag:s0], s1  }
0x6d: {  	s1 =	ssub.s32 @!p0 $0x0, s1;
	[sflag:s0] =	ssyncset.done @!p0 $0x0  }
0x6e: {  	[sflag:s0] =	ssyncadd.s32 @!p0 s1  }
0x6f: {  	[bflag:$0x3] =	sbarrier.arrive $0xFFFF  }
0x70: {  	_ =	shalt  }

// kernel: kernel.31.cloned.1.call-start
scs
__scs_entry_jumppad:
0x0: {  	(pc) =	sbr.rel $0x88, $3  }
0x1: {  	(tag) =	ssettag $0x0;
	lr =	simm.s32 $0x1  }
0x2: {  	[smem:$0x3F98] =	sst lr;
	_ =	strace $0xD0000000  }
0x3: {  	_ = 	snop  }
0x4: {  	_ = 	snop  }
0x5: {  	_ = 	snop  }
0x6: {  	_ = 	snop  }
0x7: {  	_ = 	snop  }
__scs_overlays_trampoline_lowered:
0x8: {  	[smem:$0x3FA7] =	sst s0  }
0x9: {  	[smem:$0x3FA8] =	sst s1  }
0xa: {  	[smem:$0x3FA9] =	sst s2  }
0xb: {  	[smem:$0x3FAA] =	sst s3  }
0xc: {  	[smem:$0x3FAB] =	sst s4  }
0xd: {  	[smem:$0x3FAC] =	sst s5  }
0xe: {  	[smem:$0x3FAD] =	sst s6  }
0xf: {  	[smem:$0x3FAE] =	sst s7  }
0x10: {  	[smem:$0x3FAF] =	sst s8  }
0x11: {  	[smem:$0x3FB0] =	sst s9;
	s0 =	simm.s32 @!p0 $0x0  }
0x12: {  	s1 =	sld [smem:$0x3F96];
	s0 =	simm.s32 @p0 $0x1  }
0x13: {  	[smem:$0x3FB1] =	sst s0;
	s0 =	simm.s32 @!p1 $0x0  }
0x14: {  	s2 =	sld [smem:$0x3F95];
	s0 =	simm.s32 @p1 $0x1  }
0x15: {  	[smem:$0x3FB2] =	sst s0;
	s0 =	simm.s32 @!p2 $0x0  }
0x16: {  	s3 =	sld [smem:$0x3FDB];
	s0 =	simm.s32 @p2 $0x1  }
0x17: {  	s4 =	simm.s32 $0x1BF5;
	[smem:$0x3FB4] =	sst s0  }
0x18: {  	s0 =	sld [smem:$0x3F97];
	_ =	swait.ge [sflag:s4], $0x0  }
0x19: {  	s7 =	sld [smem:$0x3F98]  }
0x1a: {  	s8 =	sadd.s32 $0xFFFFE003, lr  }
0x1b: {  	s9 =	sadd.s32 $0xFFFFFEF7, lr;
	s5 =	simm.s32 $0xFFFFFFFF;
	p2 =	slt.u32 s8, $0xFFFFF086  }
0x1c: {  	p1 =	slt.u32 s9, $0xF7A;
	s5 =	simm.s32 @!p2 $0x0  }
0x1d: {  	s5 =	simm.s32 @p1 $0x1;
	p0 =	seq.s32 s7, s2  }
0x1e: {  	s7 =	smul.u32 @!p0 $0xF7A, s2;
	p2 =	seq.s32 @!p0 s5, $0x0  }
0x1f: {  	s9 =	smul.u32 $0xF7A, s1;
	s8 =	simm.s32 @!p0 $0x1BF5;
	p2 =	por !p2, p0  }
0x20: {  	[sflag:s8] =	ssyncset.s32 @!p0 $0xFFFFF086;
	s6 =	sadd.s32 @!p0 s3, s7;
	s7 =	simm.s32 @!p0 $0x108  }
0x21: {  	s3 =	sadd.s32 s3, s9;
	s6 =	sadd.s32 @!p0 $0x88, s6;
	s7 =	simm.s32 @p2 $0x1082  }
0x22: {  	[simem:s7], [sflag:s8] =	dma.local @!p0 [hbm:s6], $0xF7A  }
0x23: {  	s9 =	sor.u32 $0xD0000000, s2;
	s6 =	simm.s32 $0x108;
	_ =	swait.ge @!p0 [sflag:s8], $0x0  }
0x24: {  	s3 =	sadd.s32 $0x88, s3;
	s6 =	simm.s32 @!p1 $0x1082;
	[sflag:s4] =	ssyncset.s32 $0xFFFFF086  }
0x25: {  	[simem:s6], [sflag:s4] =	dma.local [hbm:s3], $0xF7A  }
0x26: {  	[smem:$0x3F98] =	sst s1;
	(tag) =	ssettag s2;
	_ =	strace s9  }
0x27: {  	s1 =	sld [smem:$0x3FA8]  }
0x28: {  	s2 =	sld [smem:$0x3FA9]  }
0x29: {  	s4 =	sld [smem:$0x3FAB]  }
0x2a: {  	p0 =	seq.s32 s5, $0x0;
	s5 =	sld [smem:$0x3FAC]  }
0x2b: {  	s6 =	sld [smem:$0x3FAD]  }
0x2c: {  	s7 =	sld [smem:$0x3FAE]  }
0x2d: {  	s3 =	simm.s32 $0x108;
	s8 =	sld [smem:$0x3FAF]  }
0x2e: {  	s3 =	simm.s32 @!p0 $0x1082;
	s9 =	sld [smem:$0x3FB0]  }
0x2f: {  	lr =	sadd.s32 s0, s3;
	s0 =	sld [smem:$0x3FA7]  }
0x30: {  	s3 =	sld [smem:$0x3FAA]  }
0x31: {  	[smem:$0x3FB3] =	sst s10  }
0x32: {  	s10 =	sld [smem:$0x3FB1];
	_ =	sdelay $0x3  }
0x33: {  	p0 =	seq.s32 s10, $0x1;
	s10 =	sld [smem:$0x3FB3];
	_ =	sdelay $0x3  }
0x34: {  	[smem:$0x3FB3] =	sst s10  }
0x35: {  	s10 =	sld [smem:$0x3FB2];
	_ =	sdelay $0x3  }
0x36: {  	p1 =	seq.s32 s10, $0x1;
	s10 =	sld [smem:$0x3FB3];
	_ =	sdelay $0x3  }
0x37: {  	[smem:$0x3FB3] =	sst s10  }
0x38: {  	s10 =	sld [smem:$0x3FB4]  }
0x39: {  	_ = 	snop;
	(pc) =	sbr.ind lr, $3  }
0x3a: {  	_ = 	snop  }
0x3b: {  	_ = 	snop  }
0x3c: {  	p2 =	seq.s32 s10, $0x1;
	s10 =	sld [smem:$0x3FB3]  }
0x3d: {  	_ =	shalt  }
0x3e: {  	_ =	shalt  }
0x3f: {  	_ =	shalt  }
0x40: {  	_ =	shalt  }
0x41: {  	_ =	shalt  }
0x42: {  	_ =	shalt  }
0x43: {  	_ =	shalt  }
0x44: {  	_ =	shalt  }
0x45: {  	_ =	shalt  }
0x46: {  	_ =	shalt  }
0x47: {  	_ =	shalt  }
0x48: {  	_ =	shalt  }
0x49: {  	_ =	shalt  }
0x4a: {  	_ =	shalt  }
0x4b: {  	_ =	shalt  }
0x4c: {  	_ =	shalt  }
0x4d: {  	_ =	shalt  }
0x4e: {  	_ =	shalt  }
0x4f: {  	_ =	shalt  }
0x50: {  	_ =	shalt  }
0x51: {  	_ =	shalt  }
0x52: {  	_ =	shalt  }
0x53: {  	_ =	shalt  }
0x54: {  	_ =	shalt  }
0x55: {  	_ =	shalt  }
0x56: {  	_ =	shalt  }
0x57: {  	_ =	shalt  }
0x58: {  	_ =	shalt  }
0x59: {  	_ =	shalt  }
0x5a: {  	_ =	shalt  }
0x5b: {  	_ =	shalt  }
0x5c: {  	_ =	shalt  }
0x5d: {  	_ =	shalt  }
0x5e: {  	_ =	shalt  }
0x5f: {  	_ =	shalt  }
0x60: {  	_ =	shalt  }
0x61: {  	_ =	shalt  }
0x62: {  	_ =	shalt  }
0x63: {  	_ =	shalt  }
0x64: {  	_ =	shalt  }
0x65: {  	_ =	shalt  }
0x66: {  	_ =	shalt  }
0x67: {  	_ =	shalt  }
0x68: {  	_ =	shalt  }
0x69: {  	_ =	shalt  }
0x6a: {  	_ =	shalt  }
0x6b: {  	_ =	shalt  }
0x6c: {  	_ =	shalt  }
0x6d: {  	_ =	shalt  }
0x6e: {  	_ =	shalt  }
0x6f: {  	_ =	shalt  }
0x70: {  	_ =	shalt  }
0x71: {  	_ =	shalt  }
0x72: {  	_ =	shalt  }
0x73: {  	_ =	shalt  }
0x74: {  	_ =	shalt  }
0x75: {  	_ =	shalt  }
0x76: {  	_ =	shalt  }
0x77: {  	_ =	shalt  }
0x78: {  	_ =	shalt  }
0x79: {  	_ =	shalt  }
0x7a: {  	_ =	shalt  }
0x7b: {  	_ =	shalt  }
0x7c: {  	_ =	shalt  }
0x7d: {  	_ =	shalt  }
0x7e: {  	_ =	shalt  }
0x7f: {  	_ =	shalt  }
0x80: {  	_ =	shalt  }
0x81: {  	_ =	shalt  }
0x82: {  	_ =	shalt  }
0x83: {  	_ =	shalt  }
0x84: {  	_ =	shalt  }
0x85: {  	_ =	shalt  }
0x86: {  	_ =	shalt  }
0x87: {  	_ =	shalt  }
.Lfunc_end0:
.L_simem_size_0:
called_computation.3_lowered:
.L_overlay_start_0:
0x88: {  	s2 =	sld [smem:$0x3FD9]  }
0x89: {  	s3 =	sld [smem:$0x3FFE];
	_ =	sdelay $0x1  }
0x8a: {  	s1 =	srdreg.scid  }
0x8b: {  	s0 =	sand.u32 $0x1, s1  }
0x8c: {  	s17 =	sshll.u32 s0, $0xA;
	s2 =	sadd.s32 s3, s2  }
0x8d: {  	s2 =	sadd.s32 s2, s17  }
0x8e: {  	[smem:$0x3FBF] =	sst s2  }
0x8f: {  	_ = 	snop  }
0x90: {  	s2 =	sld [smem:$0x3FD0];
	(tm) =	ssettm $0x1  }
0x91: {  	s18 =	sld [smem:$0x3FFB];
	_ =	sdelay $0x3  }
0x92: {  	_ =	strace s18  }
0x93: {  	s3 =	sld [smem:$0x3FFC];
	_ =	sdelay $0x3  }
0x94: {  	_ =	strace s3  }
0x95: {  	s3 =	sld [smem:$0x3FFD];
	_ =	sdelay $0x3  }
0x96: {  	_ =	strace s3  }
0x97: {  	_ =	strace $0x8FFFFFFF  }
0x98: {  	s19 =	sld [smem:$0x3FDB];
	_ =	sdelay $0x1  }
0x99: {  	s4 =	simm.s32 $_scs_section_size  }
0x9a: {  	s5 =	simm.s32 $_size__tile_overlayer_lowered;
	s6 =	simm.s32 $_tile_overlayer_lowered  }
0x9b: {  	s22 =	simm.s32 $0x1BFF;
	s21 =	sshll.u32 s6, $0x1;
	s3 =	sadd.s32 s4, s19  }
0x9c: {  	s7 =	simm.s32 $0x0;
	s20 =	sshll.u32 s5, $0x1;
	s5 =	sadd.s32 s21, s3  }
0x9d: {  	[timem:s7], [sflag:s22] =	dma.local [hbm:s5], s20  }
0x9e: {  	_ =	swait.ge [sflag:s22], s20  }
0x9f: {  	s4 =	ssub.s32 $0x0, s20;
	[sflag:s22] =	ssyncset.done $0x0  }
0xa0: {  	[sflag:s22] =	ssyncadd.s32 s4;
	_ =	sdelay $0x1  }
0xa1: {  	s23 =	simm.s32 $0x1B8B  }
0xa2: {  	_ =	swait.ge [sflag:s23], $0x1  }
0xa3: {  	[sflag:s23] =	ssyncset.done $0x0  }
0xa4: {  	s25 =	simm.s32 $0x1B8E;
	s24 =	sld [smem:$0x3FFE];
	[sflag:s23] =	ssyncadd.s32 $0xFFFFFFFF  }
0xa5: {  	s26 =	simm.s32 $execute0_lowered;
	[smem:$0x3FD2] =	sst s25  }
0xa6: {  	s5 =	sshll.u32 s26, $0x1;
	_ =	strace $0x8000004F;
	[dreg:$0x1] =	wrdreg $0xFFFFFFFF  }
0xa7: {  	s28 =	simm.s32 $_size_execute0_lowered;
	s3 =	sadd.s32 s3, s5;
	[dreg:$0x0] =	wrdreg $0x0  }
0xa8: {  	s5 =	sshll.u32 s28, $0x1;
	[dreg:$0x2] =	wrdreg s3  }
0xa9: {  	[dreg:$0x3] =	wrdreg s5  }
0xaa: {  	[dreg:$0x4] =	wrdreg $0xC0  }
0xab: {  	_ =	task [dreg:s7], $0x5FFFF  }
0xac: {  	[dreg:$0x1] =	wrdreg $0xFFFFFFFF  }
0xad: {  	[dreg:$0x0] =	wrdreg $0x60  }
0xae: {  	[dreg:$0x2] =	wrdreg s24  }
0xaf: {  	[dreg:$0x3] =	wrdreg s2  }
0xb0: {  	[dreg:$0x4] =	wrdreg $0x9  }
0xb1: {  	_ =	task.clear_ibuf [dreg:s7], $0x5FFFF;
	_ =	strace $0x9000004F  }
0xb2: {  	s29 =	simm.s32 $0x9;
	_ =	strace $0x80000051  }
0xb3: {  	_ =	swait.ge [sflag:s29], $0x1  }
0xb4: {  	[sflag:s29] =	ssyncadd.s32 $0xFFFFFFFF  }
0xb5: {  	_ =	strace $0x90000051  }
0xb6: {  	_ =	sfence  }
0xb7: {  	s30 =	sld [smem:$0x0];
	_ =	sdelay $0x2  }
0xb8: {  	s31 =	sshll.u32 s1, $0xD;
	s1 =	sshrl.u32 s1, $0x2  }
0xb9: {  	s3 =	sand.u32 $0x4000, s31;
	s1 =	sadd.s32 s1, s30  }
0xba: {  	s0 =	sor.u32 s3, s0;
	s1 =	sshll.u32 s1, $0x11  }
0xbb: {  	s0 =	sor.u32 s1, s0  }
0xbc: {  	s0 =	sadd.s32 $0x8F2B, s0  }
0xbd: {  	[sflag:s0] =	ssyncadd.remote.s32 $0x1  }
0xbe: {  	_ =	sfence.sel $0xFFFF  }
0xbf: {  	[dreg:$0x0] =	wrdreg $0xFFFFFFFF;
	(pc) =	sbr.abs _section_cstart, $3  }
0xc0: {  	[dreg:$0x1] =	wrdreg $0xFFFFFFFF  }
0xc1: {  	_ =	task.clear_ibuf [dreg:s7], $0x2FFFF;
	_ =	strace $0x9FFFFFFF  }
0xc2: {  	(tm) =	ssettm $0x7FFFFFFF  }
0xc3: {  	_ =	shalt  }
tec
execute0_lowered:
.L_overlay_start_1:
0x0: {  	(tag) =	ssettag $0x1  }
0x1: {  	s3 =	rddreg [dreg:$0x0];
	s1 =	srdreg.scid  }
0x2: {  	s0 =	stileid.u32;
	s4 =	rddreg [dreg:$0x1]  }
0x3: {  	s2 =	simm.s32 $0x0;
	s13 =	simm.s32 $0x1;
	s14 =	simm.s32 $0x6800  }
0x4: {  	s15 =	simm.s32 $0x2;
	s16 =	simm.s32 $0x2780;
	s17 =	simm.s32 $0x0  }
0x5: {  	s5 =	sand.u32 $0x1, s1;
	s6 =	sshll.u32 s0, $0x1;
	s1 =	rddreg [dreg:$0x2]  }
0x6: {  	[smem:$0x7FF] =	sst s2;
	s9 =	sadd.s32 $0xA12200, s3;
	s10 =	smul.u32 $0x280000, s0  }
0x7: {  	s6 =	sor.u32 s5, s6;
	s8 =	ssub.s32 $0x2, s5;
	s12 =	smul.u32 $0x140000, s5  }
0x8: {  	s3 =	sadd.s32 $0x50FA00, s3;
	s7 =	smul.u32 $0x500, s6;
	s11 =	sshrl.u32 s8, $0x1  }
0x9: {  	_ =	strace $0x80000050;
	s6 =	smul.u32 $0x140000, s6;
	s8 =	ssub.s32 s8, s11  }
0xa: {  	s29 =	sadd.s32 s12, s10;
	s11 =	simm.s32 $0x80;
	s12 =	simm.s32 $0x2800  }
0xb: {  	s6 =	sshrl.u32 s6, $0x3;
	s4 =	sadd.s32 s4, s7;
	s10 =	sshrl.u32 s29, $0x3  }
0xc: {  	s30 =	sor.u32 $0x4000, s29;
	s7 =	smax.u32 s8, $0x1;
	s6 =	sadd.s32 s9, s6  }
0xd: {  	s8 =	sadd.s32 s10, s9;
	s31 =	sshrl.u32 s30, $0x3;
	s10 =	simm.s32 $0x3  }
0xe: {  	s5 =	sadd.s32 $0x27000, s6;
	s6 =	sadd.s32 $0x27800, s6;
	s9 =	sadd.s32 s31, s9  }
.LBB2_1:
0xf: {  	[tilespmem:s2], [sflag:$0x3] =	stream.linear.gather [hbm4b:s4+s2], $0x2800, $0x38;
	[tilespmem:$0xA800] =	vst v63  }
0x10: {  	_ =	swait.ge [sflag:s10], $0x2800  }
0x11: {  	[sflag:s10] =	ssyncset.done $0x0  }
0x12: {  	[sflag:s10] =	ssyncadd.s32 $0xFFFFD800  }
0x13: {  	[tilespmem:s12], [sflag:$0x1] =	stream.indirect.gather [hbm4b:s3+s11], $0x80, s2, s11, $0xb8;
	[tilespmem:$0xA800] =	vst v63  }
0x14: {  	_ =	swait.ge [sflag:s13], $0x4000  }
0x15: {  	[sflag:s13] =	ssyncset.done $0x0  }
0x16: {  	s18 =	simm.s32 $0x80;
	[sflag:s13] =	ssyncadd.s32 $0xFFFFC000  }
0x17: {  	[tilespmem:s14], [sflag:$0x2] =	stream.indirect.gather [hbm4b:s3+s11], $0x80, s18, s11, $0xb8;
	[tilespmem:$0xA800] =	vst v63  }
0x18: {  	s31 =	sadd.s32 $0x0, s8  }
0x19: {  	[hbm4b:s31+s2] =	stream.linear.scatter [tilespmem:s12], [sflag:$0x3], $0x4000, $0x38;
	[tilespmem:$0xA800] =	vst v63  }
0x1a: {  	_ =	swait.ge [sflag:s10], $0x4000  }
0x1b: {  	[sflag:s10] =	ssyncset.done $0x0  }
0x1c: {  	s18 =	simm.s32 $0x100;
	[sflag:s10] =	ssyncadd.s32 $0xFFFFC000  }
0x1d: {  	[tilespmem:s12], [sflag:$0x1] =	stream.indirect.gather [hbm4b:s3+s11], $0x80, s18, s11, $0xb8;
	[tilespmem:$0xA800] =	vst v63  }
0x1e: {  	_ =	swait.ge [sflag:s15], $0x4000  }
0x1f: {  	[sflag:s15] =	ssyncset.done $0x0  }
0x20: {  	s19 =	sadd.s32 $0x0, s9;
	[sflag:s15] =	ssyncadd.s32 $0xFFFFC000  }
0x21: {  	[hbm4b:s19+s2] =	stream.linear.scatter [tilespmem:s14], [sflag:$0x3], $0x4000, $0x38;
	[tilespmem:$0xA800] =	vst v63  }
0x22: {  	_ =	swait.ge [sflag:s10], $0x4000  }
0x23: {  	s19 =	simm.s32 $0x1000;
	[sflag:s10] =	ssyncset.done $0x0  }
.LBB2_2:
0x24: {  	p0 =	sne.s32 s19, $0x26000;
	[sflag:s10] =	ssyncadd.s32 $0xFFFFC000;
	s18 =	sadd.s32 $0x100, s18  }
0x25: {  	s20 =	smov.u32 s19;
	s19 =	sadd.s32 $0x1000, s19;
	_ =	swait.ge [sflag:s13], $0x4000  }
0x26: {  	[sflag:s13] =	ssyncset.done $0x0  }
0x27: {  	s21 =	sadd.s32 $0xFFFFFF80, s18;
	[sflag:s13] =	ssyncadd.s32 $0xFFFFC000  }
0x28: {  	[tilespmem:s14], [sflag:$0x2] =	stream.indirect.gather [hbm4b:s3+s11], $0x80, s21, s11, $0xb8;
	[tilespmem:$0xA800] =	vst v63  }
0x29: {  	s21 =	sadd.s32 s20, s8  }
0x2a: {  	[hbm4b:s21+s2] =	stream.linear.scatter [tilespmem:s12], [sflag:$0x3], $0x4000, $0x38;
	[tilespmem:$0xA800] =	vst v63  }
0x2b: {  	_ =	swait.ge [sflag:s10], $0x4000  }
0x2c: {  	[sflag:s10] =	ssyncset.done $0x0  }
0x2d: {  	[sflag:s10] =	ssyncadd.s32 $0xFFFFC000  }
0x2e: {  	[tilespmem:s12], [sflag:$0x1] =	stream.indirect.gather [hbm4b:s3+s11], $0x80, s18, s11, $0xb8;
	[tilespmem:$0xA800] =	vst v63  }
0x2f: {  	_ =	swait.ge [sflag:s15], $0x4000  }
.Ltmp0:
0x30: {  	[sflag:s15] =	ssyncset.done $0x0;
	(pc) =	sbr.rel @p0 .LBB2_2-.Ltmp0, $4  }
0x31: {  	s20 =	sadd.s32 s20, s9;
	[sflag:s15] =	ssyncadd.s32 $0xFFFFC000  }
0x32: {  	[hbm4b:s20+s2] =	stream.linear.scatter [tilespmem:s14], [sflag:$0x3], $0x4000, $0x38;
	[tilespmem:$0xA800] =	vst v63  }
0x33: {  	_ =	swait.ge [sflag:s10], $0x4000  }
0x34: {  	[sflag:s10] =	ssyncset.done $0x0  }
0x35: {  	[sflag:s10] =	ssyncadd.s32 $0xFFFFC000  }
0x36: {  	_ =	swait.ge [sflag:s13], $0x4000  }
0x37: {  	[sflag:s13] =	ssyncset.done $0x0  }
0x38: {  	[sflag:s13] =	ssyncadd.s32 $0xFFFFC000  }
0x39: {  	[tilespmem:s14], [sflag:$0x2] =	stream.indirect.gather [hbm4b:s3+s11], $0x80, s16, s11, $0xb8;
	[tilespmem:$0xA800] =	vst v63  }
0x3a: {  	_ = 	snop  }
0x3b: {  	[hbm4b:s5+s2] =	stream.linear.scatter [tilespmem:s12], [sflag:$0x3], $0x4000, $0x38;
	[tilespmem:$0xA800] =	vst v63  }
0x3c: {  	_ =	swait.ge [sflag:s10], $0x4000  }
0x3d: {  	[sflag:s10] =	ssyncset.done $0x0  }
0x3e: {  	[sflag:s10] =	ssyncadd.s32 $0xFFFFC000  }
0x3f: {  	s17 =	sadd.s32 $0x1, s17;
	_ =	swait.ge [sflag:s15], $0x4000  }
0x40: {  	p0 =	sne.s32 s17, s7;
	[sflag:s15] =	ssyncset.done $0x0  }
.Ltmp1:
0x41: {  	[sflag:s15] =	ssyncadd.s32 $0xFFFFC000;
	(pc) =	sbr.rel @p0 .LBB2_1-.Ltmp1, $4  }
0x42: {  	[hbm4b:s6+s2] =	stream.linear.scatter [tilespmem:s14], [sflag:$0x3], $0x4000, $0x38;
	[tilespmem:$0xA800] =	vst v63  }
0x43: {  	_ =	swait.ge [sflag:s10], $0x4000  }
0x44: {  	[sflag:s10] =	ssyncset.done $0x0  }
0x45: {  	[sflag:s10] =	ssyncadd.s32 $0xFFFFC000  }
0x46: {  	_ =	sfence.sel $0x180000  }
0x47: {  	[bflag:$0x0] =	sbarrier.arrive $0xFFFF  }
0x48: {  	p0 =	sne.s32 s0, $0x0;
	_ =	strace $0x90000050  }
0x49: {  	s0 =	sadd.s32 @!p0 $0x100000, s1;
	[bflag:$0x2] =	sbarrier.arrive $0xFFFF  }
0x4a: {  	[sflag:s0] =	ssyncadd.tile.s32 @!p0 $0x1;
	_ =	shalt  }
.Lfunc_end2:
_tile_overlayer_lowered:
.L_overlay_start_2:
0x4b: {  	(tag) =	ssettag $0x2  }
0x4c: {  	s0 =	rddreg [dreg:$0x0];
	s2 =	stileid.u32  }
0x4d: {  	s1 =	rddreg [dreg:$0x1];
	p0 =	sne.s32 s2, $0x0  }
0x4e: {  	s3 =	rddreg [dreg:$0x2];
	[bflag:$0x3] =	sbarrier.arrive $0xFFFF;
	s2 =	simm.s32 @!p0 $0x1C03  }
0x4f: {  	[timem:s3], [sflag:s2] =	dma.local @!p0 [hbm:s0], s1  }
0x50: {  	s0 =	simm.s32 @!p0 $0x3  }
0x51: {  	_ =	swait.ge @!p0 [sflag:s0], s1  }
0x52: {  	s1 =	ssub.s32 @!p0 $0x0, s1;
	[sflag:s0] =	ssyncset.done @!p0 $0x0  }
0x53: {  	[sflag:s0] =	ssyncadd.s32 @!p0 s1  }
0x54: {  	[bflag:$0x3] =	sbarrier.arrive $0xFFFF  }
0x55: {  	_ =	shalt  }

// kernel: kernel.34.cloned.1.call-start
scs
__scs_entry_jumppad:
0x0: {  	(pc) =	sbr.rel $0x88, $3  }
0x1: {  	(tag) =	ssettag $0x0;
	lr =	simm.s32 $0x1  }
0x2: {  	[smem:$0x3F98] =	sst lr;
	_ =	strace $0xD0000000  }
0x3: {  	_ = 	snop  }
0x4: {  	_ = 	snop  }
0x5: {  	_ = 	snop  }
0x6: {  	_ = 	snop  }
0x7: {  	_ = 	snop  }
__scs_overlays_trampoline_lowered:
0x8: {  	[smem:$0x3FA7] =	sst s0  }
0x9: {  	[smem:$0x3FA8] =	sst s1  }
0xa: {  	[smem:$0x3FA9] =	sst s2  }
0xb: {  	[smem:$0x3FAA] =	sst s3  }
0xc: {  	[smem:$0x3FAB] =	sst s4  }
0xd: {  	[smem:$0x3FAC] =	sst s5  }
0xe: {  	[smem:$0x3FAD] =	sst s6  }
0xf: {  	[smem:$0x3FAE] =	sst s7  }
0x10: {  	[smem:$0x3FAF] =	sst s8  }
0x11: {  	[smem:$0x3FB0] =	sst s9;
	s0 =	simm.s32 @!p0 $0x0  }
0x12: {  	s1 =	sld [smem:$0x3F96];
	s0 =	simm.s32 @p0 $0x1  }
0x13: {  	[smem:$0x3FB1] =	sst s0;
	s0 =	simm.s32 @!p1 $0x0  }
0x14: {  	s2 =	sld [smem:$0x3F95];
	s0 =	simm.s32 @p1 $0x1  }
0x15: {  	[smem:$0x3FB2] =	sst s0;
	s0 =	simm.s32 @!p2 $0x0  }
0x16: {  	s3 =	sld [smem:$0x3FDB];
	s0 =	simm.s32 @p2 $0x1  }
0x17: {  	s4 =	simm.s32 $0x1BF5;
	[smem:$0x3FB4] =	sst s0  }
0x18: {  	s0 =	sld [smem:$0x3F97];
	_ =	swait.ge [sflag:s4], $0x0  }
0x19: {  	s7 =	sld [smem:$0x3F98]  }
0x1a: {  	s8 =	sadd.s32 $0xFFFFE003, lr  }
0x1b: {  	s9 =	sadd.s32 $0xFFFFFEF7, lr;
	s5 =	simm.s32 $0xFFFFFFFF;
	p2 =	slt.u32 s8, $0xFFFFF086  }
0x1c: {  	p1 =	slt.u32 s9, $0xF7A;
	s5 =	simm.s32 @!p2 $0x0  }
0x1d: {  	s5 =	simm.s32 @p1 $0x1;
	p0 =	seq.s32 s7, s2  }
0x1e: {  	s7 =	smul.u32 @!p0 $0xF7A, s2;
	p2 =	seq.s32 @!p0 s5, $0x0  }
0x1f: {  	s9 =	smul.u32 $0xF7A, s1;
	s8 =	simm.s32 @!p0 $0x1BF5;
	p2 =	por !p2, p0  }
0x20: {  	[sflag:s8] =	ssyncset.s32 @!p0 $0xFFFFF086;
	s6 =	sadd.s32 @!p0 s3, s7;
	s7 =	simm.s32 @!p0 $0x108  }
0x21: {  	s3 =	sadd.s32 s3, s9;
	s6 =	sadd.s32 @!p0 $0x88, s6;
	s7 =	simm.s32 @p2 $0x1082  }
0x22: {  	[simem:s7], [sflag:s8] =	dma.local @!p0 [hbm:s6], $0xF7A  }
0x23: {  	s9 =	sor.u32 $0xD0000000, s2;
	s6 =	simm.s32 $0x108;
	_ =	swait.ge @!p0 [sflag:s8], $0x0  }
0x24: {  	s3 =	sadd.s32 $0x88, s3;
	s6 =	simm.s32 @!p1 $0x1082;
	[sflag:s4] =	ssyncset.s32 $0xFFFFF086  }
0x25: {  	[simem:s6], [sflag:s4] =	dma.local [hbm:s3], $0xF7A  }
0x26: {  	[smem:$0x3F98] =	sst s1;
	(tag) =	ssettag s2;
	_ =	strace s9  }
0x27: {  	s1 =	sld [smem:$0x3FA8]  }
0x28: {  	s2 =	sld [smem:$0x3FA9]  }
0x29: {  	s4 =	sld [smem:$0x3FAB]  }
0x2a: {  	p0 =	seq.s32 s5, $0x0;
	s5 =	sld [smem:$0x3FAC]  }
0x2b: {  	s6 =	sld [smem:$0x3FAD]  }
0x2c: {  	s7 =	sld [smem:$0x3FAE]  }
0x2d: {  	s3 =	simm.s32 $0x108;
	s8 =	sld [smem:$0x3FAF]  }
0x2e: {  	s3 =	simm.s32 @!p0 $0x1082;
	s9 =	sld [smem:$0x3FB0]  }
0x2f: {  	lr =	sadd.s32 s0, s3;
	s0 =	sld [smem:$0x3FA7]  }
0x30: {  	s3 =	sld [smem:$0x3FAA]  }
0x31: {  	[smem:$0x3FB3] =	sst s10  }
0x32: {  	s10 =	sld [smem:$0x3FB1];
	_ =	sdelay $0x3  }
0x33: {  	p0 =	seq.s32 s10, $0x1;
	s10 =	sld [smem:$0x3FB3];
	_ =	sdelay $0x3  }
0x34: {  	[smem:$0x3FB3] =	sst s10  }
0x35: {  	s10 =	sld [smem:$0x3FB2];
	_ =	sdelay $0x3  }
0x36: {  	p1 =	seq.s32 s10, $0x1;
	s10 =	sld [smem:$0x3FB3];
	_ =	sdelay $0x3  }
0x37: {  	[smem:$0x3FB3] =	sst s10  }
0x38: {  	s10 =	sld [smem:$0x3FB4]  }
0x39: {  	_ = 	snop;
	(pc) =	sbr.ind lr, $3  }
0x3a: {  	_ = 	snop  }
0x3b: {  	_ = 	snop  }
0x3c: {  	p2 =	seq.s32 s10, $0x1;
	s10 =	sld [smem:$0x3FB3]  }
0x3d: {  	_ =	shalt  }
0x3e: {  	_ =	shalt  }
0x3f: {  	_ =	shalt  }
0x40: {  	_ =	shalt  }
0x41: {  	_ =	shalt  }
0x42: {  	_ =	shalt  }
0x43: {  	_ =	shalt  }
0x44: {  	_ =	shalt  }
0x45: {  	_ =	shalt  }
0x46: {  	_ =	shalt  }
0x47: {  	_ =	shalt  }
0x48: {  	_ =	shalt  }
0x49: {  	_ =	shalt  }
0x4a: {  	_ =	shalt  }
0x4b: {  	_ =	shalt  }
0x4c: {  	_ =	shalt  }
0x4d: {  	_ =	shalt  }
0x4e: {  	_ =	shalt  }
0x4f: {  	_ =	shalt  }
0x50: {  	_ =	shalt  }
0x51: {  	_ =	shalt  }
0x52: {  	_ =	shalt  }
0x53: {  	_ =	shalt  }
0x54: {  	_ =	shalt  }
0x55: {  	_ =	shalt  }
0x56: {  	_ =	shalt  }
0x57: {  	_ =	shalt  }
0x58: {  	_ =	shalt  }
0x59: {  	_ =	shalt  }
0x5a: {  	_ =	shalt  }
0x5b: {  	_ =	shalt  }
0x5c: {  	_ =	shalt  }
0x5d: {  	_ =	shalt  }
0x5e: {  	_ =	shalt  }
0x5f: {  	_ =	shalt  }
0x60: {  	_ =	shalt  }
0x61: {  	_ =	shalt  }
0x62: {  	_ =	shalt  }
0x63: {  	_ =	shalt  }
0x64: {  	_ =	shalt  }
0x65: {  	_ =	shalt  }
0x66: {  	_ =	shalt  }
0x67: {  	_ =	shalt  }
0x68: {  	_ =	shalt  }
0x69: {  	_ =	shalt  }
0x6a: {  	_ =	shalt  }
0x6b: {  	_ =	shalt  }
0x6c: {  	_ =	shalt  }
0x6d: {  	_ =	shalt  }
0x6e: {  	_ =	shalt  }
0x6f: {  	_ =	shalt  }
0x70: {  	_ =	shalt  }
0x71: {  	_ =	shalt  }
0x72: {  	_ =	shalt  }
0x73: {  	_ =	shalt  }
0x74: {  	_ =	shalt  }
0x75: {  	_ =	shalt  }
0x76: {  	_ =	shalt  }
0x77: {  	_ =	shalt  }
0x78: {  	_ =	shalt  }
0x79: {  	_ =	shalt  }
0x7a: {  	_ =	shalt  }
0x7b: {  	_ =	shalt  }
0x7c: {  	_ =	shalt  }
0x7d: {  	_ =	shalt  }
0x7e: {  	_ =	shalt  }
0x7f: {  	_ =	shalt  }
0x80: {  	_ =	shalt  }
0x81: {  	_ =	shalt  }
0x82: {  	_ =	shalt  }
0x83: {  	_ =	shalt  }
0x84: {  	_ =	shalt  }
0x85: {  	_ =	shalt  }
0x86: {  	_ =	shalt  }
0x87: {  	_ =	shalt  }
.Lfunc_end0:
.L_simem_size_0:
called_computation.4_lowered:
.L_overlay_start_0:
0x88: {  	s2 =	sld [smem:$0x3FD9]  }
0x89: {  	s3 =	sld [smem:$0x3FFE];
	_ =	sdelay $0x1  }
0x8a: {  	s1 =	srdreg.scid  }
0x8b: {  	s0 =	sand.u32 $0x1, s1  }
0x8c: {  	s16 =	sshll.u32 s0, $0xA;
	s2 =	sadd.s32 s3, s2  }
0x8d: {  	s2 =	sadd.s32 s2, s16  }
0x8e: {  	[smem:$0x3FBF] =	sst s2  }
0x8f: {  	_ = 	snop  }
0x90: {  	(tm) =	ssettm $0x1  }
0x91: {  	s17 =	sld [smem:$0x3FFB];
	_ =	sdelay $0x3  }
0x92: {  	_ =	strace s17  }
0x93: {  	s2 =	sld [smem:$0x3FFC];
	_ =	sdelay $0x3  }
0x94: {  	_ =	strace s2  }
0x95: {  	s2 =	sld [smem:$0x3FFD];
	_ =	sdelay $0x3  }
0x96: {  	_ =	strace s2  }
0x97: {  	_ =	strace $0x8FFFFFFF  }
0x98: {  	s18 =	sld [smem:$0x3FDB];
	_ =	sdelay $0x1  }
0x99: {  	s19 =	simm.s32 $_scs_section_size  }
0x9a: {  	s4 =	simm.s32 $_size__tile_overlayer_lowered;
	s5 =	simm.s32 $_tile_overlayer_lowered  }
0x9b: {  	s22 =	simm.s32 $0x1BFF;
	s21 =	sshll.u32 s5, $0x1;
	s2 =	sadd.s32 s19, s18  }
0x9c: {  	s6 =	simm.s32 $0x0;
	s20 =	sshll.u32 s4, $0x1;
	s4 =	sadd.s32 s21, s2  }
0x9d: {  	[timem:s6], [sflag:s22] =	dma.local [hbm:s4], s20  }
0x9e: {  	_ =	swait.ge [sflag:s22], s20  }
0x9f: {  	s3 =	ssub.s32 $0x0, s20;
	[sflag:s22] =	ssyncset.done $0x0  }
0xa0: {  	[sflag:s22] =	ssyncadd.s32 s3;
	_ =	sdelay $0x1  }
0xa1: {  	s23 =	simm.s32 $0x1B8B  }
0xa2: {  	_ =	swait.ge [sflag:s23], $0x1  }
0xa3: {  	[sflag:s23] =	ssyncset.done $0x0  }
0xa4: {  	s25 =	simm.s32 $0x1B8E;
	s24 =	sld [smem:$0x3FFE];
	[sflag:s23] =	ssyncadd.s32 $0xFFFFFFFF  }
0xa5: {  	s26 =	simm.s32 $execute0_lowered;
	[smem:$0x3FD2] =	sst s25  }
0xa6: {  	s4 =	sshll.u32 s26, $0x1;
	_ =	strace $0x80000052;
	[dreg:$0x1] =	wrdreg $0xFFFFFFFF  }
0xa7: {  	s28 =	simm.s32 $_size_execute0_lowered;
	s2 =	sadd.s32 s2, s4;
	[dreg:$0x0] =	wrdreg $0x0  }
0xa8: {  	s4 =	sshll.u32 s28, $0x1;
	[dreg:$0x2] =	wrdreg s2  }
0xa9: {  	[dreg:$0x3] =	wrdreg s4  }
0xaa: {  	[dreg:$0x4] =	wrdreg $0xC0  }
0xab: {  	_ =	task [dreg:s6], $0x5FFFF  }
0xac: {  	[dreg:$0x1] =	wrdreg $0xFFFFFFFF  }
0xad: {  	[dreg:$0x0] =	wrdreg $0x60  }
0xae: {  	[dreg:$0x2] =	wrdreg s24  }
0xaf: {  	[dreg:$0x3] =	wrdreg $0xA8000  }
0xb0: {  	[dreg:$0x4] =	wrdreg $0x9  }
0xb1: {  	_ =	task.clear_ibuf [dreg:s6], $0x5FFFF;
	_ =	strace $0x90000052  }
0xb2: {  	s29 =	simm.s32 $0x9;
	_ =	strace $0x80000054  }
0xb3: {  	_ =	swait.ge [sflag:s29], $0x1  }
0xb4: {  	[sflag:s29] =	ssyncadd.s32 $0xFFFFFFFF  }
0xb5: {  	_ =	strace $0x90000054  }
0xb6: {  	_ =	sfence  }
0xb7: {  	s30 =	sld [smem:$0x0];
	_ =	sdelay $0x2  }
0xb8: {  	s31 =	sshll.u32 s1, $0xD;
	s1 =	sshrl.u32 s1, $0x2  }
0xb9: {  	s3 =	sand.u32 $0x4000, s31;
	s1 =	sadd.s32 s1, s30  }
0xba: {  	s0 =	sor.u32 s3, s0;
	s1 =	sshll.u32 s1, $0x11  }
0xbb: {  	s0 =	sor.u32 s1, s0  }
0xbc: {  	s0 =	sadd.s32 $0x8F2B, s0  }
0xbd: {  	[sflag:s0] =	ssyncadd.remote.s32 $0x1  }
0xbe: {  	_ =	sfence.sel $0xFFFF  }
0xbf: {  	[dreg:$0x0] =	wrdreg $0xFFFFFFFF;
	(pc) =	sbr.abs _section_cstart, $3  }
0xc0: {  	[dreg:$0x1] =	wrdreg $0xFFFFFFFF  }
0xc1: {  	_ =	task.clear_ibuf [dreg:s6], $0x2FFFF;
	_ =	strace $0x9FFFFFFF  }
0xc2: {  	(tm) =	ssettm $0x7FFFFFFF  }
0xc3: {  	_ =	shalt  }
tec
execute0_lowered:
.L_overlay_start_1:
0x0: {  	(tag) =	ssettag $0x1  }
0x1: {  	s5 =	rddreg [dreg:$0x0]  }
0x2: {  	s1 =	srdreg.scid;
	s0 =	stileid.u32  }
0x3: {  	s2 =	rddreg [dreg:$0x1];
	s3 =	simm.s32 $0x0;
	s17 =	simm.s32 $0x2800  }
0x4: {  	s18 =	simm.s32 $0x1;
	s19 =	simm.s32 $0x6800;
	s20 =	simm.s32 $0x80  }
0x5: {  	s21 =	simm.s32 $0x2;
	s22 =	simm.s32 $0x2700;
	s23 =	simm.s32 $0x2780  }
0x6: {  	s24 =	simm.s32 $0x0;
	s7 =	sand.u32 $0x1, s1;
	s1 =	rddreg [dreg:$0x2]  }
0x7: {  	s4 =	sshll.u32 s0, $0x1;
	[smem:$0x7FF] =	sst s3;
	s11 =	smul.u32 $0x4E000, s0  }
0x8: {  	s12 =	sadd.s32 $0xF12200, s5;
	s13 =	sadd.s32 $0x58F000, s5;
	s28 =	smul.u32 $0x13800, s0  }
0x9: {  	s14 =	sadd.s32 $0x124800, s2;
	s29 =	smul.u32 $0x280000, s0;
	p0 =	seq.s32 s0, $0xF  }
0xa: {  	s6 =	sor.u32 s7, s4;
	_ =	strace $0x80000053;
	s26 =	smul.u32 $0x138800, s7  }
0xb: {  	s9 =	ssub.s32 $0x2, s7;
	s15 =	smul.u32 $0x140000, s7;
	s14 =	sshrl.u32 @p0 s14, $0x3  }
0xc: {  	s4 =	smul.u32 $0x500, s6;
	s10 =	sshrl.u32 s9, $0x1;
	s25 =	sshrl.u32 s11, $0x2  }
0xd: {  	s6 =	smul.u32 $0x140000, s6;
	s10 =	ssub.s32 s9, s10;
	s16 =	sadd.s32 s25, s2  }
0xe: {  	s9 =	sshrl.u32 s26, $0x3;
	s11 =	sadd.s32 s15, s29;
	s15 =	sshll.u32 @!p0 s0, $0x6  }
0xf: {  	s8 =	sadd.s32 s4, s5;
	s4 =	sadd.s32 $0xA0FA00, s5;
	s6 =	sshrl.u32 s6, $0x3  }
0x10: {  	s9 =	sadd.s32 s13, s9;
	s10 =	smax.u32 s10, $0x1;
	s30 =	sor.u32 $0x8000, s11  }
0x11: {  	s11 =	sor.u32 $0x4000, s11;
	s15 =	sor.u32 @!p0 $0x1C03, s15;
	s16 =	sshrl.u32 @!p0 s16, $0x3  }
0x12: {  	s5 =	sadd.s32 $0x55DE00, s8;
	s6 =	sadd.s32 s12, s6;
	s8 =	sadd.s32 s28, s26  }
0x13: {  	s9 =	sadd.s32 $0x24900, s9;
	s31 =	sshrl.u32 s11, $0x3;
	s8 =	sshrl.u32 s8, $0x3  }
0x14: {  	s7 =	sadd.s32 $0x27800, s6;
	s8 =	sadd.s32 s13, s8;
	s13 =	sshrl.u32 s30, $0x3  }
0x15: {  	s11 =	sadd.s32 s13, s12;
	s12 =	sadd.s32 s31, s12;
	s13 =	simm.s32 $0x3  }
.LBB2_1:
0x16: {  	[tilespmem:s3], [sflag:$0x3] =	stream.linear.gather [hbm4b:s5+s3], $0x2800, $0x38;
	[tilespmem:$0x1E080] =	vst v63  }
0x17: {  	_ =	swait.ge [sflag:s13], $0x2800  }
0x18: {  	[sflag:s13] =	ssyncset.done $0x0  }
0x19: {  	s25 =	simm.s32 @p0 $0x1FC3;
	[sflag:s13] =	ssyncadd.s32 $0xFFFFD800  }
0x1a: {  	[spmem:s14], [sflag:s25] =	dma.local @p0 [hbm:s4], $0x2800  }
0x1b: {  	s25 =	simm.s32 @p0 $0x3  }
0x1c: {  	_ =	swait.ge @p0 [sflag:s25], $0x2800  }
0x1d: {  	[sflag:s25] =	ssyncset.done @p0 $0x0  }
0x1e: {  	[sflag:s25] =	ssyncadd.s32 @p0 $0xFFFFD800;
	s25 =	simm.s32 @!p0 $0x3  }
0x1f: {  	[spmem:s16], [sflag:s15] =	dma.local @!p0 [hbm:s4], $0x2700  }
0x20: {  	_ =	swait.ge @!p0 [sflag:s25], $0x2700  }
0x21: {  	[sflag:s25] =	ssyncset.done @!p0 $0x0  }
0x22: {  	[sflag:s25] =	ssyncadd.s32 @!p0 $0xFFFFD900  }
0x23: {  	[bflag:$0x0] =	sbarrier.arrive $0xFFFF  }
0x24: {  	[tilespmem:s17], [sflag:$0x1] =	stream.linear.gather [hbm4b:s6+s3], $0x4000, $0x38;
	[tilespmem:$0x1E080] =	vst v63  }
0x25: {  	_ =	swait.ge [sflag:s18], $0x4000  }
0x26: {  	[sflag:s18] =	ssyncset.done $0x0  }
0x27: {  	s29 =	sadd.s32 $0x0, s12;
	[sflag:s18] =	ssyncadd.s32 $0xFFFFC000  }
0x28: {  	[tilespmem:s19], [sflag:$0x2] =	stream.linear.gather [hbm4b:s29+s3], $0x4000, $0x38;
	[tilespmem:$0x1E080] =	vst v63  }
0x29: {  	_ = 	snop  }
0x2a: {  	[spmem:s2] =	stream.indirect.scatter.add.f32 [tilespmem:s17], [sflag:$0x3], $0x80, s3, s20, $0xb8;
	[tilespmem:$0x1E080] =	vst v63  }
0x2b: {  	_ =	swait.ge [sflag:s13], $0x4000  }
0x2c: {  	[sflag:s13] =	ssyncset.done $0x0  }
0x2d: {  	s30 =	sadd.s32 $0x0, s11;
	[sflag:s13] =	ssyncadd.s32 $0xFFFFC000  }
0x2e: {  	[tilespmem:s17], [sflag:$0x1] =	stream.linear.gather [hbm4b:s30+s3], $0x4000, $0x38;
	[tilespmem:$0x1E080] =	vst v63  }
0x2f: {  	_ =	swait.ge [sflag:s21], $0x4000  }
0x30: {  	[sflag:s21] =	ssyncset.done $0x0  }
0x31: {  	s31 =	simm.s32 $0x80;
	[sflag:s21] =	ssyncadd.s32 $0xFFFFC000  }
0x32: {  	[spmem:s2] =	stream.indirect.scatter.add.f32 [tilespmem:s19], [sflag:$0x3], $0x80, s31, s20, $0xb8;
	[tilespmem:$0x1E080] =	vst v63  }
0x33: {  	_ =	swait.ge [sflag:s13], $0x4000  }
0x34: {  	s26 =	simm.s32 $0x0;
	s25 =	simm.s32 $0x1000;
	[sflag:s13] =	ssyncset.done $0x0  }
.LBB2_2:
0x35: {  	p1 =	sne.s32 s25, $0x26000;
	[sflag:s13] =	ssyncadd.s32 $0xFFFFC000;
	s26 =	sadd.s32 $0x100, s26  }
0x36: {  	s28 =	smov.u32 s25;
	s25 =	sadd.s32 $0x1000, s25;
	_ =	swait.ge [sflag:s18], $0x4000  }
0x37: {  	[sflag:s18] =	ssyncset.done $0x0  }
0x38: {  	s29 =	sadd.s32 s28, s12;
	[sflag:s18] =	ssyncadd.s32 $0xFFFFC000  }
0x39: {  	[tilespmem:s19], [sflag:$0x2] =	stream.linear.gather [hbm4b:s29+s3], $0x4000, $0x38;
	[tilespmem:$0x1E080] =	vst v63  }
0x3a: {  	_ = 	snop  }
0x3b: {  	[spmem:s2] =	stream.indirect.scatter.add.f32 [tilespmem:s17], [sflag:$0x3], $0x80, s26, s20, $0xb8;
	[tilespmem:$0x1E080] =	vst v63  }
0x3c: {  	_ =	swait.ge [sflag:s13], $0x4000  }
0x3d: {  	[sflag:s13] =	ssyncset.done $0x0  }
0x3e: {  	s28 =	sadd.s32 s28, s11;
	[sflag:s13] =	ssyncadd.s32 $0xFFFFC000  }
0x3f: {  	[tilespmem:s17], [sflag:$0x1] =	stream.linear.gather [hbm4b:s28+s3], $0x4000, $0x38;
	[tilespmem:$0x1E080] =	vst v63  }
0x40: {  	_ =	swait.ge [sflag:s21], $0x4000  }
.Ltmp0:
0x41: {  	[sflag:s21] =	ssyncset.done $0x0;
	(pc) =	sbr.rel @p1 .LBB2_2-.Ltmp0, $4  }
0x42: {  	s28 =	sadd.s32 $0x80, s26;
	[sflag:s21] =	ssyncadd.s32 $0xFFFFC000  }
0x43: {  	[spmem:s2] =	stream.indirect.scatter.add.f32 [tilespmem:s19], [sflag:$0x3], $0x80, s28, s20, $0xb8;
	[tilespmem:$0x1E080] =	vst v63  }
0x44: {  	_ =	swait.ge [sflag:s13], $0x4000  }
0x45: {  	[sflag:s13] =	ssyncset.done $0x0  }
0x46: {  	[sflag:s13] =	ssyncadd.s32 $0xFFFFC000  }
0x47: {  	_ =	swait.ge [sflag:s18], $0x4000  }
0x48: {  	[sflag:s18] =	ssyncset.done $0x0  }
0x49: {  	[sflag:s18] =	ssyncadd.s32 $0xFFFFC000  }
0x4a: {  	[tilespmem:s19], [sflag:$0x2] =	stream.linear.gather [hbm4b:s7+s3], $0x4000, $0x38;
	[tilespmem:$0x1E080] =	vst v63  }
0x4b: {  	_ = 	snop  }
0x4c: {  	[spmem:s2] =	stream.indirect.scatter.add.f32 [tilespmem:s17], [sflag:$0x3], $0x80, s22, s20, $0xb8;
	[tilespmem:$0x1E080] =	vst v63  }
0x4d: {  	_ =	swait.ge [sflag:s13], $0x4000  }
0x4e: {  	[sflag:s13] =	ssyncset.done $0x0  }
0x4f: {  	[sflag:s13] =	ssyncadd.s32 $0xFFFFC000  }
0x50: {  	_ =	swait.ge [sflag:s21], $0x4000  }
0x51: {  	[sflag:s21] =	ssyncset.done $0x0  }
0x52: {  	[sflag:s21] =	ssyncadd.s32 $0xFFFFC000  }
0x53: {  	[spmem:s2] =	stream.indirect.scatter.add.f32 [tilespmem:s19], [sflag:$0x3], $0x80, s23, s20, $0xb8;
	[tilespmem:$0x1E080] =	vst v63  }
0x54: {  	_ =	swait.ge [sflag:s13], $0x4000  }
0x55: {  	[sflag:s13] =	ssyncset.done $0x0  }
0x56: {  	[sflag:s13] =	ssyncadd.s32 $0xFFFFC000  }
0x57: {  	s25 =	simm.s32 @p0 $0x1FC3;
	[bflag:$0x0] =	sbarrier.arrive $0xFFFF  }
0x58: {  	[hbm:s9], [sflag:s25] =	dma.local @p0 [spmem:s14], $0x2800  }
0x59: {  	s25 =	simm.s32 @p0 $0x3  }
0x5a: {  	s24 =	sadd.s32 $0x1, s24;
	_ =	swait.ge @p0 [sflag:s25], $0x2800  }
0x5b: {  	p1 =	sne.s32 s24, s10;
	[sflag:s25] =	ssyncset.done @p0 $0x0  }
.Ltmp1:
0x5c: {  	[sflag:s25] =	ssyncadd.s32 @p0 $0xFFFFD800;
	s25 =	simm.s32 @!p0 $0x3;
	(pc) =	sbr.rel @p1 .LBB2_1-.Ltmp1, $4  }
0x5d: {  	[hbm:s8], [sflag:s15] =	dma.local @!p0 [spmem:s16], $0x2700  }
0x5e: {  	_ =	swait.ge @!p0 [sflag:s25], $0x2700  }
0x5f: {  	[sflag:s25] =	ssyncset.done @!p0 $0x0  }
0x60: {  	[sflag:s25] =	ssyncadd.s32 @!p0 $0xFFFFD900  }
0x61: {  	_ =	sfence.sel $0x180000  }
0x62: {  	[bflag:$0x0] =	sbarrier.arrive $0xFFFF  }
0x63: {  	p0 =	sne.s32 s0, $0x0;
	_ =	strace $0x90000053  }
0x64: {  	s0 =	sadd.s32 @!p0 $0x100000, s1;
	[bflag:$0x2] =	sbarrier.arrive $0xFFFF  }
0x65: {  	[sflag:s0] =	ssyncadd.tile.s32 @!p0 $0x1;
	_ =	shalt  }
.Lfunc_end2:
_tile_overlayer_lowered:
.L_overlay_start_2:
0x66: {  	(tag) =	ssettag $0x2  }
0x67: {  	s0 =	rddreg [dreg:$0x0];
	s2 =	stileid.u32  }
0x68: {  	s1 =	rddreg [dreg:$0x1];
	p0 =	sne.s32 s2, $0x0  }
0x69: {  	s3 =	rddreg [dreg:$0x2];
	[bflag:$0x3] =	sbarrier.arrive $0xFFFF;
	s2 =	simm.s32 @!p0 $0x1C03  }
0x6a: {  	[timem:s3], [sflag:s2] =	dma.local @!p0 [hbm:s0], s1  }
0x6b: {  	s0 =	simm.s32 @!p0 $0x3  }
0x6c: {  	_ =	swait.ge @!p0 [sflag:s0], s1  }
0x6d: {  	s1 =	ssub.s32 @!p0 $0x0, s1;
	[sflag:s0] =	ssyncset.done @!p0 $0x0  }
0x6e: {  	[sflag:s0] =	ssyncadd.s32 @!p0 s1  }
0x6f: {  	[bflag:$0x3] =	sbarrier.arrive $0xFFFF  }
0x70: {  	_ =	shalt  }

// kernel: kernel.37.cloned.1.call-start
scs
__scs_entry_jumppad:
0x0: {  	(pc) =	sbr.rel $0x88, $3  }
0x1: {  	(tag) =	ssettag $0x0;
	lr =	simm.s32 $0x1  }
0x2: {  	[smem:$0x3F98] =	sst lr;
	_ =	strace $0xD0000000  }
0x3: {  	_ = 	snop  }
0x4: {  	_ = 	snop  }
0x5: {  	_ = 	snop  }
0x6: {  	_ = 	snop  }
0x7: {  	_ = 	snop  }
__scs_overlays_trampoline_lowered:
0x8: {  	[smem:$0x3FA7] =	sst s0  }
0x9: {  	[smem:$0x3FA8] =	sst s1  }
0xa: {  	[smem:$0x3FA9] =	sst s2  }
0xb: {  	[smem:$0x3FAA] =	sst s3  }
0xc: {  	[smem:$0x3FAB] =	sst s4  }
0xd: {  	[smem:$0x3FAC] =	sst s5  }
0xe: {  	[smem:$0x3FAD] =	sst s6  }
0xf: {  	[smem:$0x3FAE] =	sst s7  }
0x10: {  	[smem:$0x3FAF] =	sst s8  }
0x11: {  	[smem:$0x3FB0] =	sst s9;
	s0 =	simm.s32 @!p0 $0x0  }
0x12: {  	s1 =	sld [smem:$0x3F96];
	s0 =	simm.s32 @p0 $0x1  }
0x13: {  	[smem:$0x3FB1] =	sst s0;
	s0 =	simm.s32 @!p1 $0x0  }
0x14: {  	s2 =	sld [smem:$0x3F95];
	s0 =	simm.s32 @p1 $0x1  }
0x15: {  	[smem:$0x3FB2] =	sst s0;
	s0 =	simm.s32 @!p2 $0x0  }
0x16: {  	s3 =	sld [smem:$0x3FDB];
	s0 =	simm.s32 @p2 $0x1  }
0x17: {  	s4 =	simm.s32 $0x1BF5;
	[smem:$0x3FB4] =	sst s0  }
0x18: {  	s0 =	sld [smem:$0x3F97];
	_ =	swait.ge [sflag:s4], $0x0  }
0x19: {  	s7 =	sld [smem:$0x3F98]  }
0x1a: {  	s8 =	sadd.s32 $0xFFFFE003, lr  }
0x1b: {  	s9 =	sadd.s32 $0xFFFFFEF7, lr;
	s5 =	simm.s32 $0xFFFFFFFF;
	p2 =	slt.u32 s8, $0xFFFFF086  }
0x1c: {  	p1 =	slt.u32 s9, $0xF7A;
	s5 =	simm.s32 @!p2 $0x0  }
0x1d: {  	s5 =	simm.s32 @p1 $0x1;
	p0 =	seq.s32 s7, s2  }
0x1e: {  	s7 =	smul.u32 @!p0 $0xF7A, s2;
	p2 =	seq.s32 @!p0 s5, $0x0  }
0x1f: {  	s9 =	smul.u32 $0xF7A, s1;
	s8 =	simm.s32 @!p0 $0x1BF5;
	p2 =	por !p2, p0  }
0x20: {  	[sflag:s8] =	ssyncset.s32 @!p0 $0xFFFFF086;
	s6 =	sadd.s32 @!p0 s3, s7;
	s7 =	simm.s32 @!p0 $0x108  }
0x21: {  	s3 =	sadd.s32 s3, s9;
	s6 =	sadd.s32 @!p0 $0x88, s6;
	s7 =	simm.s32 @p2 $0x1082  }
0x22: {  	[simem:s7], [sflag:s8] =	dma.local @!p0 [hbm:s6], $0xF7A  }
0x23: {  	s9 =	sor.u32 $0xD0000000, s2;
	s6 =	simm.s32 $0x108;
	_ =	swait.ge @!p0 [sflag:s8], $0x0  }
0x24: {  	s3 =	sadd.s32 $0x88, s3;
	s6 =	simm.s32 @!p1 $0x1082;
	[sflag:s4] =	ssyncset.s32 $0xFFFFF086  }
0x25: {  	[simem:s6], [sflag:s4] =	dma.local [hbm:s3], $0xF7A  }
0x26: {  	[smem:$0x3F98] =	sst s1;
	(tag) =	ssettag s2;
	_ =	strace s9  }
0x27: {  	s1 =	sld [smem:$0x3FA8]  }
0x28: {  	s2 =	sld [smem:$0x3FA9]  }
0x29: {  	s4 =	sld [smem:$0x3FAB]  }
0x2a: {  	p0 =	seq.s32 s5, $0x0;
	s5 =	sld [smem:$0x3FAC]  }
0x2b: {  	s6 =	sld [smem:$0x3FAD]  }
0x2c: {  	s7 =	sld [smem:$0x3FAE]  }
0x2d: {  	s3 =	simm.s32 $0x108;
	s8 =	sld [smem:$0x3FAF]  }
0x2e: {  	s3 =	simm.s32 @!p0 $0x1082;
	s9 =	sld [smem:$0x3FB0]  }
0x2f: {  	lr =	sadd.s32 s0, s3;
	s0 =	sld [smem:$0x3FA7]  }
0x30: {  	s3 =	sld [smem:$0x3FAA]  }
0x31: {  	[smem:$0x3FB3] =	sst s10  }
0x32: {  	s10 =	sld [smem:$0x3FB1];
	_ =	sdelay $0x3  }
0x33: {  	p0 =	seq.s32 s10, $0x1;
	s10 =	sld [smem:$0x3FB3];
	_ =	sdelay $0x3  }
0x34: {  	[smem:$0x3FB3] =	sst s10  }
0x35: {  	s10 =	sld [smem:$0x3FB2];
	_ =	sdelay $0x3  }
0x36: {  	p1 =	seq.s32 s10, $0x1;
	s10 =	sld [smem:$0x3FB3];
	_ =	sdelay $0x3  }
0x37: {  	[smem:$0x3FB3] =	sst s10  }
0x38: {  	s10 =	sld [smem:$0x3FB4]  }
0x39: {  	_ = 	snop;
	(pc) =	sbr.ind lr, $3  }
0x3a: {  	_ = 	snop  }
0x3b: {  	_ = 	snop  }
0x3c: {  	p2 =	seq.s32 s10, $0x1;
	s10 =	sld [smem:$0x3FB3]  }
0x3d: {  	_ =	shalt  }
0x3e: {  	_ =	shalt  }
0x3f: {  	_ =	shalt  }
0x40: {  	_ =	shalt  }
0x41: {  	_ =	shalt  }
0x42: {  	_ =	shalt  }
0x43: {  	_ =	shalt  }
0x44: {  	_ =	shalt  }
0x45: {  	_ =	shalt  }
0x46: {  	_ =	shalt  }
0x47: {  	_ =	shalt  }
0x48: {  	_ =	shalt  }
0x49: {  	_ =	shalt  }
0x4a: {  	_ =	shalt  }
0x4b: {  	_ =	shalt  }
0x4c: {  	_ =	shalt  }
0x4d: {  	_ =	shalt  }
0x4e: {  	_ =	shalt  }
0x4f: {  	_ =	shalt  }
0x50: {  	_ =	shalt  }
0x51: {  	_ =	shalt  }
0x52: {  	_ =	shalt  }
0x53: {  	_ =	shalt  }
0x54: {  	_ =	shalt  }
0x55: {  	_ =	shalt  }
0x56: {  	_ =	shalt  }
0x57: {  	_ =	shalt  }
0x58: {  	_ =	shalt  }
0x59: {  	_ =	shalt  }
0x5a: {  	_ =	shalt  }
0x5b: {  	_ =	shalt  }
0x5c: {  	_ =	shalt  }
0x5d: {  	_ =	shalt  }
0x5e: {  	_ =	shalt  }
0x5f: {  	_ =	shalt  }
0x60: {  	_ =	shalt  }
0x61: {  	_ =	shalt  }
0x62: {  	_ =	shalt  }
0x63: {  	_ =	shalt  }
0x64: {  	_ =	shalt  }
0x65: {  	_ =	shalt  }
0x66: {  	_ =	shalt  }
0x67: {  	_ =	shalt  }
0x68: {  	_ =	shalt  }
0x69: {  	_ =	shalt  }
0x6a: {  	_ =	shalt  }
0x6b: {  	_ =	shalt  }
0x6c: {  	_ =	shalt  }
0x6d: {  	_ =	shalt  }
0x6e: {  	_ =	shalt  }
0x6f: {  	_ =	shalt  }
0x70: {  	_ =	shalt  }
0x71: {  	_ =	shalt  }
0x72: {  	_ =	shalt  }
0x73: {  	_ =	shalt  }
0x74: {  	_ =	shalt  }
0x75: {  	_ =	shalt  }
0x76: {  	_ =	shalt  }
0x77: {  	_ =	shalt  }
0x78: {  	_ =	shalt  }
0x79: {  	_ =	shalt  }
0x7a: {  	_ =	shalt  }
0x7b: {  	_ =	shalt  }
0x7c: {  	_ =	shalt  }
0x7d: {  	_ =	shalt  }
0x7e: {  	_ =	shalt  }
0x7f: {  	_ =	shalt  }
0x80: {  	_ =	shalt  }
0x81: {  	_ =	shalt  }
0x82: {  	_ =	shalt  }
0x83: {  	_ =	shalt  }
0x84: {  	_ =	shalt  }
0x85: {  	_ =	shalt  }
0x86: {  	_ =	shalt  }
0x87: {  	_ =	shalt  }
.Lfunc_end0:
.L_simem_size_0:
called_computation.5_lowered:
.L_overlay_start_0:
0x88: {  	s2 =	sld [smem:$0x3FD9]  }
0x89: {  	s3 =	sld [smem:$0x3FFE];
	_ =	sdelay $0x1  }
0x8a: {  	s1 =	srdreg.scid  }
0x8b: {  	s0 =	sand.u32 $0x1, s1  }
0x8c: {  	s17 =	sshll.u32 s0, $0xA;
	s2 =	sadd.s32 s3, s2  }
0x8d: {  	s2 =	sadd.s32 s2, s17  }
0x8e: {  	[smem:$0x3FBF] =	sst s2  }
0x8f: {  	_ = 	snop  }
0x90: {  	s2 =	sld [smem:$0x3FD0];
	(tm) =	ssettm $0x1  }
0x91: {  	s18 =	sld [smem:$0x3FFB];
	_ =	sdelay $0x3  }
0x92: {  	_ =	strace s18  }
0x93: {  	s3 =	sld [smem:$0x3FFC];
	_ =	sdelay $0x3  }
0x94: {  	_ =	strace s3  }
0x95: {  	s3 =	sld [smem:$0x3FFD];
	_ =	sdelay $0x3  }
0x96: {  	_ =	strace s3  }
0x97: {  	_ =	strace $0x8FFFFFFF  }
0x98: {  	s19 =	sld [smem:$0x3FDB];
	_ =	sdelay $0x1  }
0x99: {  	s4 =	simm.s32 $_scs_section_size  }
0x9a: {  	s5 =	simm.s32 $_size__tile_overlayer_lowered;
	s6 =	simm.s32 $_tile_overlayer_lowered  }
0x9b: {  	s22 =	simm.s32 $0x1BFF;
	s21 =	sshll.u32 s6, $0x1;
	s3 =	sadd.s32 s4, s19  }
0x9c: {  	s7 =	simm.s32 $0x0;
	s20 =	sshll.u32 s5, $0x1;
	s5 =	sadd.s32 s21, s3  }
0x9d: {  	[timem:s7], [sflag:s22] =	dma.local [hbm:s5], s20  }
0x9e: {  	_ =	swait.ge [sflag:s22], s20  }
0x9f: {  	s4 =	ssub.s32 $0x0, s20;
	[sflag:s22] =	ssyncset.done $0x0  }
0xa0: {  	[sflag:s22] =	ssyncadd.s32 s4;
	_ =	sdelay $0x1  }
0xa1: {  	s23 =	simm.s32 $0x1B8B  }
0xa2: {  	_ =	swait.ge [sflag:s23], $0x1  }
0xa3: {  	[sflag:s23] =	ssyncset.done $0x0  }
0xa4: {  	s25 =	simm.s32 $0x1B8E;
	s24 =	sld [smem:$0x3FFE];
	[sflag:s23] =	ssyncadd.s32 $0xFFFFFFFF  }
0xa5: {  	s26 =	simm.s32 $execute0_lowered;
	[smem:$0x3FD2] =	sst s25  }
0xa6: {  	s5 =	sshll.u32 s26, $0x1;
	_ =	strace $0x80000055;
	[dreg:$0x1] =	wrdreg $0xFFFFFFFF  }
0xa7: {  	s28 =	simm.s32 $_size_execute0_lowered;
	s3 =	sadd.s32 s3, s5;
	[dreg:$0x0] =	wrdreg $0x0  }
0xa8: {  	s5 =	sshll.u32 s28, $0x1;
	[dreg:$0x2] =	wrdreg s3  }
0xa9: {  	[dreg:$0x3] =	wrdreg s5  }
0xaa: {  	[dreg:$0x4] =	wrdreg $0xC0  }
0xab: {  	_ =	task [dreg:s7], $0x5FFFF  }
0xac: {  	[dreg:$0x1] =	wrdreg $0xFFFFFFFF  }
0xad: {  	[dreg:$0x0] =	wrdreg $0x60  }
0xae: {  	[dreg:$0x2] =	wrdreg s24  }
0xaf: {  	[dreg:$0x3] =	wrdreg s2  }
0xb0: {  	[dreg:$0x4] =	wrdreg $0x9  }
0xb1: {  	_ =	task.clear_ibuf [dreg:s7], $0x5FFFF;
	_ =	strace $0x90000055  }
0xb2: {  	s29 =	simm.s32 $0x9;
	_ =	strace $0x80000057  }
0xb3: {  	_ =	swait.ge [sflag:s29], $0x1  }
0xb4: {  	[sflag:s29] =	ssyncadd.s32 $0xFFFFFFFF  }
0xb5: {  	_ =	strace $0x90000057  }
0xb6: {  	_ =	sfence  }
0xb7: {  	s30 =	sld [smem:$0x0];
	_ =	sdelay $0x2  }
0xb8: {  	s31 =	sshll.u32 s1, $0xD;
	s1 =	sshrl.u32 s1, $0x2  }
0xb9: {  	s3 =	sand.u32 $0x4000, s31;
	s1 =	sadd.s32 s1, s30  }
0xba: {  	s0 =	sor.u32 s3, s0;
	s1 =	sshll.u32 s1, $0x11  }
0xbb: {  	s0 =	sor.u32 s1, s0  }
0xbc: {  	s0 =	sadd.s32 $0x8F2B, s0  }
0xbd: {  	[sflag:s0] =	ssyncadd.remote.s32 $0x1  }
0xbe: {  	_ =	sfence.sel $0xFFFF  }
0xbf: {  	[dreg:$0x0] =	wrdreg $0xFFFFFFFF;
	(pc) =	sbr.abs _section_cstart, $3  }
0xc0: {  	[dreg:$0x1] =	wrdreg $0xFFFFFFFF  }
0xc1: {  	_ =	task.clear_ibuf [dreg:s7], $0x2FFFF;
	_ =	strace $0x9FFFFFFF  }
0xc2: {  	(tm) =	ssettm $0x7FFFFFFF  }
0xc3: {  	_ =	shalt  }
tec
execute0_lowered:
.L_overlay_start_1:
0x0: {  	(tag) =	ssettag $0x1  }
0x1: {  	s3 =	rddreg [dreg:$0x0];
	s1 =	srdreg.scid  }
0x2: {  	s0 =	stileid.u32;
	s4 =	rddreg [dreg:$0x1]  }
0x3: {  	s2 =	simm.s32 $0x0;
	s13 =	simm.s32 $0x1;
	s14 =	simm.s32 $0x6800  }
0x4: {  	s15 =	simm.s32 $0x2;
	s16 =	simm.s32 $0x2780;
	s17 =	simm.s32 $0x0  }
0x5: {  	s5 =	sand.u32 $0x1, s1;
	s6 =	sshll.u32 s0, $0x1;
	s1 =	rddreg [dreg:$0x2]  }
0x6: {  	[smem:$0x7FF] =	sst s2;
	s9 =	sadd.s32 $0xA12200, s3;
	s10 =	smul.u32 $0x280000, s0  }
0x7: {  	s6 =	sor.u32 s5, s6;
	s8 =	ssub.s32 $0x2, s5;
	s12 =	smul.u32 $0x140000, s5  }
0x8: {  	s3 =	sadd.s32 $0x50FA00, s3;
	s7 =	smul.u32 $0x500, s6;
	s11 =	sshrl.u32 s8, $0x1  }
0x9: {  	_ =	strace $0x80000056;
	s6 =	smul.u32 $0x140000, s6;
	s8 =	ssub.s32 s8, s11  }
0xa: {  	s29 =	sadd.s32 s12, s10;
	s11 =	simm.s32 $0x80;
	s12 =	simm.s32 $0x2800  }
0xb: {  	s6 =	sshrl.u32 s6, $0x3;
	s4 =	sadd.s32 s4, s7;
	s10 =	sshrl.u32 s29, $0x3  }
0xc: {  	s30 =	sor.u32 $0x4000, s29;
	s7 =	smax.u32 s8, $0x1;
	s6 =	sadd.s32 s9, s6  }
0xd: {  	s8 =	sadd.s32 s10, s9;
	s31 =	sshrl.u32 s30, $0x3;
	s10 =	simm.s32 $0x3  }
0xe: {  	s5 =	sadd.s32 $0x27000, s6;
	s6 =	sadd.s32 $0x27800, s6;
	s9 =	sadd.s32 s31, s9  }
.LBB2_1:
0xf: {  	[tilespmem:s2], [sflag:$0x3] =	stream.linear.gather [hbm4b:s4+s2], $0x2800, $0x38;
	[tilespmem:$0xA800] =	vst v63  }
0x10: {  	_ =	swait.ge [sflag:s10], $0x2800  }
0x11: {  	[sflag:s10] =	ssyncset.done $0x0  }
0x12: {  	[sflag:s10] =	ssyncadd.s32 $0xFFFFD800  }
0x13: {  	[tilespmem:s12], [sflag:$0x1] =	stream.indirect.gather [hbm4b:s3+s11], $0x80, s2, s11, $0xb8;
	[tilespmem:$0xA800] =	vst v63  }
0x14: {  	_ =	swait.ge [sflag:s13], $0x4000  }
0x15: {  	[sflag:s13] =	ssyncset.done $0x0  }
0x16: {  	s18 =	simm.s32 $0x80;
	[sflag:s13] =	ssyncadd.s32 $0xFFFFC000  }
0x17: {  	[tilespmem:s14], [sflag:$0x2] =	stream.indirect.gather [hbm4b:s3+s11], $0x80, s18, s11, $0xb8;
	[tilespmem:$0xA800] =	vst v63  }
0x18: {  	s31 =	sadd.s32 $0x0, s8  }
0x19: {  	[hbm4b:s31+s2] =	stream.linear.scatter [tilespmem:s12], [sflag:$0x3], $0x4000, $0x38;
	[tilespmem:$0xA800] =	vst v63  }
0x1a: {  	_ =	swait.ge [sflag:s10], $0x4000  }
0x1b: {  	[sflag:s10] =	ssyncset.done $0x0  }
0x1c: {  	s18 =	simm.s32 $0x100;
	[sflag:s10] =	ssyncadd.s32 $0xFFFFC000  }
0x1d: {  	[tilespmem:s12], [sflag:$0x1] =	stream.indirect.gather [hbm4b:s3+s11], $0x80, s18, s11, $0xb8;
	[tilespmem:$0xA800] =	vst v63  }
0x1e: {  	_ =	swait.ge [sflag:s15], $0x4000  }
0x1f: {  	[sflag:s15] =	ssyncset.done $0x0  }
0x20: {  	s19 =	sadd.s32 $0x0, s9;
	[sflag:s15] =	ssyncadd.s32 $0xFFFFC000  }
0x21: {  	[hbm4b:s19+s2] =	stream.linear.scatter [tilespmem:s14], [sflag:$0x3], $0x4000, $0x38;
	[tilespmem:$0xA800] =	vst v63  }
0x22: {  	_ =	swait.ge [sflag:s10], $0x4000  }
0x23: {  	s19 =	simm.s32 $0x1000;
	[sflag:s10] =	ssyncset.done $0x0  }
.LBB2_2:
0x24: {  	p0 =	sne.s32 s19, $0x26000;
	[sflag:s10] =	ssyncadd.s32 $0xFFFFC000;
	s18 =	sadd.s32 $0x100, s18  }
0x25: {  	s20 =	smov.u32 s19;
	s19 =	sadd.s32 $0x1000, s19;
	_ =	swait.ge [sflag:s13], $0x4000  }
0x26: {  	[sflag:s13] =	ssyncset.done $0x0  }
0x27: {  	s21 =	sadd.s32 $0xFFFFFF80, s18;
	[sflag:s13] =	ssyncadd.s32 $0xFFFFC000  }
0x28: {  	[tilespmem:s14], [sflag:$0x2] =	stream.indirect.gather [hbm4b:s3+s11], $0x80, s21, s11, $0xb8;
	[tilespmem:$0xA800] =	vst v63  }
0x29: {  	s21 =	sadd.s32 s20, s8  }
0x2a: {  	[hbm4b:s21+s2] =	stream.linear.scatter [tilespmem:s12], [sflag:$0x3], $0x4000, $0x38;
	[tilespmem:$0xA800] =	vst v63  }
0x2b: {  	_ =	swait.ge [sflag:s10], $0x4000  }
0x2c: {  	[sflag:s10] =	ssyncset.done $0x0  }
0x2d: {  	[sflag:s10] =	ssyncadd.s32 $0xFFFFC000  }
0x2e: {  	[tilespmem:s12], [sflag:$0x1] =	stream.indirect.gather [hbm4b:s3+s11], $0x80, s18, s11, $0xb8;
	[tilespmem:$0xA800] =	vst v63  }
0x2f: {  	_ =	swait.ge [sflag:s15], $0x4000  }
.Ltmp0:
0x30: {  	[sflag:s15] =	ssyncset.done $0x0;
	(pc) =	sbr.rel @p0 .LBB2_2-.Ltmp0, $4  }
0x31: {  	s20 =	sadd.s32 s20, s9;
	[sflag:s15] =	ssyncadd.s32 $0xFFFFC000  }
0x32: {  	[hbm4b:s20+s2] =	stream.linear.scatter [tilespmem:s14], [sflag:$0x3], $0x4000, $0x38;
	[tilespmem:$0xA800] =	vst v63  }
0x33: {  	_ =	swait.ge [sflag:s10], $0x4000  }
0x34: {  	[sflag:s10] =	ssyncset.done $0x0  }
0x35: {  	[sflag:s10] =	ssyncadd.s32 $0xFFFFC000  }
0x36: {  	_ =	swait.ge [sflag:s13], $0x4000  }
0x37: {  	[sflag:s13] =	ssyncset.done $0x0  }
0x38: {  	[sflag:s13] =	ssyncadd.s32 $0xFFFFC000  }
0x39: {  	[tilespmem:s14], [sflag:$0x2] =	stream.indirect.gather [hbm4b:s3+s11], $0x80, s16, s11, $0xb8;
	[tilespmem:$0xA800] =	vst v63  }
0x3a: {  	_ = 	snop  }
0x3b: {  	[hbm4b:s5+s2] =	stream.linear.scatter [tilespmem:s12], [sflag:$0x3], $0x4000, $0x38;
	[tilespmem:$0xA800] =	vst v63  }
0x3c: {  	_ =	swait.ge [sflag:s10], $0x4000  }
0x3d: {  	[sflag:s10] =	ssyncset.done $0x0  }
0x3e: {  	[sflag:s10] =	ssyncadd.s32 $0xFFFFC000  }
0x3f: {  	s17 =	sadd.s32 $0x1, s17;
	_ =	swait.ge [sflag:s15], $0x4000  }
0x40: {  	p0 =	sne.s32 s17, s7;
	[sflag:s15] =	ssyncset.done $0x0  }
.Ltmp1:
0x41: {  	[sflag:s15] =	ssyncadd.s32 $0xFFFFC000;
	(pc) =	sbr.rel @p0 .LBB2_1-.Ltmp1, $4  }
0x42: {  	[hbm4b:s6+s2] =	stream.linear.scatter [tilespmem:s14], [sflag:$0x3], $0x4000, $0x38;
	[tilespmem:$0xA800] =	vst v63  }
0x43: {  	_ =	swait.ge [sflag:s10], $0x4000  }
0x44: {  	[sflag:s10] =	ssyncset.done $0x0  }
0x45: {  	[sflag:s10] =	ssyncadd.s32 $0xFFFFC000  }
0x46: {  	_ =	sfence.sel $0x180000  }
0x47: {  	[bflag:$0x0] =	sbarrier.arrive $0xFFFF  }
0x48: {  	p0 =	sne.s32 s0, $0x0;
	_ =	strace $0x90000056  }
0x49: {  	s0 =	sadd.s32 @!p0 $0x100000, s1;
	[bflag:$0x2] =	sbarrier.arrive $0xFFFF  }
0x4a: {  	[sflag:s0] =	ssyncadd.tile.s32 @!p0 $0x1;
	_ =	shalt  }
.Lfunc_end2:
_tile_overlayer_lowered:
.L_overlay_start_2:
0x4b: {  	(tag) =	ssettag $0x2  }
0x4c: {  	s0 =	rddreg [dreg:$0x0];
	s2 =	stileid.u32  }
0x4d: {  	s1 =	rddreg [dreg:$0x1];
	p0 =	sne.s32 s2, $0x0  }
0x4e: {  	s3 =	rddreg [dreg:$0x2];
	[bflag:$0x3] =	sbarrier.arrive $0xFFFF;
	s2 =	simm.s32 @!p0 $0x1C03  }
0x4f: {  	[timem:s3], [sflag:s2] =	dma.local @!p0 [hbm:s0], s1  }
0x50: {  	s0 =	simm.s32 @!p0 $0x3  }
0x51: {  	_ =	swait.ge @!p0 [sflag:s0], s1  }
0x52: {  	s1 =	ssub.s32 @!p0 $0x0, s1;
	[sflag:s0] =	ssyncset.done @!p0 $0x0  }
0x53: {  	[sflag:s0] =	ssyncadd.s32 @!p0 s1  }
0x54: {  	[bflag:$0x3] =	sbarrier.arrive $0xFFFF  }
0x55: {  	_ =	shalt  }

// kernel: kernel.40.cloned.1.call-start
scs
__scs_entry_jumppad:
0x0: {  	(pc) =	sbr.rel $0x88, $3  }
0x1: {  	(tag) =	ssettag $0x0;
	lr =	simm.s32 $0x1  }
0x2: {  	[smem:$0x3F98] =	sst lr;
	_ =	strace $0xD0000000  }
0x3: {  	_ = 	snop  }
0x4: {  	_ = 	snop  }
0x5: {  	_ = 	snop  }
0x6: {  	_ = 	snop  }
0x7: {  	_ = 	snop  }
__scs_overlays_trampoline_lowered:
0x8: {  	[smem:$0x3FA7] =	sst s0  }
0x9: {  	[smem:$0x3FA8] =	sst s1  }
0xa: {  	[smem:$0x3FA9] =	sst s2  }
0xb: {  	[smem:$0x3FAA] =	sst s3  }
0xc: {  	[smem:$0x3FAB] =	sst s4  }
0xd: {  	[smem:$0x3FAC] =	sst s5  }
0xe: {  	[smem:$0x3FAD] =	sst s6  }
0xf: {  	[smem:$0x3FAE] =	sst s7  }
0x10: {  	[smem:$0x3FAF] =	sst s8  }
0x11: {  	[smem:$0x3FB0] =	sst s9;
	s0 =	simm.s32 @!p0 $0x0  }
0x12: {  	s1 =	sld [smem:$0x3F96];
	s0 =	simm.s32 @p0 $0x1  }
0x13: {  	[smem:$0x3FB1] =	sst s0;
	s0 =	simm.s32 @!p1 $0x0  }
0x14: {  	s2 =	sld [smem:$0x3F95];
	s0 =	simm.s32 @p1 $0x1  }
0x15: {  	[smem:$0x3FB2] =	sst s0;
	s0 =	simm.s32 @!p2 $0x0  }
0x16: {  	s3 =	sld [smem:$0x3FDB];
	s0 =	simm.s32 @p2 $0x1  }
0x17: {  	s4 =	simm.s32 $0x1BF5;
	[smem:$0x3FB4] =	sst s0  }
0x18: {  	s0 =	sld [smem:$0x3F97];
	_ =	swait.ge [sflag:s4], $0x0  }
0x19: {  	s7 =	sld [smem:$0x3F98]  }
0x1a: {  	s8 =	sadd.s32 $0xFFFFE003, lr  }
0x1b: {  	s9 =	sadd.s32 $0xFFFFFEF7, lr;
	s5 =	simm.s32 $0xFFFFFFFF;
	p2 =	slt.u32 s8, $0xFFFFF086  }
0x1c: {  	p1 =	slt.u32 s9, $0xF7A;
	s5 =	simm.s32 @!p2 $0x0  }
0x1d: {  	s5 =	simm.s32 @p1 $0x1;
	p0 =	seq.s32 s7, s2  }
0x1e: {  	s7 =	smul.u32 @!p0 $0xF7A, s2;
	p2 =	seq.s32 @!p0 s5, $0x0  }
0x1f: {  	s9 =	smul.u32 $0xF7A, s1;
	s8 =	simm.s32 @!p0 $0x1BF5;
	p2 =	por !p2, p0  }
0x20: {  	[sflag:s8] =	ssyncset.s32 @!p0 $0xFFFFF086;
	s6 =	sadd.s32 @!p0 s3, s7;
	s7 =	simm.s32 @!p0 $0x108  }
0x21: {  	s3 =	sadd.s32 s3, s9;
	s6 =	sadd.s32 @!p0 $0x88, s6;
	s7 =	simm.s32 @p2 $0x1082  }
0x22: {  	[simem:s7], [sflag:s8] =	dma.local @!p0 [hbm:s6], $0xF7A  }
0x23: {  	s9 =	sor.u32 $0xD0000000, s2;
	s6 =	simm.s32 $0x108;
	_ =	swait.ge @!p0 [sflag:s8], $0x0  }
0x24: {  	s3 =	sadd.s32 $0x88, s3;
	s6 =	simm.s32 @!p1 $0x1082;
	[sflag:s4] =	ssyncset.s32 $0xFFFFF086  }
0x25: {  	[simem:s6], [sflag:s4] =	dma.local [hbm:s3], $0xF7A  }
0x26: {  	[smem:$0x3F98] =	sst s1;
	(tag) =	ssettag s2;
	_ =	strace s9  }
0x27: {  	s1 =	sld [smem:$0x3FA8]  }
0x28: {  	s2 =	sld [smem:$0x3FA9]  }
0x29: {  	s4 =	sld [smem:$0x3FAB]  }
0x2a: {  	p0 =	seq.s32 s5, $0x0;
	s5 =	sld [smem:$0x3FAC]  }
0x2b: {  	s6 =	sld [smem:$0x3FAD]  }
0x2c: {  	s7 =	sld [smem:$0x3FAE]  }
0x2d: {  	s3 =	simm.s32 $0x108;
	s8 =	sld [smem:$0x3FAF]  }
0x2e: {  	s3 =	simm.s32 @!p0 $0x1082;
	s9 =	sld [smem:$0x3FB0]  }
0x2f: {  	lr =	sadd.s32 s0, s3;
	s0 =	sld [smem:$0x3FA7]  }
0x30: {  	s3 =	sld [smem:$0x3FAA]  }
0x31: {  	[smem:$0x3FB3] =	sst s10  }
0x32: {  	s10 =	sld [smem:$0x3FB1];
	_ =	sdelay $0x3  }
0x33: {  	p0 =	seq.s32 s10, $0x1;
	s10 =	sld [smem:$0x3FB3];
	_ =	sdelay $0x3  }
0x34: {  	[smem:$0x3FB3] =	sst s10  }
0x35: {  	s10 =	sld [smem:$0x3FB2];
	_ =	sdelay $0x3  }
0x36: {  	p1 =	seq.s32 s10, $0x1;
	s10 =	sld [smem:$0x3FB3];
	_ =	sdelay $0x3  }
0x37: {  	[smem:$0x3FB3] =	sst s10  }
0x38: {  	s10 =	sld [smem:$0x3FB4]  }
0x39: {  	_ = 	snop;
	(pc) =	sbr.ind lr, $3  }
0x3a: {  	_ = 	snop  }
0x3b: {  	_ = 	snop  }
0x3c: {  	p2 =	seq.s32 s10, $0x1;
	s10 =	sld [smem:$0x3FB3]  }
0x3d: {  	_ =	shalt  }
0x3e: {  	_ =	shalt  }
0x3f: {  	_ =	shalt  }
0x40: {  	_ =	shalt  }
0x41: {  	_ =	shalt  }
0x42: {  	_ =	shalt  }
0x43: {  	_ =	shalt  }
0x44: {  	_ =	shalt  }
0x45: {  	_ =	shalt  }
0x46: {  	_ =	shalt  }
0x47: {  	_ =	shalt  }
0x48: {  	_ =	shalt  }
0x49: {  	_ =	shalt  }
0x4a: {  	_ =	shalt  }
0x4b: {  	_ =	shalt  }
0x4c: {  	_ =	shalt  }
0x4d: {  	_ =	shalt  }
0x4e: {  	_ =	shalt  }
0x4f: {  	_ =	shalt  }
0x50: {  	_ =	shalt  }
0x51: {  	_ =	shalt  }
0x52: {  	_ =	shalt  }
0x53: {  	_ =	shalt  }
0x54: {  	_ =	shalt  }
0x55: {  	_ =	shalt  }
0x56: {  	_ =	shalt  }
0x57: {  	_ =	shalt  }
0x58: {  	_ =	shalt  }
0x59: {  	_ =	shalt  }
0x5a: {  	_ =	shalt  }
0x5b: {  	_ =	shalt  }
0x5c: {  	_ =	shalt  }
0x5d: {  	_ =	shalt  }
0x5e: {  	_ =	shalt  }
0x5f: {  	_ =	shalt  }
0x60: {  	_ =	shalt  }
0x61: {  	_ =	shalt  }
0x62: {  	_ =	shalt  }
0x63: {  	_ =	shalt  }
0x64: {  	_ =	shalt  }
0x65: {  	_ =	shalt  }
0x66: {  	_ =	shalt  }
0x67: {  	_ =	shalt  }
0x68: {  	_ =	shalt  }
0x69: {  	_ =	shalt  }
0x6a: {  	_ =	shalt  }
0x6b: {  	_ =	shalt  }
0x6c: {  	_ =	shalt  }
0x6d: {  	_ =	shalt  }
0x6e: {  	_ =	shalt  }
0x6f: {  	_ =	shalt  }
0x70: {  	_ =	shalt  }
0x71: {  	_ =	shalt  }
0x72: {  	_ =	shalt  }
0x73: {  	_ =	shalt  }
0x74: {  	_ =	shalt  }
0x75: {  	_ =	shalt  }
0x76: {  	_ =	shalt  }
0x77: {  	_ =	shalt  }
0x78: {  	_ =	shalt  }
0x79: {  	_ =	shalt  }
0x7a: {  	_ =	shalt  }
0x7b: {  	_ =	shalt  }
0x7c: {  	_ =	shalt  }
0x7d: {  	_ =	shalt  }
0x7e: {  	_ =	shalt  }
0x7f: {  	_ =	shalt  }
0x80: {  	_ =	shalt  }
0x81: {  	_ =	shalt  }
0x82: {  	_ =	shalt  }
0x83: {  	_ =	shalt  }
0x84: {  	_ =	shalt  }
0x85: {  	_ =	shalt  }
0x86: {  	_ =	shalt  }
0x87: {  	_ =	shalt  }
.Lfunc_end0:
.L_simem_size_0:
called_computation.6_lowered:
.L_overlay_start_0:
0x88: {  	s2 =	sld [smem:$0x3FD9]  }
0x89: {  	s3 =	sld [smem:$0x3FFE];
	_ =	sdelay $0x1  }
0x8a: {  	s1 =	srdreg.scid  }
0x8b: {  	s0 =	sand.u32 $0x1, s1  }
0x8c: {  	s16 =	sshll.u32 s0, $0xA;
	s2 =	sadd.s32 s3, s2  }
0x8d: {  	s2 =	sadd.s32 s2, s16  }
0x8e: {  	[smem:$0x3FBF] =	sst s2  }
0x8f: {  	_ = 	snop  }
0x90: {  	(tm) =	ssettm $0x1  }
0x91: {  	s17 =	sld [smem:$0x3FFB];
	_ =	sdelay $0x3  }
0x92: {  	_ =	strace s17  }
0x93: {  	s2 =	sld [smem:$0x3FFC];
	_ =	sdelay $0x3  }
0x94: {  	_ =	strace s2  }
0x95: {  	s2 =	sld [smem:$0x3FFD];
	_ =	sdelay $0x3  }
0x96: {  	_ =	strace s2  }
0x97: {  	_ =	strace $0x8FFFFFFF  }
0x98: {  	s18 =	sld [smem:$0x3FDB];
	_ =	sdelay $0x1  }
0x99: {  	s19 =	simm.s32 $_scs_section_size  }
0x9a: {  	s4 =	simm.s32 $_size__tile_overlayer_lowered;
	s5 =	simm.s32 $_tile_overlayer_lowered  }
0x9b: {  	s22 =	simm.s32 $0x1BFF;
	s21 =	sshll.u32 s5, $0x1;
	s2 =	sadd.s32 s19, s18  }
0x9c: {  	s6 =	simm.s32 $0x0;
	s20 =	sshll.u32 s4, $0x1;
	s4 =	sadd.s32 s21, s2  }
0x9d: {  	[timem:s6], [sflag:s22] =	dma.local [hbm:s4], s20  }
0x9e: {  	_ =	swait.ge [sflag:s22], s20  }
0x9f: {  	s3 =	ssub.s32 $0x0, s20;
	[sflag:s22] =	ssyncset.done $0x0  }
0xa0: {  	[sflag:s22] =	ssyncadd.s32 s3;
	_ =	sdelay $0x1  }
0xa1: {  	s23 =	simm.s32 $0x1B8B  }
0xa2: {  	_ =	swait.ge [sflag:s23], $0x1  }
0xa3: {  	[sflag:s23] =	ssyncset.done $0x0  }
0xa4: {  	s25 =	simm.s32 $0x1B8E;
	s24 =	sld [smem:$0x3FFE];
	[sflag:s23] =	ssyncadd.s32 $0xFFFFFFFF  }
0xa5: {  	s26 =	simm.s32 $execute0_lowered;
	[smem:$0x3FD2] =	sst s25  }
0xa6: {  	s4 =	sshll.u32 s26, $0x1;
	_ =	strace $0x80000058;
	[dreg:$0x1] =	wrdreg $0xFFFFFFFF  }
0xa7: {  	s28 =	simm.s32 $_size_execute0_lowered;
	s2 =	sadd.s32 s2, s4;
	[dreg:$0x0] =	wrdreg $0x0  }
0xa8: {  	s4 =	sshll.u32 s28, $0x1;
	[dreg:$0x2] =	wrdreg s2  }
0xa9: {  	[dreg:$0x3] =	wrdreg s4  }
0xaa: {  	[dreg:$0x4] =	wrdreg $0xC0  }
0xab: {  	_ =	task [dreg:s6], $0x5FFFF  }
0xac: {  	[dreg:$0x1] =	wrdreg $0xFFFFFFFF  }
0xad: {  	[dreg:$0x0] =	wrdreg $0x60  }
0xae: {  	[dreg:$0x2] =	wrdreg s24  }
0xaf: {  	[dreg:$0x3] =	wrdreg $0xA8000  }
0xb0: {  	[dreg:$0x4] =	wrdreg $0x9  }
0xb1: {  	_ =	task.clear_ibuf [dreg:s6], $0x5FFFF;
	_ =	strace $0x90000058  }
0xb2: {  	s29 =	simm.s32 $0x9;
	_ =	strace $0x8000005A  }
0xb3: {  	_ =	swait.ge [sflag:s29], $0x1  }
0xb4: {  	[sflag:s29] =	ssyncadd.s32 $0xFFFFFFFF  }
0xb5: {  	_ =	strace $0x9000005A  }
0xb6: {  	_ =	sfence  }
0xb7: {  	s30 =	sld [smem:$0x0];
	_ =	sdelay $0x2  }
0xb8: {  	s31 =	sshll.u32 s1, $0xD;
	s1 =	sshrl.u32 s1, $0x2  }
0xb9: {  	s3 =	sand.u32 $0x4000, s31;
	s1 =	sadd.s32 s1, s30  }
0xba: {  	s0 =	sor.u32 s3, s0;
	s1 =	sshll.u32 s1, $0x11  }
0xbb: {  	s0 =	sor.u32 s1, s0  }
0xbc: {  	s0 =	sadd.s32 $0x8F2B, s0  }
0xbd: {  	[sflag:s0] =	ssyncadd.remote.s32 $0x1  }
0xbe: {  	_ =	sfence.sel $0xFFFF  }
0xbf: {  	[dreg:$0x0] =	wrdreg $0xFFFFFFFF;
	(pc) =	sbr.abs _section_cstart, $3  }
0xc0: {  	[dreg:$0x1] =	wrdreg $0xFFFFFFFF  }
0xc1: {  	_ =	task.clear_ibuf [dreg:s6], $0x2FFFF;
	_ =	strace $0x9FFFFFFF  }
0xc2: {  	(tm) =	ssettm $0x7FFFFFFF  }
0xc3: {  	_ =	shalt  }
tec
execute0_lowered:
.L_overlay_start_1:
0x0: {  	(tag) =	ssettag $0x1  }
0x1: {  	s5 =	rddreg [dreg:$0x0]  }
0x2: {  	s1 =	srdreg.scid;
	s0 =	stileid.u32  }
0x3: {  	s2 =	rddreg [dreg:$0x1];
	s3 =	simm.s32 $0x0;
	s17 =	simm.s32 $0x2800  }
0x4: {  	s18 =	simm.s32 $0x1;
	s19 =	simm.s32 $0x6800;
	s20 =	simm.s32 $0x80  }
0x5: {  	s21 =	simm.s32 $0x2;
	s22 =	simm.s32 $0x2700;
	s23 =	simm.s32 $0x2780  }
0x6: {  	s24 =	simm.s32 $0x0;
	s7 =	sand.u32 $0x1, s1;
	s1 =	rddreg [dreg:$0x2]  }
0x7: {  	s4 =	sshll.u32 s0, $0x1;
	[smem:$0x7FF] =	sst s3;
	s11 =	smul.u32 $0x4E000, s0  }
0x8: {  	s12 =	sadd.s32 $0xF12200, s5;
	s13 =	sadd.s32 $0x58F000, s5;
	s28 =	smul.u32 $0x13800, s0  }
0x9: {  	s14 =	sadd.s32 $0x124800, s2;
	s29 =	smul.u32 $0x280000, s0;
	p0 =	seq.s32 s0, $0xF  }
0xa: {  	s6 =	sor.u32 s7, s4;
	_ =	strace $0x80000059;
	s26 =	smul.u32 $0x138800, s7  }
0xb: {  	s9 =	ssub.s32 $0x2, s7;
	s15 =	smul.u32 $0x140000, s7;
	s14 =	sshrl.u32 @p0 s14, $0x3  }
0xc: {  	s4 =	smul.u32 $0x500, s6;
	s10 =	sshrl.u32 s9, $0x1;
	s25 =	sshrl.u32 s11, $0x2  }
0xd: {  	s6 =	smul.u32 $0x140000, s6;
	s10 =	ssub.s32 s9, s10;
	s16 =	sadd.s32 s25, s2  }
0xe: {  	s9 =	sshrl.u32 s26, $0x3;
	s11 =	sadd.s32 s15, s29;
	s15 =	sshll.u32 @!p0 s0, $0x6  }
0xf: {  	s8 =	sadd.s32 s4, s5;
	s4 =	sadd.s32 $0xA0FA00, s5;
	s6 =	sshrl.u32 s6, $0x3  }
0x10: {  	s9 =	sadd.s32 s13, s9;
	s10 =	smax.u32 s10, $0x1;
	s30 =	sor.u32 $0x8000, s11  }
0x11: {  	s11 =	sor.u32 $0x4000, s11;
	s15 =	sor.u32 @!p0 $0x1C03, s15;
	s16 =	sshrl.u32 @!p0 s16, $0x3  }
0x12: {  	s5 =	sadd.s32 $0x55DE00, s8;
	s6 =	sadd.s32 s12, s6;
	s8 =	sadd.s32 s28, s26  }
0x13: {  	s9 =	sadd.s32 $0x24900, s9;
	s31 =	sshrl.u32 s11, $0x3;
	s8 =	sshrl.u32 s8, $0x3  }
0x14: {  	s7 =	sadd.s32 $0x27800, s6;
	s8 =	sadd.s32 s13, s8;
	s13 =	sshrl.u32 s30, $0x3  }
0x15: {  	s11 =	sadd.s32 s13, s12;
	s12 =	sadd.s32 s31, s12;
	s13 =	simm.s32 $0x3  }
.LBB2_1:
0x16: {  	[tilespmem:s3], [sflag:$0x3] =	stream.linear.gather [hbm4b:s5+s3], $0x2800, $0x38;
	[tilespmem:$0x1E080] =	vst v63  }
0x17: {  	_ =	swait.ge [sflag:s13], $0x2800  }
0x18: {  	[sflag:s13] =	ssyncset.done $0x0  }
0x19: {  	s25 =	simm.s32 @p0 $0x1FC3;
	[sflag:s13] =	ssyncadd.s32 $0xFFFFD800  }
0x1a: {  	[spmem:s14], [sflag:s25] =	dma.local @p0 [hbm:s4], $0x2800  }
0x1b: {  	s25 =	simm.s32 @p0 $0x3  }
0x1c: {  	_ =	swait.ge @p0 [sflag:s25], $0x2800  }
0x1d: {  	[sflag:s25] =	ssyncset.done @p0 $0x0  }
0x1e: {  	[sflag:s25] =	ssyncadd.s32 @p0 $0xFFFFD800;
	s25 =	simm.s32 @!p0 $0x3  }
0x1f: {  	[spmem:s16], [sflag:s15] =	dma.local @!p0 [hbm:s4], $0x2700  }
0x20: {  	_ =	swait.ge @!p0 [sflag:s25], $0x2700  }
0x21: {  	[sflag:s25] =	ssyncset.done @!p0 $0x0  }
0x22: {  	[sflag:s25] =	ssyncadd.s32 @!p0 $0xFFFFD900  }
0x23: {  	[bflag:$0x0] =	sbarrier.arrive $0xFFFF  }
0x24: {  	[tilespmem:s17], [sflag:$0x1] =	stream.linear.gather [hbm4b:s6+s3], $0x4000, $0x38;
	[tilespmem:$0x1E080] =	vst v63  }
0x25: {  	_ =	swait.ge [sflag:s18], $0x4000  }
0x26: {  	[sflag:s18] =	ssyncset.done $0x0  }
0x27: {  	s29 =	sadd.s32 $0x0, s12;
	[sflag:s18] =	ssyncadd.s32 $0xFFFFC000  }
0x28: {  	[tilespmem:s19], [sflag:$0x2] =	stream.linear.gather [hbm4b:s29+s3], $0x4000, $0x38;
	[tilespmem:$0x1E080] =	vst v63  }
0x29: {  	_ = 	snop  }
0x2a: {  	[spmem:s2] =	stream.indirect.scatter.add.f32 [tilespmem:s17], [sflag:$0x3], $0x80, s3, s20, $0xb8;
	[tilespmem:$0x1E080] =	vst v63  }
0x2b: {  	_ =	swait.ge [sflag:s13], $0x4000  }
0x2c: {  	[sflag:s13] =	ssyncset.done $0x0  }
0x2d: {  	s30 =	sadd.s32 $0x0, s11;
	[sflag:s13] =	ssyncadd.s32 $0xFFFFC000  }
0x2e: {  	[tilespmem:s17], [sflag:$0x1] =	stream.linear.gather [hbm4b:s30+s3], $0x4000, $0x38;
	[tilespmem:$0x1E080] =	vst v63  }
0x2f: {  	_ =	swait.ge [sflag:s21], $0x4000  }
0x30: {  	[sflag:s21] =	ssyncset.done $0x0  }
0x31: {  	s31 =	simm.s32 $0x80;
	[sflag:s21] =	ssyncadd.s32 $0xFFFFC000  }
0x32: {  	[spmem:s2] =	stream.indirect.scatter.add.f32 [tilespmem:s19], [sflag:$0x3], $0x80, s31, s20, $0xb8;
	[tilespmem:$0x1E080] =	vst v63  }
0x33: {  	_ =	swait.ge [sflag:s13], $0x4000  }
0x34: {  	s26 =	simm.s32 $0x0;
	s25 =	simm.s32 $0x1000;
	[sflag:s13] =	ssyncset.done $0x0  }
.LBB2_2:
0x35: {  	p1 =	sne.s32 s25, $0x26000;
	[sflag:s13] =	ssyncadd.s32 $0xFFFFC000;
	s26 =	sadd.s32 $0x100, s26  }
0x36: {  	s28 =	smov.u32 s25;
	s25 =	sadd.s32 $0x1000, s25;
	_ =	swait.ge [sflag:s18], $0x4000  }
0x37: {  	[sflag:s18] =	ssyncset.done $0x0  }
0x38: {  	s29 =	sadd.s32 s28, s12;
	[sflag:s18] =	ssyncadd.s32 $0xFFFFC000  }
0x39: {  	[tilespmem:s19], [sflag:$0x2] =	stream.linear.gather [hbm4b:s29+s3], $0x4000, $0x38;
	[tilespmem:$0x1E080] =	vst v63  }
0x3a: {  	_ = 	snop  }
0x3b: {  	[spmem:s2] =	stream.indirect.scatter.add.f32 [tilespmem:s17], [sflag:$0x3], $0x80, s26, s20, $0xb8;
	[tilespmem:$0x1E080] =	vst v63  }
0x3c: {  	_ =	swait.ge [sflag:s13], $0x4000  }
0x3d: {  	[sflag:s13] =	ssyncset.done $0x0  }
0x3e: {  	s28 =	sadd.s32 s28, s11;
	[sflag:s13] =	ssyncadd.s32 $0xFFFFC000  }
0x3f: {  	[tilespmem:s17], [sflag:$0x1] =	stream.linear.gather [hbm4b:s28+s3], $0x4000, $0x38;
	[tilespmem:$0x1E080] =	vst v63  }
0x40: {  	_ =	swait.ge [sflag:s21], $0x4000  }
.Ltmp0:
0x41: {  	[sflag:s21] =	ssyncset.done $0x0;
	(pc) =	sbr.rel @p1 .LBB2_2-.Ltmp0, $4  }
0x42: {  	s28 =	sadd.s32 $0x80, s26;
	[sflag:s21] =	ssyncadd.s32 $0xFFFFC000  }
0x43: {  	[spmem:s2] =	stream.indirect.scatter.add.f32 [tilespmem:s19], [sflag:$0x3], $0x80, s28, s20, $0xb8;
	[tilespmem:$0x1E080] =	vst v63  }
0x44: {  	_ =	swait.ge [sflag:s13], $0x4000  }
0x45: {  	[sflag:s13] =	ssyncset.done $0x0  }
0x46: {  	[sflag:s13] =	ssyncadd.s32 $0xFFFFC000  }
0x47: {  	_ =	swait.ge [sflag:s18], $0x4000  }
0x48: {  	[sflag:s18] =	ssyncset.done $0x0  }
0x49: {  	[sflag:s18] =	ssyncadd.s32 $0xFFFFC000  }
0x4a: {  	[tilespmem:s19], [sflag:$0x2] =	stream.linear.gather [hbm4b:s7+s3], $0x4000, $0x38;
	[tilespmem:$0x1E080] =	vst v63  }
0x4b: {  	_ = 	snop  }
0x4c: {  	[spmem:s2] =	stream.indirect.scatter.add.f32 [tilespmem:s17], [sflag:$0x3], $0x80, s22, s20, $0xb8;
	[tilespmem:$0x1E080] =	vst v63  }
0x4d: {  	_ =	swait.ge [sflag:s13], $0x4000  }
0x4e: {  	[sflag:s13] =	ssyncset.done $0x0  }
0x4f: {  	[sflag:s13] =	ssyncadd.s32 $0xFFFFC000  }
0x50: {  	_ =	swait.ge [sflag:s21], $0x4000  }
0x51: {  	[sflag:s21] =	ssyncset.done $0x0  }
0x52: {  	[sflag:s21] =	ssyncadd.s32 $0xFFFFC000  }
0x53: {  	[spmem:s2] =	stream.indirect.scatter.add.f32 [tilespmem:s19], [sflag:$0x3], $0x80, s23, s20, $0xb8;
	[tilespmem:$0x1E080] =	vst v63  }
0x54: {  	_ =	swait.ge [sflag:s13], $0x4000  }
0x55: {  	[sflag:s13] =	ssyncset.done $0x0  }
0x56: {  	[sflag:s13] =	ssyncadd.s32 $0xFFFFC000  }
0x57: {  	s25 =	simm.s32 @p0 $0x1FC3;
	[bflag:$0x0] =	sbarrier.arrive $0xFFFF  }
0x58: {  	[hbm:s9], [sflag:s25] =	dma.local @p0 [spmem:s14], $0x2800  }
0x59: {  	s25 =	simm.s32 @p0 $0x3  }
0x5a: {  	s24 =	sadd.s32 $0x1, s24;
	_ =	swait.ge @p0 [sflag:s25], $0x2800  }
0x5b: {  	p1 =	sne.s32 s24, s10;
	[sflag:s25] =	ssyncset.done @p0 $0x0  }
.Ltmp1:
0x5c: {  	[sflag:s25] =	ssyncadd.s32 @p0 $0xFFFFD800;
	s25 =	simm.s32 @!p0 $0x3;
	(pc) =	sbr.rel @p1 .LBB2_1-.Ltmp1, $4  }
0x5d: {  	[hbm:s8], [sflag:s15] =	dma.local @!p0 [spmem:s16], $0x2700  }
0x5e: {  	_ =	swait.ge @!p0 [sflag:s25], $0x2700  }
0x5f: {  	[sflag:s25] =	ssyncset.done @!p0 $0x0  }
0x60: {  	[sflag:s25] =	ssyncadd.s32 @!p0 $0xFFFFD900  }
0x61: {  	_ =	sfence.sel $0x180000  }
0x62: {  	[bflag:$0x0] =	sbarrier.arrive $0xFFFF  }
0x63: {  	p0 =	sne.s32 s0, $0x0;
	_ =	strace $0x90000059  }
0x64: {  	s0 =	sadd.s32 @!p0 $0x100000, s1;
	[bflag:$0x2] =	sbarrier.arrive $0xFFFF  }
0x65: {  	[sflag:s0] =	ssyncadd.tile.s32 @!p0 $0x1;
	_ =	shalt  }
.Lfunc_end2:
_tile_overlayer_lowered:
.L_overlay_start_2:
0x66: {  	(tag) =	ssettag $0x2  }
0x67: {  	s0 =	rddreg [dreg:$0x0];
	s2 =	stileid.u32  }
0x68: {  	s1 =	rddreg [dreg:$0x1];
	p0 =	sne.s32 s2, $0x0  }
0x69: {  	s3 =	rddreg [dreg:$0x2];
	[bflag:$0x3] =	sbarrier.arrive $0xFFFF;
	s2 =	simm.s32 @!p0 $0x1C03  }
0x6a: {  	[timem:s3], [sflag:s2] =	dma.local @!p0 [hbm:s0], s1  }
0x6b: {  	s0 =	simm.s32 @!p0 $0x3  }
0x6c: {  	_ =	swait.ge @!p0 [sflag:s0], s1  }
0x6d: {  	s1 =	ssub.s32 @!p0 $0x0, s1;
	[sflag:s0] =	ssyncset.done @!p0 $0x0  }
0x6e: {  	[sflag:s0] =	ssyncadd.s32 @!p0 s1  }
0x6f: {  	[bflag:$0x3] =	sbarrier.arrive $0xFFFF  }
0x70: {  	_ =	shalt  }

// kernel: kernel.43.cloned.1.call-start
scs
__scs_entry_jumppad:
0x0: {  	(pc) =	sbr.rel $0x88, $3  }
0x1: {  	(tag) =	ssettag $0x0;
	lr =	simm.s32 $0x1  }
0x2: {  	[smem:$0x3F98] =	sst lr;
	_ =	strace $0xD0000000  }
0x3: {  	_ = 	snop  }
0x4: {  	_ = 	snop  }
0x5: {  	_ = 	snop  }
0x6: {  	_ = 	snop  }
0x7: {  	_ = 	snop  }
__scs_overlays_trampoline_lowered:
0x8: {  	[smem:$0x3FA7] =	sst s0  }
0x9: {  	[smem:$0x3FA8] =	sst s1  }
0xa: {  	[smem:$0x3FA9] =	sst s2  }
0xb: {  	[smem:$0x3FAA] =	sst s3  }
0xc: {  	[smem:$0x3FAB] =	sst s4  }
0xd: {  	[smem:$0x3FAC] =	sst s5  }
0xe: {  	[smem:$0x3FAD] =	sst s6  }
0xf: {  	[smem:$0x3FAE] =	sst s7  }
0x10: {  	[smem:$0x3FAF] =	sst s8  }
0x11: {  	[smem:$0x3FB0] =	sst s9;
	s0 =	simm.s32 @!p0 $0x0  }
0x12: {  	s1 =	sld [smem:$0x3F96];
	s0 =	simm.s32 @p0 $0x1  }
0x13: {  	[smem:$0x3FB1] =	sst s0;
	s0 =	simm.s32 @!p1 $0x0  }
0x14: {  	s2 =	sld [smem:$0x3F95];
	s0 =	simm.s32 @p1 $0x1  }
0x15: {  	[smem:$0x3FB2] =	sst s0;
	s0 =	simm.s32 @!p2 $0x0  }
0x16: {  	s3 =	sld [smem:$0x3FDB];
	s0 =	simm.s32 @p2 $0x1  }
0x17: {  	s4 =	simm.s32 $0x1BF5;
	[smem:$0x3FB4] =	sst s0  }
0x18: {  	s0 =	sld [smem:$0x3F97];
	_ =	swait.ge [sflag:s4], $0x0  }
0x19: {  	s7 =	sld [smem:$0x3F98]  }
0x1a: {  	s8 =	sadd.s32 $0xFFFFE003, lr  }
0x1b: {  	s9 =	sadd.s32 $0xFFFFFEF7, lr;
	s5 =	simm.s32 $0xFFFFFFFF;
	p2 =	slt.u32 s8, $0xFFFFF086  }
0x1c: {  	p1 =	slt.u32 s9, $0xF7A;
	s5 =	simm.s32 @!p2 $0x0  }
0x1d: {  	s5 =	simm.s32 @p1 $0x1;
	p0 =	seq.s32 s7, s2  }
0x1e: {  	s7 =	smul.u32 @!p0 $0xF7A, s2;
	p2 =	seq.s32 @!p0 s5, $0x0  }
0x1f: {  	s9 =	smul.u32 $0xF7A, s1;
	s8 =	simm.s32 @!p0 $0x1BF5;
	p2 =	por !p2, p0  }
0x20: {  	[sflag:s8] =	ssyncset.s32 @!p0 $0xFFFFF086;
	s6 =	sadd.s32 @!p0 s3, s7;
	s7 =	simm.s32 @!p0 $0x108  }
0x21: {  	s3 =	sadd.s32 s3, s9;
	s6 =	sadd.s32 @!p0 $0x88, s6;
	s7 =	simm.s32 @p2 $0x1082  }
0x22: {  	[simem:s7], [sflag:s8] =	dma.local @!p0 [hbm:s6], $0xF7A  }
0x23: {  	s9 =	sor.u32 $0xD0000000, s2;
	s6 =	simm.s32 $0x108;
	_ =	swait.ge @!p0 [sflag:s8], $0x0  }
0x24: {  	s3 =	sadd.s32 $0x88, s3;
	s6 =	simm.s32 @!p1 $0x1082;
	[sflag:s4] =	ssyncset.s32 $0xFFFFF086  }
0x25: {  	[simem:s6], [sflag:s4] =	dma.local [hbm:s3], $0xF7A  }
0x26: {  	[smem:$0x3F98] =	sst s1;
	(tag) =	ssettag s2;
	_ =	strace s9  }
0x27: {  	s1 =	sld [smem:$0x3FA8]  }
0x28: {  	s2 =	sld [smem:$0x3FA9]  }
0x29: {  	s4 =	sld [smem:$0x3FAB]  }
0x2a: {  	p0 =	seq.s32 s5, $0x0;
	s5 =	sld [smem:$0x3FAC]  }
0x2b: {  	s6 =	sld [smem:$0x3FAD]  }
0x2c: {  	s7 =	sld [smem:$0x3FAE]  }
0x2d: {  	s3 =	simm.s32 $0x108;
	s8 =	sld [smem:$0x3FAF]  }
0x2e: {  	s3 =	simm.s32 @!p0 $0x1082;
	s9 =	sld [smem:$0x3FB0]  }
0x2f: {  	lr =	sadd.s32 s0, s3;
	s0 =	sld [smem:$0x3FA7]  }
0x30: {  	s3 =	sld [smem:$0x3FAA]  }
0x31: {  	[smem:$0x3FB3] =	sst s10  }
0x32: {  	s10 =	sld [smem:$0x3FB1];
	_ =	sdelay $0x3  }
0x33: {  	p0 =	seq.s32 s10, $0x1;
	s10 =	sld [smem:$0x3FB3];
	_ =	sdelay $0x3  }
0x34: {  	[smem:$0x3FB3] =	sst s10  }
0x35: {  	s10 =	sld [smem:$0x3FB2];
	_ =	sdelay $0x3  }
0x36: {  	p1 =	seq.s32 s10, $0x1;
	s10 =	sld [smem:$0x3FB3];
	_ =	sdelay $0x3  }
0x37: {  	[smem:$0x3FB3] =	sst s10  }
0x38: {  	s10 =	sld [smem:$0x3FB4]  }
0x39: {  	_ = 	snop;
	(pc) =	sbr.ind lr, $3  }
0x3a: {  	_ = 	snop  }
0x3b: {  	_ = 	snop  }
0x3c: {  	p2 =	seq.s32 s10, $0x1;
	s10 =	sld [smem:$0x3FB3]  }
0x3d: {  	_ =	shalt  }
0x3e: {  	_ =	shalt  }
0x3f: {  	_ =	shalt  }
0x40: {  	_ =	shalt  }
0x41: {  	_ =	shalt  }
0x42: {  	_ =	shalt  }
0x43: {  	_ =	shalt  }
0x44: {  	_ =	shalt  }
0x45: {  	_ =	shalt  }
0x46: {  	_ =	shalt  }
0x47: {  	_ =	shalt  }
0x48: {  	_ =	shalt  }
0x49: {  	_ =	shalt  }
0x4a: {  	_ =	shalt  }
0x4b: {  	_ =	shalt  }
0x4c: {  	_ =	shalt  }
0x4d: {  	_ =	shalt  }
0x4e: {  	_ =	shalt  }
0x4f: {  	_ =	shalt  }
0x50: {  	_ =	shalt  }
0x51: {  	_ =	shalt  }
0x52: {  	_ =	shalt  }
0x53: {  	_ =	shalt  }
0x54: {  	_ =	shalt  }
0x55: {  	_ =	shalt  }
0x56: {  	_ =	shalt  }
0x57: {  	_ =	shalt  }
0x58: {  	_ =	shalt  }
0x59: {  	_ =	shalt  }
0x5a: {  	_ =	shalt  }
0x5b: {  	_ =	shalt  }
0x5c: {  	_ =	shalt  }
0x5d: {  	_ =	shalt  }
0x5e: {  	_ =	shalt  }
0x5f: {  	_ =	shalt  }
0x60: {  	_ =	shalt  }
0x61: {  	_ =	shalt  }
0x62: {  	_ =	shalt  }
0x63: {  	_ =	shalt  }
0x64: {  	_ =	shalt  }
0x65: {  	_ =	shalt  }
0x66: {  	_ =	shalt  }
0x67: {  	_ =	shalt  }
0x68: {  	_ =	shalt  }
0x69: {  	_ =	shalt  }
0x6a: {  	_ =	shalt  }
0x6b: {  	_ =	shalt  }
0x6c: {  	_ =	shalt  }
0x6d: {  	_ =	shalt  }
0x6e: {  	_ =	shalt  }
0x6f: {  	_ =	shalt  }
0x70: {  	_ =	shalt  }
0x71: {  	_ =	shalt  }
0x72: {  	_ =	shalt  }
0x73: {  	_ =	shalt  }
0x74: {  	_ =	shalt  }
0x75: {  	_ =	shalt  }
0x76: {  	_ =	shalt  }
0x77: {  	_ =	shalt  }
0x78: {  	_ =	shalt  }
0x79: {  	_ =	shalt  }
0x7a: {  	_ =	shalt  }
0x7b: {  	_ =	shalt  }
0x7c: {  	_ =	shalt  }
0x7d: {  	_ =	shalt  }
0x7e: {  	_ =	shalt  }
0x7f: {  	_ =	shalt  }
0x80: {  	_ =	shalt  }
0x81: {  	_ =	shalt  }
0x82: {  	_ =	shalt  }
0x83: {  	_ =	shalt  }
0x84: {  	_ =	shalt  }
0x85: {  	_ =	shalt  }
0x86: {  	_ =	shalt  }
0x87: {  	_ =	shalt  }
.Lfunc_end0:
.L_simem_size_0:
called_computation.7_lowered:
.L_overlay_start_0:
0x88: {  	s2 =	sld [smem:$0x3FD9]  }
0x89: {  	s3 =	sld [smem:$0x3FFE];
	_ =	sdelay $0x1  }
0x8a: {  	s1 =	srdreg.scid  }
0x8b: {  	s0 =	sand.u32 $0x1, s1  }
0x8c: {  	s17 =	sshll.u32 s0, $0xA;
	s2 =	sadd.s32 s3, s2  }
0x8d: {  	s2 =	sadd.s32 s2, s17  }
0x8e: {  	[smem:$0x3FBF] =	sst s2  }
0x8f: {  	_ = 	snop  }
0x90: {  	s2 =	sld [smem:$0x3FD0];
	(tm) =	ssettm $0x1  }
0x91: {  	s18 =	sld [smem:$0x3FFB];
	_ =	sdelay $0x3  }
0x92: {  	_ =	strace s18  }
0x93: {  	s3 =	sld [smem:$0x3FFC];
	_ =	sdelay $0x3  }
0x94: {  	_ =	strace s3  }
0x95: {  	s3 =	sld [smem:$0x3FFD];
	_ =	sdelay $0x3  }
0x96: {  	_ =	strace s3  }
0x97: {  	_ =	strace $0x8FFFFFFF  }
0x98: {  	s19 =	sld [smem:$0x3FDB];
	_ =	sdelay $0x1  }
0x99: {  	s4 =	simm.s32 $_scs_section_size  }
0x9a: {  	s5 =	simm.s32 $_size__tile_overlayer_lowered;
	s6 =	simm.s32 $_tile_overlayer_lowered  }
0x9b: {  	s22 =	simm.s32 $0x1BFF;
	s21 =	sshll.u32 s6, $0x1;
	s3 =	sadd.s32 s4, s19  }
0x9c: {  	s7 =	simm.s32 $0x0;
	s20 =	sshll.u32 s5, $0x1;
	s5 =	sadd.s32 s21, s3  }
0x9d: {  	[timem:s7], [sflag:s22] =	dma.local [hbm:s5], s20  }
0x9e: {  	_ =	swait.ge [sflag:s22], s20  }
0x9f: {  	s4 =	ssub.s32 $0x0, s20;
	[sflag:s22] =	ssyncset.done $0x0  }
0xa0: {  	[sflag:s22] =	ssyncadd.s32 s4;
	_ =	sdelay $0x1  }
0xa1: {  	s23 =	simm.s32 $0x1B8B  }
0xa2: {  	_ =	swait.ge [sflag:s23], $0x1  }
0xa3: {  	[sflag:s23] =	ssyncset.done $0x0  }
0xa4: {  	s25 =	simm.s32 $0x1B8E;
	s24 =	sld [smem:$0x3FFE];
	[sflag:s23] =	ssyncadd.s32 $0xFFFFFFFF  }
0xa5: {  	s26 =	simm.s32 $execute0_lowered;
	[smem:$0x3FD2] =	sst s25  }
0xa6: {  	s5 =	sshll.u32 s26, $0x1;
	_ =	strace $0x8000005B;
	[dreg:$0x1] =	wrdreg $0xFFFFFFFF  }
0xa7: {  	s28 =	simm.s32 $_size_execute0_lowered;
	s3 =	sadd.s32 s3, s5;
	[dreg:$0x0] =	wrdreg $0x0  }
0xa8: {  	s5 =	sshll.u32 s28, $0x1;
	[dreg:$0x2] =	wrdreg s3  }
0xa9: {  	[dreg:$0x3] =	wrdreg s5  }
0xaa: {  	[dreg:$0x4] =	wrdreg $0xC0  }
0xab: {  	_ =	task [dreg:s7], $0x5FFFF  }
0xac: {  	[dreg:$0x1] =	wrdreg $0xFFFFFFFF  }
0xad: {  	[dreg:$0x0] =	wrdreg $0x60  }
0xae: {  	[dreg:$0x2] =	wrdreg s24  }
0xaf: {  	[dreg:$0x3] =	wrdreg s2  }
0xb0: {  	[dreg:$0x4] =	wrdreg $0x9  }
0xb1: {  	_ =	task.clear_ibuf [dreg:s7], $0x5FFFF;
	_ =	strace $0x9000005B  }
0xb2: {  	s29 =	simm.s32 $0x9;
	_ =	strace $0x8000005D  }
0xb3: {  	_ =	swait.ge [sflag:s29], $0x1  }
0xb4: {  	[sflag:s29] =	ssyncadd.s32 $0xFFFFFFFF  }
0xb5: {  	_ =	strace $0x9000005D  }
0xb6: {  	_ =	sfence  }
0xb7: {  	s30 =	sld [smem:$0x0];
	_ =	sdelay $0x2  }
0xb8: {  	s31 =	sshll.u32 s1, $0xD;
	s1 =	sshrl.u32 s1, $0x2  }
0xb9: {  	s3 =	sand.u32 $0x4000, s31;
	s1 =	sadd.s32 s1, s30  }
0xba: {  	s0 =	sor.u32 s3, s0;
	s1 =	sshll.u32 s1, $0x11  }
0xbb: {  	s0 =	sor.u32 s1, s0  }
0xbc: {  	s0 =	sadd.s32 $0x8F2B, s0  }
0xbd: {  	[sflag:s0] =	ssyncadd.remote.s32 $0x1  }
0xbe: {  	_ =	sfence.sel $0xFFFF  }
0xbf: {  	[dreg:$0x0] =	wrdreg $0xFFFFFFFF;
	(pc) =	sbr.abs _section_cstart, $3  }
0xc0: {  	[dreg:$0x1] =	wrdreg $0xFFFFFFFF  }
0xc1: {  	_ =	task.clear_ibuf [dreg:s7], $0x2FFFF;
	_ =	strace $0x9FFFFFFF  }
0xc2: {  	(tm) =	ssettm $0x7FFFFFFF  }
0xc3: {  	_ =	shalt  }
tec
execute0_lowered:
.L_overlay_start_1:
0x0: {  	(tag) =	ssettag $0x1  }
0x1: {  	s3 =	rddreg [dreg:$0x0];
	s1 =	srdreg.scid  }
0x2: {  	s0 =	stileid.u32;
	s4 =	rddreg [dreg:$0x1]  }
0x3: {  	s2 =	simm.s32 $0x0;
	s13 =	simm.s32 $0x1;
	s14 =	simm.s32 $0x6800  }
0x4: {  	s15 =	simm.s32 $0x2;
	s16 =	simm.s32 $0x2780;
	s17 =	simm.s32 $0x0  }
0x5: {  	s5 =	sand.u32 $0x1, s1;
	s6 =	sshll.u32 s0, $0x1;
	s1 =	rddreg [dreg:$0x2]  }
0x6: {  	[smem:$0x7FF] =	sst s2;
	s9 =	sadd.s32 $0xA12200, s3;
	s10 =	smul.u32 $0x280000, s0  }
0x7: {  	s6 =	sor.u32 s5, s6;
	s8 =	ssub.s32 $0x2, s5;
	s12 =	smul.u32 $0x140000, s5  }
0x8: {  	s3 =	sadd.s32 $0x50FA00, s3;
	s7 =	smul.u32 $0x500, s6;
	s11 =	sshrl.u32 s8, $0x1  }
0x9: {  	_ =	strace $0x8000005C;
	s6 =	smul.u32 $0x140000, s6;
	s8 =	ssub.s32 s8, s11  }
0xa: {  	s29 =	sadd.s32 s12, s10;
	s11 =	simm.s32 $0x80;
	s12 =	simm.s32 $0x2800  }
0xb: {  	s6 =	sshrl.u32 s6, $0x3;
	s4 =	sadd.s32 s4, s7;
	s10 =	sshrl.u32 s29, $0x3  }
0xc: {  	s30 =	sor.u32 $0x4000, s29;
	s7 =	smax.u32 s8, $0x1;
	s6 =	sadd.s32 s9, s6  }
0xd: {  	s8 =	sadd.s32 s10, s9;
	s31 =	sshrl.u32 s30, $0x3;
	s10 =	simm.s32 $0x3  }
0xe: {  	s5 =	sadd.s32 $0x27000, s6;
	s6 =	sadd.s32 $0x27800, s6;
	s9 =	sadd.s32 s31, s9  }
.LBB2_1:
0xf: {  	[tilespmem:s2], [sflag:$0x3] =	stream.linear.gather [hbm4b:s4+s2], $0x2800, $0x38;
	[tilespmem:$0xA800] =	vst v63  }
0x10: {  	_ =	swait.ge [sflag:s10], $0x2800  }
0x11: {  	[sflag:s10] =	ssyncset.done $0x0  }
0x12: {  	[sflag:s10] =	ssyncadd.s32 $0xFFFFD800  }
0x13: {  	[tilespmem:s12], [sflag:$0x1] =	stream.indirect.gather [hbm4b:s3+s11], $0x80, s2, s11, $0xb8;
	[tilespmem:$0xA800] =	vst v63  }
0x14: {  	_ =	swait.ge [sflag:s13], $0x4000  }
0x15: {  	[sflag:s13] =	ssyncset.done $0x0  }
0x16: {  	s18 =	simm.s32 $0x80;
	[sflag:s13] =	ssyncadd.s32 $0xFFFFC000  }
0x17: {  	[tilespmem:s14], [sflag:$0x2] =	stream.indirect.gather [hbm4b:s3+s11], $0x80, s18, s11, $0xb8;
	[tilespmem:$0xA800] =	vst v63  }
0x18: {  	s31 =	sadd.s32 $0x0, s8  }
0x19: {  	[hbm4b:s31+s2] =	stream.linear.scatter [tilespmem:s12], [sflag:$0x3], $0x4000, $0x38;
	[tilespmem:$0xA800] =	vst v63  }
0x1a: {  	_ =	swait.ge [sflag:s10], $0x4000  }
0x1b: {  	[sflag:s10] =	ssyncset.done $0x0  }
0x1c: {  	s18 =	simm.s32 $0x100;
	[sflag:s10] =	ssyncadd.s32 $0xFFFFC000  }
0x1d: {  	[tilespmem:s12], [sflag:$0x1] =	stream.indirect.gather [hbm4b:s3+s11], $0x80, s18, s11, $0xb8;
	[tilespmem:$0xA800] =	vst v63  }
0x1e: {  	_ =	swait.ge [sflag:s15], $0x4000  }
0x1f: {  	[sflag:s15] =	ssyncset.done $0x0  }
0x20: {  	s19 =	sadd.s32 $0x0, s9;
	[sflag:s15] =	ssyncadd.s32 $0xFFFFC000  }
0x21: {  	[hbm4b:s19+s2] =	stream.linear.scatter [tilespmem:s14], [sflag:$0x3], $0x4000, $0x38;
	[tilespmem:$0xA800] =	vst v63  }
0x22: {  	_ =	swait.ge [sflag:s10], $0x4000  }
0x23: {  	s19 =	simm.s32 $0x1000;
	[sflag:s10] =	ssyncset.done $0x0  }
.LBB2_2:
0x24: {  	p0 =	sne.s32 s19, $0x26000;
	[sflag:s10] =	ssyncadd.s32 $0xFFFFC000;
	s18 =	sadd.s32 $0x100, s18  }
0x25: {  	s20 =	smov.u32 s19;
	s19 =	sadd.s32 $0x1000, s19;
	_ =	swait.ge [sflag:s13], $0x4000  }
0x26: {  	[sflag:s13] =	ssyncset.done $0x0  }
0x27: {  	s21 =	sadd.s32 $0xFFFFFF80, s18;
	[sflag:s13] =	ssyncadd.s32 $0xFFFFC000  }
0x28: {  	[tilespmem:s14], [sflag:$0x2] =	stream.indirect.gather [hbm4b:s3+s11], $0x80, s21, s11, $0xb8;
	[tilespmem:$0xA800] =	vst v63  }
0x29: {  	s21 =	sadd.s32 s20, s8  }
0x2a: {  	[hbm4b:s21+s2] =	stream.linear.scatter [tilespmem:s12], [sflag:$0x3], $0x4000, $0x38;
	[tilespmem:$0xA800] =	vst v63  }
0x2b: {  	_ =	swait.ge [sflag:s10], $0x4000  }
0x2c: {  	[sflag:s10] =	ssyncset.done $0x0  }
0x2d: {  	[sflag:s10] =	ssyncadd.s32 $0xFFFFC000  }
0x2e: {  	[tilespmem:s12], [sflag:$0x1] =	stream.indirect.gather [hbm4b:s3+s11], $0x80, s18, s11, $0xb8;
	[tilespmem:$0xA800] =	vst v63  }
0x2f: {  	_ =	swait.ge [sflag:s15], $0x4000  }
.Ltmp0:
0x30: {  	[sflag:s15] =	ssyncset.done $0x0;
	(pc) =	sbr.rel @p0 .LBB2_2-.Ltmp0, $4  }
0x31: {  	s20 =	sadd.s32 s20, s9;
	[sflag:s15] =	ssyncadd.s32 $0xFFFFC000  }
0x32: {  	[hbm4b:s20+s2] =	stream.linear.scatter [tilespmem:s14], [sflag:$0x3], $0x4000, $0x38;
	[tilespmem:$0xA800] =	vst v63  }
0x33: {  	_ =	swait.ge [sflag:s10], $0x4000  }
0x34: {  	[sflag:s10] =	ssyncset.done $0x0  }
0x35: {  	[sflag:s10] =	ssyncadd.s32 $0xFFFFC000  }
0x36: {  	_ =	swait.ge [sflag:s13], $0x4000  }
0x37: {  	[sflag:s13] =	ssyncset.done $0x0  }
0x38: {  	[sflag:s13] =	ssyncadd.s32 $0xFFFFC000  }
0x39: {  	[tilespmem:s14], [sflag:$0x2] =	stream.indirect.gather [hbm4b:s3+s11], $0x80, s16, s11, $0xb8;
	[tilespmem:$0xA800] =	vst v63  }
0x3a: {  	_ = 	snop  }
0x3b: {  	[hbm4b:s5+s2] =	stream.linear.scatter [tilespmem:s12], [sflag:$0x3], $0x4000, $0x38;
	[tilespmem:$0xA800] =	vst v63  }
0x3c: {  	_ =	swait.ge [sflag:s10], $0x4000  }
0x3d: {  	[sflag:s10] =	ssyncset.done $0x0  }
0x3e: {  	[sflag:s10] =	ssyncadd.s32 $0xFFFFC000  }
0x3f: {  	s17 =	sadd.s32 $0x1, s17;
	_ =	swait.ge [sflag:s15], $0x4000  }
0x40: {  	p0 =	sne.s32 s17, s7;
	[sflag:s15] =	ssyncset.done $0x0  }
.Ltmp1:
0x41: {  	[sflag:s15] =	ssyncadd.s32 $0xFFFFC000;
	(pc) =	sbr.rel @p0 .LBB2_1-.Ltmp1, $4  }
0x42: {  	[hbm4b:s6+s2] =	stream.linear.scatter [tilespmem:s14], [sflag:$0x3], $0x4000, $0x38;
	[tilespmem:$0xA800] =	vst v63  }
0x43: {  	_ =	swait.ge [sflag:s10], $0x4000  }
0x44: {  	[sflag:s10] =	ssyncset.done $0x0  }
0x45: {  	[sflag:s10] =	ssyncadd.s32 $0xFFFFC000  }
0x46: {  	_ =	sfence.sel $0x180000  }
0x47: {  	[bflag:$0x0] =	sbarrier.arrive $0xFFFF  }
0x48: {  	p0 =	sne.s32 s0, $0x0;
	_ =	strace $0x9000005C  }
0x49: {  	s0 =	sadd.s32 @!p0 $0x100000, s1;
	[bflag:$0x2] =	sbarrier.arrive $0xFFFF  }
0x4a: {  	[sflag:s0] =	ssyncadd.tile.s32 @!p0 $0x1;
	_ =	shalt  }
.Lfunc_end2:
_tile_overlayer_lowered:
.L_overlay_start_2:
0x4b: {  	(tag) =	ssettag $0x2  }
0x4c: {  	s0 =	rddreg [dreg:$0x0];
	s2 =	stileid.u32  }
0x4d: {  	s1 =	rddreg [dreg:$0x1];
	p0 =	sne.s32 s2, $0x0  }
0x4e: {  	s3 =	rddreg [dreg:$0x2];
	[bflag:$0x3] =	sbarrier.arrive $0xFFFF;
	s2 =	simm.s32 @!p0 $0x1C03  }
0x4f: {  	[timem:s3], [sflag:s2] =	dma.local @!p0 [hbm:s0], s1  }
0x50: {  	s0 =	simm.s32 @!p0 $0x3  }
0x51: {  	_ =	swait.ge @!p0 [sflag:s0], s1  }
0x52: {  	s1 =	ssub.s32 @!p0 $0x0, s1;
	[sflag:s0] =	ssyncset.done @!p0 $0x0  }
0x53: {  	[sflag:s0] =	ssyncadd.s32 @!p0 s1  }
0x54: {  	[bflag:$0x3] =	sbarrier.arrive $0xFFFF  }
0x55: {  	_ =	shalt  }

// kernel: kernel.46.cloned.1.call-start
scs
__scs_entry_jumppad:
0x0: {  	(pc) =	sbr.rel $0x88, $3  }
0x1: {  	(tag) =	ssettag $0x0;
	lr =	simm.s32 $0x1  }
0x2: {  	[smem:$0x3F98] =	sst lr;
	_ =	strace $0xD0000000  }
0x3: {  	_ = 	snop  }
0x4: {  	_ = 	snop  }
0x5: {  	_ = 	snop  }
0x6: {  	_ = 	snop  }
0x7: {  	_ = 	snop  }
__scs_overlays_trampoline_lowered:
0x8: {  	[smem:$0x3FA7] =	sst s0  }
0x9: {  	[smem:$0x3FA8] =	sst s1  }
0xa: {  	[smem:$0x3FA9] =	sst s2  }
0xb: {  	[smem:$0x3FAA] =	sst s3  }
0xc: {  	[smem:$0x3FAB] =	sst s4  }
0xd: {  	[smem:$0x3FAC] =	sst s5  }
0xe: {  	[smem:$0x3FAD] =	sst s6  }
0xf: {  	[smem:$0x3FAE] =	sst s7  }
0x10: {  	[smem:$0x3FAF] =	sst s8  }
0x11: {  	[smem:$0x3FB0] =	sst s9;
	s0 =	simm.s32 @!p0 $0x0  }
0x12: {  	s1 =	sld [smem:$0x3F96];
	s0 =	simm.s32 @p0 $0x1  }
0x13: {  	[smem:$0x3FB1] =	sst s0;
	s0 =	simm.s32 @!p1 $0x0  }
0x14: {  	s2 =	sld [smem:$0x3F95];
	s0 =	simm.s32 @p1 $0x1  }
0x15: {  	[smem:$0x3FB2] =	sst s0;
	s0 =	simm.s32 @!p2 $0x0  }
0x16: {  	s3 =	sld [smem:$0x3FDB];
	s0 =	simm.s32 @p2 $0x1  }
0x17: {  	s4 =	simm.s32 $0x1BF5;
	[smem:$0x3FB4] =	sst s0  }
0x18: {  	s0 =	sld [smem:$0x3F97];
	_ =	swait.ge [sflag:s4], $0x0  }
0x19: {  	s7 =	sld [smem:$0x3F98]  }
0x1a: {  	s8 =	sadd.s32 $0xFFFFE003, lr  }
0x1b: {  	s9 =	sadd.s32 $0xFFFFFEF7, lr;
	s5 =	simm.s32 $0xFFFFFFFF;
	p2 =	slt.u32 s8, $0xFFFFF086  }
0x1c: {  	p1 =	slt.u32 s9, $0xF7A;
	s5 =	simm.s32 @!p2 $0x0  }
0x1d: {  	s5 =	simm.s32 @p1 $0x1;
	p0 =	seq.s32 s7, s2  }
0x1e: {  	s7 =	smul.u32 @!p0 $0xF7A, s2;
	p2 =	seq.s32 @!p0 s5, $0x0  }
0x1f: {  	s9 =	smul.u32 $0xF7A, s1;
	s8 =	simm.s32 @!p0 $0x1BF5;
	p2 =	por !p2, p0  }
0x20: {  	[sflag:s8] =	ssyncset.s32 @!p0 $0xFFFFF086;
	s6 =	sadd.s32 @!p0 s3, s7;
	s7 =	simm.s32 @!p0 $0x108  }
0x21: {  	s3 =	sadd.s32 s3, s9;
	s6 =	sadd.s32 @!p0 $0x88, s6;
	s7 =	simm.s32 @p2 $0x1082  }
0x22: {  	[simem:s7], [sflag:s8] =	dma.local @!p0 [hbm:s6], $0xF7A  }
0x23: {  	s9 =	sor.u32 $0xD0000000, s2;
	s6 =	simm.s32 $0x108;
	_ =	swait.ge @!p0 [sflag:s8], $0x0  }
0x24: {  	s3 =	sadd.s32 $0x88, s3;
	s6 =	simm.s32 @!p1 $0x1082;
	[sflag:s4] =	ssyncset.s32 $0xFFFFF086  }
0x25: {  	[simem:s6], [sflag:s4] =	dma.local [hbm:s3], $0xF7A  }
0x26: {  	[smem:$0x3F98] =	sst s1;
	(tag) =	ssettag s2;
	_ =	strace s9  }
0x27: {  	s1 =	sld [smem:$0x3FA8]  }
0x28: {  	s2 =	sld [smem:$0x3FA9]  }
0x29: {  	s4 =	sld [smem:$0x3FAB]  }
0x2a: {  	p0 =	seq.s32 s5, $0x0;
	s5 =	sld [smem:$0x3FAC]  }
0x2b: {  	s6 =	sld [smem:$0x3FAD]  }
0x2c: {  	s7 =	sld [smem:$0x3FAE]  }
0x2d: {  	s3 =	simm.s32 $0x108;
	s8 =	sld [smem:$0x3FAF]  }
0x2e: {  	s3 =	simm.s32 @!p0 $0x1082;
	s9 =	sld [smem:$0x3FB0]  }
0x2f: {  	lr =	sadd.s32 s0, s3;
	s0 =	sld [smem:$0x3FA7]  }
0x30: {  	s3 =	sld [smem:$0x3FAA]  }
0x31: {  	[smem:$0x3FB3] =	sst s10  }
0x32: {  	s10 =	sld [smem:$0x3FB1];
	_ =	sdelay $0x3  }
0x33: {  	p0 =	seq.s32 s10, $0x1;
	s10 =	sld [smem:$0x3FB3];
	_ =	sdelay $0x3  }
0x34: {  	[smem:$0x3FB3] =	sst s10  }
0x35: {  	s10 =	sld [smem:$0x3FB2];
	_ =	sdelay $0x3  }
0x36: {  	p1 =	seq.s32 s10, $0x1;
	s10 =	sld [smem:$0x3FB3];
	_ =	sdelay $0x3  }
0x37: {  	[smem:$0x3FB3] =	sst s10  }
0x38: {  	s10 =	sld [smem:$0x3FB4]  }
0x39: {  	_ = 	snop;
	(pc) =	sbr.ind lr, $3  }
0x3a: {  	_ = 	snop  }
0x3b: {  	_ = 	snop  }
0x3c: {  	p2 =	seq.s32 s10, $0x1;
	s10 =	sld [smem:$0x3FB3]  }
0x3d: {  	_ =	shalt  }
0x3e: {  	_ =	shalt  }
0x3f: {  	_ =	shalt  }
0x40: {  	_ =	shalt  }
0x41: {  	_ =	shalt  }
0x42: {  	_ =	shalt  }
0x43: {  	_ =	shalt  }
0x44: {  	_ =	shalt  }
0x45: {  	_ =	shalt  }
0x46: {  	_ =	shalt  }
0x47: {  	_ =	shalt  }
0x48: {  	_ =	shalt  }
0x49: {  	_ =	shalt  }
0x4a: {  	_ =	shalt  }
0x4b: {  	_ =	shalt  }
0x4c: {  	_ =	shalt  }
0x4d: {  	_ =	shalt  }
0x4e: {  	_ =	shalt  }
0x4f: {  	_ =	shalt  }
0x50: {  	_ =	shalt  }
0x51: {  	_ =	shalt  }
0x52: {  	_ =	shalt  }
0x53: {  	_ =	shalt  }
0x54: {  	_ =	shalt  }
0x55: {  	_ =	shalt  }
0x56: {  	_ =	shalt  }
0x57: {  	_ =	shalt  }
0x58: {  	_ =	shalt  }
0x59: {  	_ =	shalt  }
0x5a: {  	_ =	shalt  }
0x5b: {  	_ =	shalt  }
0x5c: {  	_ =	shalt  }
0x5d: {  	_ =	shalt  }
0x5e: {  	_ =	shalt  }
0x5f: {  	_ =	shalt  }
0x60: {  	_ =	shalt  }
0x61: {  	_ =	shalt  }
0x62: {  	_ =	shalt  }
0x63: {  	_ =	shalt  }
0x64: {  	_ =	shalt  }
0x65: {  	_ =	shalt  }
0x66: {  	_ =	shalt  }
0x67: {  	_ =	shalt  }
0x68: {  	_ =	shalt  }
0x69: {  	_ =	shalt  }
0x6a: {  	_ =	shalt  }
0x6b: {  	_ =	shalt  }
0x6c: {  	_ =	shalt  }
0x6d: {  	_ =	shalt  }
0x6e: {  	_ =	shalt  }
0x6f: {  	_ =	shalt  }
0x70: {  	_ =	shalt  }
0x71: {  	_ =	shalt  }
0x72: {  	_ =	shalt  }
0x73: {  	_ =	shalt  }
0x74: {  	_ =	shalt  }
0x75: {  	_ =	shalt  }
0x76: {  	_ =	shalt  }
0x77: {  	_ =	shalt  }
0x78: {  	_ =	shalt  }
0x79: {  	_ =	shalt  }
0x7a: {  	_ =	shalt  }
0x7b: {  	_ =	shalt  }
0x7c: {  	_ =	shalt  }
0x7d: {  	_ =	shalt  }
0x7e: {  	_ =	shalt  }
0x7f: {  	_ =	shalt  }
0x80: {  	_ =	shalt  }
0x81: {  	_ =	shalt  }
0x82: {  	_ =	shalt  }
0x83: {  	_ =	shalt  }
0x84: {  	_ =	shalt  }
0x85: {  	_ =	shalt  }
0x86: {  	_ =	shalt  }
0x87: {  	_ =	shalt  }
.Lfunc_end0:
.L_simem_size_0:
called_computation.8_lowered:
.L_overlay_start_0:
0x88: {  	s2 =	sld [smem:$0x3FD9]  }
0x89: {  	s3 =	sld [smem:$0x3FFE];
	_ =	sdelay $0x1  }
0x8a: {  	s1 =	srdreg.scid  }
0x8b: {  	s0 =	sand.u32 $0x1, s1  }
0x8c: {  	s16 =	sshll.u32 s0, $0xA;
	s2 =	sadd.s32 s3, s2  }
0x8d: {  	s2 =	sadd.s32 s2, s16  }
0x8e: {  	[smem:$0x3FBF] =	sst s2  }
0x8f: {  	_ = 	snop  }
0x90: {  	(tm) =	ssettm $0x1  }
0x91: {  	s17 =	sld [smem:$0x3FFB];
	_ =	sdelay $0x3  }
0x92: {  	_ =	strace s17  }
0x93: {  	s2 =	sld [smem:$0x3FFC];
	_ =	sdelay $0x3  }
0x94: {  	_ =	strace s2  }
0x95: {  	s2 =	sld [smem:$0x3FFD];
	_ =	sdelay $0x3  }
0x96: {  	_ =	strace s2  }
0x97: {  	_ =	strace $0x8FFFFFFF  }
0x98: {  	s18 =	sld [smem:$0x3FDB];
	_ =	sdelay $0x1  }
0x99: {  	s19 =	simm.s32 $_scs_section_size  }
0x9a: {  	s4 =	simm.s32 $_size__tile_overlayer_lowered;
	s5 =	simm.s32 $_tile_overlayer_lowered  }
0x9b: {  	s22 =	simm.s32 $0x1BFF;
	s21 =	sshll.u32 s5, $0x1;
	s2 =	sadd.s32 s19, s18  }
0x9c: {  	s6 =	simm.s32 $0x0;
	s20 =	sshll.u32 s4, $0x1;
	s4 =	sadd.s32 s21, s2  }
0x9d: {  	[timem:s6], [sflag:s22] =	dma.local [hbm:s4], s20  }
0x9e: {  	_ =	swait.ge [sflag:s22], s20  }
0x9f: {  	s3 =	ssub.s32 $0x0, s20;
	[sflag:s22] =	ssyncset.done $0x0  }
0xa0: {  	[sflag:s22] =	ssyncadd.s32 s3;
	_ =	sdelay $0x1  }
0xa1: {  	s23 =	simm.s32 $0x1B8B  }
0xa2: {  	_ =	swait.ge [sflag:s23], $0x1  }
0xa3: {  	[sflag:s23] =	ssyncset.done $0x0  }
0xa4: {  	s25 =	simm.s32 $0x1B8E;
	s24 =	sld [smem:$0x3FFE];
	[sflag:s23] =	ssyncadd.s32 $0xFFFFFFFF  }
0xa5: {  	s26 =	simm.s32 $execute0_lowered;
	[smem:$0x3FD2] =	sst s25  }
0xa6: {  	s4 =	sshll.u32 s26, $0x1;
	_ =	strace $0x8000005E;
	[dreg:$0x1] =	wrdreg $0xFFFFFFFF  }
0xa7: {  	s28 =	simm.s32 $_size_execute0_lowered;
	s2 =	sadd.s32 s2, s4;
	[dreg:$0x0] =	wrdreg $0x0  }
0xa8: {  	s4 =	sshll.u32 s28, $0x1;
	[dreg:$0x2] =	wrdreg s2  }
0xa9: {  	[dreg:$0x3] =	wrdreg s4  }
0xaa: {  	[dreg:$0x4] =	wrdreg $0xC0  }
0xab: {  	_ =	task [dreg:s6], $0x5FFFF  }
0xac: {  	[dreg:$0x1] =	wrdreg $0xFFFFFFFF  }
0xad: {  	[dreg:$0x0] =	wrdreg $0x60  }
0xae: {  	[dreg:$0x2] =	wrdreg s24  }
0xaf: {  	[dreg:$0x3] =	wrdreg $0xA8000  }
0xb0: {  	[dreg:$0x4] =	wrdreg $0x9  }
0xb1: {  	_ =	task.clear_ibuf [dreg:s6], $0x5FFFF;
	_ =	strace $0x9000005E  }
0xb2: {  	s29 =	simm.s32 $0x9;
	_ =	strace $0x80000060  }
0xb3: {  	_ =	swait.ge [sflag:s29], $0x1  }
0xb4: {  	[sflag:s29] =	ssyncadd.s32 $0xFFFFFFFF  }
0xb5: {  	_ =	strace $0x90000060  }
0xb6: {  	_ =	sfence  }
0xb7: {  	s30 =	sld [smem:$0x0];
	_ =	sdelay $0x2  }
0xb8: {  	s31 =	sshll.u32 s1, $0xD;
	s1 =	sshrl.u32 s1, $0x2  }
0xb9: {  	s3 =	sand.u32 $0x4000, s31;
	s1 =	sadd.s32 s1, s30  }
0xba: {  	s0 =	sor.u32 s3, s0;
	s1 =	sshll.u32 s1, $0x11  }
0xbb: {  	s0 =	sor.u32 s1, s0  }
0xbc: {  	s0 =	sadd.s32 $0x8F2B, s0  }
0xbd: {  	[sflag:s0] =	ssyncadd.remote.s32 $0x1  }
0xbe: {  	_ =	sfence.sel $0xFFFF  }
0xbf: {  	[dreg:$0x0] =	wrdreg $0xFFFFFFFF;
	(pc) =	sbr.abs _section_cstart, $3  }
0xc0: {  	[dreg:$0x1] =	wrdreg $0xFFFFFFFF  }
0xc1: {  	_ =	task.clear_ibuf [dreg:s6], $0x2FFFF;
	_ =	strace $0x9FFFFFFF  }
0xc2: {  	(tm) =	ssettm $0x7FFFFFFF  }
0xc3: {  	_ =	shalt  }
tec
execute0_lowered:
.L_overlay_start_1:
0x0: {  	(tag) =	ssettag $0x1  }
0x1: {  	s5 =	rddreg [dreg:$0x0]  }
0x2: {  	s1 =	srdreg.scid;
	s0 =	stileid.u32  }
0x3: {  	s2 =	rddreg [dreg:$0x1];
	s3 =	simm.s32 $0x0;
	s17 =	simm.s32 $0x2800  }
0x4: {  	s18 =	simm.s32 $0x1;
	s19 =	simm.s32 $0x6800;
	s20 =	simm.s32 $0x80  }
0x5: {  	s21 =	simm.s32 $0x2;
	s22 =	simm.s32 $0x2700;
	s23 =	simm.s32 $0x2780  }
0x6: {  	s24 =	simm.s32 $0x0;
	s7 =	sand.u32 $0x1, s1;
	s4 =	sshll.u32 s0, $0x1  }
0x7: {  	s1 =	rddreg [dreg:$0x2];
	s12 =	sadd.s32 $0xF12200, s5;
	s11 =	smul.u32 $0x4E000, s0  }
0x8: {  	[smem:$0x7FF] =	sst s3;
	s13 =	sadd.s32 $0x5B6200, s5;
	s28 =	smul.u32 $0x13800, s0  }
0x9: {  	s14 =	sadd.s32 $0x124800, s2;
	s29 =	smul.u32 $0x280000, s0;
	p0 =	seq.s32 s0, $0xF  }
0xa: {  	s6 =	sor.u32 s7, s4;
	_ =	strace $0x8000005F;
	s26 =	smul.u32 $0x138800, s7  }
0xb: {  	s9 =	ssub.s32 $0x2, s7;
	s15 =	smul.u32 $0x140000, s7;
	s14 =	sshrl.u32 @p0 s14, $0x3  }
0xc: {  	s4 =	smul.u32 $0x500, s6;
	s10 =	sshrl.u32 s9, $0x1;
	s25 =	sshrl.u32 s11, $0x2  }
0xd: {  	s6 =	smul.u32 $0x140000, s6;
	s10 =	ssub.s32 s9, s10;
	s16 =	sadd.s32 s25, s2  }
0xe: {  	s9 =	sshrl.u32 s26, $0x3;
	s11 =	sadd.s32 s15, s29;
	s15 =	sshll.u32 @!p0 s0, $0x6  }
0xf: {  	s8 =	sadd.s32 s4, s5;
	s4 =	sadd.s32 $0xA0FA00, s5;
	s6 =	sshrl.u32 s6, $0x3  }
0x10: {  	s9 =	sadd.s32 s13, s9;
	s10 =	smax.u32 s10, $0x1;
	s30 =	sor.u32 $0x8000, s11  }
0x11: {  	s11 =	sor.u32 $0x4000, s11;
	s15 =	sor.u32 @!p0 $0x1C03, s15;
	s16 =	sshrl.u32 @!p0 s16, $0x3  }
0x12: {  	s5 =	sadd.s32 $0x55DE00, s8;
	s6 =	sadd.s32 s12, s6;
	s8 =	sadd.s32 s28, s26  }
0x13: {  	s9 =	sadd.s32 $0x24900, s9;
	s31 =	sshrl.u32 s11, $0x3;
	s8 =	sshrl.u32 s8, $0x3  }
0x14: {  	s7 =	sadd.s32 $0x27800, s6;
	s8 =	sadd.s32 s13, s8;
	s13 =	sshrl.u32 s30, $0x3  }
0x15: {  	s11 =	sadd.s32 s13, s12;
	s12 =	sadd.s32 s31, s12;
	s13 =	simm.s32 $0x3  }
.LBB2_1:
0x16: {  	[tilespmem:s3], [sflag:$0x3] =	stream.linear.gather [hbm4b:s5+s3], $0x2800, $0x38;
	[tilespmem:$0x1E080] =	vst v63  }
0x17: {  	_ =	swait.ge [sflag:s13], $0x2800  }
0x18: {  	[sflag:s13] =	ssyncset.done $0x0  }
0x19: {  	s25 =	simm.s32 @p0 $0x1FC3;
	[sflag:s13] =	ssyncadd.s32 $0xFFFFD800  }
0x1a: {  	[spmem:s14], [sflag:s25] =	dma.local @p0 [hbm:s4], $0x2800  }
0x1b: {  	s25 =	simm.s32 @p0 $0x3  }
0x1c: {  	_ =	swait.ge @p0 [sflag:s25], $0x2800  }
0x1d: {  	[sflag:s25] =	ssyncset.done @p0 $0x0  }
0x1e: {  	[sflag:s25] =	ssyncadd.s32 @p0 $0xFFFFD800;
	s25 =	simm.s32 @!p0 $0x3  }
0x1f: {  	[spmem:s16], [sflag:s15] =	dma.local @!p0 [hbm:s4], $0x2700  }
0x20: {  	_ =	swait.ge @!p0 [sflag:s25], $0x2700  }
0x21: {  	[sflag:s25] =	ssyncset.done @!p0 $0x0  }
0x22: {  	[sflag:s25] =	ssyncadd.s32 @!p0 $0xFFFFD900  }
0x23: {  	[bflag:$0x0] =	sbarrier.arrive $0xFFFF  }
0x24: {  	[tilespmem:s17], [sflag:$0x1] =	stream.linear.gather [hbm4b:s6+s3], $0x4000, $0x38;
	[tilespmem:$0x1E080] =	vst v63  }
0x25: {  	_ =	swait.ge [sflag:s18], $0x4000  }
0x26: {  	[sflag:s18] =	ssyncset.done $0x0  }
0x27: {  	s29 =	sadd.s32 $0x0, s12;
	[sflag:s18] =	ssyncadd.s32 $0xFFFFC000  }
0x28: {  	[tilespmem:s19], [sflag:$0x2] =	stream.linear.gather [hbm4b:s29+s3], $0x4000, $0x38;
	[tilespmem:$0x1E080] =	vst v63  }
0x29: {  	_ = 	snop  }
0x2a: {  	[spmem:s2] =	stream.indirect.scatter.add.f32 [tilespmem:s17], [sflag:$0x3], $0x80, s3, s20, $0xb8;
	[tilespmem:$0x1E080] =	vst v63  }
0x2b: {  	_ =	swait.ge [sflag:s13], $0x4000  }
0x2c: {  	[sflag:s13] =	ssyncset.done $0x0  }
0x2d: {  	s30 =	sadd.s32 $0x0, s11;
	[sflag:s13] =	ssyncadd.s32 $0xFFFFC000  }
0x2e: {  	[tilespmem:s17], [sflag:$0x1] =	stream.linear.gather [hbm4b:s30+s3], $0x4000, $0x38;
	[tilespmem:$0x1E080] =	vst v63  }
0x2f: {  	_ =	swait.ge [sflag:s21], $0x4000  }
0x30: {  	[sflag:s21] =	ssyncset.done $0x0  }
0x31: {  	s31 =	simm.s32 $0x80;
	[sflag:s21] =	ssyncadd.s32 $0xFFFFC000  }
0x32: {  	[spmem:s2] =	stream.indirect.scatter.add.f32 [tilespmem:s19], [sflag:$0x3], $0x80, s31, s20, $0xb8;
	[tilespmem:$0x1E080] =	vst v63  }
0x33: {  	_ =	swait.ge [sflag:s13], $0x4000  }
0x34: {  	s26 =	simm.s32 $0x0;
	s25 =	simm.s32 $0x1000;
	[sflag:s13] =	ssyncset.done $0x0  }
.LBB2_2:
0x35: {  	p1 =	sne.s32 s25, $0x26000;
	[sflag:s13] =	ssyncadd.s32 $0xFFFFC000;
	s26 =	sadd.s32 $0x100, s26  }
0x36: {  	s28 =	smov.u32 s25;
	s25 =	sadd.s32 $0x1000, s25;
	_ =	swait.ge [sflag:s18], $0x4000  }
0x37: {  	[sflag:s18] =	ssyncset.done $0x0  }
0x38: {  	s29 =	sadd.s32 s28, s12;
	[sflag:s18] =	ssyncadd.s32 $0xFFFFC000  }
0x39: {  	[tilespmem:s19], [sflag:$0x2] =	stream.linear.gather [hbm4b:s29+s3], $0x4000, $0x38;
	[tilespmem:$0x1E080] =	vst v63  }
0x3a: {  	_ = 	snop  }
0x3b: {  	[spmem:s2] =	stream.indirect.scatter.add.f32 [tilespmem:s17], [sflag:$0x3], $0x80, s26, s20, $0xb8;
	[tilespmem:$0x1E080] =	vst v63  }
0x3c: {  	_ =	swait.ge [sflag:s13], $0x4000  }
0x3d: {  	[sflag:s13] =	ssyncset.done $0x0  }
0x3e: {  	s28 =	sadd.s32 s28, s11;
	[sflag:s13] =	ssyncadd.s32 $0xFFFFC000  }
0x3f: {  	[tilespmem:s17], [sflag:$0x1] =	stream.linear.gather [hbm4b:s28+s3], $0x4000, $0x38;
	[tilespmem:$0x1E080] =	vst v63  }
0x40: {  	_ =	swait.ge [sflag:s21], $0x4000  }
.Ltmp0:
0x41: {  	[sflag:s21] =	ssyncset.done $0x0;
	(pc) =	sbr.rel @p1 .LBB2_2-.Ltmp0, $4  }
0x42: {  	s28 =	sadd.s32 $0x80, s26;
	[sflag:s21] =	ssyncadd.s32 $0xFFFFC000  }
0x43: {  	[spmem:s2] =	stream.indirect.scatter.add.f32 [tilespmem:s19], [sflag:$0x3], $0x80, s28, s20, $0xb8;
	[tilespmem:$0x1E080] =	vst v63  }
0x44: {  	_ =	swait.ge [sflag:s13], $0x4000  }
0x45: {  	[sflag:s13] =	ssyncset.done $0x0  }
0x46: {  	[sflag:s13] =	ssyncadd.s32 $0xFFFFC000  }
0x47: {  	_ =	swait.ge [sflag:s18], $0x4000  }
0x48: {  	[sflag:s18] =	ssyncset.done $0x0  }
0x49: {  	[sflag:s18] =	ssyncadd.s32 $0xFFFFC000  }
0x4a: {  	[tilespmem:s19], [sflag:$0x2] =	stream.linear.gather [hbm4b:s7+s3], $0x4000, $0x38;
	[tilespmem:$0x1E080] =	vst v63  }
0x4b: {  	_ = 	snop  }
0x4c: {  	[spmem:s2] =	stream.indirect.scatter.add.f32 [tilespmem:s17], [sflag:$0x3], $0x80, s22, s20, $0xb8;
	[tilespmem:$0x1E080] =	vst v63  }
0x4d: {  	_ =	swait.ge [sflag:s13], $0x4000  }
0x4e: {  	[sflag:s13] =	ssyncset.done $0x0  }
0x4f: {  	[sflag:s13] =	ssyncadd.s32 $0xFFFFC000  }
0x50: {  	_ =	swait.ge [sflag:s21], $0x4000  }
0x51: {  	[sflag:s21] =	ssyncset.done $0x0  }
0x52: {  	[sflag:s21] =	ssyncadd.s32 $0xFFFFC000  }
0x53: {  	[spmem:s2] =	stream.indirect.scatter.add.f32 [tilespmem:s19], [sflag:$0x3], $0x80, s23, s20, $0xb8;
	[tilespmem:$0x1E080] =	vst v63  }
0x54: {  	_ =	swait.ge [sflag:s13], $0x4000  }
0x55: {  	[sflag:s13] =	ssyncset.done $0x0  }
0x56: {  	[sflag:s13] =	ssyncadd.s32 $0xFFFFC000  }
0x57: {  	s25 =	simm.s32 @p0 $0x1FC3;
	[bflag:$0x0] =	sbarrier.arrive $0xFFFF  }
0x58: {  	[hbm:s9], [sflag:s25] =	dma.local @p0 [spmem:s14], $0x2800  }
0x59: {  	s25 =	simm.s32 @p0 $0x3  }
0x5a: {  	s24 =	sadd.s32 $0x1, s24;
	_ =	swait.ge @p0 [sflag:s25], $0x2800  }
0x5b: {  	p1 =	sne.s32 s24, s10;
	[sflag:s25] =	ssyncset.done @p0 $0x0  }
.Ltmp1:
0x5c: {  	[sflag:s25] =	ssyncadd.s32 @p0 $0xFFFFD800;
	s25 =	simm.s32 @!p0 $0x3;
	(pc) =	sbr.rel @p1 .LBB2_1-.Ltmp1, $4  }
0x5d: {  	[hbm:s8], [sflag:s15] =	dma.local @!p0 [spmem:s16], $0x2700  }
0x5e: {  	_ =	swait.ge @!p0 [sflag:s25], $0x2700  }
0x5f: {  	[sflag:s25] =	ssyncset.done @!p0 $0x0  }
0x60: {  	[sflag:s25] =	ssyncadd.s32 @!p0 $0xFFFFD900  }
0x61: {  	_ =	sfence.sel $0x180000  }
0x62: {  	[bflag:$0x0] =	sbarrier.arrive $0xFFFF  }
0x63: {  	p0 =	sne.s32 s0, $0x0;
	_ =	strace $0x9000005F  }
0x64: {  	s0 =	sadd.s32 @!p0 $0x100000, s1;
	[bflag:$0x2] =	sbarrier.arrive $0xFFFF  }
0x65: {  	[sflag:s0] =	ssyncadd.tile.s32 @!p0 $0x1;
	_ =	shalt  }
.Lfunc_end2:
_tile_overlayer_lowered:
.L_overlay_start_2:
0x66: {  	(tag) =	ssettag $0x2  }
0x67: {  	s0 =	rddreg [dreg:$0x0];
	s2 =	stileid.u32  }
0x68: {  	s1 =	rddreg [dreg:$0x1];
	p0 =	sne.s32 s2, $0x0  }
0x69: {  	s3 =	rddreg [dreg:$0x2];
	[bflag:$0x3] =	sbarrier.arrive $0xFFFF;
	s2 =	simm.s32 @!p0 $0x1C03  }
0x6a: {  	[timem:s3], [sflag:s2] =	dma.local @!p0 [hbm:s0], s1  }
0x6b: {  	s0 =	simm.s32 @!p0 $0x3  }
0x6c: {  	_ =	swait.ge @!p0 [sflag:s0], s1  }
0x6d: {  	s1 =	ssub.s32 @!p0 $0x0, s1;
	[sflag:s0] =	ssyncset.done @!p0 $0x0  }
0x6e: {  	[sflag:s0] =	ssyncadd.s32 @!p0 s1  }
0x6f: {  	[bflag:$0x3] =	sbarrier.arrive $0xFFFF  }
0x70: {  	_ =	shalt  }

</sc_bundles>
